<compile_context>
chip_gen: v7x
topology: tpu7x:2x2x1
jax: 0.10.2.dev20260603
libtpu: 0.0.44.dev20260713+nightly
codegen_flags: <defaults>
</compile_context>

<pallas_src>
import functools

import jax
import jax.numpy as jnp
from jax import lax
from jax.experimental import pallas as pl
from jax.experimental.pallas import tpu as pltpu
from jax.experimental.pallas import tpu_sc as plsc

_NC = 2
_NS = 16
_SUB = 128
_GRP = 8


_CH = 256


def _scatter_partials(attr4, col, n_pad):
    nb_f, nb_e, _, _ = attr4.shape
    edge_dim = nb_f * 8
    nw = _NC * _NS
    rows_per_tile = n_pad // _NS
    total_pairs = nb_e * 128 // (2 * _CH)

    zeros = jnp.zeros((rows_per_tile, edge_dim), jnp.float32)
    mesh = plsc.VectorSubcoreMesh(core_axis_name="c", subcore_axis_name="s")

    @functools.partial(
        pl.kernel,
        out_type=jax.ShapeDtypeStruct((_NC * n_pad, edge_dim), jnp.float32),
        mesh=mesh,
        scratch_types=[
            pltpu.VMEM((2, nb_f, _CH // 128, 8, 128), jnp.float32),
            pltpu.VMEM((2, _CH, edge_dim), jnp.float32),
            pltpu.VMEM((4, _CH), jnp.int32),
            pltpu.VMEM_SHARED((n_pad, edge_dim), jnp.float32),
            pltpu.SemaphoreType.DMA,
            pltpu.SemaphoreType.DMA,
            pltpu.SemaphoreType.DMA,
            pltpu.SemaphoreType.DMA,
        ],
        compiler_params=pltpu.CompilerParams(use_tc_tiling_on_sc=False,
                                             needs_layout_passes=False),
    )
    def scatter_kernel(attr_hbm, col_hbm, zero_hbm, out_hbm,
                       at_v, ar_v, idx_v, agg_sh, l0, l1, s0, s1):
        lsem = (l0, l1)
        ssem = (s0, s1)
        c = lax.axis_index("c")
        s = lax.axis_index("s")
        t = c * _NS + s
        r0 = s * rows_per_tile
        pltpu.sync_copy(zero_hbm, agg_sh.at[pl.ds(r0, rows_per_tile)])
        plsc.subcore_barrier()

        start_ch = 2 * (t * total_pairs // nw)
        n_ch = 2 * ((t + 1) * total_pairs // nw) - start_ch

        def load(ch, b):
            eb0 = (start_ch + ch) * (_CH // 128)
            for fb in range(nb_f):
                pltpu.async_copy(attr_hbm.at[fb, pl.ds(eb0, _CH // 128)],
                                 at_v.at[b, fb], lsem[b])
            pltpu.async_copy(col_hbm.at[pl.ds(eb0 * 128, _CH)],
                             idx_v.at[ch % 4], lsem[b])

        def wait_load(ch, b):
            eb0 = (start_ch + ch) * (_CH // 128)
            for fb in range(nb_f):
                pltpu.make_async_copy(attr_hbm.at[fb, pl.ds(eb0, _CH // 128)],
                                      at_v.at[b, fb], lsem[b]).wait()
            pltpu.make_async_copy(col_hbm.at[pl.ds(eb0 * 128, _CH)],
                                  idx_v.at[ch % 4], lsem[b]).wait()

        def drain_scatter(b):
            pltpu.make_async_copy(ar_v.at[b], agg_sh.at[pl.ds(0, _CH)],
                                  ssem[b]).wait()

        def transpose(b):
            @pl.loop(0, 8)
            def _(e16):
                base = e16 * 16
                iota = lax.iota(jnp.int32, 16)
                for jb in range(_CH // 128):
                    rows = jb * 128 + base + iota
                    for fb in range(nb_f):
                        for f in range(8):
                            v = at_v.at[b, fb, jb, f][pl.ds(base, 16)]
                            cols = jnp.full((16,), fb * 8 + f, jnp.int32)
                            plsc.store_scatter(ar_v.at[b], [rows, cols], v)

        load(0, 0)
        load(1, 1)

        @pl.loop(0, n_ch // 2)
        def _(p):
            for k in range(2):
                ch = 2 * p + k
                b = k
                wait_load(ch, b)

                @pl.when(ch >= 2)
                def _():
                    drain_scatter(b)

                transpose(b)
                pltpu.async_copy(ar_v.at[b], agg_sh.at[idx_v.at[ch % 4]],
                                 ssem[b], add=True)

                @pl.when(ch + 2 < n_ch)
                def _():
                    load(ch + 2, b)

        drain_scatter(0)
        drain_scatter(1)

        plsc.subcore_barrier()
        pltpu.sync_copy(agg_sh.at[pl.ds(r0, rows_per_tile)],
                        out_hbm.at[pl.ds(c * n_pad + r0, rows_per_tile)])

    return scatter_kernel(attr4, col, zeros)


def _mlp(x, agg2, W1x, W1a, b1, W2, b2, W3, b3, blk):
    n_nodes, node_dim = x.shape
    edge_dim = agg2.shape[-1]
    hidden = W2.shape[0]
    out_dim = W3.shape[1]

    def body(x_ref, a_ref, w1x_ref, w1a_ref, b1_ref, w2_ref, b2_ref,
             w3_ref, b3_ref, out_ref):
        agg = a_ref[0] + a_ref[1]
        h = jnp.dot(x_ref[...], w1x_ref[...], preferred_element_type=jnp.float32)
        h = h + jnp.dot(agg, w1a_ref[...], preferred_element_type=jnp.float32)
        h = jnp.maximum(h + b1_ref[...], 0.0)
        h = jnp.dot(h, w2_ref[...], preferred_element_type=jnp.float32)
        h = jnp.maximum(h + b2_ref[...], 0.0)
        out_ref[...] = (jnp.dot(h, w3_ref[...], preferred_element_type=jnp.float32)
                        + b3_ref[...])

    return pl.pallas_call(
        body,
        grid=(n_nodes // blk,),
        in_specs=[
            pl.BlockSpec((blk, node_dim), lambda i: (i, 0)),
            pl.BlockSpec((_NC, blk, edge_dim), lambda i: (0, i, 0)),
            pl.BlockSpec((node_dim, hidden), lambda i: (0, 0)),
            pl.BlockSpec((edge_dim, hidden), lambda i: (0, 0)),
            pl.BlockSpec((1, hidden), lambda i: (0, 0)),
            pl.BlockSpec((hidden, hidden), lambda i: (0, 0)),
            pl.BlockSpec((1, hidden), lambda i: (0, 0)),
            pl.BlockSpec((hidden, out_dim), lambda i: (0, 0)),
            pl.BlockSpec((1, out_dim), lambda i: (0, 0)),
        ],
        out_specs=pl.BlockSpec((blk, out_dim), lambda i: (i, 0)),
        out_shape=jax.ShapeDtypeStruct((n_nodes, out_dim), jnp.float32),
    )(x, agg2, W1x, W1a, b1.reshape(1, -1), W2, b2.reshape(1, -1),
      W3, b3.reshape(1, -1))


def kernel(x, edge_index, edge_attr, W1, b1, W2, b2, W3, b3):
    n_nodes, node_dim = x.shape
    n_pad = -(-n_nodes // (_NS * 8)) * (_NS * 8)
    col = edge_index[1].astype(jnp.int32)
    n_edges, edge_dim = edge_attr.shape
    attr4 = edge_attr.reshape(n_edges // 128, 128, edge_dim // 8, 8)
    attr4 = attr4.transpose(2, 0, 3, 1)
    agg2 = _scatter_partials(attr4, col, n_pad).reshape(_NC, n_pad, -1)
    return _mlp(x, agg2, W1[:node_dim], W1[node_dim:], b1, W2, b2, W3, b3,
                blk=2000)

# --- scband reference (transcript-rebuilt; emitter-appended) ---
"""Pipeline reference for scband-node-model-15539191677721 (READ-ONLY COPY).

The authoritative reference and input builder live on the scoring server;
editing this copy changes nothing except your own understanding.
"""

import jax, jax.numpy as jnp
import numpy as np

N_NODES = 100000
N_EDGES = 3200000
NODE_DIM = 128
EDGE_DIM = 16
HIDDEN = 128


def setup_inputs(seed: int = 0) -> dict:
    key = jax.random.key(seed)
    ks = jax.random.split(key, 10)
    x = jax.random.normal(ks[0], (N_NODES, NODE_DIM), dtype=jnp.float32)
    edge_index = jax.random.randint(ks[1], (2, N_EDGES), 0, N_NODES, dtype=jnp.int64)
    edge_attr = jax.random.normal(ks[2], (N_EDGES, EDGE_DIM), dtype=jnp.float32)
    in_dim = NODE_DIM + EDGE_DIM
    # MLP params (kaiming-uniform-ish init like torch Linear defaults)
    def lin_init(k, fan_in, fan_out):
        k1, k2 = jax.random.split(k)
        bound = 1.0 / np.sqrt(fan_in)
        W = jax.random.uniform(k1, (fan_in, fan_out), minval=-bound, maxval=bound, dtype=jnp.float32)
        b = jax.random.uniform(k2, (fan_out,), minval=-bound, maxval=bound, dtype=jnp.float32)
        return W, b
    W1, b1 = lin_init(ks[3], in_dim, HIDDEN)
    W2, b2 = lin_init(ks[4], HIDDEN, HIDDEN)
    W3, b3 = lin_init(ks[5], HIDDEN, NODE_DIM)
    return {"x": x, "edge_index": edge_index, "edge_attr": edge_attr,
            "W1": W1, "b1": b1, "W2": W2, "b2": b2, "W3": W3, "b3": b3}


def reference(x, edge_index, edge_attr, W1, b1, W2, b2, W3, b3):
    col = edge_index[1]
    # scatter-add edge_attr into destination nodes
    agg = jax.ops.segment_sum(edge_attr, col, num_segments=x.shape[0])
    h = jnp.concatenate([x, agg], axis=1)
    # MLP (dropout is identity at inference)
    h = jnp.maximum(h @ W1 + b1, 0.0)
    h = jnp.maximum(h @ W2 + b2, 0.0)
    out = h @ W3 + b3
    return out

if __name__ == "__main__":
    import jax
    _d = setup_inputs()
    print(jax.jit(kernel)(*tuple(_d.values())))

</pallas_src>

<mosaic_0001>
#map = affine_map<(d0, d1) -> (0, 0, 0, 0)>
#map1 = affine_map<(d0, d1) -> (0)>
#map2 = affine_map<(d0, d1) -> (0, 0)>
module attributes {stable_mosaic.version = 14 : i64} {
  func.func @scatter_kernel(%arg0: i32, %arg1: i32, %arg2: memref<2x25000x8x128xf32, #tpu.memory_space<hbm>>, %arg3: memref<3200000xi32, #tpu.memory_space<hbm>>, %arg4: memref<6256x16xf32, #tpu.memory_space<hbm>>, %arg5: memref<200192x16xf32, #tpu.memory_space<hbm>>, %arg6: memref<2x2x2x8x128xf32, #tpu.memory_space<vmem>>, %arg7: memref<2x256x16xf32, #tpu.memory_space<vmem>>, %arg8: memref<4x256xi32, #tpu.memory_space<vmem>>, %arg9: memref<100096x16xf32, #tpu.memory_space<vmem_shared>>, %arg10: memref<!tpu.dma_semaphore, #tpu.memory_space<semaphore_mem>>, %arg11: memref<!tpu.dma_semaphore, #tpu.memory_space<semaphore_mem>>, %arg12: memref<!tpu.dma_semaphore, #tpu.memory_space<semaphore_mem>>, %arg13: memref<!tpu.dma_semaphore, #tpu.memory_space<semaphore_mem>>) attributes {dimension_semantics = [#tpu.dimension_semantics<core_parallel>, #tpu.dimension_semantics<subcore_parallel>], iteration_bounds = array<i64: 2, 16>, scalar_prefetch = 0 : i64, scratch_operands = 8 : i64, tpu.core_type = #tpu.core_type<sc_vector_subcore>, window_params = [{transform_indices = #map}, {transform_indices = #map1}, {transform_indices = #map2}, {transform_indices = #map2}]} {
    %mul3A = arith.constant 16 : i32
    %mul3A_0 = arith.muli %arg0, %mul3A : i32
    %add3A = arith.addi %mul3A_0, %arg1 : i32
    %mul3A_1 = arith.constant 6256 : i32
    %mul3A_2 = arith.muli %arg1, %mul3A_1 : i32
    "tpu.region"() ({
      %run_scoped3A = tpu.sem_alloc : memref<!tpu.dma_semaphore, #tpu.memory_space<semaphore_mem>>
      %dma_start3A_242 = arith.constant 0 : i32
      %dma_start3A_243 = tpu.memref_slice %arg9[%mul3A_2, %dma_start3A_242] : memref<100096x16xf32, #tpu.memory_space<vmem_shared>> -> memref<6256x16xf32, #tpu.memory_space<vmem_shared>>
      tpu.enqueue_dma source(%arg4 : memref<6256x16xf32, #tpu.memory_space<hbm>>) target(%dma_start3A_243 : memref<6256x16xf32, #tpu.memory_space<vmem_shared>>) target_semaphore(%run_scoped3A : memref<!tpu.dma_semaphore, #tpu.memory_space<semaphore_mem>>)
      %dma_wait3A_244 = arith.constant 0 : i32
      %dma_wait3A_245 = tpu.memref_slice %arg9[%mul3A_2, %dma_wait3A_244] : memref<100096x16xf32, #tpu.memory_space<vmem_shared>> -> memref<6256x16xf32, #tpu.memory_space<vmem_shared>>
      tpu.wait_dma2 semaphore(%run_scoped3A : memref<!tpu.dma_semaphore, #tpu.memory_space<semaphore_mem>>) src(%arg4 : memref<6256x16xf32, #tpu.memory_space<hbm>>) dst(%dma_wait3A_245 : memref<6256x16xf32, #tpu.memory_space<vmem_shared>>)
      tpu.yield
    }) : () -> ()
    %barrier3A = arith.constant 0 : index
    tpu.barrier barrier_id(%barrier3A)
    %mul3A_3 = arith.constant 6250 : i32
    %mul3A_4 = arith.muli %add3A, %mul3A_3 : i32
    %jit3A = arith.constant 32 : i32
    %div3A = arith.divsi %mul3A_4, %jit3A : i32
    %sign3A = arith.constant 0 : i32
    %sign3A_5 = arith.cmpi sgt, %mul3A_4, %sign3A : i32
    %sign3A_6 = arith.extui %sign3A_5 : i1 to i32
    %sign3A_7 = arith.constant 0 : i32
    %sign3A_8 = arith.cmpi slt, %mul3A_4, %sign3A_7 : i32
    %sign3A_9 = arith.extui %sign3A_8 : i1 to i32
    %sign3A_10 = arith.subi %sign3A_6, %sign3A_9 : i32
    %sign3A_11 = arith.constant 0 : i32
    %sign3A_12 = arith.cmpi sgt, %jit3A, %sign3A_11 : i32
    %sign3A_13 = arith.extui %sign3A_12 : i1 to i32
    %sign3A_14 = arith.constant 0 : i32
    %sign3A_15 = arith.cmpi slt, %jit3A, %sign3A_14 : i32
    %sign3A_16 = arith.extui %sign3A_15 : i1 to i32
    %sign3A_17 = arith.subi %sign3A_13, %sign3A_16 : i32
    %ne3A = arith.cmpi ne, %sign3A_10, %sign3A_17 : i32
    %rem3A = arith.remsi %mul3A_4, %jit3A : i32
    %ne3A_18 = arith.constant 0 : i32
    %ne3A_19 = arith.cmpi ne, %rem3A, %ne3A_18 : i32
    %and3A = arith.andi %ne3A, %ne3A_19 : i1
    %sub3A = arith.constant 1 : i32
    %sub3A_20 = arith.subi %div3A, %sub3A : i32
    %select_n3A = arith.select %and3A, %sub3A_20, %div3A : i32
    %mul3A_21 = arith.constant 2 : i32
    %mul3A_22 = arith.muli %mul3A_21, %select_n3A : i32
    %add3A_23 = arith.constant 1 : i32
    %add3A_24 = arith.addi %add3A, %add3A_23 : i32
    %mul3A_25 = arith.constant 6250 : i32
    %mul3A_26 = arith.muli %add3A_24, %mul3A_25 : i32
    %jit3A_27 = arith.constant 32 : i32
    %div3A_28 = arith.divsi %mul3A_26, %jit3A_27 : i32
    %sign3A_29 = arith.constant 0 : i32
    %sign3A_30 = arith.cmpi sgt, %mul3A_26, %sign3A_29 : i32
    %sign3A_31 = arith.extui %sign3A_30 : i1 to i32
    %sign3A_32 = arith.constant 0 : i32
    %sign3A_33 = arith.cmpi slt, %mul3A_26, %sign3A_32 : i32
    %sign3A_34 = arith.extui %sign3A_33 : i1 to i32
    %sign3A_35 = arith.subi %sign3A_31, %sign3A_34 : i32
    %sign3A_36 = arith.constant 0 : i32
    %sign3A_37 = arith.cmpi sgt, %jit3A_27, %sign3A_36 : i32
    %sign3A_38 = arith.extui %sign3A_37 : i1 to i32
    %sign3A_39 = arith.constant 0 : i32
    %sign3A_40 = arith.cmpi slt, %jit3A_27, %sign3A_39 : i32
    %sign3A_41 = arith.extui %sign3A_40 : i1 to i32
    %sign3A_42 = arith.subi %sign3A_38, %sign3A_41 : i32
    %ne3A_43 = arith.cmpi ne, %sign3A_35, %sign3A_42 : i32
    %rem3A_44 = arith.remsi %mul3A_26, %jit3A_27 : i32
    %ne3A_45 = arith.constant 0 : i32
    %ne3A_46 = arith.cmpi ne, %rem3A_44, %ne3A_45 : i32
    %and3A_47 = arith.andi %ne3A_43, %ne3A_46 : i1
    %sub3A_48 = arith.constant 1 : i32
    %sub3A_49 = arith.subi %div3A_28, %sub3A_48 : i32
    %select_n3A_50 = arith.select %and3A_47, %sub3A_49, %div3A_28 : i32
    %mul3A_51 = arith.constant 2 : i32
    %mul3A_52 = arith.muli %mul3A_51, %select_n3A_50 : i32
    %sub3A_53 = arith.subi %mul3A_52, %mul3A_22 : i32
    %add3A_54 = arith.constant 0 : i32
    %add3A_55 = arith.addi %mul3A_22, %add3A_54 : i32
    %mul3A_56 = arith.constant 2 : i32
    %mul3A_57 = arith.muli %add3A_55, %mul3A_56 : i32
    %dma_start3A = arith.constant 0 : i32
    %dma_start3A_58 = arith.constant 0 : i32
    %dma_start3A_59 = arith.constant 0 : i32
    %dma_start3A_60 = arith.constant 0 : i32
    %dma_start3A_61 = arith.constant 0 : i32
    %dma_start3A_62 = arith.constant 0 : i32
    %dma_start3A_63 = tpu.memref_slice %arg6[%dma_start3A_58, %dma_start3A_59, %dma_start3A_60, %dma_start3A_61, %dma_start3A_62] : memref<2x2x2x8x128xf32, #tpu.memory_space<vmem>> -> memref<1x1x2x8x128xf32, #tpu.memory_space<vmem>>
    %dma_start3A_64 = tpu.memref_squeeze %dma_start3A_63 : memref<1x1x2x8x128xf32, #tpu.memory_space<vmem>> -> memref<2x8x128xf32, #tpu.memory_space<vmem>>
    %dma_start3A_65 = arith.constant 0 : i32
    %dma_start3A_66 = arith.constant 0 : i32
    %dma_start3A_67 = tpu.memref_slice %arg2[%dma_start3A, %mul3A_57, %dma_start3A_65, %dma_start3A_66] : memref<2x25000x8x128xf32, #tpu.memory_space<hbm>> -> memref<1x2x8x128xf32, #tpu.memory_space<hbm>>
    %dma_start3A_68 = tpu.memref_squeeze %dma_start3A_67 : memref<1x2x8x128xf32, #tpu.memory_space<hbm>> -> memref<2x8x128xf32, #tpu.memory_space<hbm>>
    %dma_start3A_69 = arith.constant 0 : i32
    %dma_start3A_70 = arith.constant 0 : i32
    %dma_start3A_71 = arith.constant 0 : i32
    %dma_start3A_72 = tpu.memref_slice %arg6[%dma_start3A_58, %dma_start3A_59, %dma_start3A_69, %dma_start3A_70, %dma_start3A_71] : memref<2x2x2x8x128xf32, #tpu.memory_space<vmem>> -> memref<1x1x2x8x128xf32, #tpu.memory_space<vmem>>
    %dma_start3A_73 = tpu.memref_squeeze %dma_start3A_72 : memref<1x1x2x8x128xf32, #tpu.memory_space<vmem>> -> memref<2x8x128xf32, #tpu.memory_space<vmem>>
    %dma_start3A_74 = arith.constant 0 : i32
    %dma_start3A_75 = arith.constant 0 : i32
    %dma_start3A_76 = tpu.memref_slice %arg2[%dma_start3A, %mul3A_57, %dma_start3A_74, %dma_start3A_75] : memref<2x25000x8x128xf32, #tpu.memory_space<hbm>> -> memref<1x2x8x128xf32, #tpu.memory_space<hbm>>
    %dma_start3A_77 = tpu.memref_squeeze %dma_start3A_76 : memref<1x2x8x128xf32, #tpu.memory_space<hbm>> -> memref<2x8x128xf32, #tpu.memory_space<hbm>>
    tpu.enqueue_dma source(%dma_start3A_77 : memref<2x8x128xf32, #tpu.memory_space<hbm>>) target(%dma_start3A_73 : memref<2x8x128xf32, #tpu.memory_space<vmem>>) target_semaphore(%arg10 : memref<!tpu.dma_semaphore, #tpu.memory_space<semaphore_mem>>)
    %dma_start3A_78 = arith.constant 1 : i32
    %dma_start3A_79 = arith.constant 0 : i32
    %dma_start3A_80 = arith.constant 1 : i32
    %dma_start3A_81 = arith.constant 0 : i32
    %dma_start3A_82 = arith.constant 0 : i32
    %dma_start3A_83 = arith.constant 0 : i32
    %dma_start3A_84 = tpu.memref_slice %arg6[%dma_start3A_79, %dma_start3A_80, %dma_start3A_81, %dma_start3A_82, %dma_start3A_83] : memref<2x2x2x8x128xf32, #tpu.memory_space<vmem>> -> memref<1x1x2x8x128xf32, #tpu.memory_space<vmem>>
    %dma_start3A_85 = tpu.memref_squeeze %dma_start3A_84 : memref<1x1x2x8x128xf32, #tpu.memory_space<vmem>> -> memref<2x8x128xf32, #tpu.memory_space<vmem>>
    %dma_start3A_86 = arith.constant 0 : i32
    %dma_start3A_87 = arith.constant 0 : i32
    %dma_start3A_88 = tpu.memref_slice %arg2[%dma_start3A_78, %mul3A_57, %dma_start3A_86, %dma_start3A_87] : memref<2x25000x8x128xf32, #tpu.memory_space<hbm>> -> memref<1x2x8x128xf32, #tpu.memory_space<hbm>>
    %dma_start3A_89 = tpu.memref_squeeze %dma_start3A_88 : memref<1x2x8x128xf32, #tpu.memory_space<hbm>> -> memref<2x8x128xf32, #tpu.memory_space<hbm>>
    %dma_start3A_90 = arith.constant 0 : i32
    %dma_start3A_91 = arith.constant 0 : i32
    %dma_start3A_92 = arith.constant 0 : i32
    %dma_start3A_93 = tpu.memref_slice %arg6[%dma_start3A_79, %dma_start3A_80, %dma_start3A_90, %dma_start3A_91, %dma_start3A_92] : memref<2x2x2x8x128xf32, #tpu.memory_space<vmem>> -> memref<1x1x2x8x128xf32, #tpu.memory_space<vmem>>
    %dma_start3A_94 = tpu.memref_squeeze %dma_start3A_93 : memref<1x1x2x8x128xf32, #tpu.memory_space<vmem>> -> memref<2x8x128xf32, #tpu.memory_space<vmem>>
    %dma_start3A_95 = arith.constant 0 : i32
    %dma_start3A_96 = arith.constant 0 : i32
    %dma_start3A_97 = tpu.memref_slice %arg2[%dma_start3A_78, %mul3A_57, %dma_start3A_95, %dma_start3A_96] : memref<2x25000x8x128xf32, #tpu.memory_space<hbm>> -> memref<1x2x8x128xf32, #tpu.memory_space<hbm>>
    %dma_start3A_98 = tpu.memref_squeeze %dma_start3A_97 : memref<1x2x8x128xf32, #tpu.memory_space<hbm>> -> memref<2x8x128xf32, #tpu.memory_space<hbm>>
    tpu.enqueue_dma source(%dma_start3A_98 : memref<2x8x128xf32, #tpu.memory_space<hbm>>) target(%dma_start3A_94 : memref<2x8x128xf32, #tpu.memory_space<vmem>>) target_semaphore(%arg10 : memref<!tpu.dma_semaphore, #tpu.memory_space<semaphore_mem>>)
    %mul3A_99 = arith.constant 128 : i32
    %mul3A_100 = arith.muli %mul3A_57, %mul3A_99 : i32
    %dma_start3A_101 = arith.constant 0 : i32
    %dma_start3A_102 = arith.constant 0 : i32
    %dma_start3A_103 = tpu.memref_slice %arg8[%dma_start3A_101, %dma_start3A_102] : memref<4x256xi32, #tpu.memory_space<vmem>> -> memref<1x256xi32, #tpu.memory_space<vmem>>
    %dma_start3A_104 = tpu.memref_squeeze %dma_start3A_103 : memref<1x256xi32, #tpu.memory_space<vmem>> -> memref<256xi32, #tpu.memory_space<vmem>>
    %dma_start3A_105 = tpu.memref_slice %arg3[%mul3A_100] : memref<3200000xi32, #tpu.memory_space<hbm>> -> memref<256xi32, #tpu.memory_space<hbm>>
    %dma_start3A_106 = arith.constant 0 : i32
    %dma_start3A_107 = tpu.memref_slice %arg8[%dma_start3A_101, %dma_start3A_106] : memref<4x256xi32, #tpu.memory_space<vmem>> -> memref<1x256xi32, #tpu.memory_space<vmem>>
    %dma_start3A_108 = tpu.memref_squeeze %dma_start3A_107 : memref<1x256xi32, #tpu.memory_space<vmem>> -> memref<256xi32, #tpu.memory_space<vmem>>
    %dma_start3A_109 = tpu.memref_slice %arg3[%mul3A_100] : memref<3200000xi32, #tpu.memory_space<hbm>> -> memref<256xi32, #tpu.memory_space<hbm>>
    tpu.enqueue_dma source(%dma_start3A_109 : memref<256xi32, #tpu.memory_space<hbm>>) target(%dma_start3A_108 : memref<256xi32, #tpu.memory_space<vmem>>) target_semaphore(%arg10 : memref<!tpu.dma_semaphore, #tpu.memory_space<semaphore_mem>>)
    %add3A_110 = arith.constant 1 : i32
    %add3A_111 = arith.addi %mul3A_22, %add3A_110 : i32
    %mul3A_112 = arith.constant 2 : i32
    %mul3A_113 = arith.muli %add3A_111, %mul3A_112 : i32
    %dma_start3A_114 = arith.constant 0 : i32
    %dma_start3A_115 = arith.constant 1 : i32
    %dma_start3A_116 = arith.constant 0 : i32
    %dma_start3A_117 = arith.constant 0 : i32
    %dma_start3A_118 = arith.constant 0 : i32
    %dma_start3A_119 = arith.constant 0 : i32
    %dma_start3A_120 = tpu.memref_slice %arg6[%dma_start3A_115, %dma_start3A_116, %dma_start3A_117, %dma_start3A_118, %dma_start3A_119] : memref<2x2x2x8x128xf32, #tpu.memory_space<vmem>> -> memref<1x1x2x8x128xf32, #tpu.memory_space<vmem>>
    %dma_start3A_121 = tpu.memref_squeeze %dma_start3A_120 : memref<1x1x2x8x128xf32, #tpu.memory_space<vmem>> -> memref<2x8x128xf32, #tpu.memory_space<vmem>>
    %dma_start3A_122 = arith.constant 0 : i32
    %dma_start3A_123 = arith.constant 0 : i32
    %dma_start3A_124 = tpu.memref_slice %arg2[%dma_start3A_114, %mul3A_113, %dma_start3A_122, %dma_start3A_123] : memref<2x25000x8x128xf32, #tpu.memory_space<hbm>> -> memref<1x2x8x128xf32, #tpu.memory_space<hbm>>
    %dma_start3A_125 = tpu.memref_squeeze %dma_start3A_124 : memref<1x2x8x128xf32, #tpu.memory_space<hbm>> -> memref<2x8x128xf32, #tpu.memory_space<hbm>>
    %dma_start3A_126 = arith.constant 0 : i32
    %dma_start3A_127 = arith.constant 0 : i32
    %dma_start3A_128 = arith.constant 0 : i32
    %dma_start3A_129 = tpu.memref_slice %arg6[%dma_start3A_115, %dma_start3A_116, %dma_start3A_126, %dma_start3A_127, %dma_start3A_128] : memref<2x2x2x8x128xf32, #tpu.memory_space<vmem>> -> memref<1x1x2x8x128xf32, #tpu.memory_space<vmem>>
    %dma_start3A_130 = tpu.memref_squeeze %dma_start3A_129 : memref<1x1x2x8x128xf32, #tpu.memory_space<vmem>> -> memref<2x8x128xf32, #tpu.memory_space<vmem>>
    %dma_start3A_131 = arith.constant 0 : i32
    %dma_start3A_132 = arith.constant 0 : i32
    %dma_start3A_133 = tpu.memref_slice %arg2[%dma_start3A_114, %mul3A_113, %dma_start3A_131, %dma_start3A_132] : memref<2x25000x8x128xf32, #tpu.memory_space<hbm>> -> memref<1x2x8x128xf32, #tpu.memory_space<hbm>>
    %dma_start3A_134 = tpu.memref_squeeze %dma_start3A_133 : memref<1x2x8x128xf32, #tpu.memory_space<hbm>> -> memref<2x8x128xf32, #tpu.memory_space<hbm>>
    tpu.enqueue_dma source(%dma_start3A_134 : memref<2x8x128xf32, #tpu.memory_space<hbm>>) target(%dma_start3A_130 : memref<2x8x128xf32, #tpu.memory_space<vmem>>) target_semaphore(%arg11 : memref<!tpu.dma_semaphore, #tpu.memory_space<semaphore_mem>>)
    %dma_start3A_135 = arith.constant 1 : i32
    %dma_start3A_136 = arith.constant 1 : i32
    %dma_start3A_137 = arith.constant 1 : i32
    %dma_start3A_138 = arith.constant 0 : i32
    %dma_start3A_139 = arith.constant 0 : i32
    %dma_start3A_140 = arith.constant 0 : i32
    %dma_start3A_141 = tpu.memref_slice %arg6[%dma_start3A_136, %dma_start3A_137, %dma_start3A_138, %dma_start3A_139, %dma_start3A_140] : memref<2x2x2x8x128xf32, #tpu.memory_space<vmem>> -> memref<1x1x2x8x128xf32, #tpu.memory_space<vmem>>
    %dma_start3A_142 = tpu.memref_squeeze %dma_start3A_141 : memref<1x1x2x8x128xf32, #tpu.memory_space<vmem>> -> memref<2x8x128xf32, #tpu.memory_space<vmem>>
    %dma_start3A_143 = arith.constant 0 : i32
    %dma_start3A_144 = arith.constant 0 : i32
    %dma_start3A_145 = tpu.memref_slice %arg2[%dma_start3A_135, %mul3A_113, %dma_start3A_143, %dma_start3A_144] : memref<2x25000x8x128xf32, #tpu.memory_space<hbm>> -> memref<1x2x8x128xf32, #tpu.memory_space<hbm>>
    %dma_start3A_146 = tpu.memref_squeeze %dma_start3A_145 : memref<1x2x8x128xf32, #tpu.memory_space<hbm>> -> memref<2x8x128xf32, #tpu.memory_space<hbm>>
    %dma_start3A_147 = arith.constant 0 : i32
    %dma_start3A_148 = arith.constant 0 : i32
    %dma_start3A_149 = arith.constant 0 : i32
    %dma_start3A_150 = tpu.memref_slice %arg6[%dma_start3A_136, %dma_start3A_137, %dma_start3A_147, %dma_start3A_148, %dma_start3A_149] : memref<2x2x2x8x128xf32, #tpu.memory_space<vmem>> -> memref<1x1x2x8x128xf32, #tpu.memory_space<vmem>>
    %dma_start3A_151 = tpu.memref_squeeze %dma_start3A_150 : memref<1x1x2x8x128xf32, #tpu.memory_space<vmem>> -> memref<2x8x128xf32, #tpu.memory_space<vmem>>
    %dma_start3A_152 = arith.constant 0 : i32
    %dma_start3A_153 = arith.constant 0 : i32
    %dma_start3A_154 = tpu.memref_slice %arg2[%dma_start3A_135, %mul3A_113, %dma_start3A_152, %dma_start3A_153] : memref<2x25000x8x128xf32, #tpu.memory_space<hbm>> -> memref<1x2x8x128xf32, #tpu.memory_space<hbm>>
    %dma_start3A_155 = tpu.memref_squeeze %dma_start3A_154 : memref<1x2x8x128xf32, #tpu.memory_space<hbm>> -> memref<2x8x128xf32, #tpu.memory_space<hbm>>
    tpu.enqueue_dma source(%dma_start3A_155 : memref<2x8x128xf32, #tpu.memory_space<hbm>>) target(%dma_start3A_151 : memref<2x8x128xf32, #tpu.memory_space<vmem>>) target_semaphore(%arg11 : memref<!tpu.dma_semaphore, #tpu.memory_space<semaphore_mem>>)
    %mul3A_156 = arith.constant 128 : i32
    %mul3A_157 = arith.muli %mul3A_113, %mul3A_156 : i32
    %dma_start3A_158 = arith.constant 1 : i32
    %dma_start3A_159 = arith.constant 0 : i32
    %dma_start3A_160 = tpu.memref_slice %arg8[%dma_start3A_158, %dma_start3A_159] : memref<4x256xi32, #tpu.memory_space<vmem>> -> memref<1x256xi32, #tpu.memory_space<vmem>>
    %dma_start3A_161 = tpu.memref_squeeze %dma_start3A_160 : memref<1x256xi32, #tpu.memory_space<vmem>> -> memref<256xi32, #tpu.memory_space<vmem>>
    %dma_start3A_162 = tpu.memref_slice %arg3[%mul3A_157] : memref<3200000xi32, #tpu.memory_space<hbm>> -> memref<256xi32, #tpu.memory_space<hbm>>
    %dma_start3A_163 = arith.constant 0 : i32
    %dma_start3A_164 = tpu.memref_slice %arg8[%dma_start3A_158, %dma_start3A_163] : memref<4x256xi32, #tpu.memory_space<vmem>> -> memref<1x256xi32, #tpu.memory_space<vmem>>
    %dma_start3A_165 = tpu.memref_squeeze %dma_start3A_164 : memref<1x256xi32, #tpu.memory_space<vmem>> -> memref<256xi32, #tpu.memory_space<vmem>>
    %dma_start3A_166 = tpu.memref_slice %arg3[%mul3A_157] : memref<3200000xi32, #tpu.memory_space<hbm>> -> memref<256xi32, #tpu.memory_space<hbm>>
    tpu.enqueue_dma source(%dma_start3A_166 : memref<256xi32, #tpu.memory_space<hbm>>) target(%dma_start3A_165 : memref<256xi32, #tpu.memory_space<vmem>>) target_semaphore(%arg11 : memref<!tpu.dma_semaphore, #tpu.memory_space<semaphore_mem>>)
    %jit3A_167 = arith.constant 2 : i32
    %div3A_168 = arith.divsi %sub3A_53, %jit3A_167 : i32
    %sign3A_169 = arith.constant 0 : i32
    %sign3A_170 = arith.cmpi sgt, %sub3A_53, %sign3A_169 : i32
    %sign3A_171 = arith.extui %sign3A_170 : i1 to i32
    %sign3A_172 = arith.constant 0 : i32
    %sign3A_173 = arith.cmpi slt, %sub3A_53, %sign3A_172 : i32
    %sign3A_174 = arith.extui %sign3A_173 : i1 to i32
    %sign3A_175 = arith.subi %sign3A_171, %sign3A_174 : i32
    %sign3A_176 = arith.constant 0 : i32
    %sign3A_177 = arith.cmpi sgt, %jit3A_167, %sign3A_176 : i32
    %sign3A_178 = arith.extui %sign3A_177 : i1 to i32
    %sign3A_179 = arith.constant 0 : i32
    %sign3A_180 = arith.cmpi slt, %jit3A_167, %sign3A_179 : i32
    %sign3A_181 = arith.extui %sign3A_180 : i1 to i32
    %sign3A_182 = arith.subi %sign3A_178, %sign3A_181 : i32
    %ne3A_183 = arith.cmpi ne, %sign3A_175, %sign3A_182 : i32
    %rem3A_184 = arith.remsi %sub3A_53, %jit3A_167 : i32
    %ne3A_185 = arith.constant 0 : i32
    %ne3A_186 = arith.cmpi ne, %rem3A_184, %ne3A_185 : i32
    %and3A_187 = arith.andi %ne3A_183, %ne3A_186 : i1
    %sub3A_188 = arith.constant 1 : i32
    %sub3A_189 = arith.subi %div3A_168, %sub3A_188 : i32
    %select_n3A_190 = arith.select %and3A_187, %sub3A_189, %div3A_168 : i32
    %sub3A_191 = arith.constant 0 : i32
    %sub3A_192 = arith.subi %select_n3A_190, %sub3A_191 : i32
    %sub3A_193 = arith.constant 1 : i32
    %sub3A_194 = arith.constant 1 : i32
    %sub3A_195 = arith.subi %sub3A_193, %sub3A_194 : i32
    %add3A_196 = arith.addi %sub3A_192, %sub3A_195 : i32
    %div3A_197 = arith.constant 1 : i32
    %div3A_198 = arith.divsi %add3A_196, %div3A_197 : i32
    %while3A = arith.constant 1 : i32
    %while3A_199 = arith.constant 0 : i32
    %while3A_200 = arith.constant 0 : i32
    %while3A_201 = arith.subi %div3A_198, %while3A_200 : i32
    %while3A_202 = arith.addi %while3A_200, %while3A_201 : i32
    %while3A_203 = arith.constant 1 : i32
    %while3A_204 = arith.divsi %while3A_201, %while3A_203 : i32
    %while3A_205 = arith.muli %while3A_204, %while3A_203 : i32
    %while3A_206 = arith.addi %while3A_200, %while3A_205 : i32
    %while3A_207 = arith.constant 1 : i32
    scf.for %while3A_242 = %while3A_200 to %while3A_206 step %while3A_207  : i32 {
      %mul3A_243 = arith.muli %while3A_242, %while3A : i32
      %add3A_244 = arith.addi %while3A_199, %mul3A_243 : i32
      %mul3A_245 = arith.constant 2 : i32
      %mul3A_246 = arith.muli %mul3A_245, %add3A_244 : i32
      %add3A_247 = arith.constant 0 : i32
      %add3A_248 = arith.addi %mul3A_246, %add3A_247 : i32
      %add3A_249 = arith.addi %mul3A_22, %add3A_248 : i32
      %mul3A_250 = arith.constant 2 : i32
      %mul3A_251 = arith.muli %add3A_249, %mul3A_250 : i32
      %dma_wait3A_252 = arith.constant 0 : i32
      %dma_wait3A_253 = arith.constant 0 : i32
      %dma_wait3A_254 = arith.constant 0 : i32
      %dma_wait3A_255 = arith.constant 0 : i32
      %dma_wait3A_256 = arith.constant 0 : i32
      %dma_wait3A_257 = arith.constant 0 : i32
      %dma_wait3A_258 = tpu.memref_slice %arg6[%dma_wait3A_253, %dma_wait3A_254, %dma_wait3A_255, %dma_wait3A_256, %dma_wait3A_257] : memref<2x2x2x8x128xf32, #tpu.memory_space<vmem>> -> memref<1x1x2x8x128xf32, #tpu.memory_space<vmem>>
      %dma_wait3A_259 = tpu.memref_squeeze %dma_wait3A_258 : memref<1x1x2x8x128xf32, #tpu.memory_space<vmem>> -> memref<2x8x128xf32, #tpu.memory_space<vmem>>
      %dma_wait3A_260 = arith.constant 0 : i32
      %dma_wait3A_261 = arith.constant 0 : i32
      %dma_wait3A_262 = tpu.memref_slice %arg2[%dma_wait3A_252, %mul3A_251, %dma_wait3A_260, %dma_wait3A_261] : memref<2x25000x8x128xf32, #tpu.memory_space<hbm>> -> memref<1x2x8x128xf32, #tpu.memory_space<hbm>>
      %dma_wait3A_263 = tpu.memref_squeeze %dma_wait3A_262 : memref<1x2x8x128xf32, #tpu.memory_space<hbm>> -> memref<2x8x128xf32, #tpu.memory_space<hbm>>
      %dma_wait3A_264 = arith.constant 0 : i32
      %dma_wait3A_265 = arith.constant 0 : i32
      %dma_wait3A_266 = arith.constant 0 : i32
      %dma_wait3A_267 = tpu.memref_slice %arg6[%dma_wait3A_253, %dma_wait3A_254, %dma_wait3A_264, %dma_wait3A_265, %dma_wait3A_266] : memref<2x2x2x8x128xf32, #tpu.memory_space<vmem>> -> memref<1x1x2x8x128xf32, #tpu.memory_space<vmem>>
      %dma_wait3A_268 = tpu.memref_squeeze %dma_wait3A_267 : memref<1x1x2x8x128xf32, #tpu.memory_space<vmem>> -> memref<2x8x128xf32, #tpu.memory_space<vmem>>
      %dma_wait3A_269 = arith.constant 0 : i32
      %dma_wait3A_270 = arith.constant 0 : i32
      %dma_wait3A_271 = tpu.memref_slice %arg2[%dma_wait3A_252, %mul3A_251, %dma_wait3A_269, %dma_wait3A_270] : memref<2x25000x8x128xf32, #tpu.memory_space<hbm>> -> memref<1x2x8x128xf32, #tpu.memory_space<hbm>>
      %dma_wait3A_272 = tpu.memref_squeeze %dma_wait3A_271 : memref<1x2x8x128xf32, #tpu.memory_space<hbm>> -> memref<2x8x128xf32, #tpu.memory_space<hbm>>
      tpu.wait_dma2 semaphore(%arg10 : memref<!tpu.dma_semaphore, #tpu.memory_space<semaphore_mem>>) src(%dma_wait3A_272 : memref<2x8x128xf32, #tpu.memory_space<hbm>>) dst(%dma_wait3A_268 : memref<2x8x128xf32, #tpu.memory_space<vmem>>)
      %dma_wait3A_273 = arith.constant 1 : i32
      %dma_wait3A_274 = arith.constant 0 : i32
      %dma_wait3A_275 = arith.constant 1 : i32
      %dma_wait3A_276 = arith.constant 0 : i32
      %dma_wait3A_277 = arith.constant 0 : i32
      %dma_wait3A_278 = arith.constant 0 : i32
      %dma_wait3A_279 = tpu.memref_slice %arg6[%dma_wait3A_274, %dma_wait3A_275, %dma_wait3A_276, %dma_wait3A_277, %dma_wait3A_278] : memref<2x2x2x8x128xf32, #tpu.memory_space<vmem>> -> memref<1x1x2x8x128xf32, #tpu.memory_space<vmem>>
      %dma_wait3A_280 = tpu.memref_squeeze %dma_wait3A_279 : memref<1x1x2x8x128xf32, #tpu.memory_space<vmem>> -> memref<2x8x128xf32, #tpu.memory_space<vmem>>
      %dma_wait3A_281 = arith.constant 0 : i32
      %dma_wait3A_282 = arith.constant 0 : i32
      %dma_wait3A_283 = tpu.memref_slice %arg2[%dma_wait3A_273, %mul3A_251, %dma_wait3A_281, %dma_wait3A_282] : memref<2x25000x8x128xf32, #tpu.memory_space<hbm>> -> memref<1x2x8x128xf32, #tpu.memory_space<hbm>>
      %dma_wait3A_284 = tpu.memref_squeeze %dma_wait3A_283 : memref<1x2x8x128xf32, #tpu.memory_space<hbm>> -> memref<2x8x128xf32, #tpu.memory_space<hbm>>
      %dma_wait3A_285 = arith.constant 0 : i32
      %dma_wait3A_286 = arith.constant 0 : i32
      %dma_wait3A_287 = arith.constant 0 : i32
      %dma_wait3A_288 = tpu.memref_slice %arg6[%dma_wait3A_274, %dma_wait3A_275, %dma_wait3A_285, %dma_wait3A_286, %dma_wait3A_287] : memref<2x2x2x8x128xf32, #tpu.memory_space<vmem>> -> memref<1x1x2x8x128xf32, #tpu.memory_space<vmem>>
      %dma_wait3A_289 = tpu.memref_squeeze %dma_wait3A_288 : memref<1x1x2x8x128xf32, #tpu.memory_space<vmem>> -> memref<2x8x128xf32, #tpu.memory_space<vmem>>
      %dma_wait3A_290 = arith.constant 0 : i32
      %dma_wait3A_291 = arith.constant 0 : i32
      %dma_wait3A_292 = tpu.memref_slice %arg2[%dma_wait3A_273, %mul3A_251, %dma_wait3A_290, %dma_wait3A_291] : memref<2x25000x8x128xf32, #tpu.memory_space<hbm>> -> memref<1x2x8x128xf32, #tpu.memory_space<hbm>>
      %dma_wait3A_293 = tpu.memref_squeeze %dma_wait3A_292 : memref<1x2x8x128xf32, #tpu.memory_space<hbm>> -> memref<2x8x128xf32, #tpu.memory_space<hbm>>
      tpu.wait_dma2 semaphore(%arg10 : memref<!tpu.dma_semaphore, #tpu.memory_space<semaphore_mem>>) src(%dma_wait3A_293 : memref<2x8x128xf32, #tpu.memory_space<hbm>>) dst(%dma_wait3A_289 : memref<2x8x128xf32, #tpu.memory_space<vmem>>)
      %mul3A_294 = arith.constant 128 : i32
      %mul3A_295 = arith.muli %mul3A_251, %mul3A_294 : i32
      %jit3A_296 = arith.constant 4 : i32
      %eq3A = arith.constant 0 : i32
      %eq3A_297 = arith.cmpi eq, %jit3A_296, %eq3A : i32
      %jit3A_298 = arith.constant 1 : i32
      %select_n3A_299 = arith.select %eq3A_297, %jit3A_298, %jit3A_296 : i32
      %rem3A_300 = arith.remsi %add3A_248, %select_n3A_299 : i32
      %ne3A_301 = arith.constant 0 : i32
      %ne3A_302 = arith.cmpi ne, %rem3A_300, %ne3A_301 : i32
      %lt3A = arith.constant 0 : i32
      %lt3A_303 = arith.cmpi slt, %rem3A_300, %lt3A : i32
      %lt3A_304 = arith.constant 0 : i32
      %lt3A_305 = arith.cmpi slt, %select_n3A_299, %lt3A_304 : i32
      %ne3A_306 = arith.xori %lt3A_303, %lt3A_305 : i1
      %and3A_307 = arith.andi %ne3A_306, %ne3A_302 : i1
      %add3A_308 = arith.addi %rem3A_300, %select_n3A_299 : i32
      %select_n3A_309 = arith.select %and3A_307, %add3A_308, %rem3A_300 : i32
      %dma_wait3A_310 = arith.constant 0 : i32
      %dma_wait3A_311 = tpu.memref_slice %arg8[%select_n3A_309, %dma_wait3A_310] : memref<4x256xi32, #tpu.memory_space<vmem>> -> memref<1x256xi32, #tpu.memory_space<vmem>>
      %dma_wait3A_312 = tpu.memref_squeeze %dma_wait3A_311 : memref<1x256xi32, #tpu.memory_space<vmem>> -> memref<256xi32, #tpu.memory_space<vmem>>
      %dma_wait3A_313 = tpu.memref_slice %arg3[%mul3A_295] : memref<3200000xi32, #tpu.memory_space<hbm>> -> memref<256xi32, #tpu.memory_space<hbm>>
      %dma_wait3A_314 = arith.constant 0 : i32
      %dma_wait3A_315 = tpu.memref_slice %arg8[%select_n3A_309, %dma_wait3A_314] : memref<4x256xi32, #tpu.memory_space<vmem>> -> memref<1x256xi32, #tpu.memory_space<vmem>>
      %dma_wait3A_316 = tpu.memref_squeeze %dma_wait3A_315 : memref<1x256xi32, #tpu.memory_space<vmem>> -> memref<256xi32, #tpu.memory_space<vmem>>
      %dma_wait3A_317 = tpu.memref_slice %arg3[%mul3A_295] : memref<3200000xi32, #tpu.memory_space<hbm>> -> memref<256xi32, #tpu.memory_space<hbm>>
      tpu.wait_dma2 semaphore(%arg10 : memref<!tpu.dma_semaphore, #tpu.memory_space<semaphore_mem>>) src(%dma_wait3A_317 : memref<256xi32, #tpu.memory_space<hbm>>) dst(%dma_wait3A_316 : memref<256xi32, #tpu.memory_space<vmem>>)
      %ge3A = arith.constant 2 : i32
      %ge3A_318 = arith.cmpi sge, %add3A_248, %ge3A : i32
      %convert_element_type3A = arith.extui %ge3A_318 : i1 to i32
      %cond3A = arith.constant 0 : i32
      %cond3A_319 = arith.cmpi ne, %convert_element_type3A, %cond3A : i32
      scf.if %cond3A_319 {
        %dma_wait3A_475 = arith.constant 0 : i32
        %dma_wait3A_476 = arith.constant 0 : i32
        %dma_wait3A_477 = arith.constant 0 : i32
        %dma_wait3A_478 = tpu.memref_slice %arg7[%dma_wait3A_475, %dma_wait3A_476, %dma_wait3A_477] : memref<2x256x16xf32, #tpu.memory_space<vmem>> -> memref<1x256x16xf32, #tpu.memory_space<vmem>>
        %dma_wait3A_479 = tpu.memref_squeeze %dma_wait3A_478 : memref<1x256x16xf32, #tpu.memory_space<vmem>> -> memref<256x16xf32, #tpu.memory_space<vmem>>
        %dma_wait3A_480 = arith.constant 0 : i32
        %dma_wait3A_481 = arith.constant 0 : i32
        %dma_wait3A_482 = tpu.memref_slice %arg9[%dma_wait3A_480, %dma_wait3A_481] : memref<100096x16xf32, #tpu.memory_space<vmem_shared>> -> memref<256x16xf32, #tpu.memory_space<vmem_shared>>
        %dma_wait3A_483 = arith.constant 0 : i32
        %dma_wait3A_484 = arith.constant 0 : i32
        %dma_wait3A_485 = tpu.memref_slice %arg9[%dma_wait3A_483, %dma_wait3A_484] : memref<100096x16xf32, #tpu.memory_space<vmem_shared>> -> memref<256x16xf32, #tpu.memory_space<vmem_shared>>
        %dma_wait3A_486 = arith.constant 0 : i32
        %dma_wait3A_487 = arith.constant 0 : i32
        %dma_wait3A_488 = tpu.memref_slice %arg7[%dma_wait3A_475, %dma_wait3A_486, %dma_wait3A_487] : memref<2x256x16xf32, #tpu.memory_space<vmem>> -> memref<1x256x16xf32, #tpu.memory_space<vmem>>
        %dma_wait3A_489 = tpu.memref_squeeze %dma_wait3A_488 : memref<1x256x16xf32, #tpu.memory_space<vmem>> -> memref<256x16xf32, #tpu.memory_space<vmem>>
        tpu.wait_dma2 semaphore(%arg12 : memref<!tpu.dma_semaphore, #tpu.memory_space<semaphore_mem>>) src(%dma_wait3A_489 : memref<256x16xf32, #tpu.memory_space<vmem>>) dst(%dma_wait3A_485 : memref<256x16xf32, #tpu.memory_space<vmem_shared>>)
      } else {
      }
      %scan3A = arith.constant 0 : i32
      %scan3A_320 = arith.constant 8 : i32
      %scan3A_321 = arith.addi %scan3A, %scan3A_320 : i32
      %scan3A_322 = arith.constant 1 : i32
      scf.for %scan3A_475 = %scan3A to %scan3A_321 step %scan3A_322  : i32 {
        %mul3A_476 = arith.constant 1 : i32
        %mul3A_477 = arith.muli %scan3A_475, %mul3A_476 : i32
        %add3A_478 = arith.constant 0 : i32
        %add3A_479 = arith.addi %add3A_478, %mul3A_477 : i32
        %mul3A_480 = arith.constant 16 : i32
        %mul3A_481 = arith.muli %add3A_479, %mul3A_480 : i32
        %iota3A = tpu.iota {dimensions = array<i32: 0>} : vector<16xi32>
        %add3A_482 = arith.constant 0 : i32
        %add3A_483 = arith.addi %add3A_482, %mul3A_481 : i32
        %add3A_484 = vector.broadcast %add3A_483 : i32 to vector<16xi32>
        %add3A_485 = arith.addi %add3A_484, %iota3A : vector<16xi32>
        %get3A = arith.constant 0 : i32
        %get3A_486 = arith.constant 0 : i32
        %get3A_487 = arith.constant 0 : i32
        %get3A_488 = arith.constant 0 : i32
        %get3A_489 = arith.constant 0 : i32
        %get3A_490 = tpu.memref_slice %arg6[%get3A, %get3A_486, %get3A_487, %get3A_488, %get3A_489] : memref<2x2x2x8x128xf32, #tpu.memory_space<vmem>> -> memref<1x1x1x1x128xf32, #tpu.memory_space<vmem>>
        %get3A_491 = tpu.memref_squeeze %get3A_490 : memref<1x1x1x1x128xf32, #tpu.memory_space<vmem>> -> memref<128xf32, #tpu.memory_space<vmem>>
        %get3A_492 = arith.index_cast %mul3A_481 : i32 to index
        %get3A_493 = tpu.vector_load %get3A_491[%get3A_492] {strides = array<i32>} : memref<128xf32, #tpu.memory_space<vmem>>, vector<16xf32>,
        %broadcast_in_dim3A = arith.constant 0 : i32
        %broadcast_in_dim3A_494 = vector.broadcast %broadcast_in_dim3A : i32 to vector<16xi32>
        %scatter3A = arith.constant 0 : i32
        %scatter3A_495 = arith.constant 0 : i32
        %scatter3A_496 = arith.constant 0 : i32
        %scatter3A_497 = tpu.memref_slice %arg7[%scatter3A, %scatter3A_495, %scatter3A_496] : memref<2x256x16xf32, #tpu.memory_space<vmem>> -> memref<1x256x16xf32, #tpu.memory_space<vmem>>
        %scatter3A_498 = tpu.memref_squeeze %scatter3A_497 : memref<1x256x16xf32, #tpu.memory_space<vmem>> -> memref<256x16xf32, #tpu.memory_space<vmem>>
        tpu.vector_store_idx %scatter3A_498[%add3A_485, %broadcast_in_dim3A_494], %get3A_493 : memref<256x16xf32, #tpu.memory_space<vmem>>[vector<16xi32>, vector<16xi32>], vector<16xf32>,
        %get3A_499 = arith.constant 0 : i32
        %get3A_500 = arith.constant 0 : i32
        %get3A_501 = arith.constant 0 : i32
        %get3A_502 = arith.constant 1 : i32
        %get3A_503 = arith.constant 0 : i32
        %get3A_504 = tpu.memref_slice %arg6[%get3A_499, %get3A_500, %get3A_501, %get3A_502, %get3A_503] : memref<2x2x2x8x128xf32, #tpu.memory_space<vmem>> -> memref<1x1x1x1x128xf32, #tpu.memory_space<vmem>>
        %get3A_505 = tpu.memref_squeeze %get3A_504 : memref<1x1x1x1x128xf32, #tpu.memory_space<vmem>> -> memref<128xf32, #tpu.memory_space<vmem>>
        %get3A_506 = arith.index_cast %mul3A_481 : i32 to index
        %get3A_507 = tpu.vector_load %get3A_505[%get3A_506] {strides = array<i32>} : memref<128xf32, #tpu.memory_space<vmem>>, vector<16xf32>,
        %broadcast_in_dim3A_508 = arith.constant 1 : i32
        %broadcast_in_dim3A_509 = vector.broadcast %broadcast_in_dim3A_508 : i32 to vector<16xi32>
        %scatter3A_510 = arith.constant 0 : i32
        %scatter3A_511 = arith.constant 0 : i32
        %scatter3A_512 = arith.constant 0 : i32
        %scatter3A_513 = tpu.memref_slice %arg7[%scatter3A_510, %scatter3A_511, %scatter3A_512] : memref<2x256x16xf32, #tpu.memory_space<vmem>> -> memref<1x256x16xf32, #tpu.memory_space<vmem>>
        %scatter3A_514 = tpu.memref_squeeze %scatter3A_513 : memref<1x256x16xf32, #tpu.memory_space<vmem>> -> memref<256x16xf32, #tpu.memory_space<vmem>>
        tpu.vector_store_idx %scatter3A_514[%add3A_485, %broadcast_in_dim3A_509], %get3A_507 : memref<256x16xf32, #tpu.memory_space<vmem>>[vector<16xi32>, vector<16xi32>], vector<16xf32>,
        %get3A_515 = arith.constant 0 : i32
        %get3A_516 = arith.constant 0 : i32
        %get3A_517 = arith.constant 0 : i32
        %get3A_518 = arith.constant 2 : i32
        %get3A_519 = arith.constant 0 : i32
        %get3A_520 = tpu.memref_slice %arg6[%get3A_515, %get3A_516, %get3A_517, %get3A_518, %get3A_519] : memref<2x2x2x8x128xf32, #tpu.memory_space<vmem>> -> memref<1x1x1x1x128xf32, #tpu.memory_space<vmem>>
        %get3A_521 = tpu.memref_squeeze %get3A_520 : memref<1x1x1x1x128xf32, #tpu.memory_space<vmem>> -> memref<128xf32, #tpu.memory_space<vmem>>
        %get3A_522 = arith.index_cast %mul3A_481 : i32 to index
        %get3A_523 = tpu.vector_load %get3A_521[%get3A_522] {strides = array<i32>} : memref<128xf32, #tpu.memory_space<vmem>>, vector<16xf32>,
        %broadcast_in_dim3A_524 = arith.constant 2 : i32
        %broadcast_in_dim3A_525 = vector.broadcast %broadcast_in_dim3A_524 : i32 to vector<16xi32>
        %scatter3A_526 = arith.constant 0 : i32
        %scatter3A_527 = arith.constant 0 : i32
        %scatter3A_528 = arith.constant 0 : i32
        %scatter3A_529 = tpu.memref_slice %arg7[%scatter3A_526, %scatter3A_527, %scatter3A_528] : memref<2x256x16xf32, #tpu.memory_space<vmem>> -> memref<1x256x16xf32, #tpu.memory_space<vmem>>
        %scatter3A_530 = tpu.memref_squeeze %scatter3A_529 : memref<1x256x16xf32, #tpu.memory_space<vmem>> -> memref<256x16xf32, #tpu.memory_space<vmem>>
        tpu.vector_store_idx %scatter3A_530[%add3A_485, %broadcast_in_dim3A_525], %get3A_523 : memref<256x16xf32, #tpu.memory_space<vmem>>[vector<16xi32>, vector<16xi32>], vector<16xf32>,
        %get3A_531 = arith.constant 0 : i32
        %get3A_532 = arith.constant 0 : i32
        %get3A_533 = arith.constant 0 : i32
        %get3A_534 = arith.constant 3 : i32
        %get3A_535 = arith.constant 0 : i32
        %get3A_536 = tpu.memref_slice %arg6[%get3A_531, %get3A_532, %get3A_533, %get3A_534, %get3A_535] : memref<2x2x2x8x128xf32, #tpu.memory_space<vmem>> -> memref<1x1x1x1x128xf32, #tpu.memory_space<vmem>>
        %get3A_537 = tpu.memref_squeeze %get3A_536 : memref<1x1x1x1x128xf32, #tpu.memory_space<vmem>> -> memref<128xf32, #tpu.memory_space<vmem>>
        %get3A_538 = arith.index_cast %mul3A_481 : i32 to index
        %get3A_539 = tpu.vector_load %get3A_537[%get3A_538] {strides = array<i32>} : memref<128xf32, #tpu.memory_space<vmem>>, vector<16xf32>,
        %broadcast_in_dim3A_540 = arith.constant 3 : i32
        %broadcast_in_dim3A_541 = vector.broadcast %broadcast_in_dim3A_540 : i32 to vector<16xi32>
        %scatter3A_542 = arith.constant 0 : i32
        %scatter3A_543 = arith.constant 0 : i32
        %scatter3A_544 = arith.constant 0 : i32
        %scatter3A_545 = tpu.memref_slice %arg7[%scatter3A_542, %scatter3A_543, %scatter3A_544] : memref<2x256x16xf32, #tpu.memory_space<vmem>> -> memref<1x256x16xf32, #tpu.memory_space<vmem>>
        %scatter3A_546 = tpu.memref_squeeze %scatter3A_545 : memref<1x256x16xf32, #tpu.memory_space<vmem>> -> memref<256x16xf32, #tpu.memory_space<vmem>>
        tpu.vector_store_idx %scatter3A_546[%add3A_485, %broadcast_in_dim3A_541], %get3A_539 : memref<256x16xf32, #tpu.memory_space<vmem>>[vector<16xi32>, vector<16xi32>], vector<16xf32>,
        %get3A_547 = arith.constant 0 : i32
        %get3A_548 = arith.constant 0 : i32
        %get3A_549 = arith.constant 0 : i32
        %get3A_550 = arith.constant 4 : i32
        %get3A_551 = arith.constant 0 : i32
        %get3A_552 = tpu.memref_slice %arg6[%get3A_547, %get3A_548, %get3A_549, %get3A_550, %get3A_551] : memref<2x2x2x8x128xf32, #tpu.memory_space<vmem>> -> memref<1x1x1x1x128xf32, #tpu.memory_space<vmem>>
        %get3A_553 = tpu.memref_squeeze %get3A_552 : memref<1x1x1x1x128xf32, #tpu.memory_space<vmem>> -> memref<128xf32, #tpu.memory_space<vmem>>
        %get3A_554 = arith.index_cast %mul3A_481 : i32 to index
        %get3A_555 = tpu.vector_load %get3A_553[%get3A_554] {strides = array<i32>} : memref<128xf32, #tpu.memory_space<vmem>>, vector<16xf32>,
        %broadcast_in_dim3A_556 = arith.constant 4 : i32
        %broadcast_in_dim3A_557 = vector.broadcast %broadcast_in_dim3A_556 : i32 to vector<16xi32>
        %scatter3A_558 = arith.constant 0 : i32
        %scatter3A_559 = arith.constant 0 : i32
        %scatter3A_560 = arith.constant 0 : i32
        %scatter3A_561 = tpu.memref_slice %arg7[%scatter3A_558, %scatter3A_559, %scatter3A_560] : memref<2x256x16xf32, #tpu.memory_space<vmem>> -> memref<1x256x16xf32, #tpu.memory_space<vmem>>
        %scatter3A_562 = tpu.memref_squeeze %scatter3A_561 : memref<1x256x16xf32, #tpu.memory_space<vmem>> -> memref<256x16xf32, #tpu.memory_space<vmem>>
        tpu.vector_store_idx %scatter3A_562[%add3A_485, %broadcast_in_dim3A_557], %get3A_555 : memref<256x16xf32, #tpu.memory_space<vmem>>[vector<16xi32>, vector<16xi32>], vector<16xf32>,
        %get3A_563 = arith.constant 0 : i32
        %get3A_564 = arith.constant 0 : i32
        %get3A_565 = arith.constant 0 : i32
        %get3A_566 = arith.constant 5 : i32
        %get3A_567 = arith.constant 0 : i32
        %get3A_568 = tpu.memref_slice %arg6[%get3A_563, %get3A_564, %get3A_565, %get3A_566, %get3A_567] : memref<2x2x2x8x128xf32, #tpu.memory_space<vmem>> -> memref<1x1x1x1x128xf32, #tpu.memory_space<vmem>>
        %get3A_569 = tpu.memref_squeeze %get3A_568 : memref<1x1x1x1x128xf32, #tpu.memory_space<vmem>> -> memref<128xf32, #tpu.memory_space<vmem>>
        %get3A_570 = arith.index_cast %mul3A_481 : i32 to index
        %get3A_571 = tpu.vector_load %get3A_569[%get3A_570] {strides = array<i32>} : memref<128xf32, #tpu.memory_space<vmem>>, vector<16xf32>,
        %broadcast_in_dim3A_572 = arith.constant 5 : i32
        %broadcast_in_dim3A_573 = vector.broadcast %broadcast_in_dim3A_572 : i32 to vector<16xi32>
        %scatter3A_574 = arith.constant 0 : i32
        %scatter3A_575 = arith.constant 0 : i32
        %scatter3A_576 = arith.constant 0 : i32
        %scatter3A_577 = tpu.memref_slice %arg7[%scatter3A_574, %scatter3A_575, %scatter3A_576] : memref<2x256x16xf32, #tpu.memory_space<vmem>> -> memref<1x256x16xf32, #tpu.memory_space<vmem>>
        %scatter3A_578 = tpu.memref_squeeze %scatter3A_577 : memref<1x256x16xf32, #tpu.memory_space<vmem>> -> memref<256x16xf32, #tpu.memory_space<vmem>>
        tpu.vector_store_idx %scatter3A_578[%add3A_485, %broadcast_in_dim3A_573], %get3A_571 : memref<256x16xf32, #tpu.memory_space<vmem>>[vector<16xi32>, vector<16xi32>], vector<16xf32>,
        %get3A_579 = arith.constant 0 : i32
        %get3A_580 = arith.constant 0 : i32
        %get3A_581 = arith.constant 0 : i32
        %get3A_582 = arith.constant 6 : i32
        %get3A_583 = arith.constant 0 : i32
        %get3A_584 = tpu.memref_slice %arg6[%get3A_579, %get3A_580, %get3A_581, %get3A_582, %get3A_583] : memref<2x2x2x8x128xf32, #tpu.memory_space<vmem>> -> memref<1x1x1x1x128xf32, #tpu.memory_space<vmem>>
        %get3A_585 = tpu.memref_squeeze %get3A_584 : memref<1x1x1x1x128xf32, #tpu.memory_space<vmem>> -> memref<128xf32, #tpu.memory_space<vmem>>
        %get3A_586 = arith.index_cast %mul3A_481 : i32 to index
        %get3A_587 = tpu.vector_load %get3A_585[%get3A_586] {strides = array<i32>} : memref<128xf32, #tpu.memory_space<vmem>>, vector<16xf32>,
        %broadcast_in_dim3A_588 = arith.constant 6 : i32
        %broadcast_in_dim3A_589 = vector.broadcast %broadcast_in_dim3A_588 : i32 to vector<16xi32>
        %scatter3A_590 = arith.constant 0 : i32
        %scatter3A_591 = arith.constant 0 : i32
        %scatter3A_592 = arith.constant 0 : i32
        %scatter3A_593 = tpu.memref_slice %arg7[%scatter3A_590, %scatter3A_591, %scatter3A_592] : memref<2x256x16xf32, #tpu.memory_space<vmem>> -> memref<1x256x16xf32, #tpu.memory_space<vmem>>
        %scatter3A_594 = tpu.memref_squeeze %scatter3A_593 : memref<1x256x16xf32, #tpu.memory_space<vmem>> -> memref<256x16xf32, #tpu.memory_space<vmem>>
        tpu.vector_store_idx %scatter3A_594[%add3A_485, %broadcast_in_dim3A_589], %get3A_587 : memref<256x16xf32, #tpu.memory_space<vmem>>[vector<16xi32>, vector<16xi32>], vector<16xf32>,
        %get3A_595 = arith.constant 0 : i32
        %get3A_596 = arith.constant 0 : i32
        %get3A_597 = arith.constant 0 : i32
        %get3A_598 = arith.constant 7 : i32
        %get3A_599 = arith.constant 0 : i32
        %get3A_600 = tpu.memref_slice %arg6[%get3A_595, %get3A_596, %get3A_597, %get3A_598, %get3A_599] : memref<2x2x2x8x128xf32, #tpu.memory_space<vmem>> -> memref<1x1x1x1x128xf32, #tpu.memory_space<vmem>>
        %get3A_601 = tpu.memref_squeeze %get3A_600 : memref<1x1x1x1x128xf32, #tpu.memory_space<vmem>> -> memref<128xf32, #tpu.memory_space<vmem>>
        %get3A_602 = arith.index_cast %mul3A_481 : i32 to index
        %get3A_603 = tpu.vector_load %get3A_601[%get3A_602] {strides = array<i32>} : memref<128xf32, #tpu.memory_space<vmem>>, vector<16xf32>,
        %broadcast_in_dim3A_604 = arith.constant 7 : i32
        %broadcast_in_dim3A_605 = vector.broadcast %broadcast_in_dim3A_604 : i32 to vector<16xi32>
        %scatter3A_606 = arith.constant 0 : i32
        %scatter3A_607 = arith.constant 0 : i32
        %scatter3A_608 = arith.constant 0 : i32
        %scatter3A_609 = tpu.memref_slice %arg7[%scatter3A_606, %scatter3A_607, %scatter3A_608] : memref<2x256x16xf32, #tpu.memory_space<vmem>> -> memref<1x256x16xf32, #tpu.memory_space<vmem>>
        %scatter3A_610 = tpu.memref_squeeze %scatter3A_609 : memref<1x256x16xf32, #tpu.memory_space<vmem>> -> memref<256x16xf32, #tpu.memory_space<vmem>>
        tpu.vector_store_idx %scatter3A_610[%add3A_485, %broadcast_in_dim3A_605], %get3A_603 : memref<256x16xf32, #tpu.memory_space<vmem>>[vector<16xi32>, vector<16xi32>], vector<16xf32>,
        %get3A_611 = arith.constant 0 : i32
        %get3A_612 = arith.constant 1 : i32
        %get3A_613 = arith.constant 0 : i32
        %get3A_614 = arith.constant 0 : i32
        %get3A_615 = arith.constant 0 : i32
        %get3A_616 = tpu.memref_slice %arg6[%get3A_611, %get3A_612, %get3A_613, %get3A_614, %get3A_615] : memref<2x2x2x8x128xf32, #tpu.memory_space<vmem>> -> memref<1x1x1x1x128xf32, #tpu.memory_space<vmem>>
        %get3A_617 = tpu.memref_squeeze %get3A_616 : memref<1x1x1x1x128xf32, #tpu.memory_space<vmem>> -> memref<128xf32, #tpu.memory_space<vmem>>
        %get3A_618 = arith.index_cast %mul3A_481 : i32 to index
        %get3A_619 = tpu.vector_load %get3A_617[%get3A_618] {strides = array<i32>} : memref<128xf32, #tpu.memory_space<vmem>>, vector<16xf32>,
        %broadcast_in_dim3A_620 = arith.constant 8 : i32
        %broadcast_in_dim3A_621 = vector.broadcast %broadcast_in_dim3A_620 : i32 to vector<16xi32>
        %scatter3A_622 = arith.constant 0 : i32
        %scatter3A_623 = arith.constant 0 : i32
        %scatter3A_624 = arith.constant 0 : i32
        %scatter3A_625 = tpu.memref_slice %arg7[%scatter3A_622, %scatter3A_623, %scatter3A_624] : memref<2x256x16xf32, #tpu.memory_space<vmem>> -> memref<1x256x16xf32, #tpu.memory_space<vmem>>
        %scatter3A_626 = tpu.memref_squeeze %scatter3A_625 : memref<1x256x16xf32, #tpu.memory_space<vmem>> -> memref<256x16xf32, #tpu.memory_space<vmem>>
        tpu.vector_store_idx %scatter3A_626[%add3A_485, %broadcast_in_dim3A_621], %get3A_619 : memref<256x16xf32, #tpu.memory_space<vmem>>[vector<16xi32>, vector<16xi32>], vector<16xf32>,
        %get3A_627 = arith.constant 0 : i32
        %get3A_628 = arith.constant 1 : i32
        %get3A_629 = arith.constant 0 : i32
        %get3A_630 = arith.constant 1 : i32
        %get3A_631 = arith.constant 0 : i32
        %get3A_632 = tpu.memref_slice %arg6[%get3A_627, %get3A_628, %get3A_629, %get3A_630, %get3A_631] : memref<2x2x2x8x128xf32, #tpu.memory_space<vmem>> -> memref<1x1x1x1x128xf32, #tpu.memory_space<vmem>>
        %get3A_633 = tpu.memref_squeeze %get3A_632 : memref<1x1x1x1x128xf32, #tpu.memory_space<vmem>> -> memref<128xf32, #tpu.memory_space<vmem>>
        %get3A_634 = arith.index_cast %mul3A_481 : i32 to index
        %get3A_635 = tpu.vector_load %get3A_633[%get3A_634] {strides = array<i32>} : memref<128xf32, #tpu.memory_space<vmem>>, vector<16xf32>,
        %broadcast_in_dim3A_636 = arith.constant 9 : i32
        %broadcast_in_dim3A_637 = vector.broadcast %broadcast_in_dim3A_636 : i32 to vector<16xi32>
        %scatter3A_638 = arith.constant 0 : i32
        %scatter3A_639 = arith.constant 0 : i32
        %scatter3A_640 = arith.constant 0 : i32
        %scatter3A_641 = tpu.memref_slice %arg7[%scatter3A_638, %scatter3A_639, %scatter3A_640] : memref<2x256x16xf32, #tpu.memory_space<vmem>> -> memref<1x256x16xf32, #tpu.memory_space<vmem>>
        %scatter3A_642 = tpu.memref_squeeze %scatter3A_641 : memref<1x256x16xf32, #tpu.memory_space<vmem>> -> memref<256x16xf32, #tpu.memory_space<vmem>>
        tpu.vector_store_idx %scatter3A_642[%add3A_485, %broadcast_in_dim3A_637], %get3A_635 : memref<256x16xf32, #tpu.memory_space<vmem>>[vector<16xi32>, vector<16xi32>], vector<16xf32>,
        %get3A_643 = arith.constant 0 : i32
        %get3A_644 = arith.constant 1 : i32
        %get3A_645 = arith.constant 0 : i32
        %get3A_646 = arith.constant 2 : i32
        %get3A_647 = arith.constant 0 : i32
        %get3A_648 = tpu.memref_slice %arg6[%get3A_643, %get3A_644, %get3A_645, %get3A_646, %get3A_647] : memref<2x2x2x8x128xf32, #tpu.memory_space<vmem>> -> memref<1x1x1x1x128xf32, #tpu.memory_space<vmem>>
        %get3A_649 = tpu.memref_squeeze %get3A_648 : memref<1x1x1x1x128xf32, #tpu.memory_space<vmem>> -> memref<128xf32, #tpu.memory_space<vmem>>
        %get3A_650 = arith.index_cast %mul3A_481 : i32 to index
        %get3A_651 = tpu.vector_load %get3A_649[%get3A_650] {strides = array<i32>} : memref<128xf32, #tpu.memory_space<vmem>>, vector<16xf32>,
        %broadcast_in_dim3A_652 = arith.constant 10 : i32
        %broadcast_in_dim3A_653 = vector.broadcast %broadcast_in_dim3A_652 : i32 to vector<16xi32>
        %scatter3A_654 = arith.constant 0 : i32
        %scatter3A_655 = arith.constant 0 : i32
        %scatter3A_656 = arith.constant 0 : i32
        %scatter3A_657 = tpu.memref_slice %arg7[%scatter3A_654, %scatter3A_655, %scatter3A_656] : memref<2x256x16xf32, #tpu.memory_space<vmem>> -> memref<1x256x16xf32, #tpu.memory_space<vmem>>
        %scatter3A_658 = tpu.memref_squeeze %scatter3A_657 : memref<1x256x16xf32, #tpu.memory_space<vmem>> -> memref<256x16xf32, #tpu.memory_space<vmem>>
        tpu.vector_store_idx %scatter3A_658[%add3A_485, %broadcast_in_dim3A_653], %get3A_651 : memref<256x16xf32, #tpu.memory_space<vmem>>[vector<16xi32>, vector<16xi32>], vector<16xf32>,
        %get3A_659 = arith.constant 0 : i32
        %get3A_660 = arith.constant 1 : i32
        %get3A_661 = arith.constant 0 : i32
        %get3A_662 = arith.constant 3 : i32
        %get3A_663 = arith.constant 0 : i32
        %get3A_664 = tpu.memref_slice %arg6[%get3A_659, %get3A_660, %get3A_661, %get3A_662, %get3A_663] : memref<2x2x2x8x128xf32, #tpu.memory_space<vmem>> -> memref<1x1x1x1x128xf32, #tpu.memory_space<vmem>>
        %get3A_665 = tpu.memref_squeeze %get3A_664 : memref<1x1x1x1x128xf32, #tpu.memory_space<vmem>> -> memref<128xf32, #tpu.memory_space<vmem>>
        %get3A_666 = arith.index_cast %mul3A_481 : i32 to index
        %get3A_667 = tpu.vector_load %get3A_665[%get3A_666] {strides = array<i32>} : memref<128xf32, #tpu.memory_space<vmem>>, vector<16xf32>,
        %broadcast_in_dim3A_668 = arith.constant 11 : i32
        %broadcast_in_dim3A_669 = vector.broadcast %broadcast_in_dim3A_668 : i32 to vector<16xi32>
        %scatter3A_670 = arith.constant 0 : i32
        %scatter3A_671 = arith.constant 0 : i32
        %scatter3A_672 = arith.constant 0 : i32
        %scatter3A_673 = tpu.memref_slice %arg7[%scatter3A_670, %scatter3A_671, %scatter3A_672] : memref<2x256x16xf32, #tpu.memory_space<vmem>> -> memref<1x256x16xf32, #tpu.memory_space<vmem>>
        %scatter3A_674 = tpu.memref_squeeze %scatter3A_673 : memref<1x256x16xf32, #tpu.memory_space<vmem>> -> memref<256x16xf32, #tpu.memory_space<vmem>>
        tpu.vector_store_idx %scatter3A_674[%add3A_485, %broadcast_in_dim3A_669], %get3A_667 : memref<256x16xf32, #tpu.memory_space<vmem>>[vector<16xi32>, vector<16xi32>], vector<16xf32>,
        %get3A_675 = arith.constant 0 : i32
        %get3A_676 = arith.constant 1 : i32
        %get3A_677 = arith.constant 0 : i32
        %get3A_678 = arith.constant 4 : i32
        %get3A_679 = arith.constant 0 : i32
        %get3A_680 = tpu.memref_slice %arg6[%get3A_675, %get3A_676, %get3A_677, %get3A_678, %get3A_679] : memref<2x2x2x8x128xf32, #tpu.memory_space<vmem>> -> memref<1x1x1x1x128xf32, #tpu.memory_space<vmem>>
        %get3A_681 = tpu.memref_squeeze %get3A_680 : memref<1x1x1x1x128xf32, #tpu.memory_space<vmem>> -> memref<128xf32, #tpu.memory_space<vmem>>
        %get3A_682 = arith.index_cast %mul3A_481 : i32 to index
        %get3A_683 = tpu.vector_load %get3A_681[%get3A_682] {strides = array<i32>} : memref<128xf32, #tpu.memory_space<vmem>>, vector<16xf32>,
        %broadcast_in_dim3A_684 = arith.constant 12 : i32
        %broadcast_in_dim3A_685 = vector.broadcast %broadcast_in_dim3A_684 : i32 to vector<16xi32>
        %scatter3A_686 = arith.constant 0 : i32
        %scatter3A_687 = arith.constant 0 : i32
        %scatter3A_688 = arith.constant 0 : i32
        %scatter3A_689 = tpu.memref_slice %arg7[%scatter3A_686, %scatter3A_687, %scatter3A_688] : memref<2x256x16xf32, #tpu.memory_space<vmem>> -> memref<1x256x16xf32, #tpu.memory_space<vmem>>
        %scatter3A_690 = tpu.memref_squeeze %scatter3A_689 : memref<1x256x16xf32, #tpu.memory_space<vmem>> -> memref<256x16xf32, #tpu.memory_space<vmem>>
        tpu.vector_store_idx %scatter3A_690[%add3A_485, %broadcast_in_dim3A_685], %get3A_683 : memref<256x16xf32, #tpu.memory_space<vmem>>[vector<16xi32>, vector<16xi32>], vector<16xf32>,
        %get3A_691 = arith.constant 0 : i32
        %get3A_692 = arith.constant 1 : i32
        %get3A_693 = arith.constant 0 : i32
        %get3A_694 = arith.constant 5 : i32
        %get3A_695 = arith.constant 0 : i32
        %get3A_696 = tpu.memref_slice %arg6[%get3A_691, %get3A_692, %get3A_693, %get3A_694, %get3A_695] : memref<2x2x2x8x128xf32, #tpu.memory_space<vmem>> -> memref<1x1x1x1x128xf32, #tpu.memory_space<vmem>>
        %get3A_697 = tpu.memref_squeeze %get3A_696 : memref<1x1x1x1x128xf32, #tpu.memory_space<vmem>> -> memref<128xf32, #tpu.memory_space<vmem>>
        %get3A_698 = arith.index_cast %mul3A_481 : i32 to index
        %get3A_699 = tpu.vector_load %get3A_697[%get3A_698] {strides = array<i32>} : memref<128xf32, #tpu.memory_space<vmem>>, vector<16xf32>,
        %broadcast_in_dim3A_700 = arith.constant 13 : i32
        %broadcast_in_dim3A_701 = vector.broadcast %broadcast_in_dim3A_700 : i32 to vector<16xi32>
        %scatter3A_702 = arith.constant 0 : i32
        %scatter3A_703 = arith.constant 0 : i32
        %scatter3A_704 = arith.constant 0 : i32
        %scatter3A_705 = tpu.memref_slice %arg7[%scatter3A_702, %scatter3A_703, %scatter3A_704] : memref<2x256x16xf32, #tpu.memory_space<vmem>> -> memref<1x256x16xf32, #tpu.memory_space<vmem>>
        %scatter3A_706 = tpu.memref_squeeze %scatter3A_705 : memref<1x256x16xf32, #tpu.memory_space<vmem>> -> memref<256x16xf32, #tpu.memory_space<vmem>>
        tpu.vector_store_idx %scatter3A_706[%add3A_485, %broadcast_in_dim3A_701], %get3A_699 : memref<256x16xf32, #tpu.memory_space<vmem>>[vector<16xi32>, vector<16xi32>], vector<16xf32>,
        %get3A_707 = arith.constant 0 : i32
        %get3A_708 = arith.constant 1 : i32
        %get3A_709 = arith.constant 0 : i32
        %get3A_710 = arith.constant 6 : i32
        %get3A_711 = arith.constant 0 : i32
        %get3A_712 = tpu.memref_slice %arg6[%get3A_707, %get3A_708, %get3A_709, %get3A_710, %get3A_711] : memref<2x2x2x8x128xf32, #tpu.memory_space<vmem>> -> memref<1x1x1x1x128xf32, #tpu.memory_space<vmem>>
        %get3A_713 = tpu.memref_squeeze %get3A_712 : memref<1x1x1x1x128xf32, #tpu.memory_space<vmem>> -> memref<128xf32, #tpu.memory_space<vmem>>
        %get3A_714 = arith.index_cast %mul3A_481 : i32 to index
        %get3A_715 = tpu.vector_load %get3A_713[%get3A_714] {strides = array<i32>} : memref<128xf32, #tpu.memory_space<vmem>>, vector<16xf32>,
        %broadcast_in_dim3A_716 = arith.constant 14 : i32
        %broadcast_in_dim3A_717 = vector.broadcast %broadcast_in_dim3A_716 : i32 to vector<16xi32>
        %scatter3A_718 = arith.constant 0 : i32
        %scatter3A_719 = arith.constant 0 : i32
        %scatter3A_720 = arith.constant 0 : i32
        %scatter3A_721 = tpu.memref_slice %arg7[%scatter3A_718, %scatter3A_719, %scatter3A_720] : memref<2x256x16xf32, #tpu.memory_space<vmem>> -> memref<1x256x16xf32, #tpu.memory_space<vmem>>
        %scatter3A_722 = tpu.memref_squeeze %scatter3A_721 : memref<1x256x16xf32, #tpu.memory_space<vmem>> -> memref<256x16xf32, #tpu.memory_space<vmem>>
        tpu.vector_store_idx %scatter3A_722[%add3A_485, %broadcast_in_dim3A_717], %get3A_715 : memref<256x16xf32, #tpu.memory_space<vmem>>[vector<16xi32>, vector<16xi32>], vector<16xf32>,
        %get3A_723 = arith.constant 0 : i32
        %get3A_724 = arith.constant 1 : i32
        %get3A_725 = arith.constant 0 : i32
        %get3A_726 = arith.constant 7 : i32
        %get3A_727 = arith.constant 0 : i32
        %get3A_728 = tpu.memref_slice %arg6[%get3A_723, %get3A_724, %get3A_725, %get3A_726, %get3A_727] : memref<2x2x2x8x128xf32, #tpu.memory_space<vmem>> -> memref<1x1x1x1x128xf32, #tpu.memory_space<vmem>>
        %get3A_729 = tpu.memref_squeeze %get3A_728 : memref<1x1x1x1x128xf32, #tpu.memory_space<vmem>> -> memref<128xf32, #tpu.memory_space<vmem>>
        %get3A_730 = arith.index_cast %mul3A_481 : i32 to index
        %get3A_731 = tpu.vector_load %get3A_729[%get3A_730] {strides = array<i32>} : memref<128xf32, #tpu.memory_space<vmem>>, vector<16xf32>,
        %broadcast_in_dim3A_732 = arith.constant 15 : i32
        %broadcast_in_dim3A_733 = vector.broadcast %broadcast_in_dim3A_732 : i32 to vector<16xi32>
        %scatter3A_734 = arith.constant 0 : i32
        %scatter3A_735 = arith.constant 0 : i32
        %scatter3A_736 = arith.constant 0 : i32
        %scatter3A_737 = tpu.memref_slice %arg7[%scatter3A_734, %scatter3A_735, %scatter3A_736] : memref<2x256x16xf32, #tpu.memory_space<vmem>> -> memref<1x256x16xf32, #tpu.memory_space<vmem>>
        %scatter3A_738 = tpu.memref_squeeze %scatter3A_737 : memref<1x256x16xf32, #tpu.memory_space<vmem>> -> memref<256x16xf32, #tpu.memory_space<vmem>>
        tpu.vector_store_idx %scatter3A_738[%add3A_485, %broadcast_in_dim3A_733], %get3A_731 : memref<256x16xf32, #tpu.memory_space<vmem>>[vector<16xi32>, vector<16xi32>], vector<16xf32>,
        %add3A_739 = arith.constant 128 : i32
        %add3A_740 = arith.addi %add3A_739, %mul3A_481 : i32
        %add3A_741 = vector.broadcast %add3A_740 : i32 to vector<16xi32>
        %add3A_742 = arith.addi %add3A_741, %iota3A : vector<16xi32>
        %get3A_743 = arith.constant 0 : i32
        %get3A_744 = arith.constant 0 : i32
        %get3A_745 = arith.constant 1 : i32
        %get3A_746 = arith.constant 0 : i32
        %get3A_747 = arith.constant 0 : i32
        %get3A_748 = tpu.memref_slice %arg6[%get3A_743, %get3A_744, %get3A_745, %get3A_746, %get3A_747] : memref<2x2x2x8x128xf32, #tpu.memory_space<vmem>> -> memref<1x1x1x1x128xf32, #tpu.memory_space<vmem>>
        %get3A_749 = tpu.memref_squeeze %get3A_748 : memref<1x1x1x1x128xf32, #tpu.memory_space<vmem>> -> memref<128xf32, #tpu.memory_space<vmem>>
        %get3A_750 = arith.index_cast %mul3A_481 : i32 to index
        %get3A_751 = tpu.vector_load %get3A_749[%get3A_750] {strides = array<i32>} : memref<128xf32, #tpu.memory_space<vmem>>, vector<16xf32>,
        %broadcast_in_dim3A_752 = arith.constant 0 : i32
        %broadcast_in_dim3A_753 = vector.broadcast %broadcast_in_dim3A_752 : i32 to vector<16xi32>
        %scatter3A_754 = arith.constant 0 : i32
        %scatter3A_755 = arith.constant 0 : i32
        %scatter3A_756 = arith.constant 0 : i32
        %scatter3A_757 = tpu.memref_slice %arg7[%scatter3A_754, %scatter3A_755, %scatter3A_756] : memref<2x256x16xf32, #tpu.memory_space<vmem>> -> memref<1x256x16xf32, #tpu.memory_space<vmem>>
        %scatter3A_758 = tpu.memref_squeeze %scatter3A_757 : memref<1x256x16xf32, #tpu.memory_space<vmem>> -> memref<256x16xf32, #tpu.memory_space<vmem>>
        tpu.vector_store_idx %scatter3A_758[%add3A_742, %broadcast_in_dim3A_753], %get3A_751 : memref<256x16xf32, #tpu.memory_space<vmem>>[vector<16xi32>, vector<16xi32>], vector<16xf32>,
        %get3A_759 = arith.constant 0 : i32
        %get3A_760 = arith.constant 0 : i32
        %get3A_761 = arith.constant 1 : i32
        %get3A_762 = arith.constant 1 : i32
        %get3A_763 = arith.constant 0 : i32
        %get3A_764 = tpu.memref_slice %arg6[%get3A_759, %get3A_760, %get3A_761, %get3A_762, %get3A_763] : memref<2x2x2x8x128xf32, #tpu.memory_space<vmem>> -> memref<1x1x1x1x128xf32, #tpu.memory_space<vmem>>
        %get3A_765 = tpu.memref_squeeze %get3A_764 : memref<1x1x1x1x128xf32, #tpu.memory_space<vmem>> -> memref<128xf32, #tpu.memory_space<vmem>>
        %get3A_766 = arith.index_cast %mul3A_481 : i32 to index
        %get3A_767 = tpu.vector_load %get3A_765[%get3A_766] {strides = array<i32>} : memref<128xf32, #tpu.memory_space<vmem>>, vector<16xf32>,
        %broadcast_in_dim3A_768 = arith.constant 1 : i32
        %broadcast_in_dim3A_769 = vector.broadcast %broadcast_in_dim3A_768 : i32 to vector<16xi32>
        %scatter3A_770 = arith.constant 0 : i32
        %scatter3A_771 = arith.constant 0 : i32
        %scatter3A_772 = arith.constant 0 : i32
        %scatter3A_773 = tpu.memref_slice %arg7[%scatter3A_770, %scatter3A_771, %scatter3A_772] : memref<2x256x16xf32, #tpu.memory_space<vmem>> -> memref<1x256x16xf32, #tpu.memory_space<vmem>>
        %scatter3A_774 = tpu.memref_squeeze %scatter3A_773 : memref<1x256x16xf32, #tpu.memory_space<vmem>> -> memref<256x16xf32, #tpu.memory_space<vmem>>
        tpu.vector_store_idx %scatter3A_774[%add3A_742, %broadcast_in_dim3A_769], %get3A_767 : memref<256x16xf32, #tpu.memory_space<vmem>>[vector<16xi32>, vector<16xi32>], vector<16xf32>,
        %get3A_775 = arith.constant 0 : i32
        %get3A_776 = arith.constant 0 : i32
        %get3A_777 = arith.constant 1 : i32
        %get3A_778 = arith.constant 2 : i32
        %get3A_779 = arith.constant 0 : i32
        %get3A_780 = tpu.memref_slice %arg6[%get3A_775, %get3A_776, %get3A_777, %get3A_778, %get3A_779] : memref<2x2x2x8x128xf32, #tpu.memory_space<vmem>> -> memref<1x1x1x1x128xf32, #tpu.memory_space<vmem>>
        %get3A_781 = tpu.memref_squeeze %get3A_780 : memref<1x1x1x1x128xf32, #tpu.memory_space<vmem>> -> memref<128xf32, #tpu.memory_space<vmem>>
        %get3A_782 = arith.index_cast %mul3A_481 : i32 to index
        %get3A_783 = tpu.vector_load %get3A_781[%get3A_782] {strides = array<i32>} : memref<128xf32, #tpu.memory_space<vmem>>, vector<16xf32>,
        %broadcast_in_dim3A_784 = arith.constant 2 : i32
        %broadcast_in_dim3A_785 = vector.broadcast %broadcast_in_dim3A_784 : i32 to vector<16xi32>
        %scatter3A_786 = arith.constant 0 : i32
        %scatter3A_787 = arith.constant 0 : i32
        %scatter3A_788 = arith.constant 0 : i32
        %scatter3A_789 = tpu.memref_slice %arg7[%scatter3A_786, %scatter3A_787, %scatter3A_788] : memref<2x256x16xf32, #tpu.memory_space<vmem>> -> memref<1x256x16xf32, #tpu.memory_space<vmem>>
        %scatter3A_790 = tpu.memref_squeeze %scatter3A_789 : memref<1x256x16xf32, #tpu.memory_space<vmem>> -> memref<256x16xf32, #tpu.memory_space<vmem>>
        tpu.vector_store_idx %scatter3A_790[%add3A_742, %broadcast_in_dim3A_785], %get3A_783 : memref<256x16xf32, #tpu.memory_space<vmem>>[vector<16xi32>, vector<16xi32>], vector<16xf32>,
        %get3A_791 = arith.constant 0 : i32
        %get3A_792 = arith.constant 0 : i32
        %get3A_793 = arith.constant 1 : i32
        %get3A_794 = arith.constant 3 : i32
        %get3A_795 = arith.constant 0 : i32
        %get3A_796 = tpu.memref_slice %arg6[%get3A_791, %get3A_792, %get3A_793, %get3A_794, %get3A_795] : memref<2x2x2x8x128xf32, #tpu.memory_space<vmem>> -> memref<1x1x1x1x128xf32, #tpu.memory_space<vmem>>
        %get3A_797 = tpu.memref_squeeze %get3A_796 : memref<1x1x1x1x128xf32, #tpu.memory_space<vmem>> -> memref<128xf32, #tpu.memory_space<vmem>>
        %get3A_798 = arith.index_cast %mul3A_481 : i32 to index
        %get3A_799 = tpu.vector_load %get3A_797[%get3A_798] {strides = array<i32>} : memref<128xf32, #tpu.memory_space<vmem>>, vector<16xf32>,
        %broadcast_in_dim3A_800 = arith.constant 3 : i32
        %broadcast_in_dim3A_801 = vector.broadcast %broadcast_in_dim3A_800 : i32 to vector<16xi32>
        %scatter3A_802 = arith.constant 0 : i32
        %scatter3A_803 = arith.constant 0 : i32
        %scatter3A_804 = arith.constant 0 : i32
        %scatter3A_805 = tpu.memref_slice %arg7[%scatter3A_802, %scatter3A_803, %scatter3A_804] : memref<2x256x16xf32, #tpu.memory_space<vmem>> -> memref<1x256x16xf32, #tpu.memory_space<vmem>>
        %scatter3A_806 = tpu.memref_squeeze %scatter3A_805 : memref<1x256x16xf32, #tpu.memory_space<vmem>> -> memref<256x16xf32, #tpu.memory_space<vmem>>
        tpu.vector_store_idx %scatter3A_806[%add3A_742, %broadcast_in_dim3A_801], %get3A_799 : memref<256x16xf32, #tpu.memory_space<vmem>>[vector<16xi32>, vector<16xi32>], vector<16xf32>,
        %get3A_807 = arith.constant 0 : i32
        %get3A_808 = arith.constant 0 : i32
        %get3A_809 = arith.constant 1 : i32
        %get3A_810 = arith.constant 4 : i32
        %get3A_811 = arith.constant 0 : i32
        %get3A_812 = tpu.memref_slice %arg6[%get3A_807, %get3A_808, %get3A_809, %get3A_810, %get3A_811] : memref<2x2x2x8x128xf32, #tpu.memory_space<vmem>> -> memref<1x1x1x1x128xf32, #tpu.memory_space<vmem>>
        %get3A_813 = tpu.memref_squeeze %get3A_812 : memref<1x1x1x1x128xf32, #tpu.memory_space<vmem>> -> memref<128xf32, #tpu.memory_space<vmem>>
        %get3A_814 = arith.index_cast %mul3A_481 : i32 to index
        %get3A_815 = tpu.vector_load %get3A_813[%get3A_814] {strides = array<i32>} : memref<128xf32, #tpu.memory_space<vmem>>, vector<16xf32>,
        %broadcast_in_dim3A_816 = arith.constant 4 : i32
        %broadcast_in_dim3A_817 = vector.broadcast %broadcast_in_dim3A_816 : i32 to vector<16xi32>
        %scatter3A_818 = arith.constant 0 : i32
        %scatter3A_819 = arith.constant 0 : i32
        %scatter3A_820 = arith.constant 0 : i32
        %scatter3A_821 = tpu.memref_slice %arg7[%scatter3A_818, %scatter3A_819, %scatter3A_820] : memref<2x256x16xf32, #tpu.memory_space<vmem>> -> memref<1x256x16xf32, #tpu.memory_space<vmem>>
        %scatter3A_822 = tpu.memref_squeeze %scatter3A_821 : memref<1x256x16xf32, #tpu.memory_space<vmem>> -> memref<256x16xf32, #tpu.memory_space<vmem>>
        tpu.vector_store_idx %scatter3A_822[%add3A_742, %broadcast_in_dim3A_817], %get3A_815 : memref<256x16xf32, #tpu.memory_space<vmem>>[vector<16xi32>, vector<16xi32>], vector<16xf32>,
        %get3A_823 = arith.constant 0 : i32
        %get3A_824 = arith.constant 0 : i32
        %get3A_825 = arith.constant 1 : i32
        %get3A_826 = arith.constant 5 : i32
        %get3A_827 = arith.constant 0 : i32
        %get3A_828 = tpu.memref_slice %arg6[%get3A_823, %get3A_824, %get3A_825, %get3A_826, %get3A_827] : memref<2x2x2x8x128xf32, #tpu.memory_space<vmem>> -> memref<1x1x1x1x128xf32, #tpu.memory_space<vmem>>
        %get3A_829 = tpu.memref_squeeze %get3A_828 : memref<1x1x1x1x128xf32, #tpu.memory_space<vmem>> -> memref<128xf32, #tpu.memory_space<vmem>>
        %get3A_830 = arith.index_cast %mul3A_481 : i32 to index
        %get3A_831 = tpu.vector_load %get3A_829[%get3A_830] {strides = array<i32>} : memref<128xf32, #tpu.memory_space<vmem>>, vector<16xf32>,
        %broadcast_in_dim3A_832 = arith.constant 5 : i32
        %broadcast_in_dim3A_833 = vector.broadcast %broadcast_in_dim3A_832 : i32 to vector<16xi32>
        %scatter3A_834 = arith.constant 0 : i32
        %scatter3A_835 = arith.constant 0 : i32
        %scatter3A_836 = arith.constant 0 : i32
        %scatter3A_837 = tpu.memref_slice %arg7[%scatter3A_834, %scatter3A_835, %scatter3A_836] : memref<2x256x16xf32, #tpu.memory_space<vmem>> -> memref<1x256x16xf32, #tpu.memory_space<vmem>>
        %scatter3A_838 = tpu.memref_squeeze %scatter3A_837 : memref<1x256x16xf32, #tpu.memory_space<vmem>> -> memref<256x16xf32, #tpu.memory_space<vmem>>
        tpu.vector_store_idx %scatter3A_838[%add3A_742, %broadcast_in_dim3A_833], %get3A_831 : memref<256x16xf32, #tpu.memory_space<vmem>>[vector<16xi32>, vector<16xi32>], vector<16xf32>,
        %get3A_839 = arith.constant 0 : i32
        %get3A_840 = arith.constant 0 : i32
        %get3A_841 = arith.constant 1 : i32
        %get3A_842 = arith.constant 6 : i32
        %get3A_843 = arith.constant 0 : i32
        %get3A_844 = tpu.memref_slice %arg6[%get3A_839, %get3A_840, %get3A_841, %get3A_842, %get3A_843] : memref<2x2x2x8x128xf32, #tpu.memory_space<vmem>> -> memref<1x1x1x1x128xf32, #tpu.memory_space<vmem>>
        %get3A_845 = tpu.memref_squeeze %get3A_844 : memref<1x1x1x1x128xf32, #tpu.memory_space<vmem>> -> memref<128xf32, #tpu.memory_space<vmem>>
        %get3A_846 = arith.index_cast %mul3A_481 : i32 to index
        %get3A_847 = tpu.vector_load %get3A_845[%get3A_846] {strides = array<i32>} : memref<128xf32, #tpu.memory_space<vmem>>, vector<16xf32>,
        %broadcast_in_dim3A_848 = arith.constant 6 : i32
        %broadcast_in_dim3A_849 = vector.broadcast %broadcast_in_dim3A_848 : i32 to vector<16xi32>
        %scatter3A_850 = arith.constant 0 : i32
        %scatter3A_851 = arith.constant 0 : i32
        %scatter3A_852 = arith.constant 0 : i32
        %scatter3A_853 = tpu.memref_slice %arg7[%scatter3A_850, %scatter3A_851, %scatter3A_852] : memref<2x256x16xf32, #tpu.memory_space<vmem>> -> memref<1x256x16xf32, #tpu.memory_space<vmem>>
        %scatter3A_854 = tpu.memref_squeeze %scatter3A_853 : memref<1x256x16xf32, #tpu.memory_space<vmem>> -> memref<256x16xf32, #tpu.memory_space<vmem>>
        tpu.vector_store_idx %scatter3A_854[%add3A_742, %broadcast_in_dim3A_849], %get3A_847 : memref<256x16xf32, #tpu.memory_space<vmem>>[vector<16xi32>, vector<16xi32>], vector<16xf32>,
        %get3A_855 = arith.constant 0 : i32
        %get3A_856 = arith.constant 0 : i32
        %get3A_857 = arith.constant 1 : i32
        %get3A_858 = arith.constant 7 : i32
        %get3A_859 = arith.constant 0 : i32
        %get3A_860 = tpu.memref_slice %arg6[%get3A_855, %get3A_856, %get3A_857, %get3A_858, %get3A_859] : memref<2x2x2x8x128xf32, #tpu.memory_space<vmem>> -> memref<1x1x1x1x128xf32, #tpu.memory_space<vmem>>
        %get3A_861 = tpu.memref_squeeze %get3A_860 : memref<1x1x1x1x128xf32, #tpu.memory_space<vmem>> -> memref<128xf32, #tpu.memory_space<vmem>>
        %get3A_862 = arith.index_cast %mul3A_481 : i32 to index
        %get3A_863 = tpu.vector_load %get3A_861[%get3A_862] {strides = array<i32>} : memref<128xf32, #tpu.memory_space<vmem>>, vector<16xf32>,
        %broadcast_in_dim3A_864 = arith.constant 7 : i32
        %broadcast_in_dim3A_865 = vector.broadcast %broadcast_in_dim3A_864 : i32 to vector<16xi32>
        %scatter3A_866 = arith.constant 0 : i32
        %scatter3A_867 = arith.constant 0 : i32
        %scatter3A_868 = arith.constant 0 : i32
        %scatter3A_869 = tpu.memref_slice %arg7[%scatter3A_866, %scatter3A_867, %scatter3A_868] : memref<2x256x16xf32, #tpu.memory_space<vmem>> -> memref<1x256x16xf32, #tpu.memory_space<vmem>>
        %scatter3A_870 = tpu.memref_squeeze %scatter3A_869 : memref<1x256x16xf32, #tpu.memory_space<vmem>> -> memref<256x16xf32, #tpu.memory_space<vmem>>
        tpu.vector_store_idx %scatter3A_870[%add3A_742, %broadcast_in_dim3A_865], %get3A_863 : memref<256x16xf32, #tpu.memory_space<vmem>>[vector<16xi32>, vector<16xi32>], vector<16xf32>,
        %get3A_871 = arith.constant 0 : i32
        %get3A_872 = arith.constant 1 : i32
        %get3A_873 = arith.constant 1 : i32
        %get3A_874 = arith.constant 0 : i32
        %get3A_875 = arith.constant 0 : i32
        %get3A_876 = tpu.memref_slice %arg6[%get3A_871, %get3A_872, %get3A_873, %get3A_874, %get3A_875] : memref<2x2x2x8x128xf32, #tpu.memory_space<vmem>> -> memref<1x1x1x1x128xf32, #tpu.memory_space<vmem>>
        %get3A_877 = tpu.memref_squeeze %get3A_876 : memref<1x1x1x1x128xf32, #tpu.memory_space<vmem>> -> memref<128xf32, #tpu.memory_space<vmem>>
        %get3A_878 = arith.index_cast %mul3A_481 : i32 to index
        %get3A_879 = tpu.vector_load %get3A_877[%get3A_878] {strides = array<i32>} : memref<128xf32, #tpu.memory_space<vmem>>, vector<16xf32>,
        %broadcast_in_dim3A_880 = arith.constant 8 : i32
        %broadcast_in_dim3A_881 = vector.broadcast %broadcast_in_dim3A_880 : i32 to vector<16xi32>
        %scatter3A_882 = arith.constant 0 : i32
        %scatter3A_883 = arith.constant 0 : i32
        %scatter3A_884 = arith.constant 0 : i32
        %scatter3A_885 = tpu.memref_slice %arg7[%scatter3A_882, %scatter3A_883, %scatter3A_884] : memref<2x256x16xf32, #tpu.memory_space<vmem>> -> memref<1x256x16xf32, #tpu.memory_space<vmem>>
        %scatter3A_886 = tpu.memref_squeeze %scatter3A_885 : memref<1x256x16xf32, #tpu.memory_space<vmem>> -> memref<256x16xf32, #tpu.memory_space<vmem>>
        tpu.vector_store_idx %scatter3A_886[%add3A_742, %broadcast_in_dim3A_881], %get3A_879 : memref<256x16xf32, #tpu.memory_space<vmem>>[vector<16xi32>, vector<16xi32>], vector<16xf32>,
        %get3A_887 = arith.constant 0 : i32
        %get3A_888 = arith.constant 1 : i32
        %get3A_889 = arith.constant 1 : i32
        %get3A_890 = arith.constant 1 : i32
        %get3A_891 = arith.constant 0 : i32
        %get3A_892 = tpu.memref_slice %arg6[%get3A_887, %get3A_888, %get3A_889, %get3A_890, %get3A_891] : memref<2x2x2x8x128xf32, #tpu.memory_space<vmem>> -> memref<1x1x1x1x128xf32, #tpu.memory_space<vmem>>
        %get3A_893 = tpu.memref_squeeze %get3A_892 : memref<1x1x1x1x128xf32, #tpu.memory_space<vmem>> -> memref<128xf32, #tpu.memory_space<vmem>>
        %get3A_894 = arith.index_cast %mul3A_481 : i32 to index
        %get3A_895 = tpu.vector_load %get3A_893[%get3A_894] {strides = array<i32>} : memref<128xf32, #tpu.memory_space<vmem>>, vector<16xf32>,
        %broadcast_in_dim3A_896 = arith.constant 9 : i32
        %broadcast_in_dim3A_897 = vector.broadcast %broadcast_in_dim3A_896 : i32 to vector<16xi32>
        %scatter3A_898 = arith.constant 0 : i32
        %scatter3A_899 = arith.constant 0 : i32
        %scatter3A_900 = arith.constant 0 : i32
        %scatter3A_901 = tpu.memref_slice %arg7[%scatter3A_898, %scatter3A_899, %scatter3A_900] : memref<2x256x16xf32, #tpu.memory_space<vmem>> -> memref<1x256x16xf32, #tpu.memory_space<vmem>>
        %scatter3A_902 = tpu.memref_squeeze %scatter3A_901 : memref<1x256x16xf32, #tpu.memory_space<vmem>> -> memref<256x16xf32, #tpu.memory_space<vmem>>
        tpu.vector_store_idx %scatter3A_902[%add3A_742, %broadcast_in_dim3A_897], %get3A_895 : memref<256x16xf32, #tpu.memory_space<vmem>>[vector<16xi32>, vector<16xi32>], vector<16xf32>,
        %get3A_903 = arith.constant 0 : i32
        %get3A_904 = arith.constant 1 : i32
        %get3A_905 = arith.constant 1 : i32
        %get3A_906 = arith.constant 2 : i32
        %get3A_907 = arith.constant 0 : i32
        %get3A_908 = tpu.memref_slice %arg6[%get3A_903, %get3A_904, %get3A_905, %get3A_906, %get3A_907] : memref<2x2x2x8x128xf32, #tpu.memory_space<vmem>> -> memref<1x1x1x1x128xf32, #tpu.memory_space<vmem>>
        %get3A_909 = tpu.memref_squeeze %get3A_908 : memref<1x1x1x1x128xf32, #tpu.memory_space<vmem>> -> memref<128xf32, #tpu.memory_space<vmem>>
        %get3A_910 = arith.index_cast %mul3A_481 : i32 to index
        %get3A_911 = tpu.vector_load %get3A_909[%get3A_910] {strides = array<i32>} : memref<128xf32, #tpu.memory_space<vmem>>, vector<16xf32>,
        %broadcast_in_dim3A_912 = arith.constant 10 : i32
        %broadcast_in_dim3A_913 = vector.broadcast %broadcast_in_dim3A_912 : i32 to vector<16xi32>
        %scatter3A_914 = arith.constant 0 : i32
        %scatter3A_915 = arith.constant 0 : i32
        %scatter3A_916 = arith.constant 0 : i32
        %scatter3A_917 = tpu.memref_slice %arg7[%scatter3A_914, %scatter3A_915, %scatter3A_916] : memref<2x256x16xf32, #tpu.memory_space<vmem>> -> memref<1x256x16xf32, #tpu.memory_space<vmem>>
        %scatter3A_918 = tpu.memref_squeeze %scatter3A_917 : memref<1x256x16xf32, #tpu.memory_space<vmem>> -> memref<256x16xf32, #tpu.memory_space<vmem>>
        tpu.vector_store_idx %scatter3A_918[%add3A_742, %broadcast_in_dim3A_913], %get3A_911 : memref<256x16xf32, #tpu.memory_space<vmem>>[vector<16xi32>, vector<16xi32>], vector<16xf32>,
        %get3A_919 = arith.constant 0 : i32
        %get3A_920 = arith.constant 1 : i32
        %get3A_921 = arith.constant 1 : i32
        %get3A_922 = arith.constant 3 : i32
        %get3A_923 = arith.constant 0 : i32
        %get3A_924 = tpu.memref_slice %arg6[%get3A_919, %get3A_920, %get3A_921, %get3A_922, %get3A_923] : memref<2x2x2x8x128xf32, #tpu.memory_space<vmem>> -> memref<1x1x1x1x128xf32, #tpu.memory_space<vmem>>
        %get3A_925 = tpu.memref_squeeze %get3A_924 : memref<1x1x1x1x128xf32, #tpu.memory_space<vmem>> -> memref<128xf32, #tpu.memory_space<vmem>>
        %get3A_926 = arith.index_cast %mul3A_481 : i32 to index
        %get3A_927 = tpu.vector_load %get3A_925[%get3A_926] {strides = array<i32>} : memref<128xf32, #tpu.memory_space<vmem>>, vector<16xf32>,
        %broadcast_in_dim3A_928 = arith.constant 11 : i32
        %broadcast_in_dim3A_929 = vector.broadcast %broadcast_in_dim3A_928 : i32 to vector<16xi32>
        %scatter3A_930 = arith.constant 0 : i32
        %scatter3A_931 = arith.constant 0 : i32
        %scatter3A_932 = arith.constant 0 : i32
        %scatter3A_933 = tpu.memref_slice %arg7[%scatter3A_930, %scatter3A_931, %scatter3A_932] : memref<2x256x16xf32, #tpu.memory_space<vmem>> -> memref<1x256x16xf32, #tpu.memory_space<vmem>>
        %scatter3A_934 = tpu.memref_squeeze %scatter3A_933 : memref<1x256x16xf32, #tpu.memory_space<vmem>> -> memref<256x16xf32, #tpu.memory_space<vmem>>
        tpu.vector_store_idx %scatter3A_934[%add3A_742, %broadcast_in_dim3A_929], %get3A_927 : memref<256x16xf32, #tpu.memory_space<vmem>>[vector<16xi32>, vector<16xi32>], vector<16xf32>,
        %get3A_935 = arith.constant 0 : i32
        %get3A_936 = arith.constant 1 : i32
        %get3A_937 = arith.constant 1 : i32
        %get3A_938 = arith.constant 4 : i32
        %get3A_939 = arith.constant 0 : i32
        %get3A_940 = tpu.memref_slice %arg6[%get3A_935, %get3A_936, %get3A_937, %get3A_938, %get3A_939] : memref<2x2x2x8x128xf32, #tpu.memory_space<vmem>> -> memref<1x1x1x1x128xf32, #tpu.memory_space<vmem>>
        %get3A_941 = tpu.memref_squeeze %get3A_940 : memref<1x1x1x1x128xf32, #tpu.memory_space<vmem>> -> memref<128xf32, #tpu.memory_space<vmem>>
        %get3A_942 = arith.index_cast %mul3A_481 : i32 to index
        %get3A_943 = tpu.vector_load %get3A_941[%get3A_942] {strides = array<i32>} : memref<128xf32, #tpu.memory_space<vmem>>, vector<16xf32>,
        %broadcast_in_dim3A_944 = arith.constant 12 : i32
        %broadcast_in_dim3A_945 = vector.broadcast %broadcast_in_dim3A_944 : i32 to vector<16xi32>
        %scatter3A_946 = arith.constant 0 : i32
        %scatter3A_947 = arith.constant 0 : i32
        %scatter3A_948 = arith.constant 0 : i32
        %scatter3A_949 = tpu.memref_slice %arg7[%scatter3A_946, %scatter3A_947, %scatter3A_948] : memref<2x256x16xf32, #tpu.memory_space<vmem>> -> memref<1x256x16xf32, #tpu.memory_space<vmem>>
        %scatter3A_950 = tpu.memref_squeeze %scatter3A_949 : memref<1x256x16xf32, #tpu.memory_space<vmem>> -> memref<256x16xf32, #tpu.memory_space<vmem>>
        tpu.vector_store_idx %scatter3A_950[%add3A_742, %broadcast_in_dim3A_945], %get3A_943 : memref<256x16xf32, #tpu.memory_space<vmem>>[vector<16xi32>, vector<16xi32>], vector<16xf32>,
        %get3A_951 = arith.constant 0 : i32
        %get3A_952 = arith.constant 1 : i32
        %get3A_953 = arith.constant 1 : i32
        %get3A_954 = arith.constant 5 : i32
        %get3A_955 = arith.constant 0 : i32
        %get3A_956 = tpu.memref_slice %arg6[%get3A_951, %get3A_952, %get3A_953, %get3A_954, %get3A_955] : memref<2x2x2x8x128xf32, #tpu.memory_space<vmem>> -> memref<1x1x1x1x128xf32, #tpu.memory_space<vmem>>
        %get3A_957 = tpu.memref_squeeze %get3A_956 : memref<1x1x1x1x128xf32, #tpu.memory_space<vmem>> -> memref<128xf32, #tpu.memory_space<vmem>>
        %get3A_958 = arith.index_cast %mul3A_481 : i32 to index
        %get3A_959 = tpu.vector_load %get3A_957[%get3A_958] {strides = array<i32>} : memref<128xf32, #tpu.memory_space<vmem>>, vector<16xf32>,
        %broadcast_in_dim3A_960 = arith.constant 13 : i32
        %broadcast_in_dim3A_961 = vector.broadcast %broadcast_in_dim3A_960 : i32 to vector<16xi32>
        %scatter3A_962 = arith.constant 0 : i32
        %scatter3A_963 = arith.constant 0 : i32
        %scatter3A_964 = arith.constant 0 : i32
        %scatter3A_965 = tpu.memref_slice %arg7[%scatter3A_962, %scatter3A_963, %scatter3A_964] : memref<2x256x16xf32, #tpu.memory_space<vmem>> -> memref<1x256x16xf32, #tpu.memory_space<vmem>>
        %scatter3A_966 = tpu.memref_squeeze %scatter3A_965 : memref<1x256x16xf32, #tpu.memory_space<vmem>> -> memref<256x16xf32, #tpu.memory_space<vmem>>
        tpu.vector_store_idx %scatter3A_966[%add3A_742, %broadcast_in_dim3A_961], %get3A_959 : memref<256x16xf32, #tpu.memory_space<vmem>>[vector<16xi32>, vector<16xi32>], vector<16xf32>,
        %get3A_967 = arith.constant 0 : i32
        %get3A_968 = arith.constant 1 : i32
        %get3A_969 = arith.constant 1 : i32
        %get3A_970 = arith.constant 6 : i32
        %get3A_971 = arith.constant 0 : i32
        %get3A_972 = tpu.memref_slice %arg6[%get3A_967, %get3A_968, %get3A_969, %get3A_970, %get3A_971] : memref<2x2x2x8x128xf32, #tpu.memory_space<vmem>> -> memref<1x1x1x1x128xf32, #tpu.memory_space<vmem>>
        %get3A_973 = tpu.memref_squeeze %get3A_972 : memref<1x1x1x1x128xf32, #tpu.memory_space<vmem>> -> memref<128xf32, #tpu.memory_space<vmem>>
        %get3A_974 = arith.index_cast %mul3A_481 : i32 to index
        %get3A_975 = tpu.vector_load %get3A_973[%get3A_974] {strides = array<i32>} : memref<128xf32, #tpu.memory_space<vmem>>, vector<16xf32>,
        %broadcast_in_dim3A_976 = arith.constant 14 : i32
        %broadcast_in_dim3A_977 = vector.broadcast %broadcast_in_dim3A_976 : i32 to vector<16xi32>
        %scatter3A_978 = arith.constant 0 : i32
        %scatter3A_979 = arith.constant 0 : i32
        %scatter3A_980 = arith.constant 0 : i32
        %scatter3A_981 = tpu.memref_slice %arg7[%scatter3A_978, %scatter3A_979, %scatter3A_980] : memref<2x256x16xf32, #tpu.memory_space<vmem>> -> memref<1x256x16xf32, #tpu.memory_space<vmem>>
        %scatter3A_982 = tpu.memref_squeeze %scatter3A_981 : memref<1x256x16xf32, #tpu.memory_space<vmem>> -> memref<256x16xf32, #tpu.memory_space<vmem>>
        tpu.vector_store_idx %scatter3A_982[%add3A_742, %broadcast_in_dim3A_977], %get3A_975 : memref<256x16xf32, #tpu.memory_space<vmem>>[vector<16xi32>, vector<16xi32>], vector<16xf32>,
        %get3A_983 = arith.constant 0 : i32
        %get3A_984 = arith.constant 1 : i32
        %get3A_985 = arith.constant 1 : i32
        %get3A_986 = arith.constant 7 : i32
        %get3A_987 = arith.constant 0 : i32
        %get3A_988 = tpu.memref_slice %arg6[%get3A_983, %get3A_984, %get3A_985, %get3A_986, %get3A_987] : memref<2x2x2x8x128xf32, #tpu.memory_space<vmem>> -> memref<1x1x1x1x128xf32, #tpu.memory_space<vmem>>
        %get3A_989 = tpu.memref_squeeze %get3A_988 : memref<1x1x1x1x128xf32, #tpu.memory_space<vmem>> -> memref<128xf32, #tpu.memory_space<vmem>>
        %get3A_990 = arith.index_cast %mul3A_481 : i32 to index
        %get3A_991 = tpu.vector_load %get3A_989[%get3A_990] {strides = array<i32>} : memref<128xf32, #tpu.memory_space<vmem>>, vector<16xf32>,
        %broadcast_in_dim3A_992 = arith.constant 15 : i32
        %broadcast_in_dim3A_993 = vector.broadcast %broadcast_in_dim3A_992 : i32 to vector<16xi32>
        %scatter3A_994 = arith.constant 0 : i32
        %scatter3A_995 = arith.constant 0 : i32
        %scatter3A_996 = arith.constant 0 : i32
        %scatter3A_997 = tpu.memref_slice %arg7[%scatter3A_994, %scatter3A_995, %scatter3A_996] : memref<2x256x16xf32, #tpu.memory_space<vmem>> -> memref<1x256x16xf32, #tpu.memory_space<vmem>>
        %scatter3A_998 = tpu.memref_squeeze %scatter3A_997 : memref<1x256x16xf32, #tpu.memory_space<vmem>> -> memref<256x16xf32, #tpu.memory_space<vmem>>
        tpu.vector_store_idx %scatter3A_998[%add3A_742, %broadcast_in_dim3A_993], %get3A_991 : memref<256x16xf32, #tpu.memory_space<vmem>>[vector<16xi32>, vector<16xi32>], vector<16xf32>,
      }
      %scan3A_323 = arith.constant 8 : i32
      %jit3A_324 = arith.constant 4 : i32
      %eq3A_325 = arith.constant 0 : i32
      %eq3A_326 = arith.cmpi eq, %jit3A_324, %eq3A_325 : i32
      %jit3A_327 = arith.constant 1 : i32
      %select_n3A_328 = arith.select %eq3A_326, %jit3A_327, %jit3A_324 : i32
      %rem3A_329 = arith.remsi %add3A_248, %select_n3A_328 : i32
      %ne3A_330 = arith.constant 0 : i32
      %ne3A_331 = arith.cmpi ne, %rem3A_329, %ne3A_330 : i32
      %lt3A_332 = arith.constant 0 : i32
      %lt3A_333 = arith.cmpi slt, %rem3A_329, %lt3A_332 : i32
      %lt3A_334 = arith.constant 0 : i32
      %lt3A_335 = arith.cmpi slt, %select_n3A_328, %lt3A_334 : i32
      %ne3A_336 = arith.xori %lt3A_333, %lt3A_335 : i1
      %and3A_337 = arith.andi %ne3A_336, %ne3A_331 : i1
      %add3A_338 = arith.addi %rem3A_329, %select_n3A_328 : i32
      %select_n3A_339 = arith.select %and3A_337, %add3A_338, %rem3A_329 : i32
      %dma_start3A_340 = arith.constant 0 : i32
      %dma_start3A_341 = arith.constant 0 : i32
      %dma_start3A_342 = arith.constant 0 : i32
      %dma_start3A_343 = tpu.memref_slice %arg7[%dma_start3A_340, %dma_start3A_341, %dma_start3A_342] : memref<2x256x16xf32, #tpu.memory_space<vmem>> -> memref<1x256x16xf32, #tpu.memory_space<vmem>>
      %dma_start3A_344 = tpu.memref_squeeze %dma_start3A_343 : memref<1x256x16xf32, #tpu.memory_space<vmem>> -> memref<256x16xf32, #tpu.memory_space<vmem>>
      %dma_start3A_345 = arith.constant 0 : i32
      %dma_start3A_346 = tpu.memref_slice %arg8[%select_n3A_339, %dma_start3A_345] : memref<4x256xi32, #tpu.memory_space<vmem>> -> memref<1x256xi32, #tpu.memory_space<vmem>>
      %dma_start3A_347 = tpu.memref_squeeze %dma_start3A_346 : memref<1x256xi32, #tpu.memory_space<vmem>> -> memref<256xi32, #tpu.memory_space<vmem>>
      %dma_start3A_348 = arith.constant 0 : i32
      %dma_start3A_349 = arith.constant 0 : i32
      %dma_start3A_350 = tpu.memref_slice %arg9[%dma_start3A_348, %dma_start3A_349] : memref<100096x16xf32, #tpu.memory_space<vmem_shared>> -> memref<100096x16xf32, #tpu.memory_space<vmem_shared>>
      tpu.enqueue_indirect_dma source(%dma_start3A_344 : memref<256x16xf32, #tpu.memory_space<vmem>>) target(%dma_start3A_350 : memref<100096x16xf32, #tpu.memory_space<vmem_shared>>) offsets(%dma_start3A_347 : memref<256xi32, #tpu.memory_space<vmem>>) semaphore(%arg12 : memref<!tpu.dma_semaphore, #tpu.memory_space<semaphore_mem>>) {add = true}
      %add3A_351 = arith.constant 2 : i32
      %add3A_352 = arith.addi %add3A_248, %add3A_351 : i32
      %lt3A_353 = arith.cmpi slt, %add3A_352, %sub3A_53 : i32
      %convert_element_type3A_354 = arith.extui %lt3A_353 : i1 to i32
      %cond3A_355 = arith.constant 0 : i32
      %cond3A_356 = arith.cmpi ne, %convert_element_type3A_354, %cond3A_355 : i32
      scf.if %cond3A_356 {
        %add3A_475 = arith.constant 2 : i32
        %add3A_476 = arith.addi %add3A_248, %add3A_475 : i32
        %add3A_477 = arith.addi %mul3A_22, %add3A_476 : i32
        %mul3A_478 = arith.constant 2 : i32
        %mul3A_479 = arith.muli %add3A_477, %mul3A_478 : i32
        %dma_start3A_480 = arith.constant 0 : i32
        %dma_start3A_481 = arith.constant 0 : i32
        %dma_start3A_482 = arith.constant 0 : i32
        %dma_start3A_483 = arith.constant 0 : i32
        %dma_start3A_484 = arith.constant 0 : i32
        %dma_start3A_485 = arith.constant 0 : i32
        %dma_start3A_486 = tpu.memref_slice %arg6[%dma_start3A_481, %dma_start3A_482, %dma_start3A_483, %dma_start3A_484, %dma_start3A_485] : memref<2x2x2x8x128xf32, #tpu.memory_space<vmem>> -> memref<1x1x2x8x128xf32, #tpu.memory_space<vmem>>
        %dma_start3A_487 = tpu.memref_squeeze %dma_start3A_486 : memref<1x1x2x8x128xf32, #tpu.memory_space<vmem>> -> memref<2x8x128xf32, #tpu.memory_space<vmem>>
        %dma_start3A_488 = arith.constant 0 : i32
        %dma_start3A_489 = arith.constant 0 : i32
        %dma_start3A_490 = tpu.memref_slice %arg2[%dma_start3A_480, %mul3A_479, %dma_start3A_488, %dma_start3A_489] : memref<2x25000x8x128xf32, #tpu.memory_space<hbm>> -> memref<1x2x8x128xf32, #tpu.memory_space<hbm>>
        %dma_start3A_491 = tpu.memref_squeeze %dma_start3A_490 : memref<1x2x8x128xf32, #tpu.memory_space<hbm>> -> memref<2x8x128xf32, #tpu.memory_space<hbm>>
        %dma_start3A_492 = arith.constant 0 : i32
        %dma_start3A_493 = arith.constant 0 : i32
        %dma_start3A_494 = arith.constant 0 : i32
        %dma_start3A_495 = tpu.memref_slice %arg6[%dma_start3A_481, %dma_start3A_482, %dma_start3A_492, %dma_start3A_493, %dma_start3A_494] : memref<2x2x2x8x128xf32, #tpu.memory_space<vmem>> -> memref<1x1x2x8x128xf32, #tpu.memory_space<vmem>>
        %dma_start3A_496 = tpu.memref_squeeze %dma_start3A_495 : memref<1x1x2x8x128xf32, #tpu.memory_space<vmem>> -> memref<2x8x128xf32, #tpu.memory_space<vmem>>
        %dma_start3A_497 = arith.constant 0 : i32
        %dma_start3A_498 = arith.constant 0 : i32
        %dma_start3A_499 = tpu.memref_slice %arg2[%dma_start3A_480, %mul3A_479, %dma_start3A_497, %dma_start3A_498] : memref<2x25000x8x128xf32, #tpu.memory_space<hbm>> -> memref<1x2x8x128xf32, #tpu.memory_space<hbm>>
        %dma_start3A_500 = tpu.memref_squeeze %dma_start3A_499 : memref<1x2x8x128xf32, #tpu.memory_space<hbm>> -> memref<2x8x128xf32, #tpu.memory_space<hbm>>
        tpu.enqueue_dma source(%dma_start3A_500 : memref<2x8x128xf32, #tpu.memory_space<hbm>>) target(%dma_start3A_496 : memref<2x8x128xf32, #tpu.memory_space<vmem>>) target_semaphore(%arg10 : memref<!tpu.dma_semaphore, #tpu.memory_space<semaphore_mem>>)
        %dma_start3A_501 = arith.constant 1 : i32
        %dma_start3A_502 = arith.constant 0 : i32
        %dma_start3A_503 = arith.constant 1 : i32
        %dma_start3A_504 = arith.constant 0 : i32
        %dma_start3A_505 = arith.constant 0 : i32
        %dma_start3A_506 = arith.constant 0 : i32
        %dma_start3A_507 = tpu.memref_slice %arg6[%dma_start3A_502, %dma_start3A_503, %dma_start3A_504, %dma_start3A_505, %dma_start3A_506] : memref<2x2x2x8x128xf32, #tpu.memory_space<vmem>> -> memref<1x1x2x8x128xf32, #tpu.memory_space<vmem>>
        %dma_start3A_508 = tpu.memref_squeeze %dma_start3A_507 : memref<1x1x2x8x128xf32, #tpu.memory_space<vmem>> -> memref<2x8x128xf32, #tpu.memory_space<vmem>>
        %dma_start3A_509 = arith.constant 0 : i32
        %dma_start3A_510 = arith.constant 0 : i32
        %dma_start3A_511 = tpu.memref_slice %arg2[%dma_start3A_501, %mul3A_479, %dma_start3A_509, %dma_start3A_510] : memref<2x25000x8x128xf32, #tpu.memory_space<hbm>> -> memref<1x2x8x128xf32, #tpu.memory_space<hbm>>
        %dma_start3A_512 = tpu.memref_squeeze %dma_start3A_511 : memref<1x2x8x128xf32, #tpu.memory_space<hbm>> -> memref<2x8x128xf32, #tpu.memory_space<hbm>>
        %dma_start3A_513 = arith.constant 0 : i32
        %dma_start3A_514 = arith.constant 0 : i32
        %dma_start3A_515 = arith.constant 0 : i32
        %dma_start3A_516 = tpu.memref_slice %arg6[%dma_start3A_502, %dma_start3A_503, %dma_start3A_513, %dma_start3A_514, %dma_start3A_515] : memref<2x2x2x8x128xf32, #tpu.memory_space<vmem>> -> memref<1x1x2x8x128xf32, #tpu.memory_space<vmem>>
        %dma_start3A_517 = tpu.memref_squeeze %dma_start3A_516 : memref<1x1x2x8x128xf32, #tpu.memory_space<vmem>> -> memref<2x8x128xf32, #tpu.memory_space<vmem>>
        %dma_start3A_518 = arith.constant 0 : i32
        %dma_start3A_519 = arith.constant 0 : i32
        %dma_start3A_520 = tpu.memref_slice %arg2[%dma_start3A_501, %mul3A_479, %dma_start3A_518, %dma_start3A_519] : memref<2x25000x8x128xf32, #tpu.memory_space<hbm>> -> memref<1x2x8x128xf32, #tpu.memory_space<hbm>>
        %dma_start3A_521 = tpu.memref_squeeze %dma_start3A_520 : memref<1x2x8x128xf32, #tpu.memory_space<hbm>> -> memref<2x8x128xf32, #tpu.memory_space<hbm>>
        tpu.enqueue_dma source(%dma_start3A_521 : memref<2x8x128xf32, #tpu.memory_space<hbm>>) target(%dma_start3A_517 : memref<2x8x128xf32, #tpu.memory_space<vmem>>) target_semaphore(%arg10 : memref<!tpu.dma_semaphore, #tpu.memory_space<semaphore_mem>>)
        %mul3A_522 = arith.constant 128 : i32
        %mul3A_523 = arith.muli %mul3A_479, %mul3A_522 : i32
        %jit3A_524 = arith.constant 4 : i32
        %eq3A_525 = arith.constant 0 : i32
        %eq3A_526 = arith.cmpi eq, %jit3A_524, %eq3A_525 : i32
        %jit3A_527 = arith.constant 1 : i32
        %select_n3A_528 = arith.select %eq3A_526, %jit3A_527, %jit3A_524 : i32
        %rem3A_529 = arith.remsi %add3A_476, %select_n3A_528 : i32
        %ne3A_530 = arith.constant 0 : i32
        %ne3A_531 = arith.cmpi ne, %rem3A_529, %ne3A_530 : i32
        %lt3A_532 = arith.constant 0 : i32
        %lt3A_533 = arith.cmpi slt, %rem3A_529, %lt3A_532 : i32
        %lt3A_534 = arith.constant 0 : i32
        %lt3A_535 = arith.cmpi slt, %select_n3A_528, %lt3A_534 : i32
        %ne3A_536 = arith.xori %lt3A_533, %lt3A_535 : i1
        %and3A_537 = arith.andi %ne3A_536, %ne3A_531 : i1
        %add3A_538 = arith.addi %rem3A_529, %select_n3A_528 : i32
        %select_n3A_539 = arith.select %and3A_537, %add3A_538, %rem3A_529 : i32
        %dma_start3A_540 = arith.constant 0 : i32
        %dma_start3A_541 = tpu.memref_slice %arg8[%select_n3A_539, %dma_start3A_540] : memref<4x256xi32, #tpu.memory_space<vmem>> -> memref<1x256xi32, #tpu.memory_space<vmem>>
        %dma_start3A_542 = tpu.memref_squeeze %dma_start3A_541 : memref<1x256xi32, #tpu.memory_space<vmem>> -> memref<256xi32, #tpu.memory_space<vmem>>
        %dma_start3A_543 = tpu.memref_slice %arg3[%mul3A_523] : memref<3200000xi32, #tpu.memory_space<hbm>> -> memref<256xi32, #tpu.memory_space<hbm>>
        %dma_start3A_544 = arith.constant 0 : i32
        %dma_start3A_545 = tpu.memref_slice %arg8[%select_n3A_539, %dma_start3A_544] : memref<4x256xi32, #tpu.memory_space<vmem>> -> memref<1x256xi32, #tpu.memory_space<vmem>>
        %dma_start3A_546 = tpu.memref_squeeze %dma_start3A_545 : memref<1x256xi32, #tpu.memory_space<vmem>> -> memref<256xi32, #tpu.memory_space<vmem>>
        %dma_start3A_547 = tpu.memref_slice %arg3[%mul3A_523] : memref<3200000xi32, #tpu.memory_space<hbm>> -> memref<256xi32, #tpu.memory_space<hbm>>
        tpu.enqueue_dma source(%dma_start3A_547 : memref<256xi32, #tpu.memory_space<hbm>>) target(%dma_start3A_546 : memref<256xi32, #tpu.memory_space<vmem>>) target_semaphore(%arg10 : memref<!tpu.dma_semaphore, #tpu.memory_space<semaphore_mem>>)
      } else {
      }
      %mul3A_357 = arith.constant 2 : i32
      %mul3A_358 = arith.muli %mul3A_357, %add3A_244 : i32
      %add3A_359 = arith.constant 1 : i32
      %add3A_360 = arith.addi %mul3A_358, %add3A_359 : i32
      %add3A_361 = arith.addi %mul3A_22, %add3A_360 : i32
      %mul3A_362 = arith.constant 2 : i32
      %mul3A_363 = arith.muli %add3A_361, %mul3A_362 : i32
      %dma_wait3A_364 = arith.constant 0 : i32
      %dma_wait3A_365 = arith.constant 1 : i32
      %dma_wait3A_366 = arith.constant 0 : i32
      %dma_wait3A_367 = arith.constant 0 : i32
      %dma_wait3A_368 = arith.constant 0 : i32
      %dma_wait3A_369 = arith.constant 0 : i32
      %dma_wait3A_370 = tpu.memref_slice %arg6[%dma_wait3A_365, %dma_wait3A_366, %dma_wait3A_367, %dma_wait3A_368, %dma_wait3A_369] : memref<2x2x2x8x128xf32, #tpu.memory_space<vmem>> -> memref<1x1x2x8x128xf32, #tpu.memory_space<vmem>>
      %dma_wait3A_371 = tpu.memref_squeeze %dma_wait3A_370 : memref<1x1x2x8x128xf32, #tpu.memory_space<vmem>> -> memref<2x8x128xf32, #tpu.memory_space<vmem>>
      %dma_wait3A_372 = arith.constant 0 : i32
      %dma_wait3A_373 = arith.constant 0 : i32
      %dma_wait3A_374 = tpu.memref_slice %arg2[%dma_wait3A_364, %mul3A_363, %dma_wait3A_372, %dma_wait3A_373] : memref<2x25000x8x128xf32, #tpu.memory_space<hbm>> -> memref<1x2x8x128xf32, #tpu.memory_space<hbm>>
      %dma_wait3A_375 = tpu.memref_squeeze %dma_wait3A_374 : memref<1x2x8x128xf32, #tpu.memory_space<hbm>> -> memref<2x8x128xf32, #tpu.memory_space<hbm>>
      %dma_wait3A_376 = arith.constant 0 : i32
      %dma_wait3A_377 = arith.constant 0 : i32
      %dma_wait3A_378 = arith.constant 0 : i32
      %dma_wait3A_379 = tpu.memref_slice %arg6[%dma_wait3A_365, %dma_wait3A_366, %dma_wait3A_376, %dma_wait3A_377, %dma_wait3A_378] : memref<2x2x2x8x128xf32, #tpu.memory_space<vmem>> -> memref<1x1x2x8x128xf32, #tpu.memory_space<vmem>>
      %dma_wait3A_380 = tpu.memref_squeeze %dma_wait3A_379 : memref<1x1x2x8x128xf32, #tpu.memory_space<vmem>> -> memref<2x8x128xf32, #tpu.memory_space<vmem>>
      %dma_wait3A_381 = arith.constant 0 : i32
      %dma_wait3A_382 = arith.constant 0 : i32
      %dma_wait3A_383 = tpu.memref_slice %arg2[%dma_wait3A_364, %mul3A_363, %dma_wait3A_381, %dma_wait3A_382] : memref<2x25000x8x128xf32, #tpu.memory_space<hbm>> -> memref<1x2x8x128xf32, #tpu.memory_space<hbm>>
      %dma_wait3A_384 = tpu.memref_squeeze %dma_wait3A_383 : memref<1x2x8x128xf32, #tpu.memory_space<hbm>> -> memref<2x8x128xf32, #tpu.memory_space<hbm>>
      tpu.wait_dma2 semaphore(%arg11 : memref<!tpu.dma_semaphore, #tpu.memory_space<semaphore_mem>>) src(%dma_wait3A_384 : memref<2x8x128xf32, #tpu.memory_space<hbm>>) dst(%dma_wait3A_380 : memref<2x8x128xf32, #tpu.memory_space<vmem>>)
      %dma_wait3A_385 = arith.constant 1 : i32
      %dma_wait3A_386 = arith.constant 1 : i32
      %dma_wait3A_387 = arith.constant 1 : i32
      %dma_wait3A_388 = arith.constant 0 : i32
      %dma_wait3A_389 = arith.constant 0 : i32
      %dma_wait3A_390 = arith.constant 0 : i32
      %dma_wait3A_391 = tpu.memref_slice %arg6[%dma_wait3A_386, %dma_wait3A_387, %dma_wait3A_388, %dma_wait3A_389, %dma_wait3A_390] : memref<2x2x2x8x128xf32, #tpu.memory_space<vmem>> -> memref<1x1x2x8x128xf32, #tpu.memory_space<vmem>>
      %dma_wait3A_392 = tpu.memref_squeeze %dma_wait3A_391 : memref<1x1x2x8x128xf32, #tpu.memory_space<vmem>> -> memref<2x8x128xf32, #tpu.memory_space<vmem>>
      %dma_wait3A_393 = arith.constant 0 : i32
      %dma_wait3A_394 = arith.constant 0 : i32
      %dma_wait3A_395 = tpu.memref_slice %arg2[%dma_wait3A_385, %mul3A_363, %dma_wait3A_393, %dma_wait3A_394] : memref<2x25000x8x128xf32, #tpu.memory_space<hbm>> -> memref<1x2x8x128xf32, #tpu.memory_space<hbm>>
      %dma_wait3A_396 = tpu.memref_squeeze %dma_wait3A_395 : memref<1x2x8x128xf32, #tpu.memory_space<hbm>> -> memref<2x8x128xf32, #tpu.memory_space<hbm>>
      %dma_wait3A_397 = arith.constant 0 : i32
      %dma_wait3A_398 = arith.constant 0 : i32
      %dma_wait3A_399 = arith.constant 0 : i32
      %dma_wait3A_400 = tpu.memref_slice %arg6[%dma_wait3A_386, %dma_wait3A_387, %dma_wait3A_397, %dma_wait3A_398, %dma_wait3A_399] : memref<2x2x2x8x128xf32, #tpu.memory_space<vmem>> -> memref<1x1x2x8x128xf32, #tpu.memory_space<vmem>>
      %dma_wait3A_401 = tpu.memref_squeeze %dma_wait3A_400 : memref<1x1x2x8x128xf32, #tpu.memory_space<vmem>> -> memref<2x8x128xf32, #tpu.memory_space<vmem>>
      %dma_wait3A_402 = arith.constant 0 : i32
      %dma_wait3A_403 = arith.constant 0 : i32
      %dma_wait3A_404 = tpu.memref_slice %arg2[%dma_wait3A_385, %mul3A_363, %dma_wait3A_402, %dma_wait3A_403] : memref<2x25000x8x128xf32, #tpu.memory_space<hbm>> -> memref<1x2x8x128xf32, #tpu.memory_space<hbm>>
      %dma_wait3A_405 = tpu.memref_squeeze %dma_wait3A_404 : memref<1x2x8x128xf32, #tpu.memory_space<hbm>> -> memref<2x8x128xf32, #tpu.memory_space<hbm>>
      tpu.wait_dma2 semaphore(%arg11 : memref<!tpu.dma_semaphore, #tpu.memory_space<semaphore_mem>>) src(%dma_wait3A_405 : memref<2x8x128xf32, #tpu.memory_space<hbm>>) dst(%dma_wait3A_401 : memref<2x8x128xf32, #tpu.memory_space<vmem>>)
      %mul3A_406 = arith.constant 128 : i32
      %mul3A_407 = arith.muli %mul3A_363, %mul3A_406 : i32
      %jit3A_408 = arith.constant 4 : i32
      %eq3A_409 = arith.constant 0 : i32
      %eq3A_410 = arith.cmpi eq, %jit3A_408, %eq3A_409 : i32
      %jit3A_411 = arith.constant 1 : i32
      %select_n3A_412 = arith.select %eq3A_410, %jit3A_411, %jit3A_408 : i32
      %rem3A_413 = arith.remsi %add3A_360, %select_n3A_412 : i32
      %ne3A_414 = arith.constant 0 : i32
      %ne3A_415 = arith.cmpi ne, %rem3A_413, %ne3A_414 : i32
      %lt3A_416 = arith.constant 0 : i32
      %lt3A_417 = arith.cmpi slt, %rem3A_413, %lt3A_416 : i32
      %lt3A_418 = arith.constant 0 : i32
      %lt3A_419 = arith.cmpi slt, %select_n3A_412, %lt3A_418 : i32
      %ne3A_420 = arith.xori %lt3A_417, %lt3A_419 : i1
      %and3A_421 = arith.andi %ne3A_420, %ne3A_415 : i1
      %add3A_422 = arith.addi %rem3A_413, %select_n3A_412 : i32
      %select_n3A_423 = arith.select %and3A_421, %add3A_422, %rem3A_413 : i32
      %dma_wait3A_424 = arith.constant 0 : i32
      %dma_wait3A_425 = tpu.memref_slice %arg8[%select_n3A_423, %dma_wait3A_424] : memref<4x256xi32, #tpu.memory_space<vmem>> -> memref<1x256xi32, #tpu.memory_space<vmem>>
      %dma_wait3A_426 = tpu.memref_squeeze %dma_wait3A_425 : memref<1x256xi32, #tpu.memory_space<vmem>> -> memref<256xi32, #tpu.memory_space<vmem>>
      %dma_wait3A_427 = tpu.memref_slice %arg3[%mul3A_407] : memref<3200000xi32, #tpu.memory_space<hbm>> -> memref<256xi32, #tpu.memory_space<hbm>>
      %dma_wait3A_428 = arith.constant 0 : i32
      %dma_wait3A_429 = tpu.memref_slice %arg8[%select_n3A_423, %dma_wait3A_428] : memref<4x256xi32, #tpu.memory_space<vmem>> -> memref<1x256xi32, #tpu.memory_space<vmem>>
      %dma_wait3A_430 = tpu.memref_squeeze %dma_wait3A_429 : memref<1x256xi32, #tpu.memory_space<vmem>> -> memref<256xi32, #tpu.memory_space<vmem>>
      %dma_wait3A_431 = tpu.memref_slice %arg3[%mul3A_407] : memref<3200000xi32, #tpu.memory_space<hbm>> -> memref<256xi32, #tpu.memory_space<hbm>>
      tpu.wait_dma2 semaphore(%arg11 : memref<!tpu.dma_semaphore, #tpu.memory_space<semaphore_mem>>) src(%dma_wait3A_431 : memref<256xi32, #tpu.memory_space<hbm>>) dst(%dma_wait3A_430 : memref<256xi32, #tpu.memory_space<vmem>>)
      %ge3A_432 = arith.constant 2 : i32
      %ge3A_433 = arith.cmpi sge, %add3A_360, %ge3A_432 : i32
      %convert_element_type3A_434 = arith.extui %ge3A_433 : i1 to i32
      %cond3A_435 = arith.constant 0 : i32
      %cond3A_436 = arith.cmpi ne, %convert_element_type3A_434, %cond3A_435 : i32
      scf.if %cond3A_436 {
        %dma_wait3A_475 = arith.constant 1 : i32
        %dma_wait3A_476 = arith.constant 0 : i32
        %dma_wait3A_477 = arith.constant 0 : i32
        %dma_wait3A_478 = tpu.memref_slice %arg7[%dma_wait3A_475, %dma_wait3A_476, %dma_wait3A_477] : memref<2x256x16xf32, #tpu.memory_space<vmem>> -> memref<1x256x16xf32, #tpu.memory_space<vmem>>
        %dma_wait3A_479 = tpu.memref_squeeze %dma_wait3A_478 : memref<1x256x16xf32, #tpu.memory_space<vmem>> -> memref<256x16xf32, #tpu.memory_space<vmem>>
        %dma_wait3A_480 = arith.constant 0 : i32
        %dma_wait3A_481 = arith.constant 0 : i32
        %dma_wait3A_482 = tpu.memref_slice %arg9[%dma_wait3A_480, %dma_wait3A_481] : memref<100096x16xf32, #tpu.memory_space<vmem_shared>> -> memref<256x16xf32, #tpu.memory_space<vmem_shared>>
        %dma_wait3A_483 = arith.constant 0 : i32
        %dma_wait3A_484 = arith.constant 0 : i32
        %dma_wait3A_485 = tpu.memref_slice %arg9[%dma_wait3A_483, %dma_wait3A_484] : memref<100096x16xf32, #tpu.memory_space<vmem_shared>> -> memref<256x16xf32, #tpu.memory_space<vmem_shared>>
        %dma_wait3A_486 = arith.constant 0 : i32
        %dma_wait3A_487 = arith.constant 0 : i32
        %dma_wait3A_488 = tpu.memref_slice %arg7[%dma_wait3A_475, %dma_wait3A_486, %dma_wait3A_487] : memref<2x256x16xf32, #tpu.memory_space<vmem>> -> memref<1x256x16xf32, #tpu.memory_space<vmem>>
        %dma_wait3A_489 = tpu.memref_squeeze %dma_wait3A_488 : memref<1x256x16xf32, #tpu.memory_space<vmem>> -> memref<256x16xf32, #tpu.memory_space<vmem>>
        tpu.wait_dma2 semaphore(%arg13 : memref<!tpu.dma_semaphore, #tpu.memory_space<semaphore_mem>>) src(%dma_wait3A_489 : memref<256x16xf32, #tpu.memory_space<vmem>>) dst(%dma_wait3A_485 : memref<256x16xf32, #tpu.memory_space<vmem_shared>>)
      } else {
      }
      %scan3A_437 = arith.constant 0 : i32
      %scan3A_438 = arith.constant 8 : i32
      %scan3A_439 = arith.addi %scan3A_437, %scan3A_438 : i32
      %scan3A_440 = arith.constant 1 : i32
      scf.for %scan3A_475 = %scan3A_437 to %scan3A_439 step %scan3A_440  : i32 {
        %mul3A_476 = arith.constant 1 : i32
        %mul3A_477 = arith.muli %scan3A_475, %mul3A_476 : i32
        %add3A_478 = arith.constant 0 : i32
        %add3A_479 = arith.addi %add3A_478, %mul3A_477 : i32
        %mul3A_480 = arith.constant 16 : i32
        %mul3A_481 = arith.muli %add3A_479, %mul3A_480 : i32
        %iota3A = tpu.iota {dimensions = array<i32: 0>} : vector<16xi32>
        %add3A_482 = arith.constant 0 : i32
        %add3A_483 = arith.addi %add3A_482, %mul3A_481 : i32
        %add3A_484 = vector.broadcast %add3A_483 : i32 to vector<16xi32>
        %add3A_485 = arith.addi %add3A_484, %iota3A : vector<16xi32>
        %get3A = arith.constant 1 : i32
        %get3A_486 = arith.constant 0 : i32
        %get3A_487 = arith.constant 0 : i32
        %get3A_488 = arith.constant 0 : i32
        %get3A_489 = arith.constant 0 : i32
        %get3A_490 = tpu.memref_slice %arg6[%get3A, %get3A_486, %get3A_487, %get3A_488, %get3A_489] : memref<2x2x2x8x128xf32, #tpu.memory_space<vmem>> -> memref<1x1x1x1x128xf32, #tpu.memory_space<vmem>>
        %get3A_491 = tpu.memref_squeeze %get3A_490 : memref<1x1x1x1x128xf32, #tpu.memory_space<vmem>> -> memref<128xf32, #tpu.memory_space<vmem>>
        %get3A_492 = arith.index_cast %mul3A_481 : i32 to index
        %get3A_493 = tpu.vector_load %get3A_491[%get3A_492] {strides = array<i32>} : memref<128xf32, #tpu.memory_space<vmem>>, vector<16xf32>,
        %broadcast_in_dim3A = arith.constant 0 : i32
        %broadcast_in_dim3A_494 = vector.broadcast %broadcast_in_dim3A : i32 to vector<16xi32>
        %scatter3A = arith.constant 1 : i32
        %scatter3A_495 = arith.constant 0 : i32
        %scatter3A_496 = arith.constant 0 : i32
        %scatter3A_497 = tpu.memref_slice %arg7[%scatter3A, %scatter3A_495, %scatter3A_496] : memref<2x256x16xf32, #tpu.memory_space<vmem>> -> memref<1x256x16xf32, #tpu.memory_space<vmem>>
        %scatter3A_498 = tpu.memref_squeeze %scatter3A_497 : memref<1x256x16xf32, #tpu.memory_space<vmem>> -> memref<256x16xf32, #tpu.memory_space<vmem>>
        tpu.vector_store_idx %scatter3A_498[%add3A_485, %broadcast_in_dim3A_494], %get3A_493 : memref<256x16xf32, #tpu.memory_space<vmem>>[vector<16xi32>, vector<16xi32>], vector<16xf32>,
        %get3A_499 = arith.constant 1 : i32
        %get3A_500 = arith.constant 0 : i32
        %get3A_501 = arith.constant 0 : i32
        %get3A_502 = arith.constant 1 : i32
        %get3A_503 = arith.constant 0 : i32
        %get3A_504 = tpu.memref_slice %arg6[%get3A_499, %get3A_500, %get3A_501, %get3A_502, %get3A_503] : memref<2x2x2x8x128xf32, #tpu.memory_space<vmem>> -> memref<1x1x1x1x128xf32, #tpu.memory_space<vmem>>
        %get3A_505 = tpu.memref_squeeze %get3A_504 : memref<1x1x1x1x128xf32, #tpu.memory_space<vmem>> -> memref<128xf32, #tpu.memory_space<vmem>>
        %get3A_506 = arith.index_cast %mul3A_481 : i32 to index
        %get3A_507 = tpu.vector_load %get3A_505[%get3A_506] {strides = array<i32>} : memref<128xf32, #tpu.memory_space<vmem>>, vector<16xf32>,
        %broadcast_in_dim3A_508 = arith.constant 1 : i32
        %broadcast_in_dim3A_509 = vector.broadcast %broadcast_in_dim3A_508 : i32 to vector<16xi32>
        %scatter3A_510 = arith.constant 1 : i32
        %scatter3A_511 = arith.constant 0 : i32
        %scatter3A_512 = arith.constant 0 : i32
        %scatter3A_513 = tpu.memref_slice %arg7[%scatter3A_510, %scatter3A_511, %scatter3A_512] : memref<2x256x16xf32, #tpu.memory_space<vmem>> -> memref<1x256x16xf32, #tpu.memory_space<vmem>>
        %scatter3A_514 = tpu.memref_squeeze %scatter3A_513 : memref<1x256x16xf32, #tpu.memory_space<vmem>> -> memref<256x16xf32, #tpu.memory_space<vmem>>
        tpu.vector_store_idx %scatter3A_514[%add3A_485, %broadcast_in_dim3A_509], %get3A_507 : memref<256x16xf32, #tpu.memory_space<vmem>>[vector<16xi32>, vector<16xi32>], vector<16xf32>,
        %get3A_515 = arith.constant 1 : i32
        %get3A_516 = arith.constant 0 : i32
        %get3A_517 = arith.constant 0 : i32
        %get3A_518 = arith.constant 2 : i32
        %get3A_519 = arith.constant 0 : i32
        %get3A_520 = tpu.memref_slice %arg6[%get3A_515, %get3A_516, %get3A_517, %get3A_518, %get3A_519] : memref<2x2x2x8x128xf32, #tpu.memory_space<vmem>> -> memref<1x1x1x1x128xf32, #tpu.memory_space<vmem>>
        %get3A_521 = tpu.memref_squeeze %get3A_520 : memref<1x1x1x1x128xf32, #tpu.memory_space<vmem>> -> memref<128xf32, #tpu.memory_space<vmem>>
        %get3A_522 = arith.index_cast %mul3A_481 : i32 to index
        %get3A_523 = tpu.vector_load %get3A_521[%get3A_522] {strides = array<i32>} : memref<128xf32, #tpu.memory_space<vmem>>, vector<16xf32>,
        %broadcast_in_dim3A_524 = arith.constant 2 : i32
        %broadcast_in_dim3A_525 = vector.broadcast %broadcast_in_dim3A_524 : i32 to vector<16xi32>
        %scatter3A_526 = arith.constant 1 : i32
        %scatter3A_527 = arith.constant 0 : i32
        %scatter3A_528 = arith.constant 0 : i32
        %scatter3A_529 = tpu.memref_slice %arg7[%scatter3A_526, %scatter3A_527, %scatter3A_528] : memref<2x256x16xf32, #tpu.memory_space<vmem>> -> memref<1x256x16xf32, #tpu.memory_space<vmem>>
        %scatter3A_530 = tpu.memref_squeeze %scatter3A_529 : memref<1x256x16xf32, #tpu.memory_space<vmem>> -> memref<256x16xf32, #tpu.memory_space<vmem>>
        tpu.vector_store_idx %scatter3A_530[%add3A_485, %broadcast_in_dim3A_525], %get3A_523 : memref<256x16xf32, #tpu.memory_space<vmem>>[vector<16xi32>, vector<16xi32>], vector<16xf32>,
        %get3A_531 = arith.constant 1 : i32
        %get3A_532 = arith.constant 0 : i32
        %get3A_533 = arith.constant 0 : i32
        %get3A_534 = arith.constant 3 : i32
        %get3A_535 = arith.constant 0 : i32
        %get3A_536 = tpu.memref_slice %arg6[%get3A_531, %get3A_532, %get3A_533, %get3A_534, %get3A_535] : memref<2x2x2x8x128xf32, #tpu.memory_space<vmem>> -> memref<1x1x1x1x128xf32, #tpu.memory_space<vmem>>
        %get3A_537 = tpu.memref_squeeze %get3A_536 : memref<1x1x1x1x128xf32, #tpu.memory_space<vmem>> -> memref<128xf32, #tpu.memory_space<vmem>>
        %get3A_538 = arith.index_cast %mul3A_481 : i32 to index
        %get3A_539 = tpu.vector_load %get3A_537[%get3A_538] {strides = array<i32>} : memref<128xf32, #tpu.memory_space<vmem>>, vector<16xf32>,
        %broadcast_in_dim3A_540 = arith.constant 3 : i32
        %broadcast_in_dim3A_541 = vector.broadcast %broadcast_in_dim3A_540 : i32 to vector<16xi32>
        %scatter3A_542 = arith.constant 1 : i32
        %scatter3A_543 = arith.constant 0 : i32
        %scatter3A_544 = arith.constant 0 : i32
        %scatter3A_545 = tpu.memref_slice %arg7[%scatter3A_542, %scatter3A_543, %scatter3A_544] : memref<2x256x16xf32, #tpu.memory_space<vmem>> -> memref<1x256x16xf32, #tpu.memory_space<vmem>>
        %scatter3A_546 = tpu.memref_squeeze %scatter3A_545 : memref<1x256x16xf32, #tpu.memory_space<vmem>> -> memref<256x16xf32, #tpu.memory_space<vmem>>
        tpu.vector_store_idx %scatter3A_546[%add3A_485, %broadcast_in_dim3A_541], %get3A_539 : memref<256x16xf32, #tpu.memory_space<vmem>>[vector<16xi32>, vector<16xi32>], vector<16xf32>,
        %get3A_547 = arith.constant 1 : i32
        %get3A_548 = arith.constant 0 : i32
        %get3A_549 = arith.constant 0 : i32
        %get3A_550 = arith.constant 4 : i32
        %get3A_551 = arith.constant 0 : i32
        %get3A_552 = tpu.memref_slice %arg6[%get3A_547, %get3A_548, %get3A_549, %get3A_550, %get3A_551] : memref<2x2x2x8x128xf32, #tpu.memory_space<vmem>> -> memref<1x1x1x1x128xf32, #tpu.memory_space<vmem>>
        %get3A_553 = tpu.memref_squeeze %get3A_552 : memref<1x1x1x1x128xf32, #tpu.memory_space<vmem>> -> memref<128xf32, #tpu.memory_space<vmem>>
        %get3A_554 = arith.index_cast %mul3A_481 : i32 to index
        %get3A_555 = tpu.vector_load %get3A_553[%get3A_554] {strides = array<i32>} : memref<128xf32, #tpu.memory_space<vmem>>, vector<16xf32>,
        %broadcast_in_dim3A_556 = arith.constant 4 : i32
        %broadcast_in_dim3A_557 = vector.broadcast %broadcast_in_dim3A_556 : i32 to vector<16xi32>
        %scatter3A_558 = arith.constant 1 : i32
        %scatter3A_559 = arith.constant 0 : i32
        %scatter3A_560 = arith.constant 0 : i32
        %scatter3A_561 = tpu.memref_slice %arg7[%scatter3A_558, %scatter3A_559, %scatter3A_560] : memref<2x256x16xf32, #tpu.memory_space<vmem>> -> memref<1x256x16xf32, #tpu.memory_space<vmem>>
        %scatter3A_562 = tpu.memref_squeeze %scatter3A_561 : memref<1x256x16xf32, #tpu.memory_space<vmem>> -> memref<256x16xf32, #tpu.memory_space<vmem>>
        tpu.vector_store_idx %scatter3A_562[%add3A_485, %broadcast_in_dim3A_557], %get3A_555 : memref<256x16xf32, #tpu.memory_space<vmem>>[vector<16xi32>, vector<16xi32>], vector<16xf32>,
        %get3A_563 = arith.constant 1 : i32
        %get3A_564 = arith.constant 0 : i32
        %get3A_565 = arith.constant 0 : i32
        %get3A_566 = arith.constant 5 : i32
        %get3A_567 = arith.constant 0 : i32
        %get3A_568 = tpu.memref_slice %arg6[%get3A_563, %get3A_564, %get3A_565, %get3A_566, %get3A_567] : memref<2x2x2x8x128xf32, #tpu.memory_space<vmem>> -> memref<1x1x1x1x128xf32, #tpu.memory_space<vmem>>
        %get3A_569 = tpu.memref_squeeze %get3A_568 : memref<1x1x1x1x128xf32, #tpu.memory_space<vmem>> -> memref<128xf32, #tpu.memory_space<vmem>>
        %get3A_570 = arith.index_cast %mul3A_481 : i32 to index
        %get3A_571 = tpu.vector_load %get3A_569[%get3A_570] {strides = array<i32>} : memref<128xf32, #tpu.memory_space<vmem>>, vector<16xf32>,
        %broadcast_in_dim3A_572 = arith.constant 5 : i32
        %broadcast_in_dim3A_573 = vector.broadcast %broadcast_in_dim3A_572 : i32 to vector<16xi32>
        %scatter3A_574 = arith.constant 1 : i32
        %scatter3A_575 = arith.constant 0 : i32
        %scatter3A_576 = arith.constant 0 : i32
        %scatter3A_577 = tpu.memref_slice %arg7[%scatter3A_574, %scatter3A_575, %scatter3A_576] : memref<2x256x16xf32, #tpu.memory_space<vmem>> -> memref<1x256x16xf32, #tpu.memory_space<vmem>>
        %scatter3A_578 = tpu.memref_squeeze %scatter3A_577 : memref<1x256x16xf32, #tpu.memory_space<vmem>> -> memref<256x16xf32, #tpu.memory_space<vmem>>
        tpu.vector_store_idx %scatter3A_578[%add3A_485, %broadcast_in_dim3A_573], %get3A_571 : memref<256x16xf32, #tpu.memory_space<vmem>>[vector<16xi32>, vector<16xi32>], vector<16xf32>,
        %get3A_579 = arith.constant 1 : i32
        %get3A_580 = arith.constant 0 : i32
        %get3A_581 = arith.constant 0 : i32
        %get3A_582 = arith.constant 6 : i32
        %get3A_583 = arith.constant 0 : i32
        %get3A_584 = tpu.memref_slice %arg6[%get3A_579, %get3A_580, %get3A_581, %get3A_582, %get3A_583] : memref<2x2x2x8x128xf32, #tpu.memory_space<vmem>> -> memref<1x1x1x1x128xf32, #tpu.memory_space<vmem>>
        %get3A_585 = tpu.memref_squeeze %get3A_584 : memref<1x1x1x1x128xf32, #tpu.memory_space<vmem>> -> memref<128xf32, #tpu.memory_space<vmem>>
        %get3A_586 = arith.index_cast %mul3A_481 : i32 to index
        %get3A_587 = tpu.vector_load %get3A_585[%get3A_586] {strides = array<i32>} : memref<128xf32, #tpu.memory_space<vmem>>, vector<16xf32>,
        %broadcast_in_dim3A_588 = arith.constant 6 : i32
        %broadcast_in_dim3A_589 = vector.broadcast %broadcast_in_dim3A_588 : i32 to vector<16xi32>
        %scatter3A_590 = arith.constant 1 : i32
        %scatter3A_591 = arith.constant 0 : i32
        %scatter3A_592 = arith.constant 0 : i32
        %scatter3A_593 = tpu.memref_slice %arg7[%scatter3A_590, %scatter3A_591, %scatter3A_592] : memref<2x256x16xf32, #tpu.memory_space<vmem>> -> memref<1x256x16xf32, #tpu.memory_space<vmem>>
        %scatter3A_594 = tpu.memref_squeeze %scatter3A_593 : memref<1x256x16xf32, #tpu.memory_space<vmem>> -> memref<256x16xf32, #tpu.memory_space<vmem>>
        tpu.vector_store_idx %scatter3A_594[%add3A_485, %broadcast_in_dim3A_589], %get3A_587 : memref<256x16xf32, #tpu.memory_space<vmem>>[vector<16xi32>, vector<16xi32>], vector<16xf32>,
        %get3A_595 = arith.constant 1 : i32
        %get3A_596 = arith.constant 0 : i32
        %get3A_597 = arith.constant 0 : i32
        %get3A_598 = arith.constant 7 : i32
        %get3A_599 = arith.constant 0 : i32
        %get3A_600 = tpu.memref_slice %arg6[%get3A_595, %get3A_596, %get3A_597, %get3A_598, %get3A_599] : memref<2x2x2x8x128xf32, #tpu.memory_space<vmem>> -> memref<1x1x1x1x128xf32, #tpu.memory_space<vmem>>
        %get3A_601 = tpu.memref_squeeze %get3A_600 : memref<1x1x1x1x128xf32, #tpu.memory_space<vmem>> -> memref<128xf32, #tpu.memory_space<vmem>>
        %get3A_602 = arith.index_cast %mul3A_481 : i32 to index
        %get3A_603 = tpu.vector_load %get3A_601[%get3A_602] {strides = array<i32>} : memref<128xf32, #tpu.memory_space<vmem>>, vector<16xf32>,
        %broadcast_in_dim3A_604 = arith.constant 7 : i32
        %broadcast_in_dim3A_605 = vector.broadcast %broadcast_in_dim3A_604 : i32 to vector<16xi32>
        %scatter3A_606 = arith.constant 1 : i32
        %scatter3A_607 = arith.constant 0 : i32
        %scatter3A_608 = arith.constant 0 : i32
        %scatter3A_609 = tpu.memref_slice %arg7[%scatter3A_606, %scatter3A_607, %scatter3A_608] : memref<2x256x16xf32, #tpu.memory_space<vmem>> -> memref<1x256x16xf32, #tpu.memory_space<vmem>>
        %scatter3A_610 = tpu.memref_squeeze %scatter3A_609 : memref<1x256x16xf32, #tpu.memory_space<vmem>> -> memref<256x16xf32, #tpu.memory_space<vmem>>
        tpu.vector_store_idx %scatter3A_610[%add3A_485, %broadcast_in_dim3A_605], %get3A_603 : memref<256x16xf32, #tpu.memory_space<vmem>>[vector<16xi32>, vector<16xi32>], vector<16xf32>,
        %get3A_611 = arith.constant 1 : i32
        %get3A_612 = arith.constant 1 : i32
        %get3A_613 = arith.constant 0 : i32
        %get3A_614 = arith.constant 0 : i32
        %get3A_615 = arith.constant 0 : i32
        %get3A_616 = tpu.memref_slice %arg6[%get3A_611, %get3A_612, %get3A_613, %get3A_614, %get3A_615] : memref<2x2x2x8x128xf32, #tpu.memory_space<vmem>> -> memref<1x1x1x1x128xf32, #tpu.memory_space<vmem>>
        %get3A_617 = tpu.memref_squeeze %get3A_616 : memref<1x1x1x1x128xf32, #tpu.memory_space<vmem>> -> memref<128xf32, #tpu.memory_space<vmem>>
        %get3A_618 = arith.index_cast %mul3A_481 : i32 to index
        %get3A_619 = tpu.vector_load %get3A_617[%get3A_618] {strides = array<i32>} : memref<128xf32, #tpu.memory_space<vmem>>, vector<16xf32>,
        %broadcast_in_dim3A_620 = arith.constant 8 : i32
        %broadcast_in_dim3A_621 = vector.broadcast %broadcast_in_dim3A_620 : i32 to vector<16xi32>
        %scatter3A_622 = arith.constant 1 : i32
        %scatter3A_623 = arith.constant 0 : i32
        %scatter3A_624 = arith.constant 0 : i32
        %scatter3A_625 = tpu.memref_slice %arg7[%scatter3A_622, %scatter3A_623, %scatter3A_624] : memref<2x256x16xf32, #tpu.memory_space<vmem>> -> memref<1x256x16xf32, #tpu.memory_space<vmem>>
        %scatter3A_626 = tpu.memref_squeeze %scatter3A_625 : memref<1x256x16xf32, #tpu.memory_space<vmem>> -> memref<256x16xf32, #tpu.memory_space<vmem>>
        tpu.vector_store_idx %scatter3A_626[%add3A_485, %broadcast_in_dim3A_621], %get3A_619 : memref<256x16xf32, #tpu.memory_space<vmem>>[vector<16xi32>, vector<16xi32>], vector<16xf32>,
        %get3A_627 = arith.constant 1 : i32
        %get3A_628 = arith.constant 1 : i32
        %get3A_629 = arith.constant 0 : i32
        %get3A_630 = arith.constant 1 : i32
        %get3A_631 = arith.constant 0 : i32
        %get3A_632 = tpu.memref_slice %arg6[%get3A_627, %get3A_628, %get3A_629, %get3A_630, %get3A_631] : memref<2x2x2x8x128xf32, #tpu.memory_space<vmem>> -> memref<1x1x1x1x128xf32, #tpu.memory_space<vmem>>
        %get3A_633 = tpu.memref_squeeze %get3A_632 : memref<1x1x1x1x128xf32, #tpu.memory_space<vmem>> -> memref<128xf32, #tpu.memory_space<vmem>>
        %get3A_634 = arith.index_cast %mul3A_481 : i32 to index
        %get3A_635 = tpu.vector_load %get3A_633[%get3A_634] {strides = array<i32>} : memref<128xf32, #tpu.memory_space<vmem>>, vector<16xf32>,
        %broadcast_in_dim3A_636 = arith.constant 9 : i32
        %broadcast_in_dim3A_637 = vector.broadcast %broadcast_in_dim3A_636 : i32 to vector<16xi32>
        %scatter3A_638 = arith.constant 1 : i32
        %scatter3A_639 = arith.constant 0 : i32
        %scatter3A_640 = arith.constant 0 : i32
        %scatter3A_641 = tpu.memref_slice %arg7[%scatter3A_638, %scatter3A_639, %scatter3A_640] : memref<2x256x16xf32, #tpu.memory_space<vmem>> -> memref<1x256x16xf32, #tpu.memory_space<vmem>>
        %scatter3A_642 = tpu.memref_squeeze %scatter3A_641 : memref<1x256x16xf32, #tpu.memory_space<vmem>> -> memref<256x16xf32, #tpu.memory_space<vmem>>
        tpu.vector_store_idx %scatter3A_642[%add3A_485, %broadcast_in_dim3A_637], %get3A_635 : memref<256x16xf32, #tpu.memory_space<vmem>>[vector<16xi32>, vector<16xi32>], vector<16xf32>,
        %get3A_643 = arith.constant 1 : i32
        %get3A_644 = arith.constant 1 : i32
        %get3A_645 = arith.constant 0 : i32
        %get3A_646 = arith.constant 2 : i32
        %get3A_647 = arith.constant 0 : i32
        %get3A_648 = tpu.memref_slice %arg6[%get3A_643, %get3A_644, %get3A_645, %get3A_646, %get3A_647] : memref<2x2x2x8x128xf32, #tpu.memory_space<vmem>> -> memref<1x1x1x1x128xf32, #tpu.memory_space<vmem>>
        %get3A_649 = tpu.memref_squeeze %get3A_648 : memref<1x1x1x1x128xf32, #tpu.memory_space<vmem>> -> memref<128xf32, #tpu.memory_space<vmem>>
        %get3A_650 = arith.index_cast %mul3A_481 : i32 to index
        %get3A_651 = tpu.vector_load %get3A_649[%get3A_650] {strides = array<i32>} : memref<128xf32, #tpu.memory_space<vmem>>, vector<16xf32>,
        %broadcast_in_dim3A_652 = arith.constant 10 : i32
        %broadcast_in_dim3A_653 = vector.broadcast %broadcast_in_dim3A_652 : i32 to vector<16xi32>
        %scatter3A_654 = arith.constant 1 : i32
        %scatter3A_655 = arith.constant 0 : i32
        %scatter3A_656 = arith.constant 0 : i32
        %scatter3A_657 = tpu.memref_slice %arg7[%scatter3A_654, %scatter3A_655, %scatter3A_656] : memref<2x256x16xf32, #tpu.memory_space<vmem>> -> memref<1x256x16xf32, #tpu.memory_space<vmem>>
        %scatter3A_658 = tpu.memref_squeeze %scatter3A_657 : memref<1x256x16xf32, #tpu.memory_space<vmem>> -> memref<256x16xf32, #tpu.memory_space<vmem>>
        tpu.vector_store_idx %scatter3A_658[%add3A_485, %broadcast_in_dim3A_653], %get3A_651 : memref<256x16xf32, #tpu.memory_space<vmem>>[vector<16xi32>, vector<16xi32>], vector<16xf32>,
        %get3A_659 = arith.constant 1 : i32
        %get3A_660 = arith.constant 1 : i32
        %get3A_661 = arith.constant 0 : i32
        %get3A_662 = arith.constant 3 : i32
        %get3A_663 = arith.constant 0 : i32
        %get3A_664 = tpu.memref_slice %arg6[%get3A_659, %get3A_660, %get3A_661, %get3A_662, %get3A_663] : memref<2x2x2x8x128xf32, #tpu.memory_space<vmem>> -> memref<1x1x1x1x128xf32, #tpu.memory_space<vmem>>
        %get3A_665 = tpu.memref_squeeze %get3A_664 : memref<1x1x1x1x128xf32, #tpu.memory_space<vmem>> -> memref<128xf32, #tpu.memory_space<vmem>>
        %get3A_666 = arith.index_cast %mul3A_481 : i32 to index
        %get3A_667 = tpu.vector_load %get3A_665[%get3A_666] {strides = array<i32>} : memref<128xf32, #tpu.memory_space<vmem>>, vector<16xf32>,
        %broadcast_in_dim3A_668 = arith.constant 11 : i32
        %broadcast_in_dim3A_669 = vector.broadcast %broadcast_in_dim3A_668 : i32 to vector<16xi32>
        %scatter3A_670 = arith.constant 1 : i32
        %scatter3A_671 = arith.constant 0 : i32
        %scatter3A_672 = arith.constant 0 : i32
        %scatter3A_673 = tpu.memref_slice %arg7[%scatter3A_670, %scatter3A_671, %scatter3A_672] : memref<2x256x16xf32, #tpu.memory_space<vmem>> -> memref<1x256x16xf32, #tpu.memory_space<vmem>>
        %scatter3A_674 = tpu.memref_squeeze %scatter3A_673 : memref<1x256x16xf32, #tpu.memory_space<vmem>> -> memref<256x16xf32, #tpu.memory_space<vmem>>
        tpu.vector_store_idx %scatter3A_674[%add3A_485, %broadcast_in_dim3A_669], %get3A_667 : memref<256x16xf32, #tpu.memory_space<vmem>>[vector<16xi32>, vector<16xi32>], vector<16xf32>,
        %get3A_675 = arith.constant 1 : i32
        %get3A_676 = arith.constant 1 : i32
        %get3A_677 = arith.constant 0 : i32
        %get3A_678 = arith.constant 4 : i32
        %get3A_679 = arith.constant 0 : i32
        %get3A_680 = tpu.memref_slice %arg6[%get3A_675, %get3A_676, %get3A_677, %get3A_678, %get3A_679] : memref<2x2x2x8x128xf32, #tpu.memory_space<vmem>> -> memref<1x1x1x1x128xf32, #tpu.memory_space<vmem>>
        %get3A_681 = tpu.memref_squeeze %get3A_680 : memref<1x1x1x1x128xf32, #tpu.memory_space<vmem>> -> memref<128xf32, #tpu.memory_space<vmem>>
        %get3A_682 = arith.index_cast %mul3A_481 : i32 to index
        %get3A_683 = tpu.vector_load %get3A_681[%get3A_682] {strides = array<i32>} : memref<128xf32, #tpu.memory_space<vmem>>, vector<16xf32>,
        %broadcast_in_dim3A_684 = arith.constant 12 : i32
        %broadcast_in_dim3A_685 = vector.broadcast %broadcast_in_dim3A_684 : i32 to vector<16xi32>
        %scatter3A_686 = arith.constant 1 : i32
        %scatter3A_687 = arith.constant 0 : i32
        %scatter3A_688 = arith.constant 0 : i32
        %scatter3A_689 = tpu.memref_slice %arg7[%scatter3A_686, %scatter3A_687, %scatter3A_688] : memref<2x256x16xf32, #tpu.memory_space<vmem>> -> memref<1x256x16xf32, #tpu.memory_space<vmem>>
        %scatter3A_690 = tpu.memref_squeeze %scatter3A_689 : memref<1x256x16xf32, #tpu.memory_space<vmem>> -> memref<256x16xf32, #tpu.memory_space<vmem>>
        tpu.vector_store_idx %scatter3A_690[%add3A_485, %broadcast_in_dim3A_685], %get3A_683 : memref<256x16xf32, #tpu.memory_space<vmem>>[vector<16xi32>, vector<16xi32>], vector<16xf32>,
        %get3A_691 = arith.constant 1 : i32
        %get3A_692 = arith.constant 1 : i32
        %get3A_693 = arith.constant 0 : i32
        %get3A_694 = arith.constant 5 : i32
        %get3A_695 = arith.constant 0 : i32
        %get3A_696 = tpu.memref_slice %arg6[%get3A_691, %get3A_692, %get3A_693, %get3A_694, %get3A_695] : memref<2x2x2x8x128xf32, #tpu.memory_space<vmem>> -> memref<1x1x1x1x128xf32, #tpu.memory_space<vmem>>
        %get3A_697 = tpu.memref_squeeze %get3A_696 : memref<1x1x1x1x128xf32, #tpu.memory_space<vmem>> -> memref<128xf32, #tpu.memory_space<vmem>>
        %get3A_698 = arith.index_cast %mul3A_481 : i32 to index
        %get3A_699 = tpu.vector_load %get3A_697[%get3A_698] {strides = array<i32>} : memref<128xf32, #tpu.memory_space<vmem>>, vector<16xf32>,
        %broadcast_in_dim3A_700 = arith.constant 13 : i32
        %broadcast_in_dim3A_701 = vector.broadcast %broadcast_in_dim3A_700 : i32 to vector<16xi32>
        %scatter3A_702 = arith.constant 1 : i32
        %scatter3A_703 = arith.constant 0 : i32
        %scatter3A_704 = arith.constant 0 : i32
        %scatter3A_705 = tpu.memref_slice %arg7[%scatter3A_702, %scatter3A_703, %scatter3A_704] : memref<2x256x16xf32, #tpu.memory_space<vmem>> -> memref<1x256x16xf32, #tpu.memory_space<vmem>>
        %scatter3A_706 = tpu.memref_squeeze %scatter3A_705 : memref<1x256x16xf32, #tpu.memory_space<vmem>> -> memref<256x16xf32, #tpu.memory_space<vmem>>
        tpu.vector_store_idx %scatter3A_706[%add3A_485, %broadcast_in_dim3A_701], %get3A_699 : memref<256x16xf32, #tpu.memory_space<vmem>>[vector<16xi32>, vector<16xi32>], vector<16xf32>,
        %get3A_707 = arith.constant 1 : i32
        %get3A_708 = arith.constant 1 : i32
        %get3A_709 = arith.constant 0 : i32
        %get3A_710 = arith.constant 6 : i32
        %get3A_711 = arith.constant 0 : i32
        %get3A_712 = tpu.memref_slice %arg6[%get3A_707, %get3A_708, %get3A_709, %get3A_710, %get3A_711] : memref<2x2x2x8x128xf32, #tpu.memory_space<vmem>> -> memref<1x1x1x1x128xf32, #tpu.memory_space<vmem>>
        %get3A_713 = tpu.memref_squeeze %get3A_712 : memref<1x1x1x1x128xf32, #tpu.memory_space<vmem>> -> memref<128xf32, #tpu.memory_space<vmem>>
        %get3A_714 = arith.index_cast %mul3A_481 : i32 to index
        %get3A_715 = tpu.vector_load %get3A_713[%get3A_714] {strides = array<i32>} : memref<128xf32, #tpu.memory_space<vmem>>, vector<16xf32>,
        %broadcast_in_dim3A_716 = arith.constant 14 : i32
        %broadcast_in_dim3A_717 = vector.broadcast %broadcast_in_dim3A_716 : i32 to vector<16xi32>
        %scatter3A_718 = arith.constant 1 : i32
        %scatter3A_719 = arith.constant 0 : i32
        %scatter3A_720 = arith.constant 0 : i32
        %scatter3A_721 = tpu.memref_slice %arg7[%scatter3A_718, %scatter3A_719, %scatter3A_720] : memref<2x256x16xf32, #tpu.memory_space<vmem>> -> memref<1x256x16xf32, #tpu.memory_space<vmem>>
        %scatter3A_722 = tpu.memref_squeeze %scatter3A_721 : memref<1x256x16xf32, #tpu.memory_space<vmem>> -> memref<256x16xf32, #tpu.memory_space<vmem>>
        tpu.vector_store_idx %scatter3A_722[%add3A_485, %broadcast_in_dim3A_717], %get3A_715 : memref<256x16xf32, #tpu.memory_space<vmem>>[vector<16xi32>, vector<16xi32>], vector<16xf32>,
        %get3A_723 = arith.constant 1 : i32
        %get3A_724 = arith.constant 1 : i32
        %get3A_725 = arith.constant 0 : i32
        %get3A_726 = arith.constant 7 : i32
        %get3A_727 = arith.constant 0 : i32
        %get3A_728 = tpu.memref_slice %arg6[%get3A_723, %get3A_724, %get3A_725, %get3A_726, %get3A_727] : memref<2x2x2x8x128xf32, #tpu.memory_space<vmem>> -> memref<1x1x1x1x128xf32, #tpu.memory_space<vmem>>
        %get3A_729 = tpu.memref_squeeze %get3A_728 : memref<1x1x1x1x128xf32, #tpu.memory_space<vmem>> -> memref<128xf32, #tpu.memory_space<vmem>>
        %get3A_730 = arith.index_cast %mul3A_481 : i32 to index
        %get3A_731 = tpu.vector_load %get3A_729[%get3A_730] {strides = array<i32>} : memref<128xf32, #tpu.memory_space<vmem>>, vector<16xf32>,
        %broadcast_in_dim3A_732 = arith.constant 15 : i32
        %broadcast_in_dim3A_733 = vector.broadcast %broadcast_in_dim3A_732 : i32 to vector<16xi32>
        %scatter3A_734 = arith.constant 1 : i32
        %scatter3A_735 = arith.constant 0 : i32
        %scatter3A_736 = arith.constant 0 : i32
        %scatter3A_737 = tpu.memref_slice %arg7[%scatter3A_734, %scatter3A_735, %scatter3A_736] : memref<2x256x16xf32, #tpu.memory_space<vmem>> -> memref<1x256x16xf32, #tpu.memory_space<vmem>>
        %scatter3A_738 = tpu.memref_squeeze %scatter3A_737 : memref<1x256x16xf32, #tpu.memory_space<vmem>> -> memref<256x16xf32, #tpu.memory_space<vmem>>
        tpu.vector_store_idx %scatter3A_738[%add3A_485, %broadcast_in_dim3A_733], %get3A_731 : memref<256x16xf32, #tpu.memory_space<vmem>>[vector<16xi32>, vector<16xi32>], vector<16xf32>,
        %add3A_739 = arith.constant 128 : i32
        %add3A_740 = arith.addi %add3A_739, %mul3A_481 : i32
        %add3A_741 = vector.broadcast %add3A_740 : i32 to vector<16xi32>
        %add3A_742 = arith.addi %add3A_741, %iota3A : vector<16xi32>
        %get3A_743 = arith.constant 1 : i32
        %get3A_744 = arith.constant 0 : i32
        %get3A_745 = arith.constant 1 : i32
        %get3A_746 = arith.constant 0 : i32
        %get3A_747 = arith.constant 0 : i32
        %get3A_748 = tpu.memref_slice %arg6[%get3A_743, %get3A_744, %get3A_745, %get3A_746, %get3A_747] : memref<2x2x2x8x128xf32, #tpu.memory_space<vmem>> -> memref<1x1x1x1x128xf32, #tpu.memory_space<vmem>>
        %get3A_749 = tpu.memref_squeeze %get3A_748 : memref<1x1x1x1x128xf32, #tpu.memory_space<vmem>> -> memref<128xf32, #tpu.memory_space<vmem>>
        %get3A_750 = arith.index_cast %mul3A_481 : i32 to index
        %get3A_751 = tpu.vector_load %get3A_749[%get3A_750] {strides = array<i32>} : memref<128xf32, #tpu.memory_space<vmem>>, vector<16xf32>,
        %broadcast_in_dim3A_752 = arith.constant 0 : i32
        %broadcast_in_dim3A_753 = vector.broadcast %broadcast_in_dim3A_752 : i32 to vector<16xi32>
        %scatter3A_754 = arith.constant 1 : i32
        %scatter3A_755 = arith.constant 0 : i32
        %scatter3A_756 = arith.constant 0 : i32
        %scatter3A_757 = tpu.memref_slice %arg7[%scatter3A_754, %scatter3A_755, %scatter3A_756] : memref<2x256x16xf32, #tpu.memory_space<vmem>> -> memref<1x256x16xf32, #tpu.memory_space<vmem>>
        %scatter3A_758 = tpu.memref_squeeze %scatter3A_757 : memref<1x256x16xf32, #tpu.memory_space<vmem>> -> memref<256x16xf32, #tpu.memory_space<vmem>>
        tpu.vector_store_idx %scatter3A_758[%add3A_742, %broadcast_in_dim3A_753], %get3A_751 : memref<256x16xf32, #tpu.memory_space<vmem>>[vector<16xi32>, vector<16xi32>], vector<16xf32>,
        %get3A_759 = arith.constant 1 : i32
        %get3A_760 = arith.constant 0 : i32
        %get3A_761 = arith.constant 1 : i32
        %get3A_762 = arith.constant 1 : i32
        %get3A_763 = arith.constant 0 : i32
        %get3A_764 = tpu.memref_slice %arg6[%get3A_759, %get3A_760, %get3A_761, %get3A_762, %get3A_763] : memref<2x2x2x8x128xf32, #tpu.memory_space<vmem>> -> memref<1x1x1x1x128xf32, #tpu.memory_space<vmem>>
        %get3A_765 = tpu.memref_squeeze %get3A_764 : memref<1x1x1x1x128xf32, #tpu.memory_space<vmem>> -> memref<128xf32, #tpu.memory_space<vmem>>
        %get3A_766 = arith.index_cast %mul3A_481 : i32 to index
        %get3A_767 = tpu.vector_load %get3A_765[%get3A_766] {strides = array<i32>} : memref<128xf32, #tpu.memory_space<vmem>>, vector<16xf32>,
        %broadcast_in_dim3A_768 = arith.constant 1 : i32
        %broadcast_in_dim3A_769 = vector.broadcast %broadcast_in_dim3A_768 : i32 to vector<16xi32>
        %scatter3A_770 = arith.constant 1 : i32
        %scatter3A_771 = arith.constant 0 : i32
        %scatter3A_772 = arith.constant 0 : i32
        %scatter3A_773 = tpu.memref_slice %arg7[%scatter3A_770, %scatter3A_771, %scatter3A_772] : memref<2x256x16xf32, #tpu.memory_space<vmem>> -> memref<1x256x16xf32, #tpu.memory_space<vmem>>
        %scatter3A_774 = tpu.memref_squeeze %scatter3A_773 : memref<1x256x16xf32, #tpu.memory_space<vmem>> -> memref<256x16xf32, #tpu.memory_space<vmem>>
        tpu.vector_store_idx %scatter3A_774[%add3A_742, %broadcast_in_dim3A_769], %get3A_767 : memref<256x16xf32, #tpu.memory_space<vmem>>[vector<16xi32>, vector<16xi32>], vector<16xf32>,
        %get3A_775 = arith.constant 1 : i32
        %get3A_776 = arith.constant 0 : i32
        %get3A_777 = arith.constant 1 : i32
        %get3A_778 = arith.constant 2 : i32
        %get3A_779 = arith.constant 0 : i32
        %get3A_780 = tpu.memref_slice %arg6[%get3A_775, %get3A_776, %get3A_777, %get3A_778, %get3A_779] : memref<2x2x2x8x128xf32, #tpu.memory_space<vmem>> -> memref<1x1x1x1x128xf32, #tpu.memory_space<vmem>>
        %get3A_781 = tpu.memref_squeeze %get3A_780 : memref<1x1x1x1x128xf32, #tpu.memory_space<vmem>> -> memref<128xf32, #tpu.memory_space<vmem>>
        %get3A_782 = arith.index_cast %mul3A_481 : i32 to index
        %get3A_783 = tpu.vector_load %get3A_781[%get3A_782] {strides = array<i32>} : memref<128xf32, #tpu.memory_space<vmem>>, vector<16xf32>,
        %broadcast_in_dim3A_784 = arith.constant 2 : i32
        %broadcast_in_dim3A_785 = vector.broadcast %broadcast_in_dim3A_784 : i32 to vector<16xi32>
        %scatter3A_786 = arith.constant 1 : i32
        %scatter3A_787 = arith.constant 0 : i32
        %scatter3A_788 = arith.constant 0 : i32
        %scatter3A_789 = tpu.memref_slice %arg7[%scatter3A_786, %scatter3A_787, %scatter3A_788] : memref<2x256x16xf32, #tpu.memory_space<vmem>> -> memref<1x256x16xf32, #tpu.memory_space<vmem>>
        %scatter3A_790 = tpu.memref_squeeze %scatter3A_789 : memref<1x256x16xf32, #tpu.memory_space<vmem>> -> memref<256x16xf32, #tpu.memory_space<vmem>>
        tpu.vector_store_idx %scatter3A_790[%add3A_742, %broadcast_in_dim3A_785], %get3A_783 : memref<256x16xf32, #tpu.memory_space<vmem>>[vector<16xi32>, vector<16xi32>], vector<16xf32>,
        %get3A_791 = arith.constant 1 : i32
        %get3A_792 = arith.constant 0 : i32
        %get3A_793 = arith.constant 1 : i32
        %get3A_794 = arith.constant 3 : i32
        %get3A_795 = arith.constant 0 : i32
        %get3A_796 = tpu.memref_slice %arg6[%get3A_791, %get3A_792, %get3A_793, %get3A_794, %get3A_795] : memref<2x2x2x8x128xf32, #tpu.memory_space<vmem>> -> memref<1x1x1x1x128xf32, #tpu.memory_space<vmem>>
        %get3A_797 = tpu.memref_squeeze %get3A_796 : memref<1x1x1x1x128xf32, #tpu.memory_space<vmem>> -> memref<128xf32, #tpu.memory_space<vmem>>
        %get3A_798 = arith.index_cast %mul3A_481 : i32 to index
        %get3A_799 = tpu.vector_load %get3A_797[%get3A_798] {strides = array<i32>} : memref<128xf32, #tpu.memory_space<vmem>>, vector<16xf32>,
        %broadcast_in_dim3A_800 = arith.constant 3 : i32
        %broadcast_in_dim3A_801 = vector.broadcast %broadcast_in_dim3A_800 : i32 to vector<16xi32>
        %scatter3A_802 = arith.constant 1 : i32
        %scatter3A_803 = arith.constant 0 : i32
        %scatter3A_804 = arith.constant 0 : i32
        %scatter3A_805 = tpu.memref_slice %arg7[%scatter3A_802, %scatter3A_803, %scatter3A_804] : memref<2x256x16xf32, #tpu.memory_space<vmem>> -> memref<1x256x16xf32, #tpu.memory_space<vmem>>
        %scatter3A_806 = tpu.memref_squeeze %scatter3A_805 : memref<1x256x16xf32, #tpu.memory_space<vmem>> -> memref<256x16xf32, #tpu.memory_space<vmem>>
        tpu.vector_store_idx %scatter3A_806[%add3A_742, %broadcast_in_dim3A_801], %get3A_799 : memref<256x16xf32, #tpu.memory_space<vmem>>[vector<16xi32>, vector<16xi32>], vector<16xf32>,
        %get3A_807 = arith.constant 1 : i32
        %get3A_808 = arith.constant 0 : i32
        %get3A_809 = arith.constant 1 : i32
        %get3A_810 = arith.constant 4 : i32
        %get3A_811 = arith.constant 0 : i32
        %get3A_812 = tpu.memref_slice %arg6[%get3A_807, %get3A_808, %get3A_809, %get3A_810, %get3A_811] : memref<2x2x2x8x128xf32, #tpu.memory_space<vmem>> -> memref<1x1x1x1x128xf32, #tpu.memory_space<vmem>>
        %get3A_813 = tpu.memref_squeeze %get3A_812 : memref<1x1x1x1x128xf32, #tpu.memory_space<vmem>> -> memref<128xf32, #tpu.memory_space<vmem>>
        %get3A_814 = arith.index_cast %mul3A_481 : i32 to index
        %get3A_815 = tpu.vector_load %get3A_813[%get3A_814] {strides = array<i32>} : memref<128xf32, #tpu.memory_space<vmem>>, vector<16xf32>,
        %broadcast_in_dim3A_816 = arith.constant 4 : i32
        %broadcast_in_dim3A_817 = vector.broadcast %broadcast_in_dim3A_816 : i32 to vector<16xi32>
        %scatter3A_818 = arith.constant 1 : i32
        %scatter3A_819 = arith.constant 0 : i32
        %scatter3A_820 = arith.constant 0 : i32
        %scatter3A_821 = tpu.memref_slice %arg7[%scatter3A_818, %scatter3A_819, %scatter3A_820] : memref<2x256x16xf32, #tpu.memory_space<vmem>> -> memref<1x256x16xf32, #tpu.memory_space<vmem>>
        %scatter3A_822 = tpu.memref_squeeze %scatter3A_821 : memref<1x256x16xf32, #tpu.memory_space<vmem>> -> memref<256x16xf32, #tpu.memory_space<vmem>>
        tpu.vector_store_idx %scatter3A_822[%add3A_742, %broadcast_in_dim3A_817], %get3A_815 : memref<256x16xf32, #tpu.memory_space<vmem>>[vector<16xi32>, vector<16xi32>], vector<16xf32>,
        %get3A_823 = arith.constant 1 : i32
        %get3A_824 = arith.constant 0 : i32
        %get3A_825 = arith.constant 1 : i32
        %get3A_826 = arith.constant 5 : i32
        %get3A_827 = arith.constant 0 : i32
        %get3A_828 = tpu.memref_slice %arg6[%get3A_823, %get3A_824, %get3A_825, %get3A_826, %get3A_827] : memref<2x2x2x8x128xf32, #tpu.memory_space<vmem>> -> memref<1x1x1x1x128xf32, #tpu.memory_space<vmem>>
        %get3A_829 = tpu.memref_squeeze %get3A_828 : memref<1x1x1x1x128xf32, #tpu.memory_space<vmem>> -> memref<128xf32, #tpu.memory_space<vmem>>
        %get3A_830 = arith.index_cast %mul3A_481 : i32 to index
        %get3A_831 = tpu.vector_load %get3A_829[%get3A_830] {strides = array<i32>} : memref<128xf32, #tpu.memory_space<vmem>>, vector<16xf32>,
        %broadcast_in_dim3A_832 = arith.constant 5 : i32
        %broadcast_in_dim3A_833 = vector.broadcast %broadcast_in_dim3A_832 : i32 to vector<16xi32>
        %scatter3A_834 = arith.constant 1 : i32
        %scatter3A_835 = arith.constant 0 : i32
        %scatter3A_836 = arith.constant 0 : i32
        %scatter3A_837 = tpu.memref_slice %arg7[%scatter3A_834, %scatter3A_835, %scatter3A_836] : memref<2x256x16xf32, #tpu.memory_space<vmem>> -> memref<1x256x16xf32, #tpu.memory_space<vmem>>
        %scatter3A_838 = tpu.memref_squeeze %scatter3A_837 : memref<1x256x16xf32, #tpu.memory_space<vmem>> -> memref<256x16xf32, #tpu.memory_space<vmem>>
        tpu.vector_store_idx %scatter3A_838[%add3A_742, %broadcast_in_dim3A_833], %get3A_831 : memref<256x16xf32, #tpu.memory_space<vmem>>[vector<16xi32>, vector<16xi32>], vector<16xf32>,
        %get3A_839 = arith.constant 1 : i32
        %get3A_840 = arith.constant 0 : i32
        %get3A_841 = arith.constant 1 : i32
        %get3A_842 = arith.constant 6 : i32
        %get3A_843 = arith.constant 0 : i32
        %get3A_844 = tpu.memref_slice %arg6[%get3A_839, %get3A_840, %get3A_841, %get3A_842, %get3A_843] : memref<2x2x2x8x128xf32, #tpu.memory_space<vmem>> -> memref<1x1x1x1x128xf32, #tpu.memory_space<vmem>>
        %get3A_845 = tpu.memref_squeeze %get3A_844 : memref<1x1x1x1x128xf32, #tpu.memory_space<vmem>> -> memref<128xf32, #tpu.memory_space<vmem>>
        %get3A_846 = arith.index_cast %mul3A_481 : i32 to index
        %get3A_847 = tpu.vector_load %get3A_845[%get3A_846] {strides = array<i32>} : memref<128xf32, #tpu.memory_space<vmem>>, vector<16xf32>,
        %broadcast_in_dim3A_848 = arith.constant 6 : i32
        %broadcast_in_dim3A_849 = vector.broadcast %broadcast_in_dim3A_848 : i32 to vector<16xi32>
        %scatter3A_850 = arith.constant 1 : i32
        %scatter3A_851 = arith.constant 0 : i32
        %scatter3A_852 = arith.constant 0 : i32
        %scatter3A_853 = tpu.memref_slice %arg7[%scatter3A_850, %scatter3A_851, %scatter3A_852] : memref<2x256x16xf32, #tpu.memory_space<vmem>> -> memref<1x256x16xf32, #tpu.memory_space<vmem>>
        %scatter3A_854 = tpu.memref_squeeze %scatter3A_853 : memref<1x256x16xf32, #tpu.memory_space<vmem>> -> memref<256x16xf32, #tpu.memory_space<vmem>>
        tpu.vector_store_idx %scatter3A_854[%add3A_742, %broadcast_in_dim3A_849], %get3A_847 : memref<256x16xf32, #tpu.memory_space<vmem>>[vector<16xi32>, vector<16xi32>], vector<16xf32>,
        %get3A_855 = arith.constant 1 : i32
        %get3A_856 = arith.constant 0 : i32
        %get3A_857 = arith.constant 1 : i32
        %get3A_858 = arith.constant 7 : i32
        %get3A_859 = arith.constant 0 : i32
        %get3A_860 = tpu.memref_slice %arg6[%get3A_855, %get3A_856, %get3A_857, %get3A_858, %get3A_859] : memref<2x2x2x8x128xf32, #tpu.memory_space<vmem>> -> memref<1x1x1x1x128xf32, #tpu.memory_space<vmem>>
        %get3A_861 = tpu.memref_squeeze %get3A_860 : memref<1x1x1x1x128xf32, #tpu.memory_space<vmem>> -> memref<128xf32, #tpu.memory_space<vmem>>
        %get3A_862 = arith.index_cast %mul3A_481 : i32 to index
        %get3A_863 = tpu.vector_load %get3A_861[%get3A_862] {strides = array<i32>} : memref<128xf32, #tpu.memory_space<vmem>>, vector<16xf32>,
        %broadcast_in_dim3A_864 = arith.constant 7 : i32
        %broadcast_in_dim3A_865 = vector.broadcast %broadcast_in_dim3A_864 : i32 to vector<16xi32>
        %scatter3A_866 = arith.constant 1 : i32
        %scatter3A_867 = arith.constant 0 : i32
        %scatter3A_868 = arith.constant 0 : i32
        %scatter3A_869 = tpu.memref_slice %arg7[%scatter3A_866, %scatter3A_867, %scatter3A_868] : memref<2x256x16xf32, #tpu.memory_space<vmem>> -> memref<1x256x16xf32, #tpu.memory_space<vmem>>
        %scatter3A_870 = tpu.memref_squeeze %scatter3A_869 : memref<1x256x16xf32, #tpu.memory_space<vmem>> -> memref<256x16xf32, #tpu.memory_space<vmem>>
        tpu.vector_store_idx %scatter3A_870[%add3A_742, %broadcast_in_dim3A_865], %get3A_863 : memref<256x16xf32, #tpu.memory_space<vmem>>[vector<16xi32>, vector<16xi32>], vector<16xf32>,
        %get3A_871 = arith.constant 1 : i32
        %get3A_872 = arith.constant 1 : i32
        %get3A_873 = arith.constant 1 : i32
        %get3A_874 = arith.constant 0 : i32
        %get3A_875 = arith.constant 0 : i32
        %get3A_876 = tpu.memref_slice %arg6[%get3A_871, %get3A_872, %get3A_873, %get3A_874, %get3A_875] : memref<2x2x2x8x128xf32, #tpu.memory_space<vmem>> -> memref<1x1x1x1x128xf32, #tpu.memory_space<vmem>>
        %get3A_877 = tpu.memref_squeeze %get3A_876 : memref<1x1x1x1x128xf32, #tpu.memory_space<vmem>> -> memref<128xf32, #tpu.memory_space<vmem>>
        %get3A_878 = arith.index_cast %mul3A_481 : i32 to index
        %get3A_879 = tpu.vector_load %get3A_877[%get3A_878] {strides = array<i32>} : memref<128xf32, #tpu.memory_space<vmem>>, vector<16xf32>,
        %broadcast_in_dim3A_880 = arith.constant 8 : i32
        %broadcast_in_dim3A_881 = vector.broadcast %broadcast_in_dim3A_880 : i32 to vector<16xi32>
        %scatter3A_882 = arith.constant 1 : i32
        %scatter3A_883 = arith.constant 0 : i32
        %scatter3A_884 = arith.constant 0 : i32
        %scatter3A_885 = tpu.memref_slice %arg7[%scatter3A_882, %scatter3A_883, %scatter3A_884] : memref<2x256x16xf32, #tpu.memory_space<vmem>> -> memref<1x256x16xf32, #tpu.memory_space<vmem>>
        %scatter3A_886 = tpu.memref_squeeze %scatter3A_885 : memref<1x256x16xf32, #tpu.memory_space<vmem>> -> memref<256x16xf32, #tpu.memory_space<vmem>>
        tpu.vector_store_idx %scatter3A_886[%add3A_742, %broadcast_in_dim3A_881], %get3A_879 : memref<256x16xf32, #tpu.memory_space<vmem>>[vector<16xi32>, vector<16xi32>], vector<16xf32>,
        %get3A_887 = arith.constant 1 : i32
        %get3A_888 = arith.constant 1 : i32
        %get3A_889 = arith.constant 1 : i32
        %get3A_890 = arith.constant 1 : i32
        %get3A_891 = arith.constant 0 : i32
        %get3A_892 = tpu.memref_slice %arg6[%get3A_887, %get3A_888, %get3A_889, %get3A_890, %get3A_891] : memref<2x2x2x8x128xf32, #tpu.memory_space<vmem>> -> memref<1x1x1x1x128xf32, #tpu.memory_space<vmem>>
        %get3A_893 = tpu.memref_squeeze %get3A_892 : memref<1x1x1x1x128xf32, #tpu.memory_space<vmem>> -> memref<128xf32, #tpu.memory_space<vmem>>
        %get3A_894 = arith.index_cast %mul3A_481 : i32 to index
        %get3A_895 = tpu.vector_load %get3A_893[%get3A_894] {strides = array<i32>} : memref<128xf32, #tpu.memory_space<vmem>>, vector<16xf32>,
        %broadcast_in_dim3A_896 = arith.constant 9 : i32
        %broadcast_in_dim3A_897 = vector.broadcast %broadcast_in_dim3A_896 : i32 to vector<16xi32>
        %scatter3A_898 = arith.constant 1 : i32
        %scatter3A_899 = arith.constant 0 : i32
        %scatter3A_900 = arith.constant 0 : i32
        %scatter3A_901 = tpu.memref_slice %arg7[%scatter3A_898, %scatter3A_899, %scatter3A_900] : memref<2x256x16xf32, #tpu.memory_space<vmem>> -> memref<1x256x16xf32, #tpu.memory_space<vmem>>
        %scatter3A_902 = tpu.memref_squeeze %scatter3A_901 : memref<1x256x16xf32, #tpu.memory_space<vmem>> -> memref<256x16xf32, #tpu.memory_space<vmem>>
        tpu.vector_store_idx %scatter3A_902[%add3A_742, %broadcast_in_dim3A_897], %get3A_895 : memref<256x16xf32, #tpu.memory_space<vmem>>[vector<16xi32>, vector<16xi32>], vector<16xf32>,
        %get3A_903 = arith.constant 1 : i32
        %get3A_904 = arith.constant 1 : i32
        %get3A_905 = arith.constant 1 : i32
        %get3A_906 = arith.constant 2 : i32
        %get3A_907 = arith.constant 0 : i32
        %get3A_908 = tpu.memref_slice %arg6[%get3A_903, %get3A_904, %get3A_905, %get3A_906, %get3A_907] : memref<2x2x2x8x128xf32, #tpu.memory_space<vmem>> -> memref<1x1x1x1x128xf32, #tpu.memory_space<vmem>>
        %get3A_909 = tpu.memref_squeeze %get3A_908 : memref<1x1x1x1x128xf32, #tpu.memory_space<vmem>> -> memref<128xf32, #tpu.memory_space<vmem>>
        %get3A_910 = arith.index_cast %mul3A_481 : i32 to index
        %get3A_911 = tpu.vector_load %get3A_909[%get3A_910] {strides = array<i32>} : memref<128xf32, #tpu.memory_space<vmem>>, vector<16xf32>,
        %broadcast_in_dim3A_912 = arith.constant 10 : i32
        %broadcast_in_dim3A_913 = vector.broadcast %broadcast_in_dim3A_912 : i32 to vector<16xi32>
        %scatter3A_914 = arith.constant 1 : i32
        %scatter3A_915 = arith.constant 0 : i32
        %scatter3A_916 = arith.constant 0 : i32
        %scatter3A_917 = tpu.memref_slice %arg7[%scatter3A_914, %scatter3A_915, %scatter3A_916] : memref<2x256x16xf32, #tpu.memory_space<vmem>> -> memref<1x256x16xf32, #tpu.memory_space<vmem>>
        %scatter3A_918 = tpu.memref_squeeze %scatter3A_917 : memref<1x256x16xf32, #tpu.memory_space<vmem>> -> memref<256x16xf32, #tpu.memory_space<vmem>>
        tpu.vector_store_idx %scatter3A_918[%add3A_742, %broadcast_in_dim3A_913], %get3A_911 : memref<256x16xf32, #tpu.memory_space<vmem>>[vector<16xi32>, vector<16xi32>], vector<16xf32>,
        %get3A_919 = arith.constant 1 : i32
        %get3A_920 = arith.constant 1 : i32
        %get3A_921 = arith.constant 1 : i32
        %get3A_922 = arith.constant 3 : i32
        %get3A_923 = arith.constant 0 : i32
        %get3A_924 = tpu.memref_slice %arg6[%get3A_919, %get3A_920, %get3A_921, %get3A_922, %get3A_923] : memref<2x2x2x8x128xf32, #tpu.memory_space<vmem>> -> memref<1x1x1x1x128xf32, #tpu.memory_space<vmem>>
        %get3A_925 = tpu.memref_squeeze %get3A_924 : memref<1x1x1x1x128xf32, #tpu.memory_space<vmem>> -> memref<128xf32, #tpu.memory_space<vmem>>
        %get3A_926 = arith.index_cast %mul3A_481 : i32 to index
        %get3A_927 = tpu.vector_load %get3A_925[%get3A_926] {strides = array<i32>} : memref<128xf32, #tpu.memory_space<vmem>>, vector<16xf32>,
        %broadcast_in_dim3A_928 = arith.constant 11 : i32
        %broadcast_in_dim3A_929 = vector.broadcast %broadcast_in_dim3A_928 : i32 to vector<16xi32>
        %scatter3A_930 = arith.constant 1 : i32
        %scatter3A_931 = arith.constant 0 : i32
        %scatter3A_932 = arith.constant 0 : i32
        %scatter3A_933 = tpu.memref_slice %arg7[%scatter3A_930, %scatter3A_931, %scatter3A_932] : memref<2x256x16xf32, #tpu.memory_space<vmem>> -> memref<1x256x16xf32, #tpu.memory_space<vmem>>
        %scatter3A_934 = tpu.memref_squeeze %scatter3A_933 : memref<1x256x16xf32, #tpu.memory_space<vmem>> -> memref<256x16xf32, #tpu.memory_space<vmem>>
        tpu.vector_store_idx %scatter3A_934[%add3A_742, %broadcast_in_dim3A_929], %get3A_927 : memref<256x16xf32, #tpu.memory_space<vmem>>[vector<16xi32>, vector<16xi32>], vector<16xf32>,
        %get3A_935 = arith.constant 1 : i32
        %get3A_936 = arith.constant 1 : i32
        %get3A_937 = arith.constant 1 : i32
        %get3A_938 = arith.constant 4 : i32
        %get3A_939 = arith.constant 0 : i32
        %get3A_940 = tpu.memref_slice %arg6[%get3A_935, %get3A_936, %get3A_937, %get3A_938, %get3A_939] : memref<2x2x2x8x128xf32, #tpu.memory_space<vmem>> -> memref<1x1x1x1x128xf32, #tpu.memory_space<vmem>>
        %get3A_941 = tpu.memref_squeeze %get3A_940 : memref<1x1x1x1x128xf32, #tpu.memory_space<vmem>> -> memref<128xf32, #tpu.memory_space<vmem>>
        %get3A_942 = arith.index_cast %mul3A_481 : i32 to index
        %get3A_943 = tpu.vector_load %get3A_941[%get3A_942] {strides = array<i32>} : memref<128xf32, #tpu.memory_space<vmem>>, vector<16xf32>,
        %broadcast_in_dim3A_944 = arith.constant 12 : i32
        %broadcast_in_dim3A_945 = vector.broadcast %broadcast_in_dim3A_944 : i32 to vector<16xi32>
        %scatter3A_946 = arith.constant 1 : i32
        %scatter3A_947 = arith.constant 0 : i32
        %scatter3A_948 = arith.constant 0 : i32
        %scatter3A_949 = tpu.memref_slice %arg7[%scatter3A_946, %scatter3A_947, %scatter3A_948] : memref<2x256x16xf32, #tpu.memory_space<vmem>> -> memref<1x256x16xf32, #tpu.memory_space<vmem>>
        %scatter3A_950 = tpu.memref_squeeze %scatter3A_949 : memref<1x256x16xf32, #tpu.memory_space<vmem>> -> memref<256x16xf32, #tpu.memory_space<vmem>>
        tpu.vector_store_idx %scatter3A_950[%add3A_742, %broadcast_in_dim3A_945], %get3A_943 : memref<256x16xf32, #tpu.memory_space<vmem>>[vector<16xi32>, vector<16xi32>], vector<16xf32>,
        %get3A_951 = arith.constant 1 : i32
        %get3A_952 = arith.constant 1 : i32
        %get3A_953 = arith.constant 1 : i32
        %get3A_954 = arith.constant 5 : i32
        %get3A_955 = arith.constant 0 : i32
        %get3A_956 = tpu.memref_slice %arg6[%get3A_951, %get3A_952, %get3A_953, %get3A_954, %get3A_955] : memref<2x2x2x8x128xf32, #tpu.memory_space<vmem>> -> memref<1x1x1x1x128xf32, #tpu.memory_space<vmem>>
        %get3A_957 = tpu.memref_squeeze %get3A_956 : memref<1x1x1x1x128xf32, #tpu.memory_space<vmem>> -> memref<128xf32, #tpu.memory_space<vmem>>
        %get3A_958 = arith.index_cast %mul3A_481 : i32 to index
        %get3A_959 = tpu.vector_load %get3A_957[%get3A_958] {strides = array<i32>} : memref<128xf32, #tpu.memory_space<vmem>>, vector<16xf32>,
        %broadcast_in_dim3A_960 = arith.constant 13 : i32
        %broadcast_in_dim3A_961 = vector.broadcast %broadcast_in_dim3A_960 : i32 to vector<16xi32>
        %scatter3A_962 = arith.constant 1 : i32
        %scatter3A_963 = arith.constant 0 : i32
        %scatter3A_964 = arith.constant 0 : i32
        %scatter3A_965 = tpu.memref_slice %arg7[%scatter3A_962, %scatter3A_963, %scatter3A_964] : memref<2x256x16xf32, #tpu.memory_space<vmem>> -> memref<1x256x16xf32, #tpu.memory_space<vmem>>
        %scatter3A_966 = tpu.memref_squeeze %scatter3A_965 : memref<1x256x16xf32, #tpu.memory_space<vmem>> -> memref<256x16xf32, #tpu.memory_space<vmem>>
        tpu.vector_store_idx %scatter3A_966[%add3A_742, %broadcast_in_dim3A_961], %get3A_959 : memref<256x16xf32, #tpu.memory_space<vmem>>[vector<16xi32>, vector<16xi32>], vector<16xf32>,
        %get3A_967 = arith.constant 1 : i32
        %get3A_968 = arith.constant 1 : i32
        %get3A_969 = arith.constant 1 : i32
        %get3A_970 = arith.constant 6 : i32
        %get3A_971 = arith.constant 0 : i32
        %get3A_972 = tpu.memref_slice %arg6[%get3A_967, %get3A_968, %get3A_969, %get3A_970, %get3A_971] : memref<2x2x2x8x128xf32, #tpu.memory_space<vmem>> -> memref<1x1x1x1x128xf32, #tpu.memory_space<vmem>>
        %get3A_973 = tpu.memref_squeeze %get3A_972 : memref<1x1x1x1x128xf32, #tpu.memory_space<vmem>> -> memref<128xf32, #tpu.memory_space<vmem>>
        %get3A_974 = arith.index_cast %mul3A_481 : i32 to index
        %get3A_975 = tpu.vector_load %get3A_973[%get3A_974] {strides = array<i32>} : memref<128xf32, #tpu.memory_space<vmem>>, vector<16xf32>,
        %broadcast_in_dim3A_976 = arith.constant 14 : i32
        %broadcast_in_dim3A_977 = vector.broadcast %broadcast_in_dim3A_976 : i32 to vector<16xi32>
        %scatter3A_978 = arith.constant 1 : i32
        %scatter3A_979 = arith.constant 0 : i32
        %scatter3A_980 = arith.constant 0 : i32
        %scatter3A_981 = tpu.memref_slice %arg7[%scatter3A_978, %scatter3A_979, %scatter3A_980] : memref<2x256x16xf32, #tpu.memory_space<vmem>> -> memref<1x256x16xf32, #tpu.memory_space<vmem>>
        %scatter3A_982 = tpu.memref_squeeze %scatter3A_981 : memref<1x256x16xf32, #tpu.memory_space<vmem>> -> memref<256x16xf32, #tpu.memory_space<vmem>>
        tpu.vector_store_idx %scatter3A_982[%add3A_742, %broadcast_in_dim3A_977], %get3A_975 : memref<256x16xf32, #tpu.memory_space<vmem>>[vector<16xi32>, vector<16xi32>], vector<16xf32>,
        %get3A_983 = arith.constant 1 : i32
        %get3A_984 = arith.constant 1 : i32
        %get3A_985 = arith.constant 1 : i32
        %get3A_986 = arith.constant 7 : i32
        %get3A_987 = arith.constant 0 : i32
        %get3A_988 = tpu.memref_slice %arg6[%get3A_983, %get3A_984, %get3A_985, %get3A_986, %get3A_987] : memref<2x2x2x8x128xf32, #tpu.memory_space<vmem>> -> memref<1x1x1x1x128xf32, #tpu.memory_space<vmem>>
        %get3A_989 = tpu.memref_squeeze %get3A_988 : memref<1x1x1x1x128xf32, #tpu.memory_space<vmem>> -> memref<128xf32, #tpu.memory_space<vmem>>
        %get3A_990 = arith.index_cast %mul3A_481 : i32 to index
        %get3A_991 = tpu.vector_load %get3A_989[%get3A_990] {strides = array<i32>} : memref<128xf32, #tpu.memory_space<vmem>>, vector<16xf32>,
        %broadcast_in_dim3A_992 = arith.constant 15 : i32
        %broadcast_in_dim3A_993 = vector.broadcast %broadcast_in_dim3A_992 : i32 to vector<16xi32>
        %scatter3A_994 = arith.constant 1 : i32
        %scatter3A_995 = arith.constant 0 : i32
        %scatter3A_996 = arith.constant 0 : i32
        %scatter3A_997 = tpu.memref_slice %arg7[%scatter3A_994, %scatter3A_995, %scatter3A_996] : memref<2x256x16xf32, #tpu.memory_space<vmem>> -> memref<1x256x16xf32, #tpu.memory_space<vmem>>
        %scatter3A_998 = tpu.memref_squeeze %scatter3A_997 : memref<1x256x16xf32, #tpu.memory_space<vmem>> -> memref<256x16xf32, #tpu.memory_space<vmem>>
        tpu.vector_store_idx %scatter3A_998[%add3A_742, %broadcast_in_dim3A_993], %get3A_991 : memref<256x16xf32, #tpu.memory_space<vmem>>[vector<16xi32>, vector<16xi32>], vector<16xf32>,
      }
      %scan3A_441 = arith.constant 8 : i32
      %jit3A_442 = arith.constant 4 : i32
      %eq3A_443 = arith.constant 0 : i32
      %eq3A_444 = arith.cmpi eq, %jit3A_442, %eq3A_443 : i32
      %jit3A_445 = arith.constant 1 : i32
      %select_n3A_446 = arith.select %eq3A_444, %jit3A_445, %jit3A_442 : i32
      %rem3A_447 = arith.remsi %add3A_360, %select_n3A_446 : i32
      %ne3A_448 = arith.constant 0 : i32
      %ne3A_449 = arith.cmpi ne, %rem3A_447, %ne3A_448 : i32
      %lt3A_450 = arith.constant 0 : i32
      %lt3A_451 = arith.cmpi slt, %rem3A_447, %lt3A_450 : i32
      %lt3A_452 = arith.constant 0 : i32
      %lt3A_453 = arith.cmpi slt, %select_n3A_446, %lt3A_452 : i32
      %ne3A_454 = arith.xori %lt3A_451, %lt3A_453 : i1
      %and3A_455 = arith.andi %ne3A_454, %ne3A_449 : i1
      %add3A_456 = arith.addi %rem3A_447, %select_n3A_446 : i32
      %select_n3A_457 = arith.select %and3A_455, %add3A_456, %rem3A_447 : i32
      %dma_start3A_458 = arith.constant 1 : i32
      %dma_start3A_459 = arith.constant 0 : i32
      %dma_start3A_460 = arith.constant 0 : i32
      %dma_start3A_461 = tpu.memref_slice %arg7[%dma_start3A_458, %dma_start3A_459, %dma_start3A_460] : memref<2x256x16xf32, #tpu.memory_space<vmem>> -> memref<1x256x16xf32, #tpu.memory_space<vmem>>
      %dma_start3A_462 = tpu.memref_squeeze %dma_start3A_461 : memref<1x256x16xf32, #tpu.memory_space<vmem>> -> memref<256x16xf32, #tpu.memory_space<vmem>>
      %dma_start3A_463 = arith.constant 0 : i32
      %dma_start3A_464 = tpu.memref_slice %arg8[%select_n3A_457, %dma_start3A_463] : memref<4x256xi32, #tpu.memory_space<vmem>> -> memref<1x256xi32, #tpu.memory_space<vmem>>
      %dma_start3A_465 = tpu.memref_squeeze %dma_start3A_464 : memref<1x256xi32, #tpu.memory_space<vmem>> -> memref<256xi32, #tpu.memory_space<vmem>>
      %dma_start3A_466 = arith.constant 0 : i32
      %dma_start3A_467 = arith.constant 0 : i32
      %dma_start3A_468 = tpu.memref_slice %arg9[%dma_start3A_466, %dma_start3A_467] : memref<100096x16xf32, #tpu.memory_space<vmem_shared>> -> memref<100096x16xf32, #tpu.memory_space<vmem_shared>>
      tpu.enqueue_indirect_dma source(%dma_start3A_462 : memref<256x16xf32, #tpu.memory_space<vmem>>) target(%dma_start3A_468 : memref<100096x16xf32, #tpu.memory_space<vmem_shared>>) offsets(%dma_start3A_465 : memref<256xi32, #tpu.memory_space<vmem>>) semaphore(%arg13 : memref<!tpu.dma_semaphore, #tpu.memory_space<semaphore_mem>>) {add = true}
      %add3A_469 = arith.constant 2 : i32
      %add3A_470 = arith.addi %add3A_360, %add3A_469 : i32
      %lt3A_471 = arith.cmpi slt, %add3A_470, %sub3A_53 : i32
      %convert_element_type3A_472 = arith.extui %lt3A_471 : i1 to i32
      %cond3A_473 = arith.constant 0 : i32
      %cond3A_474 = arith.cmpi ne, %convert_element_type3A_472, %cond3A_473 : i32
      scf.if %cond3A_474 {
        %add3A_475 = arith.constant 2 : i32
        %add3A_476 = arith.addi %add3A_360, %add3A_475 : i32
        %add3A_477 = arith.addi %mul3A_22, %add3A_476 : i32
        %mul3A_478 = arith.constant 2 : i32
        %mul3A_479 = arith.muli %add3A_477, %mul3A_478 : i32
        %dma_start3A_480 = arith.constant 0 : i32
        %dma_start3A_481 = arith.constant 1 : i32
        %dma_start3A_482 = arith.constant 0 : i32
        %dma_start3A_483 = arith.constant 0 : i32
        %dma_start3A_484 = arith.constant 0 : i32
        %dma_start3A_485 = arith.constant 0 : i32
        %dma_start3A_486 = tpu.memref_slice %arg6[%dma_start3A_481, %dma_start3A_482, %dma_start3A_483, %dma_start3A_484, %dma_start3A_485] : memref<2x2x2x8x128xf32, #tpu.memory_space<vmem>> -> memref<1x1x2x8x128xf32, #tpu.memory_space<vmem>>
        %dma_start3A_487 = tpu.memref_squeeze %dma_start3A_486 : memref<1x1x2x8x128xf32, #tpu.memory_space<vmem>> -> memref<2x8x128xf32, #tpu.memory_space<vmem>>
        %dma_start3A_488 = arith.constant 0 : i32
        %dma_start3A_489 = arith.constant 0 : i32
        %dma_start3A_490 = tpu.memref_slice %arg2[%dma_start3A_480, %mul3A_479, %dma_start3A_488, %dma_start3A_489] : memref<2x25000x8x128xf32, #tpu.memory_space<hbm>> -> memref<1x2x8x128xf32, #tpu.memory_space<hbm>>
        %dma_start3A_491 = tpu.memref_squeeze %dma_start3A_490 : memref<1x2x8x128xf32, #tpu.memory_space<hbm>> -> memref<2x8x128xf32, #tpu.memory_space<hbm>>
        %dma_start3A_492 = arith.constant 0 : i32
        %dma_start3A_493 = arith.constant 0 : i32
        %dma_start3A_494 = arith.constant 0 : i32
        %dma_start3A_495 = tpu.memref_slice %arg6[%dma_start3A_481, %dma_start3A_482, %dma_start3A_492, %dma_start3A_493, %dma_start3A_494] : memref<2x2x2x8x128xf32, #tpu.memory_space<vmem>> -> memref<1x1x2x8x128xf32, #tpu.memory_space<vmem>>
        %dma_start3A_496 = tpu.memref_squeeze %dma_start3A_495 : memref<1x1x2x8x128xf32, #tpu.memory_space<vmem>> -> memref<2x8x128xf32, #tpu.memory_space<vmem>>
        %dma_start3A_497 = arith.constant 0 : i32
        %dma_start3A_498 = arith.constant 0 : i32
        %dma_start3A_499 = tpu.memref_slice %arg2[%dma_start3A_480, %mul3A_479, %dma_start3A_497, %dma_start3A_498] : memref<2x25000x8x128xf32, #tpu.memory_space<hbm>> -> memref<1x2x8x128xf32, #tpu.memory_space<hbm>>
        %dma_start3A_500 = tpu.memref_squeeze %dma_start3A_499 : memref<1x2x8x128xf32, #tpu.memory_space<hbm>> -> memref<2x8x128xf32, #tpu.memory_space<hbm>>
        tpu.enqueue_dma source(%dma_start3A_500 : memref<2x8x128xf32, #tpu.memory_space<hbm>>) target(%dma_start3A_496 : memref<2x8x128xf32, #tpu.memory_space<vmem>>) target_semaphore(%arg11 : memref<!tpu.dma_semaphore, #tpu.memory_space<semaphore_mem>>)
        %dma_start3A_501 = arith.constant 1 : i32
        %dma_start3A_502 = arith.constant 1 : i32
        %dma_start3A_503 = arith.constant 1 : i32
        %dma_start3A_504 = arith.constant 0 : i32
        %dma_start3A_505 = arith.constant 0 : i32
        %dma_start3A_506 = arith.constant 0 : i32
        %dma_start3A_507 = tpu.memref_slice %arg6[%dma_start3A_502, %dma_start3A_503, %dma_start3A_504, %dma_start3A_505, %dma_start3A_506] : memref<2x2x2x8x128xf32, #tpu.memory_space<vmem>> -> memref<1x1x2x8x128xf32, #tpu.memory_space<vmem>>
        %dma_start3A_508 = tpu.memref_squeeze %dma_start3A_507 : memref<1x1x2x8x128xf32, #tpu.memory_space<vmem>> -> memref<2x8x128xf32, #tpu.memory_space<vmem>>
        %dma_start3A_509 = arith.constant 0 : i32
        %dma_start3A_510 = arith.constant 0 : i32
        %dma_start3A_511 = tpu.memref_slice %arg2[%dma_start3A_501, %mul3A_479, %dma_start3A_509, %dma_start3A_510] : memref<2x25000x8x128xf32, #tpu.memory_space<hbm>> -> memref<1x2x8x128xf32, #tpu.memory_space<hbm>>
        %dma_start3A_512 = tpu.memref_squeeze %dma_start3A_511 : memref<1x2x8x128xf32, #tpu.memory_space<hbm>> -> memref<2x8x128xf32, #tpu.memory_space<hbm>>
        %dma_start3A_513 = arith.constant 0 : i32
        %dma_start3A_514 = arith.constant 0 : i32
        %dma_start3A_515 = arith.constant 0 : i32
        %dma_start3A_516 = tpu.memref_slice %arg6[%dma_start3A_502, %dma_start3A_503, %dma_start3A_513, %dma_start3A_514, %dma_start3A_515] : memref<2x2x2x8x128xf32, #tpu.memory_space<vmem>> -> memref<1x1x2x8x128xf32, #tpu.memory_space<vmem>>
        %dma_start3A_517 = tpu.memref_squeeze %dma_start3A_516 : memref<1x1x2x8x128xf32, #tpu.memory_space<vmem>> -> memref<2x8x128xf32, #tpu.memory_space<vmem>>
        %dma_start3A_518 = arith.constant 0 : i32
        %dma_start3A_519 = arith.constant 0 : i32
        %dma_start3A_520 = tpu.memref_slice %arg2[%dma_start3A_501, %mul3A_479, %dma_start3A_518, %dma_start3A_519] : memref<2x25000x8x128xf32, #tpu.memory_space<hbm>> -> memref<1x2x8x128xf32, #tpu.memory_space<hbm>>
        %dma_start3A_521 = tpu.memref_squeeze %dma_start3A_520 : memref<1x2x8x128xf32, #tpu.memory_space<hbm>> -> memref<2x8x128xf32, #tpu.memory_space<hbm>>
        tpu.enqueue_dma source(%dma_start3A_521 : memref<2x8x128xf32, #tpu.memory_space<hbm>>) target(%dma_start3A_517 : memref<2x8x128xf32, #tpu.memory_space<vmem>>) target_semaphore(%arg11 : memref<!tpu.dma_semaphore, #tpu.memory_space<semaphore_mem>>)
        %mul3A_522 = arith.constant 128 : i32
        %mul3A_523 = arith.muli %mul3A_479, %mul3A_522 : i32
        %jit3A_524 = arith.constant 4 : i32
        %eq3A_525 = arith.constant 0 : i32
        %eq3A_526 = arith.cmpi eq, %jit3A_524, %eq3A_525 : i32
        %jit3A_527 = arith.constant 1 : i32
        %select_n3A_528 = arith.select %eq3A_526, %jit3A_527, %jit3A_524 : i32
        %rem3A_529 = arith.remsi %add3A_476, %select_n3A_528 : i32
        %ne3A_530 = arith.constant 0 : i32
        %ne3A_531 = arith.cmpi ne, %rem3A_529, %ne3A_530 : i32
        %lt3A_532 = arith.constant 0 : i32
        %lt3A_533 = arith.cmpi slt, %rem3A_529, %lt3A_532 : i32
        %lt3A_534 = arith.constant 0 : i32
        %lt3A_535 = arith.cmpi slt, %select_n3A_528, %lt3A_534 : i32
        %ne3A_536 = arith.xori %lt3A_533, %lt3A_535 : i1
        %and3A_537 = arith.andi %ne3A_536, %ne3A_531 : i1
        %add3A_538 = arith.addi %rem3A_529, %select_n3A_528 : i32
        %select_n3A_539 = arith.select %and3A_537, %add3A_538, %rem3A_529 : i32
        %dma_start3A_540 = arith.constant 0 : i32
        %dma_start3A_541 = tpu.memref_slice %arg8[%select_n3A_539, %dma_start3A_540] : memref<4x256xi32, #tpu.memory_space<vmem>> -> memref<1x256xi32, #tpu.memory_space<vmem>>
        %dma_start3A_542 = tpu.memref_squeeze %dma_start3A_541 : memref<1x256xi32, #tpu.memory_space<vmem>> -> memref<256xi32, #tpu.memory_space<vmem>>
        %dma_start3A_543 = tpu.memref_slice %arg3[%mul3A_523] : memref<3200000xi32, #tpu.memory_space<hbm>> -> memref<256xi32, #tpu.memory_space<hbm>>
        %dma_start3A_544 = arith.constant 0 : i32
        %dma_start3A_545 = tpu.memref_slice %arg8[%select_n3A_539, %dma_start3A_544] : memref<4x256xi32, #tpu.memory_space<vmem>> -> memref<1x256xi32, #tpu.memory_space<vmem>>
        %dma_start3A_546 = tpu.memref_squeeze %dma_start3A_545 : memref<1x256xi32, #tpu.memory_space<vmem>> -> memref<256xi32, #tpu.memory_space<vmem>>
        %dma_start3A_547 = tpu.memref_slice %arg3[%mul3A_523] : memref<3200000xi32, #tpu.memory_space<hbm>> -> memref<256xi32, #tpu.memory_space<hbm>>
        tpu.enqueue_dma source(%dma_start3A_547 : memref<256xi32, #tpu.memory_space<hbm>>) target(%dma_start3A_546 : memref<256xi32, #tpu.memory_space<vmem>>) target_semaphore(%arg11 : memref<!tpu.dma_semaphore, #tpu.memory_space<semaphore_mem>>)
      } else {
      }
    }
    %while3A_208 = arith.constant 1 : i32
    scf.for %while3A_242 = %while3A_206 to %while3A_202 step %while3A_208  : i32 {
      %mul3A_243 = arith.muli %while3A_242, %while3A : i32
      %add3A_244 = arith.addi %while3A_199, %mul3A_243 : i32
      %mul3A_245 = arith.constant 2 : i32
      %mul3A_246 = arith.muli %mul3A_245, %add3A_244 : i32
      %add3A_247 = arith.constant 0 : i32
      %add3A_248 = arith.addi %mul3A_246, %add3A_247 : i32
      %add3A_249 = arith.addi %mul3A_22, %add3A_248 : i32
      %mul3A_250 = arith.constant 2 : i32
      %mul3A_251 = arith.muli %add3A_249, %mul3A_250 : i32
      %dma_wait3A_252 = arith.constant 0 : i32
      %dma_wait3A_253 = arith.constant 0 : i32
      %dma_wait3A_254 = arith.constant 0 : i32
      %dma_wait3A_255 = arith.constant 0 : i32
      %dma_wait3A_256 = arith.constant 0 : i32
      %dma_wait3A_257 = arith.constant 0 : i32
      %dma_wait3A_258 = tpu.memref_slice %arg6[%dma_wait3A_253, %dma_wait3A_254, %dma_wait3A_255, %dma_wait3A_256, %dma_wait3A_257] : memref<2x2x2x8x128xf32, #tpu.memory_space<vmem>> -> memref<1x1x2x8x128xf32, #tpu.memory_space<vmem>>
      %dma_wait3A_259 = tpu.memref_squeeze %dma_wait3A_258 : memref<1x1x2x8x128xf32, #tpu.memory_space<vmem>> -> memref<2x8x128xf32, #tpu.memory_space<vmem>>
      %dma_wait3A_260 = arith.constant 0 : i32
      %dma_wait3A_261 = arith.constant 0 : i32
      %dma_wait3A_262 = tpu.memref_slice %arg2[%dma_wait3A_252, %mul3A_251, %dma_wait3A_260, %dma_wait3A_261] : memref<2x25000x8x128xf32, #tpu.memory_space<hbm>> -> memref<1x2x8x128xf32, #tpu.memory_space<hbm>>
      %dma_wait3A_263 = tpu.memref_squeeze %dma_wait3A_262 : memref<1x2x8x128xf32, #tpu.memory_space<hbm>> -> memref<2x8x128xf32, #tpu.memory_space<hbm>>
      %dma_wait3A_264 = arith.constant 0 : i32
      %dma_wait3A_265 = arith.constant 0 : i32
      %dma_wait3A_266 = arith.constant 0 : i32
      %dma_wait3A_267 = tpu.memref_slice %arg6[%dma_wait3A_253, %dma_wait3A_254, %dma_wait3A_264, %dma_wait3A_265, %dma_wait3A_266] : memref<2x2x2x8x128xf32, #tpu.memory_space<vmem>> -> memref<1x1x2x8x128xf32, #tpu.memory_space<vmem>>
      %dma_wait3A_268 = tpu.memref_squeeze %dma_wait3A_267 : memref<1x1x2x8x128xf32, #tpu.memory_space<vmem>> -> memref<2x8x128xf32, #tpu.memory_space<vmem>>
      %dma_wait3A_269 = arith.constant 0 : i32
      %dma_wait3A_270 = arith.constant 0 : i32
      %dma_wait3A_271 = tpu.memref_slice %arg2[%dma_wait3A_252, %mul3A_251, %dma_wait3A_269, %dma_wait3A_270] : memref<2x25000x8x128xf32, #tpu.memory_space<hbm>> -> memref<1x2x8x128xf32, #tpu.memory_space<hbm>>
      %dma_wait3A_272 = tpu.memref_squeeze %dma_wait3A_271 : memref<1x2x8x128xf32, #tpu.memory_space<hbm>> -> memref<2x8x128xf32, #tpu.memory_space<hbm>>
      tpu.wait_dma2 semaphore(%arg10 : memref<!tpu.dma_semaphore, #tpu.memory_space<semaphore_mem>>) src(%dma_wait3A_272 : memref<2x8x128xf32, #tpu.memory_space<hbm>>) dst(%dma_wait3A_268 : memref<2x8x128xf32, #tpu.memory_space<vmem>>)
      %dma_wait3A_273 = arith.constant 1 : i32
      %dma_wait3A_274 = arith.constant 0 : i32
      %dma_wait3A_275 = arith.constant 1 : i32
      %dma_wait3A_276 = arith.constant 0 : i32
      %dma_wait3A_277 = arith.constant 0 : i32
      %dma_wait3A_278 = arith.constant 0 : i32
      %dma_wait3A_279 = tpu.memref_slice %arg6[%dma_wait3A_274, %dma_wait3A_275, %dma_wait3A_276, %dma_wait3A_277, %dma_wait3A_278] : memref<2x2x2x8x128xf32, #tpu.memory_space<vmem>> -> memref<1x1x2x8x128xf32, #tpu.memory_space<vmem>>
      %dma_wait3A_280 = tpu.memref_squeeze %dma_wait3A_279 : memref<1x1x2x8x128xf32, #tpu.memory_space<vmem>> -> memref<2x8x128xf32, #tpu.memory_space<vmem>>
      %dma_wait3A_281 = arith.constant 0 : i32
      %dma_wait3A_282 = arith.constant 0 : i32
      %dma_wait3A_283 = tpu.memref_slice %arg2[%dma_wait3A_273, %mul3A_251, %dma_wait3A_281, %dma_wait3A_282] : memref<2x25000x8x128xf32, #tpu.memory_space<hbm>> -> memref<1x2x8x128xf32, #tpu.memory_space<hbm>>
      %dma_wait3A_284 = tpu.memref_squeeze %dma_wait3A_283 : memref<1x2x8x128xf32, #tpu.memory_space<hbm>> -> memref<2x8x128xf32, #tpu.memory_space<hbm>>
      %dma_wait3A_285 = arith.constant 0 : i32
      %dma_wait3A_286 = arith.constant 0 : i32
      %dma_wait3A_287 = arith.constant 0 : i32
      %dma_wait3A_288 = tpu.memref_slice %arg6[%dma_wait3A_274, %dma_wait3A_275, %dma_wait3A_285, %dma_wait3A_286, %dma_wait3A_287] : memref<2x2x2x8x128xf32, #tpu.memory_space<vmem>> -> memref<1x1x2x8x128xf32, #tpu.memory_space<vmem>>
      %dma_wait3A_289 = tpu.memref_squeeze %dma_wait3A_288 : memref<1x1x2x8x128xf32, #tpu.memory_space<vmem>> -> memref<2x8x128xf32, #tpu.memory_space<vmem>>
      %dma_wait3A_290 = arith.constant 0 : i32
      %dma_wait3A_291 = arith.constant 0 : i32
      %dma_wait3A_292 = tpu.memref_slice %arg2[%dma_wait3A_273, %mul3A_251, %dma_wait3A_290, %dma_wait3A_291] : memref<2x25000x8x128xf32, #tpu.memory_space<hbm>> -> memref<1x2x8x128xf32, #tpu.memory_space<hbm>>
      %dma_wait3A_293 = tpu.memref_squeeze %dma_wait3A_292 : memref<1x2x8x128xf32, #tpu.memory_space<hbm>> -> memref<2x8x128xf32, #tpu.memory_space<hbm>>
      tpu.wait_dma2 semaphore(%arg10 : memref<!tpu.dma_semaphore, #tpu.memory_space<semaphore_mem>>) src(%dma_wait3A_293 : memref<2x8x128xf32, #tpu.memory_space<hbm>>) dst(%dma_wait3A_289 : memref<2x8x128xf32, #tpu.memory_space<vmem>>)
      %mul3A_294 = arith.constant 128 : i32
      %mul3A_295 = arith.muli %mul3A_251, %mul3A_294 : i32
      %jit3A_296 = arith.constant 4 : i32
      %eq3A = arith.constant 0 : i32
      %eq3A_297 = arith.cmpi eq, %jit3A_296, %eq3A : i32
      %jit3A_298 = arith.constant 1 : i32
      %select_n3A_299 = arith.select %eq3A_297, %jit3A_298, %jit3A_296 : i32
      %rem3A_300 = arith.remsi %add3A_248, %select_n3A_299 : i32
      %ne3A_301 = arith.constant 0 : i32
      %ne3A_302 = arith.cmpi ne, %rem3A_300, %ne3A_301 : i32
      %lt3A = arith.constant 0 : i32
      %lt3A_303 = arith.cmpi slt, %rem3A_300, %lt3A : i32
      %lt3A_304 = arith.constant 0 : i32
      %lt3A_305 = arith.cmpi slt, %select_n3A_299, %lt3A_304 : i32
      %ne3A_306 = arith.xori %lt3A_303, %lt3A_305 : i1
      %and3A_307 = arith.andi %ne3A_306, %ne3A_302 : i1
      %add3A_308 = arith.addi %rem3A_300, %select_n3A_299 : i32
      %select_n3A_309 = arith.select %and3A_307, %add3A_308, %rem3A_300 : i32
      %dma_wait3A_310 = arith.constant 0 : i32
      %dma_wait3A_311 = tpu.memref_slice %arg8[%select_n3A_309, %dma_wait3A_310] : memref<4x256xi32, #tpu.memory_space<vmem>> -> memref<1x256xi32, #tpu.memory_space<vmem>>
      %dma_wait3A_312 = tpu.memref_squeeze %dma_wait3A_311 : memref<1x256xi32, #tpu.memory_space<vmem>> -> memref<256xi32, #tpu.memory_space<vmem>>
      %dma_wait3A_313 = tpu.memref_slice %arg3[%mul3A_295] : memref<3200000xi32, #tpu.memory_space<hbm>> -> memref<256xi32, #tpu.memory_space<hbm>>
      %dma_wait3A_314 = arith.constant 0 : i32
      %dma_wait3A_315 = tpu.memref_slice %arg8[%select_n3A_309, %dma_wait3A_314] : memref<4x256xi32, #tpu.memory_space<vmem>> -> memref<1x256xi32, #tpu.memory_space<vmem>>
      %dma_wait3A_316 = tpu.memref_squeeze %dma_wait3A_315 : memref<1x256xi32, #tpu.memory_space<vmem>> -> memref<256xi32, #tpu.memory_space<vmem>>
      %dma_wait3A_317 = tpu.memref_slice %arg3[%mul3A_295] : memref<3200000xi32, #tpu.memory_space<hbm>> -> memref<256xi32, #tpu.memory_space<hbm>>
      tpu.wait_dma2 semaphore(%arg10 : memref<!tpu.dma_semaphore, #tpu.memory_space<semaphore_mem>>) src(%dma_wait3A_317 : memref<256xi32, #tpu.memory_space<hbm>>) dst(%dma_wait3A_316 : memref<256xi32, #tpu.memory_space<vmem>>)
      %ge3A = arith.constant 2 : i32
      %ge3A_318 = arith.cmpi sge, %add3A_248, %ge3A : i32
      %convert_element_type3A = arith.extui %ge3A_318 : i1 to i32
      %cond3A = arith.constant 0 : i32
      %cond3A_319 = arith.cmpi ne, %convert_element_type3A, %cond3A : i32
      scf.if %cond3A_319 {
        %dma_wait3A_475 = arith.constant 0 : i32
        %dma_wait3A_476 = arith.constant 0 : i32
        %dma_wait3A_477 = arith.constant 0 : i32
        %dma_wait3A_478 = tpu.memref_slice %arg7[%dma_wait3A_475, %dma_wait3A_476, %dma_wait3A_477] : memref<2x256x16xf32, #tpu.memory_space<vmem>> -> memref<1x256x16xf32, #tpu.memory_space<vmem>>
        %dma_wait3A_479 = tpu.memref_squeeze %dma_wait3A_478 : memref<1x256x16xf32, #tpu.memory_space<vmem>> -> memref<256x16xf32, #tpu.memory_space<vmem>>
        %dma_wait3A_480 = arith.constant 0 : i32
        %dma_wait3A_481 = arith.constant 0 : i32
        %dma_wait3A_482 = tpu.memref_slice %arg9[%dma_wait3A_480, %dma_wait3A_481] : memref<100096x16xf32, #tpu.memory_space<vmem_shared>> -> memref<256x16xf32, #tpu.memory_space<vmem_shared>>
        %dma_wait3A_483 = arith.constant 0 : i32
        %dma_wait3A_484 = arith.constant 0 : i32
        %dma_wait3A_485 = tpu.memref_slice %arg9[%dma_wait3A_483, %dma_wait3A_484] : memref<100096x16xf32, #tpu.memory_space<vmem_shared>> -> memref<256x16xf32, #tpu.memory_space<vmem_shared>>
        %dma_wait3A_486 = arith.constant 0 : i32
        %dma_wait3A_487 = arith.constant 0 : i32
        %dma_wait3A_488 = tpu.memref_slice %arg7[%dma_wait3A_475, %dma_wait3A_486, %dma_wait3A_487] : memref<2x256x16xf32, #tpu.memory_space<vmem>> -> memref<1x256x16xf32, #tpu.memory_space<vmem>>
        %dma_wait3A_489 = tpu.memref_squeeze %dma_wait3A_488 : memref<1x256x16xf32, #tpu.memory_space<vmem>> -> memref<256x16xf32, #tpu.memory_space<vmem>>
        tpu.wait_dma2 semaphore(%arg12 : memref<!tpu.dma_semaphore, #tpu.memory_space<semaphore_mem>>) src(%dma_wait3A_489 : memref<256x16xf32, #tpu.memory_space<vmem>>) dst(%dma_wait3A_485 : memref<256x16xf32, #tpu.memory_space<vmem_shared>>)
      } else {
      }
      %scan3A = arith.constant 0 : i32
      %scan3A_320 = arith.constant 8 : i32
      %scan3A_321 = arith.addi %scan3A, %scan3A_320 : i32
      %scan3A_322 = arith.constant 1 : i32
      scf.for %scan3A_475 = %scan3A to %scan3A_321 step %scan3A_322  : i32 {
        %mul3A_476 = arith.constant 1 : i32
        %mul3A_477 = arith.muli %scan3A_475, %mul3A_476 : i32
        %add3A_478 = arith.constant 0 : i32
        %add3A_479 = arith.addi %add3A_478, %mul3A_477 : i32
        %mul3A_480 = arith.constant 16 : i32
        %mul3A_481 = arith.muli %add3A_479, %mul3A_480 : i32
        %iota3A = tpu.iota {dimensions = array<i32: 0>} : vector<16xi32>
        %add3A_482 = arith.constant 0 : i32
        %add3A_483 = arith.addi %add3A_482, %mul3A_481 : i32
        %add3A_484 = vector.broadcast %add3A_483 : i32 to vector<16xi32>
        %add3A_485 = arith.addi %add3A_484, %iota3A : vector<16xi32>
        %get3A = arith.constant 0 : i32
        %get3A_486 = arith.constant 0 : i32
        %get3A_487 = arith.constant 0 : i32
        %get3A_488 = arith.constant 0 : i32
        %get3A_489 = arith.constant 0 : i32
        %get3A_490 = tpu.memref_slice %arg6[%get3A, %get3A_486, %get3A_487, %get3A_488, %get3A_489] : memref<2x2x2x8x128xf32, #tpu.memory_space<vmem>> -> memref<1x1x1x1x128xf32, #tpu.memory_space<vmem>>
        %get3A_491 = tpu.memref_squeeze %get3A_490 : memref<1x1x1x1x128xf32, #tpu.memory_space<vmem>> -> memref<128xf32, #tpu.memory_space<vmem>>
        %get3A_492 = arith.index_cast %mul3A_481 : i32 to index
        %get3A_493 = tpu.vector_load %get3A_491[%get3A_492] {strides = array<i32>} : memref<128xf32, #tpu.memory_space<vmem>>, vector<16xf32>,
        %broadcast_in_dim3A = arith.constant 0 : i32
        %broadcast_in_dim3A_494 = vector.broadcast %broadcast_in_dim3A : i32 to vector<16xi32>
        %scatter3A = arith.constant 0 : i32
        %scatter3A_495 = arith.constant 0 : i32
        %scatter3A_496 = arith.constant 0 : i32
        %scatter3A_497 = tpu.memref_slice %arg7[%scatter3A, %scatter3A_495, %scatter3A_496] : memref<2x256x16xf32, #tpu.memory_space<vmem>> -> memref<1x256x16xf32, #tpu.memory_space<vmem>>
        %scatter3A_498 = tpu.memref_squeeze %scatter3A_497 : memref<1x256x16xf32, #tpu.memory_space<vmem>> -> memref<256x16xf32, #tpu.memory_space<vmem>>
        tpu.vector_store_idx %scatter3A_498[%add3A_485, %broadcast_in_dim3A_494], %get3A_493 : memref<256x16xf32, #tpu.memory_space<vmem>>[vector<16xi32>, vector<16xi32>], vector<16xf32>,
        %get3A_499 = arith.constant 0 : i32
        %get3A_500 = arith.constant 0 : i32
        %get3A_501 = arith.constant 0 : i32
        %get3A_502 = arith.constant 1 : i32
        %get3A_503 = arith.constant 0 : i32
        %get3A_504 = tpu.memref_slice %arg6[%get3A_499, %get3A_500, %get3A_501, %get3A_502, %get3A_503] : memref<2x2x2x8x128xf32, #tpu.memory_space<vmem>> -> memref<1x1x1x1x128xf32, #tpu.memory_space<vmem>>
        %get3A_505 = tpu.memref_squeeze %get3A_504 : memref<1x1x1x1x128xf32, #tpu.memory_space<vmem>> -> memref<128xf32, #tpu.memory_space<vmem>>
        %get3A_506 = arith.index_cast %mul3A_481 : i32 to index
        %get3A_507 = tpu.vector_load %get3A_505[%get3A_506] {strides = array<i32>} : memref<128xf32, #tpu.memory_space<vmem>>, vector<16xf32>,
        %broadcast_in_dim3A_508 = arith.constant 1 : i32
        %broadcast_in_dim3A_509 = vector.broadcast %broadcast_in_dim3A_508 : i32 to vector<16xi32>
        %scatter3A_510 = arith.constant 0 : i32
        %scatter3A_511 = arith.constant 0 : i32
        %scatter3A_512 = arith.constant 0 : i32
        %scatter3A_513 = tpu.memref_slice %arg7[%scatter3A_510, %scatter3A_511, %scatter3A_512] : memref<2x256x16xf32, #tpu.memory_space<vmem>> -> memref<1x256x16xf32, #tpu.memory_space<vmem>>
        %scatter3A_514 = tpu.memref_squeeze %scatter3A_513 : memref<1x256x16xf32, #tpu.memory_space<vmem>> -> memref<256x16xf32, #tpu.memory_space<vmem>>
        tpu.vector_store_idx %scatter3A_514[%add3A_485, %broadcast_in_dim3A_509], %get3A_507 : memref<256x16xf32, #tpu.memory_space<vmem>>[vector<16xi32>, vector<16xi32>], vector<16xf32>,
        %get3A_515 = arith.constant 0 : i32
        %get3A_516 = arith.constant 0 : i32
        %get3A_517 = arith.constant 0 : i32
        %get3A_518 = arith.constant 2 : i32
        %get3A_519 = arith.constant 0 : i32
        %get3A_520 = tpu.memref_slice %arg6[%get3A_515, %get3A_516, %get3A_517, %get3A_518, %get3A_519] : memref<2x2x2x8x128xf32, #tpu.memory_space<vmem>> -> memref<1x1x1x1x128xf32, #tpu.memory_space<vmem>>
        %get3A_521 = tpu.memref_squeeze %get3A_520 : memref<1x1x1x1x128xf32, #tpu.memory_space<vmem>> -> memref<128xf32, #tpu.memory_space<vmem>>
        %get3A_522 = arith.index_cast %mul3A_481 : i32 to index
        %get3A_523 = tpu.vector_load %get3A_521[%get3A_522] {strides = array<i32>} : memref<128xf32, #tpu.memory_space<vmem>>, vector<16xf32>,
        %broadcast_in_dim3A_524 = arith.constant 2 : i32
        %broadcast_in_dim3A_525 = vector.broadcast %broadcast_in_dim3A_524 : i32 to vector<16xi32>
        %scatter3A_526 = arith.constant 0 : i32
        %scatter3A_527 = arith.constant 0 : i32
        %scatter3A_528 = arith.constant 0 : i32
        %scatter3A_529 = tpu.memref_slice %arg7[%scatter3A_526, %scatter3A_527, %scatter3A_528] : memref<2x256x16xf32, #tpu.memory_space<vmem>> -> memref<1x256x16xf32, #tpu.memory_space<vmem>>
        %scatter3A_530 = tpu.memref_squeeze %scatter3A_529 : memref<1x256x16xf32, #tpu.memory_space<vmem>> -> memref<256x16xf32, #tpu.memory_space<vmem>>
        tpu.vector_store_idx %scatter3A_530[%add3A_485, %broadcast_in_dim3A_525], %get3A_523 : memref<256x16xf32, #tpu.memory_space<vmem>>[vector<16xi32>, vector<16xi32>], vector<16xf32>,
        %get3A_531 = arith.constant 0 : i32
        %get3A_532 = arith.constant 0 : i32
        %get3A_533 = arith.constant 0 : i32
        %get3A_534 = arith.constant 3 : i32
        %get3A_535 = arith.constant 0 : i32
        %get3A_536 = tpu.memref_slice %arg6[%get3A_531, %get3A_532, %get3A_533, %get3A_534, %get3A_535] : memref<2x2x2x8x128xf32, #tpu.memory_space<vmem>> -> memref<1x1x1x1x128xf32, #tpu.memory_space<vmem>>
        %get3A_537 = tpu.memref_squeeze %get3A_536 : memref<1x1x1x1x128xf32, #tpu.memory_space<vmem>> -> memref<128xf32, #tpu.memory_space<vmem>>
        %get3A_538 = arith.index_cast %mul3A_481 : i32 to index
        %get3A_539 = tpu.vector_load %get3A_537[%get3A_538] {strides = array<i32>} : memref<128xf32, #tpu.memory_space<vmem>>, vector<16xf32>,
        %broadcast_in_dim3A_540 = arith.constant 3 : i32
        %broadcast_in_dim3A_541 = vector.broadcast %broadcast_in_dim3A_540 : i32 to vector<16xi32>
        %scatter3A_542 = arith.constant 0 : i32
        %scatter3A_543 = arith.constant 0 : i32
        %scatter3A_544 = arith.constant 0 : i32
        %scatter3A_545 = tpu.memref_slice %arg7[%scatter3A_542, %scatter3A_543, %scatter3A_544] : memref<2x256x16xf32, #tpu.memory_space<vmem>> -> memref<1x256x16xf32, #tpu.memory_space<vmem>>
        %scatter3A_546 = tpu.memref_squeeze %scatter3A_545 : memref<1x256x16xf32, #tpu.memory_space<vmem>> -> memref<256x16xf32, #tpu.memory_space<vmem>>
        tpu.vector_store_idx %scatter3A_546[%add3A_485, %broadcast_in_dim3A_541], %get3A_539 : memref<256x16xf32, #tpu.memory_space<vmem>>[vector<16xi32>, vector<16xi32>], vector<16xf32>,
        %get3A_547 = arith.constant 0 : i32
        %get3A_548 = arith.constant 0 : i32
        %get3A_549 = arith.constant 0 : i32
        %get3A_550 = arith.constant 4 : i32
        %get3A_551 = arith.constant 0 : i32
        %get3A_552 = tpu.memref_slice %arg6[%get3A_547, %get3A_548, %get3A_549, %get3A_550, %get3A_551] : memref<2x2x2x8x128xf32, #tpu.memory_space<vmem>> -> memref<1x1x1x1x128xf32, #tpu.memory_space<vmem>>
        %get3A_553 = tpu.memref_squeeze %get3A_552 : memref<1x1x1x1x128xf32, #tpu.memory_space<vmem>> -> memref<128xf32, #tpu.memory_space<vmem>>
        %get3A_554 = arith.index_cast %mul3A_481 : i32 to index
        %get3A_555 = tpu.vector_load %get3A_553[%get3A_554] {strides = array<i32>} : memref<128xf32, #tpu.memory_space<vmem>>, vector<16xf32>,
        %broadcast_in_dim3A_556 = arith.constant 4 : i32
        %broadcast_in_dim3A_557 = vector.broadcast %broadcast_in_dim3A_556 : i32 to vector<16xi32>
        %scatter3A_558 = arith.constant 0 : i32
        %scatter3A_559 = arith.constant 0 : i32
        %scatter3A_560 = arith.constant 0 : i32
        %scatter3A_561 = tpu.memref_slice %arg7[%scatter3A_558, %scatter3A_559, %scatter3A_560] : memref<2x256x16xf32, #tpu.memory_space<vmem>> -> memref<1x256x16xf32, #tpu.memory_space<vmem>>
        %scatter3A_562 = tpu.memref_squeeze %scatter3A_561 : memref<1x256x16xf32, #tpu.memory_space<vmem>> -> memref<256x16xf32, #tpu.memory_space<vmem>>
        tpu.vector_store_idx %scatter3A_562[%add3A_485, %broadcast_in_dim3A_557], %get3A_555 : memref<256x16xf32, #tpu.memory_space<vmem>>[vector<16xi32>, vector<16xi32>], vector<16xf32>,
        %get3A_563 = arith.constant 0 : i32
        %get3A_564 = arith.constant 0 : i32
        %get3A_565 = arith.constant 0 : i32
        %get3A_566 = arith.constant 5 : i32
        %get3A_567 = arith.constant 0 : i32
        %get3A_568 = tpu.memref_slice %arg6[%get3A_563, %get3A_564, %get3A_565, %get3A_566, %get3A_567] : memref<2x2x2x8x128xf32, #tpu.memory_space<vmem>> -> memref<1x1x1x1x128xf32, #tpu.memory_space<vmem>>
        %get3A_569 = tpu.memref_squeeze %get3A_568 : memref<1x1x1x1x128xf32, #tpu.memory_space<vmem>> -> memref<128xf32, #tpu.memory_space<vmem>>
        %get3A_570 = arith.index_cast %mul3A_481 : i32 to index
        %get3A_571 = tpu.vector_load %get3A_569[%get3A_570] {strides = array<i32>} : memref<128xf32, #tpu.memory_space<vmem>>, vector<16xf32>,
        %broadcast_in_dim3A_572 = arith.constant 5 : i32
        %broadcast_in_dim3A_573 = vector.broadcast %broadcast_in_dim3A_572 : i32 to vector<16xi32>
        %scatter3A_574 = arith.constant 0 : i32
        %scatter3A_575 = arith.constant 0 : i32
        %scatter3A_576 = arith.constant 0 : i32
        %scatter3A_577 = tpu.memref_slice %arg7[%scatter3A_574, %scatter3A_575, %scatter3A_576] : memref<2x256x16xf32, #tpu.memory_space<vmem>> -> memref<1x256x16xf32, #tpu.memory_space<vmem>>
        %scatter3A_578 = tpu.memref_squeeze %scatter3A_577 : memref<1x256x16xf32, #tpu.memory_space<vmem>> -> memref<256x16xf32, #tpu.memory_space<vmem>>
        tpu.vector_store_idx %scatter3A_578[%add3A_485, %broadcast_in_dim3A_573], %get3A_571 : memref<256x16xf32, #tpu.memory_space<vmem>>[vector<16xi32>, vector<16xi32>], vector<16xf32>,
        %get3A_579 = arith.constant 0 : i32
        %get3A_580 = arith.constant 0 : i32
        %get3A_581 = arith.constant 0 : i32
        %get3A_582 = arith.constant 6 : i32
        %get3A_583 = arith.constant 0 : i32
        %get3A_584 = tpu.memref_slice %arg6[%get3A_579, %get3A_580, %get3A_581, %get3A_582, %get3A_583] : memref<2x2x2x8x128xf32, #tpu.memory_space<vmem>> -> memref<1x1x1x1x128xf32, #tpu.memory_space<vmem>>
        %get3A_585 = tpu.memref_squeeze %get3A_584 : memref<1x1x1x1x128xf32, #tpu.memory_space<vmem>> -> memref<128xf32, #tpu.memory_space<vmem>>
        %get3A_586 = arith.index_cast %mul3A_481 : i32 to index
        %get3A_587 = tpu.vector_load %get3A_585[%get3A_586] {strides = array<i32>} : memref<128xf32, #tpu.memory_space<vmem>>, vector<16xf32>,
        %broadcast_in_dim3A_588 = arith.constant 6 : i32
        %broadcast_in_dim3A_589 = vector.broadcast %broadcast_in_dim3A_588 : i32 to vector<16xi32>
        %scatter3A_590 = arith.constant 0 : i32
        %scatter3A_591 = arith.constant 0 : i32
        %scatter3A_592 = arith.constant 0 : i32
        %scatter3A_593 = tpu.memref_slice %arg7[%scatter3A_590, %scatter3A_591, %scatter3A_592] : memref<2x256x16xf32, #tpu.memory_space<vmem>> -> memref<1x256x16xf32, #tpu.memory_space<vmem>>
        %scatter3A_594 = tpu.memref_squeeze %scatter3A_593 : memref<1x256x16xf32, #tpu.memory_space<vmem>> -> memref<256x16xf32, #tpu.memory_space<vmem>>
        tpu.vector_store_idx %scatter3A_594[%add3A_485, %broadcast_in_dim3A_589], %get3A_587 : memref<256x16xf32, #tpu.memory_space<vmem>>[vector<16xi32>, vector<16xi32>], vector<16xf32>,
        %get3A_595 = arith.constant 0 : i32
        %get3A_596 = arith.constant 0 : i32
        %get3A_597 = arith.constant 0 : i32
        %get3A_598 = arith.constant 7 : i32
        %get3A_599 = arith.constant 0 : i32
        %get3A_600 = tpu.memref_slice %arg6[%get3A_595, %get3A_596, %get3A_597, %get3A_598, %get3A_599] : memref<2x2x2x8x128xf32, #tpu.memory_space<vmem>> -> memref<1x1x1x1x128xf32, #tpu.memory_space<vmem>>
        %get3A_601 = tpu.memref_squeeze %get3A_600 : memref<1x1x1x1x128xf32, #tpu.memory_space<vmem>> -> memref<128xf32, #tpu.memory_space<vmem>>
        %get3A_602 = arith.index_cast %mul3A_481 : i32 to index
        %get3A_603 = tpu.vector_load %get3A_601[%get3A_602] {strides = array<i32>} : memref<128xf32, #tpu.memory_space<vmem>>, vector<16xf32>,
        %broadcast_in_dim3A_604 = arith.constant 7 : i32
        %broadcast_in_dim3A_605 = vector.broadcast %broadcast_in_dim3A_604 : i32 to vector<16xi32>
        %scatter3A_606 = arith.constant 0 : i32
        %scatter3A_607 = arith.constant 0 : i32
        %scatter3A_608 = arith.constant 0 : i32
        %scatter3A_609 = tpu.memref_slice %arg7[%scatter3A_606, %scatter3A_607, %scatter3A_608] : memref<2x256x16xf32, #tpu.memory_space<vmem>> -> memref<1x256x16xf32, #tpu.memory_space<vmem>>
        %scatter3A_610 = tpu.memref_squeeze %scatter3A_609 : memref<1x256x16xf32, #tpu.memory_space<vmem>> -> memref<256x16xf32, #tpu.memory_space<vmem>>
        tpu.vector_store_idx %scatter3A_610[%add3A_485, %broadcast_in_dim3A_605], %get3A_603 : memref<256x16xf32, #tpu.memory_space<vmem>>[vector<16xi32>, vector<16xi32>], vector<16xf32>,
        %get3A_611 = arith.constant 0 : i32
        %get3A_612 = arith.constant 1 : i32
        %get3A_613 = arith.constant 0 : i32
        %get3A_614 = arith.constant 0 : i32
        %get3A_615 = arith.constant 0 : i32
        %get3A_616 = tpu.memref_slice %arg6[%get3A_611, %get3A_612, %get3A_613, %get3A_614, %get3A_615] : memref<2x2x2x8x128xf32, #tpu.memory_space<vmem>> -> memref<1x1x1x1x128xf32, #tpu.memory_space<vmem>>
        %get3A_617 = tpu.memref_squeeze %get3A_616 : memref<1x1x1x1x128xf32, #tpu.memory_space<vmem>> -> memref<128xf32, #tpu.memory_space<vmem>>
        %get3A_618 = arith.index_cast %mul3A_481 : i32 to index
        %get3A_619 = tpu.vector_load %get3A_617[%get3A_618] {strides = array<i32>} : memref<128xf32, #tpu.memory_space<vmem>>, vector<16xf32>,
        %broadcast_in_dim3A_620 = arith.constant 8 : i32
        %broadcast_in_dim3A_621 = vector.broadcast %broadcast_in_dim3A_620 : i32 to vector<16xi32>
        %scatter3A_622 = arith.constant 0 : i32
        %scatter3A_623 = arith.constant 0 : i32
        %scatter3A_624 = arith.constant 0 : i32
        %scatter3A_625 = tpu.memref_slice %arg7[%scatter3A_622, %scatter3A_623, %scatter3A_624] : memref<2x256x16xf32, #tpu.memory_space<vmem>> -> memref<1x256x16xf32, #tpu.memory_space<vmem>>
        %scatter3A_626 = tpu.memref_squeeze %scatter3A_625 : memref<1x256x16xf32, #tpu.memory_space<vmem>> -> memref<256x16xf32, #tpu.memory_space<vmem>>
        tpu.vector_store_idx %scatter3A_626[%add3A_485, %broadcast_in_dim3A_621], %get3A_619 : memref<256x16xf32, #tpu.memory_space<vmem>>[vector<16xi32>, vector<16xi32>], vector<16xf32>,
        %get3A_627 = arith.constant 0 : i32
        %get3A_628 = arith.constant 1 : i32
        %get3A_629 = arith.constant 0 : i32
        %get3A_630 = arith.constant 1 : i32
        %get3A_631 = arith.constant 0 : i32
        %get3A_632 = tpu.memref_slice %arg6[%get3A_627, %get3A_628, %get3A_629, %get3A_630, %get3A_631] : memref<2x2x2x8x128xf32, #tpu.memory_space<vmem>> -> memref<1x1x1x1x128xf32, #tpu.memory_space<vmem>>
        %get3A_633 = tpu.memref_squeeze %get3A_632 : memref<1x1x1x1x128xf32, #tpu.memory_space<vmem>> -> memref<128xf32, #tpu.memory_space<vmem>>
        %get3A_634 = arith.index_cast %mul3A_481 : i32 to index
        %get3A_635 = tpu.vector_load %get3A_633[%get3A_634] {strides = array<i32>} : memref<128xf32, #tpu.memory_space<vmem>>, vector<16xf32>,
        %broadcast_in_dim3A_636 = arith.constant 9 : i32
        %broadcast_in_dim3A_637 = vector.broadcast %broadcast_in_dim3A_636 : i32 to vector<16xi32>
        %scatter3A_638 = arith.constant 0 : i32
        %scatter3A_639 = arith.constant 0 : i32
        %scatter3A_640 = arith.constant 0 : i32
        %scatter3A_641 = tpu.memref_slice %arg7[%scatter3A_638, %scatter3A_639, %scatter3A_640] : memref<2x256x16xf32, #tpu.memory_space<vmem>> -> memref<1x256x16xf32, #tpu.memory_space<vmem>>
        %scatter3A_642 = tpu.memref_squeeze %scatter3A_641 : memref<1x256x16xf32, #tpu.memory_space<vmem>> -> memref<256x16xf32, #tpu.memory_space<vmem>>
        tpu.vector_store_idx %scatter3A_642[%add3A_485, %broadcast_in_dim3A_637], %get3A_635 : memref<256x16xf32, #tpu.memory_space<vmem>>[vector<16xi32>, vector<16xi32>], vector<16xf32>,
        %get3A_643 = arith.constant 0 : i32
        %get3A_644 = arith.constant 1 : i32
        %get3A_645 = arith.constant 0 : i32
        %get3A_646 = arith.constant 2 : i32
        %get3A_647 = arith.constant 0 : i32
        %get3A_648 = tpu.memref_slice %arg6[%get3A_643, %get3A_644, %get3A_645, %get3A_646, %get3A_647] : memref<2x2x2x8x128xf32, #tpu.memory_space<vmem>> -> memref<1x1x1x1x128xf32, #tpu.memory_space<vmem>>
        %get3A_649 = tpu.memref_squeeze %get3A_648 : memref<1x1x1x1x128xf32, #tpu.memory_space<vmem>> -> memref<128xf32, #tpu.memory_space<vmem>>
        %get3A_650 = arith.index_cast %mul3A_481 : i32 to index
        %get3A_651 = tpu.vector_load %get3A_649[%get3A_650] {strides = array<i32>} : memref<128xf32, #tpu.memory_space<vmem>>, vector<16xf32>,
        %broadcast_in_dim3A_652 = arith.constant 10 : i32
        %broadcast_in_dim3A_653 = vector.broadcast %broadcast_in_dim3A_652 : i32 to vector<16xi32>
        %scatter3A_654 = arith.constant 0 : i32
        %scatter3A_655 = arith.constant 0 : i32
        %scatter3A_656 = arith.constant 0 : i32
        %scatter3A_657 = tpu.memref_slice %arg7[%scatter3A_654, %scatter3A_655, %scatter3A_656] : memref<2x256x16xf32, #tpu.memory_space<vmem>> -> memref<1x256x16xf32, #tpu.memory_space<vmem>>
        %scatter3A_658 = tpu.memref_squeeze %scatter3A_657 : memref<1x256x16xf32, #tpu.memory_space<vmem>> -> memref<256x16xf32, #tpu.memory_space<vmem>>
        tpu.vector_store_idx %scatter3A_658[%add3A_485, %broadcast_in_dim3A_653], %get3A_651 : memref<256x16xf32, #tpu.memory_space<vmem>>[vector<16xi32>, vector<16xi32>], vector<16xf32>,
        %get3A_659 = arith.constant 0 : i32
        %get3A_660 = arith.constant 1 : i32
        %get3A_661 = arith.constant 0 : i32
        %get3A_662 = arith.constant 3 : i32
        %get3A_663 = arith.constant 0 : i32
        %get3A_664 = tpu.memref_slice %arg6[%get3A_659, %get3A_660, %get3A_661, %get3A_662, %get3A_663] : memref<2x2x2x8x128xf32, #tpu.memory_space<vmem>> -> memref<1x1x1x1x128xf32, #tpu.memory_space<vmem>>
        %get3A_665 = tpu.memref_squeeze %get3A_664 : memref<1x1x1x1x128xf32, #tpu.memory_space<vmem>> -> memref<128xf32, #tpu.memory_space<vmem>>
        %get3A_666 = arith.index_cast %mul3A_481 : i32 to index
        %get3A_667 = tpu.vector_load %get3A_665[%get3A_666] {strides = array<i32>} : memref<128xf32, #tpu.memory_space<vmem>>, vector<16xf32>,
        %broadcast_in_dim3A_668 = arith.constant 11 : i32
        %broadcast_in_dim3A_669 = vector.broadcast %broadcast_in_dim3A_668 : i32 to vector<16xi32>
        %scatter3A_670 = arith.constant 0 : i32
        %scatter3A_671 = arith.constant 0 : i32
        %scatter3A_672 = arith.constant 0 : i32
        %scatter3A_673 = tpu.memref_slice %arg7[%scatter3A_670, %scatter3A_671, %scatter3A_672] : memref<2x256x16xf32, #tpu.memory_space<vmem>> -> memref<1x256x16xf32, #tpu.memory_space<vmem>>
        %scatter3A_674 = tpu.memref_squeeze %scatter3A_673 : memref<1x256x16xf32, #tpu.memory_space<vmem>> -> memref<256x16xf32, #tpu.memory_space<vmem>>
        tpu.vector_store_idx %scatter3A_674[%add3A_485, %broadcast_in_dim3A_669], %get3A_667 : memref<256x16xf32, #tpu.memory_space<vmem>>[vector<16xi32>, vector<16xi32>], vector<16xf32>,
        %get3A_675 = arith.constant 0 : i32
        %get3A_676 = arith.constant 1 : i32
        %get3A_677 = arith.constant 0 : i32
        %get3A_678 = arith.constant 4 : i32
        %get3A_679 = arith.constant 0 : i32
        %get3A_680 = tpu.memref_slice %arg6[%get3A_675, %get3A_676, %get3A_677, %get3A_678, %get3A_679] : memref<2x2x2x8x128xf32, #tpu.memory_space<vmem>> -> memref<1x1x1x1x128xf32, #tpu.memory_space<vmem>>
        %get3A_681 = tpu.memref_squeeze %get3A_680 : memref<1x1x1x1x128xf32, #tpu.memory_space<vmem>> -> memref<128xf32, #tpu.memory_space<vmem>>
        %get3A_682 = arith.index_cast %mul3A_481 : i32 to index
        %get3A_683 = tpu.vector_load %get3A_681[%get3A_682] {strides = array<i32>} : memref<128xf32, #tpu.memory_space<vmem>>, vector<16xf32>,
        %broadcast_in_dim3A_684 = arith.constant 12 : i32
        %broadcast_in_dim3A_685 = vector.broadcast %broadcast_in_dim3A_684 : i32 to vector<16xi32>
        %scatter3A_686 = arith.constant 0 : i32
        %scatter3A_687 = arith.constant 0 : i32
        %scatter3A_688 = arith.constant 0 : i32
        %scatter3A_689 = tpu.memref_slice %arg7[%scatter3A_686, %scatter3A_687, %scatter3A_688] : memref<2x256x16xf32, #tpu.memory_space<vmem>> -> memref<1x256x16xf32, #tpu.memory_space<vmem>>
        %scatter3A_690 = tpu.memref_squeeze %scatter3A_689 : memref<1x256x16xf32, #tpu.memory_space<vmem>> -> memref<256x16xf32, #tpu.memory_space<vmem>>
        tpu.vector_store_idx %scatter3A_690[%add3A_485, %broadcast_in_dim3A_685], %get3A_683 : memref<256x16xf32, #tpu.memory_space<vmem>>[vector<16xi32>, vector<16xi32>], vector<16xf32>,
        %get3A_691 = arith.constant 0 : i32
        %get3A_692 = arith.constant 1 : i32
        %get3A_693 = arith.constant 0 : i32
        %get3A_694 = arith.constant 5 : i32
        %get3A_695 = arith.constant 0 : i32
        %get3A_696 = tpu.memref_slice %arg6[%get3A_691, %get3A_692, %get3A_693, %get3A_694, %get3A_695] : memref<2x2x2x8x128xf32, #tpu.memory_space<vmem>> -> memref<1x1x1x1x128xf32, #tpu.memory_space<vmem>>
        %get3A_697 = tpu.memref_squeeze %get3A_696 : memref<1x1x1x1x128xf32, #tpu.memory_space<vmem>> -> memref<128xf32, #tpu.memory_space<vmem>>
        %get3A_698 = arith.index_cast %mul3A_481 : i32 to index
        %get3A_699 = tpu.vector_load %get3A_697[%get3A_698] {strides = array<i32>} : memref<128xf32, #tpu.memory_space<vmem>>, vector<16xf32>,
        %broadcast_in_dim3A_700 = arith.constant 13 : i32
        %broadcast_in_dim3A_701 = vector.broadcast %broadcast_in_dim3A_700 : i32 to vector<16xi32>
        %scatter3A_702 = arith.constant 0 : i32
        %scatter3A_703 = arith.constant 0 : i32
        %scatter3A_704 = arith.constant 0 : i32
        %scatter3A_705 = tpu.memref_slice %arg7[%scatter3A_702, %scatter3A_703, %scatter3A_704] : memref<2x256x16xf32, #tpu.memory_space<vmem>> -> memref<1x256x16xf32, #tpu.memory_space<vmem>>
        %scatter3A_706 = tpu.memref_squeeze %scatter3A_705 : memref<1x256x16xf32, #tpu.memory_space<vmem>> -> memref<256x16xf32, #tpu.memory_space<vmem>>
        tpu.vector_store_idx %scatter3A_706[%add3A_485, %broadcast_in_dim3A_701], %get3A_699 : memref<256x16xf32, #tpu.memory_space<vmem>>[vector<16xi32>, vector<16xi32>], vector<16xf32>,
        %get3A_707 = arith.constant 0 : i32
        %get3A_708 = arith.constant 1 : i32
        %get3A_709 = arith.constant 0 : i32
        %get3A_710 = arith.constant 6 : i32
        %get3A_711 = arith.constant 0 : i32
        %get3A_712 = tpu.memref_slice %arg6[%get3A_707, %get3A_708, %get3A_709, %get3A_710, %get3A_711] : memref<2x2x2x8x128xf32, #tpu.memory_space<vmem>> -> memref<1x1x1x1x128xf32, #tpu.memory_space<vmem>>
        %get3A_713 = tpu.memref_squeeze %get3A_712 : memref<1x1x1x1x128xf32, #tpu.memory_space<vmem>> -> memref<128xf32, #tpu.memory_space<vmem>>
        %get3A_714 = arith.index_cast %mul3A_481 : i32 to index
        %get3A_715 = tpu.vector_load %get3A_713[%get3A_714] {strides = array<i32>} : memref<128xf32, #tpu.memory_space<vmem>>, vector<16xf32>,
        %broadcast_in_dim3A_716 = arith.constant 14 : i32
        %broadcast_in_dim3A_717 = vector.broadcast %broadcast_in_dim3A_716 : i32 to vector<16xi32>
        %scatter3A_718 = arith.constant 0 : i32
        %scatter3A_719 = arith.constant 0 : i32
        %scatter3A_720 = arith.constant 0 : i32
        %scatter3A_721 = tpu.memref_slice %arg7[%scatter3A_718, %scatter3A_719, %scatter3A_720] : memref<2x256x16xf32, #tpu.memory_space<vmem>> -> memref<1x256x16xf32, #tpu.memory_space<vmem>>
        %scatter3A_722 = tpu.memref_squeeze %scatter3A_721 : memref<1x256x16xf32, #tpu.memory_space<vmem>> -> memref<256x16xf32, #tpu.memory_space<vmem>>
        tpu.vector_store_idx %scatter3A_722[%add3A_485, %broadcast_in_dim3A_717], %get3A_715 : memref<256x16xf32, #tpu.memory_space<vmem>>[vector<16xi32>, vector<16xi32>], vector<16xf32>,
        %get3A_723 = arith.constant 0 : i32
        %get3A_724 = arith.constant 1 : i32
        %get3A_725 = arith.constant 0 : i32
        %get3A_726 = arith.constant 7 : i32
        %get3A_727 = arith.constant 0 : i32
        %get3A_728 = tpu.memref_slice %arg6[%get3A_723, %get3A_724, %get3A_725, %get3A_726, %get3A_727] : memref<2x2x2x8x128xf32, #tpu.memory_space<vmem>> -> memref<1x1x1x1x128xf32, #tpu.memory_space<vmem>>
        %get3A_729 = tpu.memref_squeeze %get3A_728 : memref<1x1x1x1x128xf32, #tpu.memory_space<vmem>> -> memref<128xf32, #tpu.memory_space<vmem>>
        %get3A_730 = arith.index_cast %mul3A_481 : i32 to index
        %get3A_731 = tpu.vector_load %get3A_729[%get3A_730] {strides = array<i32>} : memref<128xf32, #tpu.memory_space<vmem>>, vector<16xf32>,
        %broadcast_in_dim3A_732 = arith.constant 15 : i32
        %broadcast_in_dim3A_733 = vector.broadcast %broadcast_in_dim3A_732 : i32 to vector<16xi32>
        %scatter3A_734 = arith.constant 0 : i32
        %scatter3A_735 = arith.constant 0 : i32
        %scatter3A_736 = arith.constant 0 : i32
        %scatter3A_737 = tpu.memref_slice %arg7[%scatter3A_734, %scatter3A_735, %scatter3A_736] : memref<2x256x16xf32, #tpu.memory_space<vmem>> -> memref<1x256x16xf32, #tpu.memory_space<vmem>>
        %scatter3A_738 = tpu.memref_squeeze %scatter3A_737 : memref<1x256x16xf32, #tpu.memory_space<vmem>> -> memref<256x16xf32, #tpu.memory_space<vmem>>
        tpu.vector_store_idx %scatter3A_738[%add3A_485, %broadcast_in_dim3A_733], %get3A_731 : memref<256x16xf32, #tpu.memory_space<vmem>>[vector<16xi32>, vector<16xi32>], vector<16xf32>,
        %add3A_739 = arith.constant 128 : i32
        %add3A_740 = arith.addi %add3A_739, %mul3A_481 : i32
        %add3A_741 = vector.broadcast %add3A_740 : i32 to vector<16xi32>
        %add3A_742 = arith.addi %add3A_741, %iota3A : vector<16xi32>
        %get3A_743 = arith.constant 0 : i32
        %get3A_744 = arith.constant 0 : i32
        %get3A_745 = arith.constant 1 : i32
        %get3A_746 = arith.constant 0 : i32
        %get3A_747 = arith.constant 0 : i32
        %get3A_748 = tpu.memref_slice %arg6[%get3A_743, %get3A_744, %get3A_745, %get3A_746, %get3A_747] : memref<2x2x2x8x128xf32, #tpu.memory_space<vmem>> -> memref<1x1x1x1x128xf32, #tpu.memory_space<vmem>>
        %get3A_749 = tpu.memref_squeeze %get3A_748 : memref<1x1x1x1x128xf32, #tpu.memory_space<vmem>> -> memref<128xf32, #tpu.memory_space<vmem>>
        %get3A_750 = arith.index_cast %mul3A_481 : i32 to index
        %get3A_751 = tpu.vector_load %get3A_749[%get3A_750] {strides = array<i32>} : memref<128xf32, #tpu.memory_space<vmem>>, vector<16xf32>,
        %broadcast_in_dim3A_752 = arith.constant 0 : i32
        %broadcast_in_dim3A_753 = vector.broadcast %broadcast_in_dim3A_752 : i32 to vector<16xi32>
        %scatter3A_754 = arith.constant 0 : i32
        %scatter3A_755 = arith.constant 0 : i32
        %scatter3A_756 = arith.constant 0 : i32
        %scatter3A_757 = tpu.memref_slice %arg7[%scatter3A_754, %scatter3A_755, %scatter3A_756] : memref<2x256x16xf32, #tpu.memory_space<vmem>> -> memref<1x256x16xf32, #tpu.memory_space<vmem>>
        %scatter3A_758 = tpu.memref_squeeze %scatter3A_757 : memref<1x256x16xf32, #tpu.memory_space<vmem>> -> memref<256x16xf32, #tpu.memory_space<vmem>>
        tpu.vector_store_idx %scatter3A_758[%add3A_742, %broadcast_in_dim3A_753], %get3A_751 : memref<256x16xf32, #tpu.memory_space<vmem>>[vector<16xi32>, vector<16xi32>], vector<16xf32>,
        %get3A_759 = arith.constant 0 : i32
        %get3A_760 = arith.constant 0 : i32
        %get3A_761 = arith.constant 1 : i32
        %get3A_762 = arith.constant 1 : i32
        %get3A_763 = arith.constant 0 : i32
        %get3A_764 = tpu.memref_slice %arg6[%get3A_759, %get3A_760, %get3A_761, %get3A_762, %get3A_763] : memref<2x2x2x8x128xf32, #tpu.memory_space<vmem>> -> memref<1x1x1x1x128xf32, #tpu.memory_space<vmem>>
        %get3A_765 = tpu.memref_squeeze %get3A_764 : memref<1x1x1x1x128xf32, #tpu.memory_space<vmem>> -> memref<128xf32, #tpu.memory_space<vmem>>
        %get3A_766 = arith.index_cast %mul3A_481 : i32 to index
        %get3A_767 = tpu.vector_load %get3A_765[%get3A_766] {strides = array<i32>} : memref<128xf32, #tpu.memory_space<vmem>>, vector<16xf32>,
        %broadcast_in_dim3A_768 = arith.constant 1 : i32
        %broadcast_in_dim3A_769 = vector.broadcast %broadcast_in_dim3A_768 : i32 to vector<16xi32>
        %scatter3A_770 = arith.constant 0 : i32
        %scatter3A_771 = arith.constant 0 : i32
        %scatter3A_772 = arith.constant 0 : i32
        %scatter3A_773 = tpu.memref_slice %arg7[%scatter3A_770, %scatter3A_771, %scatter3A_772] : memref<2x256x16xf32, #tpu.memory_space<vmem>> -> memref<1x256x16xf32, #tpu.memory_space<vmem>>
        %scatter3A_774 = tpu.memref_squeeze %scatter3A_773 : memref<1x256x16xf32, #tpu.memory_space<vmem>> -> memref<256x16xf32, #tpu.memory_space<vmem>>
        tpu.vector_store_idx %scatter3A_774[%add3A_742, %broadcast_in_dim3A_769], %get3A_767 : memref<256x16xf32, #tpu.memory_space<vmem>>[vector<16xi32>, vector<16xi32>], vector<16xf32>,
        %get3A_775 = arith.constant 0 : i32
        %get3A_776 = arith.constant 0 : i32
        %get3A_777 = arith.constant 1 : i32
        %get3A_778 = arith.constant 2 : i32
        %get3A_779 = arith.constant 0 : i32
        %get3A_780 = tpu.memref_slice %arg6[%get3A_775, %get3A_776, %get3A_777, %get3A_778, %get3A_779] : memref<2x2x2x8x128xf32, #tpu.memory_space<vmem>> -> memref<1x1x1x1x128xf32, #tpu.memory_space<vmem>>
        %get3A_781 = tpu.memref_squeeze %get3A_780 : memref<1x1x1x1x128xf32, #tpu.memory_space<vmem>> -> memref<128xf32, #tpu.memory_space<vmem>>
        %get3A_782 = arith.index_cast %mul3A_481 : i32 to index
        %get3A_783 = tpu.vector_load %get3A_781[%get3A_782] {strides = array<i32>} : memref<128xf32, #tpu.memory_space<vmem>>, vector<16xf32>,
        %broadcast_in_dim3A_784 = arith.constant 2 : i32
        %broadcast_in_dim3A_785 = vector.broadcast %broadcast_in_dim3A_784 : i32 to vector<16xi32>
        %scatter3A_786 = arith.constant 0 : i32
        %scatter3A_787 = arith.constant 0 : i32
        %scatter3A_788 = arith.constant 0 : i32
        %scatter3A_789 = tpu.memref_slice %arg7[%scatter3A_786, %scatter3A_787, %scatter3A_788] : memref<2x256x16xf32, #tpu.memory_space<vmem>> -> memref<1x256x16xf32, #tpu.memory_space<vmem>>
        %scatter3A_790 = tpu.memref_squeeze %scatter3A_789 : memref<1x256x16xf32, #tpu.memory_space<vmem>> -> memref<256x16xf32, #tpu.memory_space<vmem>>
        tpu.vector_store_idx %scatter3A_790[%add3A_742, %broadcast_in_dim3A_785], %get3A_783 : memref<256x16xf32, #tpu.memory_space<vmem>>[vector<16xi32>, vector<16xi32>], vector<16xf32>,
        %get3A_791 = arith.constant 0 : i32
        %get3A_792 = arith.constant 0 : i32
        %get3A_793 = arith.constant 1 : i32
        %get3A_794 = arith.constant 3 : i32
        %get3A_795 = arith.constant 0 : i32
        %get3A_796 = tpu.memref_slice %arg6[%get3A_791, %get3A_792, %get3A_793, %get3A_794, %get3A_795] : memref<2x2x2x8x128xf32, #tpu.memory_space<vmem>> -> memref<1x1x1x1x128xf32, #tpu.memory_space<vmem>>
        %get3A_797 = tpu.memref_squeeze %get3A_796 : memref<1x1x1x1x128xf32, #tpu.memory_space<vmem>> -> memref<128xf32, #tpu.memory_space<vmem>>
        %get3A_798 = arith.index_cast %mul3A_481 : i32 to index
        %get3A_799 = tpu.vector_load %get3A_797[%get3A_798] {strides = array<i32>} : memref<128xf32, #tpu.memory_space<vmem>>, vector<16xf32>,
        %broadcast_in_dim3A_800 = arith.constant 3 : i32
        %broadcast_in_dim3A_801 = vector.broadcast %broadcast_in_dim3A_800 : i32 to vector<16xi32>
        %scatter3A_802 = arith.constant 0 : i32
        %scatter3A_803 = arith.constant 0 : i32
        %scatter3A_804 = arith.constant 0 : i32
        %scatter3A_805 = tpu.memref_slice %arg7[%scatter3A_802, %scatter3A_803, %scatter3A_804] : memref<2x256x16xf32, #tpu.memory_space<vmem>> -> memref<1x256x16xf32, #tpu.memory_space<vmem>>
        %scatter3A_806 = tpu.memref_squeeze %scatter3A_805 : memref<1x256x16xf32, #tpu.memory_space<vmem>> -> memref<256x16xf32, #tpu.memory_space<vmem>>
        tpu.vector_store_idx %scatter3A_806[%add3A_742, %broadcast_in_dim3A_801], %get3A_799 : memref<256x16xf32, #tpu.memory_space<vmem>>[vector<16xi32>, vector<16xi32>], vector<16xf32>,
        %get3A_807 = arith.constant 0 : i32
        %get3A_808 = arith.constant 0 : i32
        %get3A_809 = arith.constant 1 : i32
        %get3A_810 = arith.constant 4 : i32
        %get3A_811 = arith.constant 0 : i32
        %get3A_812 = tpu.memref_slice %arg6[%get3A_807, %get3A_808, %get3A_809, %get3A_810, %get3A_811] : memref<2x2x2x8x128xf32, #tpu.memory_space<vmem>> -> memref<1x1x1x1x128xf32, #tpu.memory_space<vmem>>
        %get3A_813 = tpu.memref_squeeze %get3A_812 : memref<1x1x1x1x128xf32, #tpu.memory_space<vmem>> -> memref<128xf32, #tpu.memory_space<vmem>>
        %get3A_814 = arith.index_cast %mul3A_481 : i32 to index
        %get3A_815 = tpu.vector_load %get3A_813[%get3A_814] {strides = array<i32>} : memref<128xf32, #tpu.memory_space<vmem>>, vector<16xf32>,
        %broadcast_in_dim3A_816 = arith.constant 4 : i32
        %broadcast_in_dim3A_817 = vector.broadcast %broadcast_in_dim3A_816 : i32 to vector<16xi32>
        %scatter3A_818 = arith.constant 0 : i32
        %scatter3A_819 = arith.constant 0 : i32
        %scatter3A_820 = arith.constant 0 : i32
        %scatter3A_821 = tpu.memref_slice %arg7[%scatter3A_818, %scatter3A_819, %scatter3A_820] : memref<2x256x16xf32, #tpu.memory_space<vmem>> -> memref<1x256x16xf32, #tpu.memory_space<vmem>>
        %scatter3A_822 = tpu.memref_squeeze %scatter3A_821 : memref<1x256x16xf32, #tpu.memory_space<vmem>> -> memref<256x16xf32, #tpu.memory_space<vmem>>
        tpu.vector_store_idx %scatter3A_822[%add3A_742, %broadcast_in_dim3A_817], %get3A_815 : memref<256x16xf32, #tpu.memory_space<vmem>>[vector<16xi32>, vector<16xi32>], vector<16xf32>,
        %get3A_823 = arith.constant 0 : i32
        %get3A_824 = arith.constant 0 : i32
        %get3A_825 = arith.constant 1 : i32
        %get3A_826 = arith.constant 5 : i32
        %get3A_827 = arith.constant 0 : i32
        %get3A_828 = tpu.memref_slice %arg6[%get3A_823, %get3A_824, %get3A_825, %get3A_826, %get3A_827] : memref<2x2x2x8x128xf32, #tpu.memory_space<vmem>> -> memref<1x1x1x1x128xf32, #tpu.memory_space<vmem>>
        %get3A_829 = tpu.memref_squeeze %get3A_828 : memref<1x1x1x1x128xf32, #tpu.memory_space<vmem>> -> memref<128xf32, #tpu.memory_space<vmem>>
        %get3A_830 = arith.index_cast %mul3A_481 : i32 to index
        %get3A_831 = tpu.vector_load %get3A_829[%get3A_830] {strides = array<i32>} : memref<128xf32, #tpu.memory_space<vmem>>, vector<16xf32>,
        %broadcast_in_dim3A_832 = arith.constant 5 : i32
        %broadcast_in_dim3A_833 = vector.broadcast %broadcast_in_dim3A_832 : i32 to vector<16xi32>
        %scatter3A_834 = arith.constant 0 : i32
        %scatter3A_835 = arith.constant 0 : i32
        %scatter3A_836 = arith.constant 0 : i32
        %scatter3A_837 = tpu.memref_slice %arg7[%scatter3A_834, %scatter3A_835, %scatter3A_836] : memref<2x256x16xf32, #tpu.memory_space<vmem>> -> memref<1x256x16xf32, #tpu.memory_space<vmem>>
        %scatter3A_838 = tpu.memref_squeeze %scatter3A_837 : memref<1x256x16xf32, #tpu.memory_space<vmem>> -> memref<256x16xf32, #tpu.memory_space<vmem>>
        tpu.vector_store_idx %scatter3A_838[%add3A_742, %broadcast_in_dim3A_833], %get3A_831 : memref<256x16xf32, #tpu.memory_space<vmem>>[vector<16xi32>, vector<16xi32>], vector<16xf32>,
        %get3A_839 = arith.constant 0 : i32
        %get3A_840 = arith.constant 0 : i32
        %get3A_841 = arith.constant 1 : i32
        %get3A_842 = arith.constant 6 : i32
        %get3A_843 = arith.constant 0 : i32
        %get3A_844 = tpu.memref_slice %arg6[%get3A_839, %get3A_840, %get3A_841, %get3A_842, %get3A_843] : memref<2x2x2x8x128xf32, #tpu.memory_space<vmem>> -> memref<1x1x1x1x128xf32, #tpu.memory_space<vmem>>
        %get3A_845 = tpu.memref_squeeze %get3A_844 : memref<1x1x1x1x128xf32, #tpu.memory_space<vmem>> -> memref<128xf32, #tpu.memory_space<vmem>>
        %get3A_846 = arith.index_cast %mul3A_481 : i32 to index
        %get3A_847 = tpu.vector_load %get3A_845[%get3A_846] {strides = array<i32>} : memref<128xf32, #tpu.memory_space<vmem>>, vector<16xf32>,
        %broadcast_in_dim3A_848 = arith.constant 6 : i32
        %broadcast_in_dim3A_849 = vector.broadcast %broadcast_in_dim3A_848 : i32 to vector<16xi32>
        %scatter3A_850 = arith.constant 0 : i32
        %scatter3A_851 = arith.constant 0 : i32
        %scatter3A_852 = arith.constant 0 : i32
        %scatter3A_853 = tpu.memref_slice %arg7[%scatter3A_850, %scatter3A_851, %scatter3A_852] : memref<2x256x16xf32, #tpu.memory_space<vmem>> -> memref<1x256x16xf32, #tpu.memory_space<vmem>>
        %scatter3A_854 = tpu.memref_squeeze %scatter3A_853 : memref<1x256x16xf32, #tpu.memory_space<vmem>> -> memref<256x16xf32, #tpu.memory_space<vmem>>
        tpu.vector_store_idx %scatter3A_854[%add3A_742, %broadcast_in_dim3A_849], %get3A_847 : memref<256x16xf32, #tpu.memory_space<vmem>>[vector<16xi32>, vector<16xi32>], vector<16xf32>,
        %get3A_855 = arith.constant 0 : i32
        %get3A_856 = arith.constant 0 : i32
        %get3A_857 = arith.constant 1 : i32
        %get3A_858 = arith.constant 7 : i32
        %get3A_859 = arith.constant 0 : i32
        %get3A_860 = tpu.memref_slice %arg6[%get3A_855, %get3A_856, %get3A_857, %get3A_858, %get3A_859] : memref<2x2x2x8x128xf32, #tpu.memory_space<vmem>> -> memref<1x1x1x1x128xf32, #tpu.memory_space<vmem>>
        %get3A_861 = tpu.memref_squeeze %get3A_860 : memref<1x1x1x1x128xf32, #tpu.memory_space<vmem>> -> memref<128xf32, #tpu.memory_space<vmem>>
        %get3A_862 = arith.index_cast %mul3A_481 : i32 to index
        %get3A_863 = tpu.vector_load %get3A_861[%get3A_862] {strides = array<i32>} : memref<128xf32, #tpu.memory_space<vmem>>, vector<16xf32>,
        %broadcast_in_dim3A_864 = arith.constant 7 : i32
        %broadcast_in_dim3A_865 = vector.broadcast %broadcast_in_dim3A_864 : i32 to vector<16xi32>
        %scatter3A_866 = arith.constant 0 : i32
        %scatter3A_867 = arith.constant 0 : i32
        %scatter3A_868 = arith.constant 0 : i32
        %scatter3A_869 = tpu.memref_slice %arg7[%scatter3A_866, %scatter3A_867, %scatter3A_868] : memref<2x256x16xf32, #tpu.memory_space<vmem>> -> memref<1x256x16xf32, #tpu.memory_space<vmem>>
        %scatter3A_870 = tpu.memref_squeeze %scatter3A_869 : memref<1x256x16xf32, #tpu.memory_space<vmem>> -> memref<256x16xf32, #tpu.memory_space<vmem>>
        tpu.vector_store_idx %scatter3A_870[%add3A_742, %broadcast_in_dim3A_865], %get3A_863 : memref<256x16xf32, #tpu.memory_space<vmem>>[vector<16xi32>, vector<16xi32>], vector<16xf32>,
        %get3A_871 = arith.constant 0 : i32
        %get3A_872 = arith.constant 1 : i32
        %get3A_873 = arith.constant 1 : i32
        %get3A_874 = arith.constant 0 : i32
        %get3A_875 = arith.constant 0 : i32
        %get3A_876 = tpu.memref_slice %arg6[%get3A_871, %get3A_872, %get3A_873, %get3A_874, %get3A_875] : memref<2x2x2x8x128xf32, #tpu.memory_space<vmem>> -> memref<1x1x1x1x128xf32, #tpu.memory_space<vmem>>
        %get3A_877 = tpu.memref_squeeze %get3A_876 : memref<1x1x1x1x128xf32, #tpu.memory_space<vmem>> -> memref<128xf32, #tpu.memory_space<vmem>>
        %get3A_878 = arith.index_cast %mul3A_481 : i32 to index
        %get3A_879 = tpu.vector_load %get3A_877[%get3A_878] {strides = array<i32>} : memref<128xf32, #tpu.memory_space<vmem>>, vector<16xf32>,
        %broadcast_in_dim3A_880 = arith.constant 8 : i32
        %broadcast_in_dim3A_881 = vector.broadcast %broadcast_in_dim3A_880 : i32 to vector<16xi32>
        %scatter3A_882 = arith.constant 0 : i32
        %scatter3A_883 = arith.constant 0 : i32
        %scatter3A_884 = arith.constant 0 : i32
        %scatter3A_885 = tpu.memref_slice %arg7[%scatter3A_882, %scatter3A_883, %scatter3A_884] : memref<2x256x16xf32, #tpu.memory_space<vmem>> -> memref<1x256x16xf32, #tpu.memory_space<vmem>>
        %scatter3A_886 = tpu.memref_squeeze %scatter3A_885 : memref<1x256x16xf32, #tpu.memory_space<vmem>> -> memref<256x16xf32, #tpu.memory_space<vmem>>
        tpu.vector_store_idx %scatter3A_886[%add3A_742, %broadcast_in_dim3A_881], %get3A_879 : memref<256x16xf32, #tpu.memory_space<vmem>>[vector<16xi32>, vector<16xi32>], vector<16xf32>,
        %get3A_887 = arith.constant 0 : i32
        %get3A_888 = arith.constant 1 : i32
        %get3A_889 = arith.constant 1 : i32
        %get3A_890 = arith.constant 1 : i32
        %get3A_891 = arith.constant 0 : i32
        %get3A_892 = tpu.memref_slice %arg6[%get3A_887, %get3A_888, %get3A_889, %get3A_890, %get3A_891] : memref<2x2x2x8x128xf32, #tpu.memory_space<vmem>> -> memref<1x1x1x1x128xf32, #tpu.memory_space<vmem>>
        %get3A_893 = tpu.memref_squeeze %get3A_892 : memref<1x1x1x1x128xf32, #tpu.memory_space<vmem>> -> memref<128xf32, #tpu.memory_space<vmem>>
        %get3A_894 = arith.index_cast %mul3A_481 : i32 to index
        %get3A_895 = tpu.vector_load %get3A_893[%get3A_894] {strides = array<i32>} : memref<128xf32, #tpu.memory_space<vmem>>, vector<16xf32>,
        %broadcast_in_dim3A_896 = arith.constant 9 : i32
        %broadcast_in_dim3A_897 = vector.broadcast %broadcast_in_dim3A_896 : i32 to vector<16xi32>
        %scatter3A_898 = arith.constant 0 : i32
        %scatter3A_899 = arith.constant 0 : i32
        %scatter3A_900 = arith.constant 0 : i32
        %scatter3A_901 = tpu.memref_slice %arg7[%scatter3A_898, %scatter3A_899, %scatter3A_900] : memref<2x256x16xf32, #tpu.memory_space<vmem>> -> memref<1x256x16xf32, #tpu.memory_space<vmem>>
        %scatter3A_902 = tpu.memref_squeeze %scatter3A_901 : memref<1x256x16xf32, #tpu.memory_space<vmem>> -> memref<256x16xf32, #tpu.memory_space<vmem>>
        tpu.vector_store_idx %scatter3A_902[%add3A_742, %broadcast_in_dim3A_897], %get3A_895 : memref<256x16xf32, #tpu.memory_space<vmem>>[vector<16xi32>, vector<16xi32>], vector<16xf32>,
        %get3A_903 = arith.constant 0 : i32
        %get3A_904 = arith.constant 1 : i32
        %get3A_905 = arith.constant 1 : i32
        %get3A_906 = arith.constant 2 : i32
        %get3A_907 = arith.constant 0 : i32
        %get3A_908 = tpu.memref_slice %arg6[%get3A_903, %get3A_904, %get3A_905, %get3A_906, %get3A_907] : memref<2x2x2x8x128xf32, #tpu.memory_space<vmem>> -> memref<1x1x1x1x128xf32, #tpu.memory_space<vmem>>
        %get3A_909 = tpu.memref_squeeze %get3A_908 : memref<1x1x1x1x128xf32, #tpu.memory_space<vmem>> -> memref<128xf32, #tpu.memory_space<vmem>>
        %get3A_910 = arith.index_cast %mul3A_481 : i32 to index
        %get3A_911 = tpu.vector_load %get3A_909[%get3A_910] {strides = array<i32>} : memref<128xf32, #tpu.memory_space<vmem>>, vector<16xf32>,
        %broadcast_in_dim3A_912 = arith.constant 10 : i32
        %broadcast_in_dim3A_913 = vector.broadcast %broadcast_in_dim3A_912 : i32 to vector<16xi32>
        %scatter3A_914 = arith.constant 0 : i32
        %scatter3A_915 = arith.constant 0 : i32
        %scatter3A_916 = arith.constant 0 : i32
        %scatter3A_917 = tpu.memref_slice %arg7[%scatter3A_914, %scatter3A_915, %scatter3A_916] : memref<2x256x16xf32, #tpu.memory_space<vmem>> -> memref<1x256x16xf32, #tpu.memory_space<vmem>>
        %scatter3A_918 = tpu.memref_squeeze %scatter3A_917 : memref<1x256x16xf32, #tpu.memory_space<vmem>> -> memref<256x16xf32, #tpu.memory_space<vmem>>
        tpu.vector_store_idx %scatter3A_918[%add3A_742, %broadcast_in_dim3A_913], %get3A_911 : memref<256x16xf32, #tpu.memory_space<vmem>>[vector<16xi32>, vector<16xi32>], vector<16xf32>,
        %get3A_919 = arith.constant 0 : i32
        %get3A_920 = arith.constant 1 : i32
        %get3A_921 = arith.constant 1 : i32
        %get3A_922 = arith.constant 3 : i32
        %get3A_923 = arith.constant 0 : i32
        %get3A_924 = tpu.memref_slice %arg6[%get3A_919, %get3A_920, %get3A_921, %get3A_922, %get3A_923] : memref<2x2x2x8x128xf32, #tpu.memory_space<vmem>> -> memref<1x1x1x1x128xf32, #tpu.memory_space<vmem>>
        %get3A_925 = tpu.memref_squeeze %get3A_924 : memref<1x1x1x1x128xf32, #tpu.memory_space<vmem>> -> memref<128xf32, #tpu.memory_space<vmem>>
        %get3A_926 = arith.index_cast %mul3A_481 : i32 to index
        %get3A_927 = tpu.vector_load %get3A_925[%get3A_926] {strides = array<i32>} : memref<128xf32, #tpu.memory_space<vmem>>, vector<16xf32>,
        %broadcast_in_dim3A_928 = arith.constant 11 : i32
        %broadcast_in_dim3A_929 = vector.broadcast %broadcast_in_dim3A_928 : i32 to vector<16xi32>
        %scatter3A_930 = arith.constant 0 : i32
        %scatter3A_931 = arith.constant 0 : i32
        %scatter3A_932 = arith.constant 0 : i32
        %scatter3A_933 = tpu.memref_slice %arg7[%scatter3A_930, %scatter3A_931, %scatter3A_932] : memref<2x256x16xf32, #tpu.memory_space<vmem>> -> memref<1x256x16xf32, #tpu.memory_space<vmem>>
        %scatter3A_934 = tpu.memref_squeeze %scatter3A_933 : memref<1x256x16xf32, #tpu.memory_space<vmem>> -> memref<256x16xf32, #tpu.memory_space<vmem>>
        tpu.vector_store_idx %scatter3A_934[%add3A_742, %broadcast_in_dim3A_929], %get3A_927 : memref<256x16xf32, #tpu.memory_space<vmem>>[vector<16xi32>, vector<16xi32>], vector<16xf32>,
        %get3A_935 = arith.constant 0 : i32
        %get3A_936 = arith.constant 1 : i32
        %get3A_937 = arith.constant 1 : i32
        %get3A_938 = arith.constant 4 : i32
        %get3A_939 = arith.constant 0 : i32
        %get3A_940 = tpu.memref_slice %arg6[%get3A_935, %get3A_936, %get3A_937, %get3A_938, %get3A_939] : memref<2x2x2x8x128xf32, #tpu.memory_space<vmem>> -> memref<1x1x1x1x128xf32, #tpu.memory_space<vmem>>
        %get3A_941 = tpu.memref_squeeze %get3A_940 : memref<1x1x1x1x128xf32, #tpu.memory_space<vmem>> -> memref<128xf32, #tpu.memory_space<vmem>>
        %get3A_942 = arith.index_cast %mul3A_481 : i32 to index
        %get3A_943 = tpu.vector_load %get3A_941[%get3A_942] {strides = array<i32>} : memref<128xf32, #tpu.memory_space<vmem>>, vector<16xf32>,
        %broadcast_in_dim3A_944 = arith.constant 12 : i32
        %broadcast_in_dim3A_945 = vector.broadcast %broadcast_in_dim3A_944 : i32 to vector<16xi32>
        %scatter3A_946 = arith.constant 0 : i32
        %scatter3A_947 = arith.constant 0 : i32
        %scatter3A_948 = arith.constant 0 : i32
        %scatter3A_949 = tpu.memref_slice %arg7[%scatter3A_946, %scatter3A_947, %scatter3A_948] : memref<2x256x16xf32, #tpu.memory_space<vmem>> -> memref<1x256x16xf32, #tpu.memory_space<vmem>>
        %scatter3A_950 = tpu.memref_squeeze %scatter3A_949 : memref<1x256x16xf32, #tpu.memory_space<vmem>> -> memref<256x16xf32, #tpu.memory_space<vmem>>
        tpu.vector_store_idx %scatter3A_950[%add3A_742, %broadcast_in_dim3A_945], %get3A_943 : memref<256x16xf32, #tpu.memory_space<vmem>>[vector<16xi32>, vector<16xi32>], vector<16xf32>,
        %get3A_951 = arith.constant 0 : i32
        %get3A_952 = arith.constant 1 : i32
        %get3A_953 = arith.constant 1 : i32
        %get3A_954 = arith.constant 5 : i32
        %get3A_955 = arith.constant 0 : i32
        %get3A_956 = tpu.memref_slice %arg6[%get3A_951, %get3A_952, %get3A_953, %get3A_954, %get3A_955] : memref<2x2x2x8x128xf32, #tpu.memory_space<vmem>> -> memref<1x1x1x1x128xf32, #tpu.memory_space<vmem>>
        %get3A_957 = tpu.memref_squeeze %get3A_956 : memref<1x1x1x1x128xf32, #tpu.memory_space<vmem>> -> memref<128xf32, #tpu.memory_space<vmem>>
        %get3A_958 = arith.index_cast %mul3A_481 : i32 to index
        %get3A_959 = tpu.vector_load %get3A_957[%get3A_958] {strides = array<i32>} : memref<128xf32, #tpu.memory_space<vmem>>, vector<16xf32>,
        %broadcast_in_dim3A_960 = arith.constant 13 : i32
        %broadcast_in_dim3A_961 = vector.broadcast %broadcast_in_dim3A_960 : i32 to vector<16xi32>
        %scatter3A_962 = arith.constant 0 : i32
        %scatter3A_963 = arith.constant 0 : i32
        %scatter3A_964 = arith.constant 0 : i32
        %scatter3A_965 = tpu.memref_slice %arg7[%scatter3A_962, %scatter3A_963, %scatter3A_964] : memref<2x256x16xf32, #tpu.memory_space<vmem>> -> memref<1x256x16xf32, #tpu.memory_space<vmem>>
        %scatter3A_966 = tpu.memref_squeeze %scatter3A_965 : memref<1x256x16xf32, #tpu.memory_space<vmem>> -> memref<256x16xf32, #tpu.memory_space<vmem>>
        tpu.vector_store_idx %scatter3A_966[%add3A_742, %broadcast_in_dim3A_961], %get3A_959 : memref<256x16xf32, #tpu.memory_space<vmem>>[vector<16xi32>, vector<16xi32>], vector<16xf32>,
        %get3A_967 = arith.constant 0 : i32
        %get3A_968 = arith.constant 1 : i32
        %get3A_969 = arith.constant 1 : i32
        %get3A_970 = arith.constant 6 : i32
        %get3A_971 = arith.constant 0 : i32
        %get3A_972 = tpu.memref_slice %arg6[%get3A_967, %get3A_968, %get3A_969, %get3A_970, %get3A_971] : memref<2x2x2x8x128xf32, #tpu.memory_space<vmem>> -> memref<1x1x1x1x128xf32, #tpu.memory_space<vmem>>
        %get3A_973 = tpu.memref_squeeze %get3A_972 : memref<1x1x1x1x128xf32, #tpu.memory_space<vmem>> -> memref<128xf32, #tpu.memory_space<vmem>>
        %get3A_974 = arith.index_cast %mul3A_481 : i32 to index
        %get3A_975 = tpu.vector_load %get3A_973[%get3A_974] {strides = array<i32>} : memref<128xf32, #tpu.memory_space<vmem>>, vector<16xf32>,
        %broadcast_in_dim3A_976 = arith.constant 14 : i32
        %broadcast_in_dim3A_977 = vector.broadcast %broadcast_in_dim3A_976 : i32 to vector<16xi32>
        %scatter3A_978 = arith.constant 0 : i32
        %scatter3A_979 = arith.constant 0 : i32
        %scatter3A_980 = arith.constant 0 : i32
        %scatter3A_981 = tpu.memref_slice %arg7[%scatter3A_978, %scatter3A_979, %scatter3A_980] : memref<2x256x16xf32, #tpu.memory_space<vmem>> -> memref<1x256x16xf32, #tpu.memory_space<vmem>>
        %scatter3A_982 = tpu.memref_squeeze %scatter3A_981 : memref<1x256x16xf32, #tpu.memory_space<vmem>> -> memref<256x16xf32, #tpu.memory_space<vmem>>
        tpu.vector_store_idx %scatter3A_982[%add3A_742, %broadcast_in_dim3A_977], %get3A_975 : memref<256x16xf32, #tpu.memory_space<vmem>>[vector<16xi32>, vector<16xi32>], vector<16xf32>,
        %get3A_983 = arith.constant 0 : i32
        %get3A_984 = arith.constant 1 : i32
        %get3A_985 = arith.constant 1 : i32
        %get3A_986 = arith.constant 7 : i32
        %get3A_987 = arith.constant 0 : i32
        %get3A_988 = tpu.memref_slice %arg6[%get3A_983, %get3A_984, %get3A_985, %get3A_986, %get3A_987] : memref<2x2x2x8x128xf32, #tpu.memory_space<vmem>> -> memref<1x1x1x1x128xf32, #tpu.memory_space<vmem>>
        %get3A_989 = tpu.memref_squeeze %get3A_988 : memref<1x1x1x1x128xf32, #tpu.memory_space<vmem>> -> memref<128xf32, #tpu.memory_space<vmem>>
        %get3A_990 = arith.index_cast %mul3A_481 : i32 to index
        %get3A_991 = tpu.vector_load %get3A_989[%get3A_990] {strides = array<i32>} : memref<128xf32, #tpu.memory_space<vmem>>, vector<16xf32>,
        %broadcast_in_dim3A_992 = arith.constant 15 : i32
        %broadcast_in_dim3A_993 = vector.broadcast %broadcast_in_dim3A_992 : i32 to vector<16xi32>
        %scatter3A_994 = arith.constant 0 : i32
        %scatter3A_995 = arith.constant 0 : i32
        %scatter3A_996 = arith.constant 0 : i32
        %scatter3A_997 = tpu.memref_slice %arg7[%scatter3A_994, %scatter3A_995, %scatter3A_996] : memref<2x256x16xf32, #tpu.memory_space<vmem>> -> memref<1x256x16xf32, #tpu.memory_space<vmem>>
        %scatter3A_998 = tpu.memref_squeeze %scatter3A_997 : memref<1x256x16xf32, #tpu.memory_space<vmem>> -> memref<256x16xf32, #tpu.memory_space<vmem>>
        tpu.vector_store_idx %scatter3A_998[%add3A_742, %broadcast_in_dim3A_993], %get3A_991 : memref<256x16xf32, #tpu.memory_space<vmem>>[vector<16xi32>, vector<16xi32>], vector<16xf32>,
      }
      %scan3A_323 = arith.constant 8 : i32
      %jit3A_324 = arith.constant 4 : i32
      %eq3A_325 = arith.constant 0 : i32
      %eq3A_326 = arith.cmpi eq, %jit3A_324, %eq3A_325 : i32
      %jit3A_327 = arith.constant 1 : i32
      %select_n3A_328 = arith.select %eq3A_326, %jit3A_327, %jit3A_324 : i32
      %rem3A_329 = arith.remsi %add3A_248, %select_n3A_328 : i32
      %ne3A_330 = arith.constant 0 : i32
      %ne3A_331 = arith.cmpi ne, %rem3A_329, %ne3A_330 : i32
      %lt3A_332 = arith.constant 0 : i32
      %lt3A_333 = arith.cmpi slt, %rem3A_329, %lt3A_332 : i32
      %lt3A_334 = arith.constant 0 : i32
      %lt3A_335 = arith.cmpi slt, %select_n3A_328, %lt3A_334 : i32
      %ne3A_336 = arith.xori %lt3A_333, %lt3A_335 : i1
      %and3A_337 = arith.andi %ne3A_336, %ne3A_331 : i1
      %add3A_338 = arith.addi %rem3A_329, %select_n3A_328 : i32
      %select_n3A_339 = arith.select %and3A_337, %add3A_338, %rem3A_329 : i32
      %dma_start3A_340 = arith.constant 0 : i32
      %dma_start3A_341 = arith.constant 0 : i32
      %dma_start3A_342 = arith.constant 0 : i32
      %dma_start3A_343 = tpu.memref_slice %arg7[%dma_start3A_340, %dma_start3A_341, %dma_start3A_342] : memref<2x256x16xf32, #tpu.memory_space<vmem>> -> memref<1x256x16xf32, #tpu.memory_space<vmem>>
      %dma_start3A_344 = tpu.memref_squeeze %dma_start3A_343 : memref<1x256x16xf32, #tpu.memory_space<vmem>> -> memref<256x16xf32, #tpu.memory_space<vmem>>
      %dma_start3A_345 = arith.constant 0 : i32
      %dma_start3A_346 = tpu.memref_slice %arg8[%select_n3A_339, %dma_start3A_345] : memref<4x256xi32, #tpu.memory_space<vmem>> -> memref<1x256xi32, #tpu.memory_space<vmem>>
      %dma_start3A_347 = tpu.memref_squeeze %dma_start3A_346 : memref<1x256xi32, #tpu.memory_space<vmem>> -> memref<256xi32, #tpu.memory_space<vmem>>
      %dma_start3A_348 = arith.constant 0 : i32
      %dma_start3A_349 = arith.constant 0 : i32
      %dma_start3A_350 = tpu.memref_slice %arg9[%dma_start3A_348, %dma_start3A_349] : memref<100096x16xf32, #tpu.memory_space<vmem_shared>> -> memref<100096x16xf32, #tpu.memory_space<vmem_shared>>
      tpu.enqueue_indirect_dma source(%dma_start3A_344 : memref<256x16xf32, #tpu.memory_space<vmem>>) target(%dma_start3A_350 : memref<100096x16xf32, #tpu.memory_space<vmem_shared>>) offsets(%dma_start3A_347 : memref<256xi32, #tpu.memory_space<vmem>>) semaphore(%arg12 : memref<!tpu.dma_semaphore, #tpu.memory_space<semaphore_mem>>) {add = true}
      %add3A_351 = arith.constant 2 : i32
      %add3A_352 = arith.addi %add3A_248, %add3A_351 : i32
      %lt3A_353 = arith.cmpi slt, %add3A_352, %sub3A_53 : i32
      %convert_element_type3A_354 = arith.extui %lt3A_353 : i1 to i32
      %cond3A_355 = arith.constant 0 : i32
      %cond3A_356 = arith.cmpi ne, %convert_element_type3A_354, %cond3A_355 : i32
      scf.if %cond3A_356 {
        %add3A_475 = arith.constant 2 : i32
        %add3A_476 = arith.addi %add3A_248, %add3A_475 : i32
        %add3A_477 = arith.addi %mul3A_22, %add3A_476 : i32
        %mul3A_478 = arith.constant 2 : i32
        %mul3A_479 = arith.muli %add3A_477, %mul3A_478 : i32
        %dma_start3A_480 = arith.constant 0 : i32
        %dma_start3A_481 = arith.constant 0 : i32
        %dma_start3A_482 = arith.constant 0 : i32
        %dma_start3A_483 = arith.constant 0 : i32
        %dma_start3A_484 = arith.constant 0 : i32
        %dma_start3A_485 = arith.constant 0 : i32
        %dma_start3A_486 = tpu.memref_slice %arg6[%dma_start3A_481, %dma_start3A_482, %dma_start3A_483, %dma_start3A_484, %dma_start3A_485] : memref<2x2x2x8x128xf32, #tpu.memory_space<vmem>> -> memref<1x1x2x8x128xf32, #tpu.memory_space<vmem>>
        %dma_start3A_487 = tpu.memref_squeeze %dma_start3A_486 : memref<1x1x2x8x128xf32, #tpu.memory_space<vmem>> -> memref<2x8x128xf32, #tpu.memory_space<vmem>>
        %dma_start3A_488 = arith.constant 0 : i32
        %dma_start3A_489 = arith.constant 0 : i32
        %dma_start3A_490 = tpu.memref_slice %arg2[%dma_start3A_480, %mul3A_479, %dma_start3A_488, %dma_start3A_489] : memref<2x25000x8x128xf32, #tpu.memory_space<hbm>> -> memref<1x2x8x128xf32, #tpu.memory_space<hbm>>
        %dma_start3A_491 = tpu.memref_squeeze %dma_start3A_490 : memref<1x2x8x128xf32, #tpu.memory_space<hbm>> -> memref<2x8x128xf32, #tpu.memory_space<hbm>>
        %dma_start3A_492 = arith.constant 0 : i32
        %dma_start3A_493 = arith.constant 0 : i32
        %dma_start3A_494 = arith.constant 0 : i32
        %dma_start3A_495 = tpu.memref_slice %arg6[%dma_start3A_481, %dma_start3A_482, %dma_start3A_492, %dma_start3A_493, %dma_start3A_494] : memref<2x2x2x8x128xf32, #tpu.memory_space<vmem>> -> memref<1x1x2x8x128xf32, #tpu.memory_space<vmem>>
        %dma_start3A_496 = tpu.memref_squeeze %dma_start3A_495 : memref<1x1x2x8x128xf32, #tpu.memory_space<vmem>> -> memref<2x8x128xf32, #tpu.memory_space<vmem>>
        %dma_start3A_497 = arith.constant 0 : i32
        %dma_start3A_498 = arith.constant 0 : i32
        %dma_start3A_499 = tpu.memref_slice %arg2[%dma_start3A_480, %mul3A_479, %dma_start3A_497, %dma_start3A_498] : memref<2x25000x8x128xf32, #tpu.memory_space<hbm>> -> memref<1x2x8x128xf32, #tpu.memory_space<hbm>>
        %dma_start3A_500 = tpu.memref_squeeze %dma_start3A_499 : memref<1x2x8x128xf32, #tpu.memory_space<hbm>> -> memref<2x8x128xf32, #tpu.memory_space<hbm>>
        tpu.enqueue_dma source(%dma_start3A_500 : memref<2x8x128xf32, #tpu.memory_space<hbm>>) target(%dma_start3A_496 : memref<2x8x128xf32, #tpu.memory_space<vmem>>) target_semaphore(%arg10 : memref<!tpu.dma_semaphore, #tpu.memory_space<semaphore_mem>>)
        %dma_start3A_501 = arith.constant 1 : i32
        %dma_start3A_502 = arith.constant 0 : i32
        %dma_start3A_503 = arith.constant 1 : i32
        %dma_start3A_504 = arith.constant 0 : i32
        %dma_start3A_505 = arith.constant 0 : i32
        %dma_start3A_506 = arith.constant 0 : i32
        %dma_start3A_507 = tpu.memref_slice %arg6[%dma_start3A_502, %dma_start3A_503, %dma_start3A_504, %dma_start3A_505, %dma_start3A_506] : memref<2x2x2x8x128xf32, #tpu.memory_space<vmem>> -> memref<1x1x2x8x128xf32, #tpu.memory_space<vmem>>
        %dma_start3A_508 = tpu.memref_squeeze %dma_start3A_507 : memref<1x1x2x8x128xf32, #tpu.memory_space<vmem>> -> memref<2x8x128xf32, #tpu.memory_space<vmem>>
        %dma_start3A_509 = arith.constant 0 : i32
        %dma_start3A_510 = arith.constant 0 : i32
        %dma_start3A_511 = tpu.memref_slice %arg2[%dma_start3A_501, %mul3A_479, %dma_start3A_509, %dma_start3A_510] : memref<2x25000x8x128xf32, #tpu.memory_space<hbm>> -> memref<1x2x8x128xf32, #tpu.memory_space<hbm>>
        %dma_start3A_512 = tpu.memref_squeeze %dma_start3A_511 : memref<1x2x8x128xf32, #tpu.memory_space<hbm>> -> memref<2x8x128xf32, #tpu.memory_space<hbm>>
        %dma_start3A_513 = arith.constant 0 : i32
        %dma_start3A_514 = arith.constant 0 : i32
        %dma_start3A_515 = arith.constant 0 : i32
        %dma_start3A_516 = tpu.memref_slice %arg6[%dma_start3A_502, %dma_start3A_503, %dma_start3A_513, %dma_start3A_514, %dma_start3A_515] : memref<2x2x2x8x128xf32, #tpu.memory_space<vmem>> -> memref<1x1x2x8x128xf32, #tpu.memory_space<vmem>>
        %dma_start3A_517 = tpu.memref_squeeze %dma_start3A_516 : memref<1x1x2x8x128xf32, #tpu.memory_space<vmem>> -> memref<2x8x128xf32, #tpu.memory_space<vmem>>
        %dma_start3A_518 = arith.constant 0 : i32
        %dma_start3A_519 = arith.constant 0 : i32
        %dma_start3A_520 = tpu.memref_slice %arg2[%dma_start3A_501, %mul3A_479, %dma_start3A_518, %dma_start3A_519] : memref<2x25000x8x128xf32, #tpu.memory_space<hbm>> -> memref<1x2x8x128xf32, #tpu.memory_space<hbm>>
        %dma_start3A_521 = tpu.memref_squeeze %dma_start3A_520 : memref<1x2x8x128xf32, #tpu.memory_space<hbm>> -> memref<2x8x128xf32, #tpu.memory_space<hbm>>
        tpu.enqueue_dma source(%dma_start3A_521 : memref<2x8x128xf32, #tpu.memory_space<hbm>>) target(%dma_start3A_517 : memref<2x8x128xf32, #tpu.memory_space<vmem>>) target_semaphore(%arg10 : memref<!tpu.dma_semaphore, #tpu.memory_space<semaphore_mem>>)
        %mul3A_522 = arith.constant 128 : i32
        %mul3A_523 = arith.muli %mul3A_479, %mul3A_522 : i32
        %jit3A_524 = arith.constant 4 : i32
        %eq3A_525 = arith.constant 0 : i32
        %eq3A_526 = arith.cmpi eq, %jit3A_524, %eq3A_525 : i32
        %jit3A_527 = arith.constant 1 : i32
        %select_n3A_528 = arith.select %eq3A_526, %jit3A_527, %jit3A_524 : i32
        %rem3A_529 = arith.remsi %add3A_476, %select_n3A_528 : i32
        %ne3A_530 = arith.constant 0 : i32
        %ne3A_531 = arith.cmpi ne, %rem3A_529, %ne3A_530 : i32
        %lt3A_532 = arith.constant 0 : i32
        %lt3A_533 = arith.cmpi slt, %rem3A_529, %lt3A_532 : i32
        %lt3A_534 = arith.constant 0 : i32
        %lt3A_535 = arith.cmpi slt, %select_n3A_528, %lt3A_534 : i32
        %ne3A_536 = arith.xori %lt3A_533, %lt3A_535 : i1
        %and3A_537 = arith.andi %ne3A_536, %ne3A_531 : i1
        %add3A_538 = arith.addi %rem3A_529, %select_n3A_528 : i32
        %select_n3A_539 = arith.select %and3A_537, %add3A_538, %rem3A_529 : i32
        %dma_start3A_540 = arith.constant 0 : i32
        %dma_start3A_541 = tpu.memref_slice %arg8[%select_n3A_539, %dma_start3A_540] : memref<4x256xi32, #tpu.memory_space<vmem>> -> memref<1x256xi32, #tpu.memory_space<vmem>>
        %dma_start3A_542 = tpu.memref_squeeze %dma_start3A_541 : memref<1x256xi32, #tpu.memory_space<vmem>> -> memref<256xi32, #tpu.memory_space<vmem>>
        %dma_start3A_543 = tpu.memref_slice %arg3[%mul3A_523] : memref<3200000xi32, #tpu.memory_space<hbm>> -> memref<256xi32, #tpu.memory_space<hbm>>
        %dma_start3A_544 = arith.constant 0 : i32
        %dma_start3A_545 = tpu.memref_slice %arg8[%select_n3A_539, %dma_start3A_544] : memref<4x256xi32, #tpu.memory_space<vmem>> -> memref<1x256xi32, #tpu.memory_space<vmem>>
        %dma_start3A_546 = tpu.memref_squeeze %dma_start3A_545 : memref<1x256xi32, #tpu.memory_space<vmem>> -> memref<256xi32, #tpu.memory_space<vmem>>
        %dma_start3A_547 = tpu.memref_slice %arg3[%mul3A_523] : memref<3200000xi32, #tpu.memory_space<hbm>> -> memref<256xi32, #tpu.memory_space<hbm>>
        tpu.enqueue_dma source(%dma_start3A_547 : memref<256xi32, #tpu.memory_space<hbm>>) target(%dma_start3A_546 : memref<256xi32, #tpu.memory_space<vmem>>) target_semaphore(%arg10 : memref<!tpu.dma_semaphore, #tpu.memory_space<semaphore_mem>>)
      } else {
      }
      %mul3A_357 = arith.constant 2 : i32
      %mul3A_358 = arith.muli %mul3A_357, %add3A_244 : i32
      %add3A_359 = arith.constant 1 : i32
      %add3A_360 = arith.addi %mul3A_358, %add3A_359 : i32
      %add3A_361 = arith.addi %mul3A_22, %add3A_360 : i32
      %mul3A_362 = arith.constant 2 : i32
      %mul3A_363 = arith.muli %add3A_361, %mul3A_362 : i32
      %dma_wait3A_364 = arith.constant 0 : i32
      %dma_wait3A_365 = arith.constant 1 : i32
      %dma_wait3A_366 = arith.constant 0 : i32
      %dma_wait3A_367 = arith.constant 0 : i32
      %dma_wait3A_368 = arith.constant 0 : i32
      %dma_wait3A_369 = arith.constant 0 : i32
      %dma_wait3A_370 = tpu.memref_slice %arg6[%dma_wait3A_365, %dma_wait3A_366, %dma_wait3A_367, %dma_wait3A_368, %dma_wait3A_369] : memref<2x2x2x8x128xf32, #tpu.memory_space<vmem>> -> memref<1x1x2x8x128xf32, #tpu.memory_space<vmem>>
      %dma_wait3A_371 = tpu.memref_squeeze %dma_wait3A_370 : memref<1x1x2x8x128xf32, #tpu.memory_space<vmem>> -> memref<2x8x128xf32, #tpu.memory_space<vmem>>
      %dma_wait3A_372 = arith.constant 0 : i32
      %dma_wait3A_373 = arith.constant 0 : i32
      %dma_wait3A_374 = tpu.memref_slice %arg2[%dma_wait3A_364, %mul3A_363, %dma_wait3A_372, %dma_wait3A_373] : memref<2x25000x8x128xf32, #tpu.memory_space<hbm>> -> memref<1x2x8x128xf32, #tpu.memory_space<hbm>>
      %dma_wait3A_375 = tpu.memref_squeeze %dma_wait3A_374 : memref<1x2x8x128xf32, #tpu.memory_space<hbm>> -> memref<2x8x128xf32, #tpu.memory_space<hbm>>
      %dma_wait3A_376 = arith.constant 0 : i32
      %dma_wait3A_377 = arith.constant 0 : i32
      %dma_wait3A_378 = arith.constant 0 : i32
      %dma_wait3A_379 = tpu.memref_slice %arg6[%dma_wait3A_365, %dma_wait3A_366, %dma_wait3A_376, %dma_wait3A_377, %dma_wait3A_378] : memref<2x2x2x8x128xf32, #tpu.memory_space<vmem>> -> memref<1x1x2x8x128xf32, #tpu.memory_space<vmem>>
      %dma_wait3A_380 = tpu.memref_squeeze %dma_wait3A_379 : memref<1x1x2x8x128xf32, #tpu.memory_space<vmem>> -> memref<2x8x128xf32, #tpu.memory_space<vmem>>
      %dma_wait3A_381 = arith.constant 0 : i32
      %dma_wait3A_382 = arith.constant 0 : i32
      %dma_wait3A_383 = tpu.memref_slice %arg2[%dma_wait3A_364, %mul3A_363, %dma_wait3A_381, %dma_wait3A_382] : memref<2x25000x8x128xf32, #tpu.memory_space<hbm>> -> memref<1x2x8x128xf32, #tpu.memory_space<hbm>>
      %dma_wait3A_384 = tpu.memref_squeeze %dma_wait3A_383 : memref<1x2x8x128xf32, #tpu.memory_space<hbm>> -> memref<2x8x128xf32, #tpu.memory_space<hbm>>
      tpu.wait_dma2 semaphore(%arg11 : memref<!tpu.dma_semaphore, #tpu.memory_space<semaphore_mem>>) src(%dma_wait3A_384 : memref<2x8x128xf32, #tpu.memory_space<hbm>>) dst(%dma_wait3A_380 : memref<2x8x128xf32, #tpu.memory_space<vmem>>)
      %dma_wait3A_385 = arith.constant 1 : i32
      %dma_wait3A_386 = arith.constant 1 : i32
      %dma_wait3A_387 = arith.constant 1 : i32
      %dma_wait3A_388 = arith.constant 0 : i32
      %dma_wait3A_389 = arith.constant 0 : i32
      %dma_wait3A_390 = arith.constant 0 : i32
      %dma_wait3A_391 = tpu.memref_slice %arg6[%dma_wait3A_386, %dma_wait3A_387, %dma_wait3A_388, %dma_wait3A_389, %dma_wait3A_390] : memref<2x2x2x8x128xf32, #tpu.memory_space<vmem>> -> memref<1x1x2x8x128xf32, #tpu.memory_space<vmem>>
      %dma_wait3A_392 = tpu.memref_squeeze %dma_wait3A_391 : memref<1x1x2x8x128xf32, #tpu.memory_space<vmem>> -> memref<2x8x128xf32, #tpu.memory_space<vmem>>
      %dma_wait3A_393 = arith.constant 0 : i32
      %dma_wait3A_394 = arith.constant 0 : i32
      %dma_wait3A_395 = tpu.memref_slice %arg2[%dma_wait3A_385, %mul3A_363, %dma_wait3A_393, %dma_wait3A_394] : memref<2x25000x8x128xf32, #tpu.memory_space<hbm>> -> memref<1x2x8x128xf32, #tpu.memory_space<hbm>>
      %dma_wait3A_396 = tpu.memref_squeeze %dma_wait3A_395 : memref<1x2x8x128xf32, #tpu.memory_space<hbm>> -> memref<2x8x128xf32, #tpu.memory_space<hbm>>
      %dma_wait3A_397 = arith.constant 0 : i32
      %dma_wait3A_398 = arith.constant 0 : i32
      %dma_wait3A_399 = arith.constant 0 : i32
      %dma_wait3A_400 = tpu.memref_slice %arg6[%dma_wait3A_386, %dma_wait3A_387, %dma_wait3A_397, %dma_wait3A_398, %dma_wait3A_399] : memref<2x2x2x8x128xf32, #tpu.memory_space<vmem>> -> memref<1x1x2x8x128xf32, #tpu.memory_space<vmem>>
      %dma_wait3A_401 = tpu.memref_squeeze %dma_wait3A_400 : memref<1x1x2x8x128xf32, #tpu.memory_space<vmem>> -> memref<2x8x128xf32, #tpu.memory_space<vmem>>
      %dma_wait3A_402 = arith.constant 0 : i32
      %dma_wait3A_403 = arith.constant 0 : i32
      %dma_wait3A_404 = tpu.memref_slice %arg2[%dma_wait3A_385, %mul3A_363, %dma_wait3A_402, %dma_wait3A_403] : memref<2x25000x8x128xf32, #tpu.memory_space<hbm>> -> memref<1x2x8x128xf32, #tpu.memory_space<hbm>>
      %dma_wait3A_405 = tpu.memref_squeeze %dma_wait3A_404 : memref<1x2x8x128xf32, #tpu.memory_space<hbm>> -> memref<2x8x128xf32, #tpu.memory_space<hbm>>
      tpu.wait_dma2 semaphore(%arg11 : memref<!tpu.dma_semaphore, #tpu.memory_space<semaphore_mem>>) src(%dma_wait3A_405 : memref<2x8x128xf32, #tpu.memory_space<hbm>>) dst(%dma_wait3A_401 : memref<2x8x128xf32, #tpu.memory_space<vmem>>)
      %mul3A_406 = arith.constant 128 : i32
      %mul3A_407 = arith.muli %mul3A_363, %mul3A_406 : i32
      %jit3A_408 = arith.constant 4 : i32
      %eq3A_409 = arith.constant 0 : i32
      %eq3A_410 = arith.cmpi eq, %jit3A_408, %eq3A_409 : i32
      %jit3A_411 = arith.constant 1 : i32
      %select_n3A_412 = arith.select %eq3A_410, %jit3A_411, %jit3A_408 : i32
      %rem3A_413 = arith.remsi %add3A_360, %select_n3A_412 : i32
      %ne3A_414 = arith.constant 0 : i32
      %ne3A_415 = arith.cmpi ne, %rem3A_413, %ne3A_414 : i32
      %lt3A_416 = arith.constant 0 : i32
      %lt3A_417 = arith.cmpi slt, %rem3A_413, %lt3A_416 : i32
      %lt3A_418 = arith.constant 0 : i32
      %lt3A_419 = arith.cmpi slt, %select_n3A_412, %lt3A_418 : i32
      %ne3A_420 = arith.xori %lt3A_417, %lt3A_419 : i1
      %and3A_421 = arith.andi %ne3A_420, %ne3A_415 : i1
      %add3A_422 = arith.addi %rem3A_413, %select_n3A_412 : i32
      %select_n3A_423 = arith.select %and3A_421, %add3A_422, %rem3A_413 : i32
      %dma_wait3A_424 = arith.constant 0 : i32
      %dma_wait3A_425 = tpu.memref_slice %arg8[%select_n3A_423, %dma_wait3A_424] : memref<4x256xi32, #tpu.memory_space<vmem>> -> memref<1x256xi32, #tpu.memory_space<vmem>>
      %dma_wait3A_426 = tpu.memref_squeeze %dma_wait3A_425 : memref<1x256xi32, #tpu.memory_space<vmem>> -> memref<256xi32, #tpu.memory_space<vmem>>
      %dma_wait3A_427 = tpu.memref_slice %arg3[%mul3A_407] : memref<3200000xi32, #tpu.memory_space<hbm>> -> memref<256xi32, #tpu.memory_space<hbm>>
      %dma_wait3A_428 = arith.constant 0 : i32
      %dma_wait3A_429 = tpu.memref_slice %arg8[%select_n3A_423, %dma_wait3A_428] : memref<4x256xi32, #tpu.memory_space<vmem>> -> memref<1x256xi32, #tpu.memory_space<vmem>>
      %dma_wait3A_430 = tpu.memref_squeeze %dma_wait3A_429 : memref<1x256xi32, #tpu.memory_space<vmem>> -> memref<256xi32, #tpu.memory_space<vmem>>
      %dma_wait3A_431 = tpu.memref_slice %arg3[%mul3A_407] : memref<3200000xi32, #tpu.memory_space<hbm>> -> memref<256xi32, #tpu.memory_space<hbm>>
      tpu.wait_dma2 semaphore(%arg11 : memref<!tpu.dma_semaphore, #tpu.memory_space<semaphore_mem>>) src(%dma_wait3A_431 : memref<256xi32, #tpu.memory_space<hbm>>) dst(%dma_wait3A_430 : memref<256xi32, #tpu.memory_space<vmem>>)
      %ge3A_432 = arith.constant 2 : i32
      %ge3A_433 = arith.cmpi sge, %add3A_360, %ge3A_432 : i32
      %convert_element_type3A_434 = arith.extui %ge3A_433 : i1 to i32
      %cond3A_435 = arith.constant 0 : i32
      %cond3A_436 = arith.cmpi ne, %convert_element_type3A_434, %cond3A_435 : i32
      scf.if %cond3A_436 {
        %dma_wait3A_475 = arith.constant 1 : i32
        %dma_wait3A_476 = arith.constant 0 : i32
        %dma_wait3A_477 = arith.constant 0 : i32
        %dma_wait3A_478 = tpu.memref_slice %arg7[%dma_wait3A_475, %dma_wait3A_476, %dma_wait3A_477] : memref<2x256x16xf32, #tpu.memory_space<vmem>> -> memref<1x256x16xf32, #tpu.memory_space<vmem>>
        %dma_wait3A_479 = tpu.memref_squeeze %dma_wait3A_478 : memref<1x256x16xf32, #tpu.memory_space<vmem>> -> memref<256x16xf32, #tpu.memory_space<vmem>>
        %dma_wait3A_480 = arith.constant 0 : i32
        %dma_wait3A_481 = arith.constant 0 : i32
        %dma_wait3A_482 = tpu.memref_slice %arg9[%dma_wait3A_480, %dma_wait3A_481] : memref<100096x16xf32, #tpu.memory_space<vmem_shared>> -> memref<256x16xf32, #tpu.memory_space<vmem_shared>>
        %dma_wait3A_483 = arith.constant 0 : i32
        %dma_wait3A_484 = arith.constant 0 : i32
        %dma_wait3A_485 = tpu.memref_slice %arg9[%dma_wait3A_483, %dma_wait3A_484] : memref<100096x16xf32, #tpu.memory_space<vmem_shared>> -> memref<256x16xf32, #tpu.memory_space<vmem_shared>>
        %dma_wait3A_486 = arith.constant 0 : i32
        %dma_wait3A_487 = arith.constant 0 : i32
        %dma_wait3A_488 = tpu.memref_slice %arg7[%dma_wait3A_475, %dma_wait3A_486, %dma_wait3A_487] : memref<2x256x16xf32, #tpu.memory_space<vmem>> -> memref<1x256x16xf32, #tpu.memory_space<vmem>>
        %dma_wait3A_489 = tpu.memref_squeeze %dma_wait3A_488 : memref<1x256x16xf32, #tpu.memory_space<vmem>> -> memref<256x16xf32, #tpu.memory_space<vmem>>
        tpu.wait_dma2 semaphore(%arg13 : memref<!tpu.dma_semaphore, #tpu.memory_space<semaphore_mem>>) src(%dma_wait3A_489 : memref<256x16xf32, #tpu.memory_space<vmem>>) dst(%dma_wait3A_485 : memref<256x16xf32, #tpu.memory_space<vmem_shared>>)
      } else {
      }
      %scan3A_437 = arith.constant 0 : i32
      %scan3A_438 = arith.constant 8 : i32
      %scan3A_439 = arith.addi %scan3A_437, %scan3A_438 : i32
      %scan3A_440 = arith.constant 1 : i32
      scf.for %scan3A_475 = %scan3A_437 to %scan3A_439 step %scan3A_440  : i32 {
        %mul3A_476 = arith.constant 1 : i32
        %mul3A_477 = arith.muli %scan3A_475, %mul3A_476 : i32
        %add3A_478 = arith.constant 0 : i32
        %add3A_479 = arith.addi %add3A_478, %mul3A_477 : i32
        %mul3A_480 = arith.constant 16 : i32
        %mul3A_481 = arith.muli %add3A_479, %mul3A_480 : i32
        %iota3A = tpu.iota {dimensions = array<i32: 0>} : vector<16xi32>
        %add3A_482 = arith.constant 0 : i32
        %add3A_483 = arith.addi %add3A_482, %mul3A_481 : i32
        %add3A_484 = vector.broadcast %add3A_483 : i32 to vector<16xi32>
        %add3A_485 = arith.addi %add3A_484, %iota3A : vector<16xi32>
        %get3A = arith.constant 1 : i32
        %get3A_486 = arith.constant 0 : i32
        %get3A_487 = arith.constant 0 : i32
        %get3A_488 = arith.constant 0 : i32
        %get3A_489 = arith.constant 0 : i32
        %get3A_490 = tpu.memref_slice %arg6[%get3A, %get3A_486, %get3A_487, %get3A_488, %get3A_489] : memref<2x2x2x8x128xf32, #tpu.memory_space<vmem>> -> memref<1x1x1x1x128xf32, #tpu.memory_space<vmem>>
        %get3A_491 = tpu.memref_squeeze %get3A_490 : memref<1x1x1x1x128xf32, #tpu.memory_space<vmem>> -> memref<128xf32, #tpu.memory_space<vmem>>
        %get3A_492 = arith.index_cast %mul3A_481 : i32 to index
        %get3A_493 = tpu.vector_load %get3A_491[%get3A_492] {strides = array<i32>} : memref<128xf32, #tpu.memory_space<vmem>>, vector<16xf32>,
        %broadcast_in_dim3A = arith.constant 0 : i32
        %broadcast_in_dim3A_494 = vector.broadcast %broadcast_in_dim3A : i32 to vector<16xi32>
        %scatter3A = arith.constant 1 : i32
        %scatter3A_495 = arith.constant 0 : i32
        %scatter3A_496 = arith.constant 0 : i32
        %scatter3A_497 = tpu.memref_slice %arg7[%scatter3A, %scatter3A_495, %scatter3A_496] : memref<2x256x16xf32, #tpu.memory_space<vmem>> -> memref<1x256x16xf32, #tpu.memory_space<vmem>>
        %scatter3A_498 = tpu.memref_squeeze %scatter3A_497 : memref<1x256x16xf32, #tpu.memory_space<vmem>> -> memref<256x16xf32, #tpu.memory_space<vmem>>
        tpu.vector_store_idx %scatter3A_498[%add3A_485, %broadcast_in_dim3A_494], %get3A_493 : memref<256x16xf32, #tpu.memory_space<vmem>>[vector<16xi32>, vector<16xi32>], vector<16xf32>,
        %get3A_499 = arith.constant 1 : i32
        %get3A_500 = arith.constant 0 : i32
        %get3A_501 = arith.constant 0 : i32
        %get3A_502 = arith.constant 1 : i32
        %get3A_503 = arith.constant 0 : i32
        %get3A_504 = tpu.memref_slice %arg6[%get3A_499, %get3A_500, %get3A_501, %get3A_502, %get3A_503] : memref<2x2x2x8x128xf32, #tpu.memory_space<vmem>> -> memref<1x1x1x1x128xf32, #tpu.memory_space<vmem>>
        %get3A_505 = tpu.memref_squeeze %get3A_504 : memref<1x1x1x1x128xf32, #tpu.memory_space<vmem>> -> memref<128xf32, #tpu.memory_space<vmem>>
        %get3A_506 = arith.index_cast %mul3A_481 : i32 to index
        %get3A_507 = tpu.vector_load %get3A_505[%get3A_506] {strides = array<i32>} : memref<128xf32, #tpu.memory_space<vmem>>, vector<16xf32>,
        %broadcast_in_dim3A_508 = arith.constant 1 : i32
        %broadcast_in_dim3A_509 = vector.broadcast %broadcast_in_dim3A_508 : i32 to vector<16xi32>
        %scatter3A_510 = arith.constant 1 : i32
        %scatter3A_511 = arith.constant 0 : i32
        %scatter3A_512 = arith.constant 0 : i32
        %scatter3A_513 = tpu.memref_slice %arg7[%scatter3A_510, %scatter3A_511, %scatter3A_512] : memref<2x256x16xf32, #tpu.memory_space<vmem>> -> memref<1x256x16xf32, #tpu.memory_space<vmem>>
        %scatter3A_514 = tpu.memref_squeeze %scatter3A_513 : memref<1x256x16xf32, #tpu.memory_space<vmem>> -> memref<256x16xf32, #tpu.memory_space<vmem>>
        tpu.vector_store_idx %scatter3A_514[%add3A_485, %broadcast_in_dim3A_509], %get3A_507 : memref<256x16xf32, #tpu.memory_space<vmem>>[vector<16xi32>, vector<16xi32>], vector<16xf32>,
        %get3A_515 = arith.constant 1 : i32
        %get3A_516 = arith.constant 0 : i32
        %get3A_517 = arith.constant 0 : i32
        %get3A_518 = arith.constant 2 : i32
        %get3A_519 = arith.constant 0 : i32
        %get3A_520 = tpu.memref_slice %arg6[%get3A_515, %get3A_516, %get3A_517, %get3A_518, %get3A_519] : memref<2x2x2x8x128xf32, #tpu.memory_space<vmem>> -> memref<1x1x1x1x128xf32, #tpu.memory_space<vmem>>
        %get3A_521 = tpu.memref_squeeze %get3A_520 : memref<1x1x1x1x128xf32, #tpu.memory_space<vmem>> -> memref<128xf32, #tpu.memory_space<vmem>>
        %get3A_522 = arith.index_cast %mul3A_481 : i32 to index
        %get3A_523 = tpu.vector_load %get3A_521[%get3A_522] {strides = array<i32>} : memref<128xf32, #tpu.memory_space<vmem>>, vector<16xf32>,
        %broadcast_in_dim3A_524 = arith.constant 2 : i32
        %broadcast_in_dim3A_525 = vector.broadcast %broadcast_in_dim3A_524 : i32 to vector<16xi32>
        %scatter3A_526 = arith.constant 1 : i32
        %scatter3A_527 = arith.constant 0 : i32
        %scatter3A_528 = arith.constant 0 : i32
        %scatter3A_529 = tpu.memref_slice %arg7[%scatter3A_526, %scatter3A_527, %scatter3A_528] : memref<2x256x16xf32, #tpu.memory_space<vmem>> -> memref<1x256x16xf32, #tpu.memory_space<vmem>>
        %scatter3A_530 = tpu.memref_squeeze %scatter3A_529 : memref<1x256x16xf32, #tpu.memory_space<vmem>> -> memref<256x16xf32, #tpu.memory_space<vmem>>
        tpu.vector_store_idx %scatter3A_530[%add3A_485, %broadcast_in_dim3A_525], %get3A_523 : memref<256x16xf32, #tpu.memory_space<vmem>>[vector<16xi32>, vector<16xi32>], vector<16xf32>,
        %get3A_531 = arith.constant 1 : i32
        %get3A_532 = arith.constant 0 : i32
        %get3A_533 = arith.constant 0 : i32
        %get3A_534 = arith.constant 3 : i32
        %get3A_535 = arith.constant 0 : i32
        %get3A_536 = tpu.memref_slice %arg6[%get3A_531, %get3A_532, %get3A_533, %get3A_534, %get3A_535] : memref<2x2x2x8x128xf32, #tpu.memory_space<vmem>> -> memref<1x1x1x1x128xf32, #tpu.memory_space<vmem>>
        %get3A_537 = tpu.memref_squeeze %get3A_536 : memref<1x1x1x1x128xf32, #tpu.memory_space<vmem>> -> memref<128xf32, #tpu.memory_space<vmem>>
        %get3A_538 = arith.index_cast %mul3A_481 : i32 to index
        %get3A_539 = tpu.vector_load %get3A_537[%get3A_538] {strides = array<i32>} : memref<128xf32, #tpu.memory_space<vmem>>, vector<16xf32>,
        %broadcast_in_dim3A_540 = arith.constant 3 : i32
        %broadcast_in_dim3A_541 = vector.broadcast %broadcast_in_dim3A_540 : i32 to vector<16xi32>
        %scatter3A_542 = arith.constant 1 : i32
        %scatter3A_543 = arith.constant 0 : i32
        %scatter3A_544 = arith.constant 0 : i32
        %scatter3A_545 = tpu.memref_slice %arg7[%scatter3A_542, %scatter3A_543, %scatter3A_544] : memref<2x256x16xf32, #tpu.memory_space<vmem>> -> memref<1x256x16xf32, #tpu.memory_space<vmem>>
        %scatter3A_546 = tpu.memref_squeeze %scatter3A_545 : memref<1x256x16xf32, #tpu.memory_space<vmem>> -> memref<256x16xf32, #tpu.memory_space<vmem>>
        tpu.vector_store_idx %scatter3A_546[%add3A_485, %broadcast_in_dim3A_541], %get3A_539 : memref<256x16xf32, #tpu.memory_space<vmem>>[vector<16xi32>, vector<16xi32>], vector<16xf32>,
        %get3A_547 = arith.constant 1 : i32
        %get3A_548 = arith.constant 0 : i32
        %get3A_549 = arith.constant 0 : i32
        %get3A_550 = arith.constant 4 : i32
        %get3A_551 = arith.constant 0 : i32
        %get3A_552 = tpu.memref_slice %arg6[%get3A_547, %get3A_548, %get3A_549, %get3A_550, %get3A_551] : memref<2x2x2x8x128xf32, #tpu.memory_space<vmem>> -> memref<1x1x1x1x128xf32, #tpu.memory_space<vmem>>
        %get3A_553 = tpu.memref_squeeze %get3A_552 : memref<1x1x1x1x128xf32, #tpu.memory_space<vmem>> -> memref<128xf32, #tpu.memory_space<vmem>>
        %get3A_554 = arith.index_cast %mul3A_481 : i32 to index
        %get3A_555 = tpu.vector_load %get3A_553[%get3A_554] {strides = array<i32>} : memref<128xf32, #tpu.memory_space<vmem>>, vector<16xf32>,
        %broadcast_in_dim3A_556 = arith.constant 4 : i32
        %broadcast_in_dim3A_557 = vector.broadcast %broadcast_in_dim3A_556 : i32 to vector<16xi32>
        %scatter3A_558 = arith.constant 1 : i32
        %scatter3A_559 = arith.constant 0 : i32
        %scatter3A_560 = arith.constant 0 : i32
        %scatter3A_561 = tpu.memref_slice %arg7[%scatter3A_558, %scatter3A_559, %scatter3A_560] : memref<2x256x16xf32, #tpu.memory_space<vmem>> -> memref<1x256x16xf32, #tpu.memory_space<vmem>>
        %scatter3A_562 = tpu.memref_squeeze %scatter3A_561 : memref<1x256x16xf32, #tpu.memory_space<vmem>> -> memref<256x16xf32, #tpu.memory_space<vmem>>
        tpu.vector_store_idx %scatter3A_562[%add3A_485, %broadcast_in_dim3A_557], %get3A_555 : memref<256x16xf32, #tpu.memory_space<vmem>>[vector<16xi32>, vector<16xi32>], vector<16xf32>,
        %get3A_563 = arith.constant 1 : i32
        %get3A_564 = arith.constant 0 : i32
        %get3A_565 = arith.constant 0 : i32
        %get3A_566 = arith.constant 5 : i32
        %get3A_567 = arith.constant 0 : i32
        %get3A_568 = tpu.memref_slice %arg6[%get3A_563, %get3A_564, %get3A_565, %get3A_566, %get3A_567] : memref<2x2x2x8x128xf32, #tpu.memory_space<vmem>> -> memref<1x1x1x1x128xf32, #tpu.memory_space<vmem>>
        %get3A_569 = tpu.memref_squeeze %get3A_568 : memref<1x1x1x1x128xf32, #tpu.memory_space<vmem>> -> memref<128xf32, #tpu.memory_space<vmem>>
        %get3A_570 = arith.index_cast %mul3A_481 : i32 to index
        %get3A_571 = tpu.vector_load %get3A_569[%get3A_570] {strides = array<i32>} : memref<128xf32, #tpu.memory_space<vmem>>, vector<16xf32>,
        %broadcast_in_dim3A_572 = arith.constant 5 : i32
        %broadcast_in_dim3A_573 = vector.broadcast %broadcast_in_dim3A_572 : i32 to vector<16xi32>
        %scatter3A_574 = arith.constant 1 : i32
        %scatter3A_575 = arith.constant 0 : i32
        %scatter3A_576 = arith.constant 0 : i32
        %scatter3A_577 = tpu.memref_slice %arg7[%scatter3A_574, %scatter3A_575, %scatter3A_576] : memref<2x256x16xf32, #tpu.memory_space<vmem>> -> memref<1x256x16xf32, #tpu.memory_space<vmem>>
        %scatter3A_578 = tpu.memref_squeeze %scatter3A_577 : memref<1x256x16xf32, #tpu.memory_space<vmem>> -> memref<256x16xf32, #tpu.memory_space<vmem>>
        tpu.vector_store_idx %scatter3A_578[%add3A_485, %broadcast_in_dim3A_573], %get3A_571 : memref<256x16xf32, #tpu.memory_space<vmem>>[vector<16xi32>, vector<16xi32>], vector<16xf32>,
        %get3A_579 = arith.constant 1 : i32
        %get3A_580 = arith.constant 0 : i32
        %get3A_581 = arith.constant 0 : i32
        %get3A_582 = arith.constant 6 : i32
        %get3A_583 = arith.constant 0 : i32
        %get3A_584 = tpu.memref_slice %arg6[%get3A_579, %get3A_580, %get3A_581, %get3A_582, %get3A_583] : memref<2x2x2x8x128xf32, #tpu.memory_space<vmem>> -> memref<1x1x1x1x128xf32, #tpu.memory_space<vmem>>
        %get3A_585 = tpu.memref_squeeze %get3A_584 : memref<1x1x1x1x128xf32, #tpu.memory_space<vmem>> -> memref<128xf32, #tpu.memory_space<vmem>>
        %get3A_586 = arith.index_cast %mul3A_481 : i32 to index
        %get3A_587 = tpu.vector_load %get3A_585[%get3A_586] {strides = array<i32>} : memref<128xf32, #tpu.memory_space<vmem>>, vector<16xf32>,
        %broadcast_in_dim3A_588 = arith.constant 6 : i32
        %broadcast_in_dim3A_589 = vector.broadcast %broadcast_in_dim3A_588 : i32 to vector<16xi32>
        %scatter3A_590 = arith.constant 1 : i32
        %scatter3A_591 = arith.constant 0 : i32
        %scatter3A_592 = arith.constant 0 : i32
        %scatter3A_593 = tpu.memref_slice %arg7[%scatter3A_590, %scatter3A_591, %scatter3A_592] : memref<2x256x16xf32, #tpu.memory_space<vmem>> -> memref<1x256x16xf32, #tpu.memory_space<vmem>>
        %scatter3A_594 = tpu.memref_squeeze %scatter3A_593 : memref<1x256x16xf32, #tpu.memory_space<vmem>> -> memref<256x16xf32, #tpu.memory_space<vmem>>
        tpu.vector_store_idx %scatter3A_594[%add3A_485, %broadcast_in_dim3A_589], %get3A_587 : memref<256x16xf32, #tpu.memory_space<vmem>>[vector<16xi32>, vector<16xi32>], vector<16xf32>,
        %get3A_595 = arith.constant 1 : i32
        %get3A_596 = arith.constant 0 : i32
        %get3A_597 = arith.constant 0 : i32
        %get3A_598 = arith.constant 7 : i32
        %get3A_599 = arith.constant 0 : i32
        %get3A_600 = tpu.memref_slice %arg6[%get3A_595, %get3A_596, %get3A_597, %get3A_598, %get3A_599] : memref<2x2x2x8x128xf32, #tpu.memory_space<vmem>> -> memref<1x1x1x1x128xf32, #tpu.memory_space<vmem>>
        %get3A_601 = tpu.memref_squeeze %get3A_600 : memref<1x1x1x1x128xf32, #tpu.memory_space<vmem>> -> memref<128xf32, #tpu.memory_space<vmem>>
        %get3A_602 = arith.index_cast %mul3A_481 : i32 to index
        %get3A_603 = tpu.vector_load %get3A_601[%get3A_602] {strides = array<i32>} : memref<128xf32, #tpu.memory_space<vmem>>, vector<16xf32>,
        %broadcast_in_dim3A_604 = arith.constant 7 : i32
        %broadcast_in_dim3A_605 = vector.broadcast %broadcast_in_dim3A_604 : i32 to vector<16xi32>
        %scatter3A_606 = arith.constant 1 : i32
        %scatter3A_607 = arith.constant 0 : i32
        %scatter3A_608 = arith.constant 0 : i32
        %scatter3A_609 = tpu.memref_slice %arg7[%scatter3A_606, %scatter3A_607, %scatter3A_608] : memref<2x256x16xf32, #tpu.memory_space<vmem>> -> memref<1x256x16xf32, #tpu.memory_space<vmem>>
        %scatter3A_610 = tpu.memref_squeeze %scatter3A_609 : memref<1x256x16xf32, #tpu.memory_space<vmem>> -> memref<256x16xf32, #tpu.memory_space<vmem>>
        tpu.vector_store_idx %scatter3A_610[%add3A_485, %broadcast_in_dim3A_605], %get3A_603 : memref<256x16xf32, #tpu.memory_space<vmem>>[vector<16xi32>, vector<16xi32>], vector<16xf32>,
        %get3A_611 = arith.constant 1 : i32
        %get3A_612 = arith.constant 1 : i32
        %get3A_613 = arith.constant 0 : i32
        %get3A_614 = arith.constant 0 : i32
        %get3A_615 = arith.constant 0 : i32
        %get3A_616 = tpu.memref_slice %arg6[%get3A_611, %get3A_612, %get3A_613, %get3A_614, %get3A_615] : memref<2x2x2x8x128xf32, #tpu.memory_space<vmem>> -> memref<1x1x1x1x128xf32, #tpu.memory_space<vmem>>
        %get3A_617 = tpu.memref_squeeze %get3A_616 : memref<1x1x1x1x128xf32, #tpu.memory_space<vmem>> -> memref<128xf32, #tpu.memory_space<vmem>>
        %get3A_618 = arith.index_cast %mul3A_481 : i32 to index
        %get3A_619 = tpu.vector_load %get3A_617[%get3A_618] {strides = array<i32>} : memref<128xf32, #tpu.memory_space<vmem>>, vector<16xf32>,
        %broadcast_in_dim3A_620 = arith.constant 8 : i32
        %broadcast_in_dim3A_621 = vector.broadcast %broadcast_in_dim3A_620 : i32 to vector<16xi32>
        %scatter3A_622 = arith.constant 1 : i32
        %scatter3A_623 = arith.constant 0 : i32
        %scatter3A_624 = arith.constant 0 : i32
        %scatter3A_625 = tpu.memref_slice %arg7[%scatter3A_622, %scatter3A_623, %scatter3A_624] : memref<2x256x16xf32, #tpu.memory_space<vmem>> -> memref<1x256x16xf32, #tpu.memory_space<vmem>>
        %scatter3A_626 = tpu.memref_squeeze %scatter3A_625 : memref<1x256x16xf32, #tpu.memory_space<vmem>> -> memref<256x16xf32, #tpu.memory_space<vmem>>
        tpu.vector_store_idx %scatter3A_626[%add3A_485, %broadcast_in_dim3A_621], %get3A_619 : memref<256x16xf32, #tpu.memory_space<vmem>>[vector<16xi32>, vector<16xi32>], vector<16xf32>,
        %get3A_627 = arith.constant 1 : i32
        %get3A_628 = arith.constant 1 : i32
        %get3A_629 = arith.constant 0 : i32
        %get3A_630 = arith.constant 1 : i32
        %get3A_631 = arith.constant 0 : i32
        %get3A_632 = tpu.memref_slice %arg6[%get3A_627, %get3A_628, %get3A_629, %get3A_630, %get3A_631] : memref<2x2x2x8x128xf32, #tpu.memory_space<vmem>> -> memref<1x1x1x1x128xf32, #tpu.memory_space<vmem>>
        %get3A_633 = tpu.memref_squeeze %get3A_632 : memref<1x1x1x1x128xf32, #tpu.memory_space<vmem>> -> memref<128xf32, #tpu.memory_space<vmem>>
        %get3A_634 = arith.index_cast %mul3A_481 : i32 to index
        %get3A_635 = tpu.vector_load %get3A_633[%get3A_634] {strides = array<i32>} : memref<128xf32, #tpu.memory_space<vmem>>, vector<16xf32>,
        %broadcast_in_dim3A_636 = arith.constant 9 : i32
        %broadcast_in_dim3A_637 = vector.broadcast %broadcast_in_dim3A_636 : i32 to vector<16xi32>
        %scatter3A_638 = arith.constant 1 : i32
        %scatter3A_639 = arith.constant 0 : i32
        %scatter3A_640 = arith.constant 0 : i32
        %scatter3A_641 = tpu.memref_slice %arg7[%scatter3A_638, %scatter3A_639, %scatter3A_640] : memref<2x256x16xf32, #tpu.memory_space<vmem>> -> memref<1x256x16xf32, #tpu.memory_space<vmem>>
        %scatter3A_642 = tpu.memref_squeeze %scatter3A_641 : memref<1x256x16xf32, #tpu.memory_space<vmem>> -> memref<256x16xf32, #tpu.memory_space<vmem>>
        tpu.vector_store_idx %scatter3A_642[%add3A_485, %broadcast_in_dim3A_637], %get3A_635 : memref<256x16xf32, #tpu.memory_space<vmem>>[vector<16xi32>, vector<16xi32>], vector<16xf32>,
        %get3A_643 = arith.constant 1 : i32
        %get3A_644 = arith.constant 1 : i32
        %get3A_645 = arith.constant 0 : i32
        %get3A_646 = arith.constant 2 : i32
        %get3A_647 = arith.constant 0 : i32
        %get3A_648 = tpu.memref_slice %arg6[%get3A_643, %get3A_644, %get3A_645, %get3A_646, %get3A_647] : memref<2x2x2x8x128xf32, #tpu.memory_space<vmem>> -> memref<1x1x1x1x128xf32, #tpu.memory_space<vmem>>
        %get3A_649 = tpu.memref_squeeze %get3A_648 : memref<1x1x1x1x128xf32, #tpu.memory_space<vmem>> -> memref<128xf32, #tpu.memory_space<vmem>>
        %get3A_650 = arith.index_cast %mul3A_481 : i32 to index
        %get3A_651 = tpu.vector_load %get3A_649[%get3A_650] {strides = array<i32>} : memref<128xf32, #tpu.memory_space<vmem>>, vector<16xf32>,
        %broadcast_in_dim3A_652 = arith.constant 10 : i32
        %broadcast_in_dim3A_653 = vector.broadcast %broadcast_in_dim3A_652 : i32 to vector<16xi32>
        %scatter3A_654 = arith.constant 1 : i32
        %scatter3A_655 = arith.constant 0 : i32
        %scatter3A_656 = arith.constant 0 : i32
        %scatter3A_657 = tpu.memref_slice %arg7[%scatter3A_654, %scatter3A_655, %scatter3A_656] : memref<2x256x16xf32, #tpu.memory_space<vmem>> -> memref<1x256x16xf32, #tpu.memory_space<vmem>>
        %scatter3A_658 = tpu.memref_squeeze %scatter3A_657 : memref<1x256x16xf32, #tpu.memory_space<vmem>> -> memref<256x16xf32, #tpu.memory_space<vmem>>
        tpu.vector_store_idx %scatter3A_658[%add3A_485, %broadcast_in_dim3A_653], %get3A_651 : memref<256x16xf32, #tpu.memory_space<vmem>>[vector<16xi32>, vector<16xi32>], vector<16xf32>,
        %get3A_659 = arith.constant 1 : i32
        %get3A_660 = arith.constant 1 : i32
        %get3A_661 = arith.constant 0 : i32
        %get3A_662 = arith.constant 3 : i32
        %get3A_663 = arith.constant 0 : i32
        %get3A_664 = tpu.memref_slice %arg6[%get3A_659, %get3A_660, %get3A_661, %get3A_662, %get3A_663] : memref<2x2x2x8x128xf32, #tpu.memory_space<vmem>> -> memref<1x1x1x1x128xf32, #tpu.memory_space<vmem>>
        %get3A_665 = tpu.memref_squeeze %get3A_664 : memref<1x1x1x1x128xf32, #tpu.memory_space<vmem>> -> memref<128xf32, #tpu.memory_space<vmem>>
        %get3A_666 = arith.index_cast %mul3A_481 : i32 to index
        %get3A_667 = tpu.vector_load %get3A_665[%get3A_666] {strides = array<i32>} : memref<128xf32, #tpu.memory_space<vmem>>, vector<16xf32>,
        %broadcast_in_dim3A_668 = arith.constant 11 : i32
        %broadcast_in_dim3A_669 = vector.broadcast %broadcast_in_dim3A_668 : i32 to vector<16xi32>
        %scatter3A_670 = arith.constant 1 : i32
        %scatter3A_671 = arith.constant 0 : i32
        %scatter3A_672 = arith.constant 0 : i32
        %scatter3A_673 = tpu.memref_slice %arg7[%scatter3A_670, %scatter3A_671, %scatter3A_672] : memref<2x256x16xf32, #tpu.memory_space<vmem>> -> memref<1x256x16xf32, #tpu.memory_space<vmem>>
        %scatter3A_674 = tpu.memref_squeeze %scatter3A_673 : memref<1x256x16xf32, #tpu.memory_space<vmem>> -> memref<256x16xf32, #tpu.memory_space<vmem>>
        tpu.vector_store_idx %scatter3A_674[%add3A_485, %broadcast_in_dim3A_669], %get3A_667 : memref<256x16xf32, #tpu.memory_space<vmem>>[vector<16xi32>, vector<16xi32>], vector<16xf32>,
        %get3A_675 = arith.constant 1 : i32
        %get3A_676 = arith.constant 1 : i32
        %get3A_677 = arith.constant 0 : i32
        %get3A_678 = arith.constant 4 : i32
        %get3A_679 = arith.constant 0 : i32
        %get3A_680 = tpu.memref_slice %arg6[%get3A_675, %get3A_676, %get3A_677, %get3A_678, %get3A_679] : memref<2x2x2x8x128xf32, #tpu.memory_space<vmem>> -> memref<1x1x1x1x128xf32, #tpu.memory_space<vmem>>
        %get3A_681 = tpu.memref_squeeze %get3A_680 : memref<1x1x1x1x128xf32, #tpu.memory_space<vmem>> -> memref<128xf32, #tpu.memory_space<vmem>>
        %get3A_682 = arith.index_cast %mul3A_481 : i32 to index
        %get3A_683 = tpu.vector_load %get3A_681[%get3A_682] {strides = array<i32>} : memref<128xf32, #tpu.memory_space<vmem>>, vector<16xf32>,
        %broadcast_in_dim3A_684 = arith.constant 12 : i32
        %broadcast_in_dim3A_685 = vector.broadcast %broadcast_in_dim3A_684 : i32 to vector<16xi32>
        %scatter3A_686 = arith.constant 1 : i32
        %scatter3A_687 = arith.constant 0 : i32
        %scatter3A_688 = arith.constant 0 : i32
        %scatter3A_689 = tpu.memref_slice %arg7[%scatter3A_686, %scatter3A_687, %scatter3A_688] : memref<2x256x16xf32, #tpu.memory_space<vmem>> -> memref<1x256x16xf32, #tpu.memory_space<vmem>>
        %scatter3A_690 = tpu.memref_squeeze %scatter3A_689 : memref<1x256x16xf32, #tpu.memory_space<vmem>> -> memref<256x16xf32, #tpu.memory_space<vmem>>
        tpu.vector_store_idx %scatter3A_690[%add3A_485, %broadcast_in_dim3A_685], %get3A_683 : memref<256x16xf32, #tpu.memory_space<vmem>>[vector<16xi32>, vector<16xi32>], vector<16xf32>,
        %get3A_691 = arith.constant 1 : i32
        %get3A_692 = arith.constant 1 : i32
        %get3A_693 = arith.constant 0 : i32
        %get3A_694 = arith.constant 5 : i32
        %get3A_695 = arith.constant 0 : i32
        %get3A_696 = tpu.memref_slice %arg6[%get3A_691, %get3A_692, %get3A_693, %get3A_694, %get3A_695] : memref<2x2x2x8x128xf32, #tpu.memory_space<vmem>> -> memref<1x1x1x1x128xf32, #tpu.memory_space<vmem>>
        %get3A_697 = tpu.memref_squeeze %get3A_696 : memref<1x1x1x1x128xf32, #tpu.memory_space<vmem>> -> memref<128xf32, #tpu.memory_space<vmem>>
        %get3A_698 = arith.index_cast %mul3A_481 : i32 to index
        %get3A_699 = tpu.vector_load %get3A_697[%get3A_698] {strides = array<i32>} : memref<128xf32, #tpu.memory_space<vmem>>, vector<16xf32>,
        %broadcast_in_dim3A_700 = arith.constant 13 : i32
        %broadcast_in_dim3A_701 = vector.broadcast %broadcast_in_dim3A_700 : i32 to vector<16xi32>
        %scatter3A_702 = arith.constant 1 : i32
        %scatter3A_703 = arith.constant 0 : i32
        %scatter3A_704 = arith.constant 0 : i32
        %scatter3A_705 = tpu.memref_slice %arg7[%scatter3A_702, %scatter3A_703, %scatter3A_704] : memref<2x256x16xf32, #tpu.memory_space<vmem>> -> memref<1x256x16xf32, #tpu.memory_space<vmem>>
        %scatter3A_706 = tpu.memref_squeeze %scatter3A_705 : memref<1x256x16xf32, #tpu.memory_space<vmem>> -> memref<256x16xf32, #tpu.memory_space<vmem>>
        tpu.vector_store_idx %scatter3A_706[%add3A_485, %broadcast_in_dim3A_701], %get3A_699 : memref<256x16xf32, #tpu.memory_space<vmem>>[vector<16xi32>, vector<16xi32>], vector<16xf32>,
        %get3A_707 = arith.constant 1 : i32
        %get3A_708 = arith.constant 1 : i32
        %get3A_709 = arith.constant 0 : i32
        %get3A_710 = arith.constant 6 : i32
        %get3A_711 = arith.constant 0 : i32
        %get3A_712 = tpu.memref_slice %arg6[%get3A_707, %get3A_708, %get3A_709, %get3A_710, %get3A_711] : memref<2x2x2x8x128xf32, #tpu.memory_space<vmem>> -> memref<1x1x1x1x128xf32, #tpu.memory_space<vmem>>
        %get3A_713 = tpu.memref_squeeze %get3A_712 : memref<1x1x1x1x128xf32, #tpu.memory_space<vmem>> -> memref<128xf32, #tpu.memory_space<vmem>>
        %get3A_714 = arith.index_cast %mul3A_481 : i32 to index
        %get3A_715 = tpu.vector_load %get3A_713[%get3A_714] {strides = array<i32>} : memref<128xf32, #tpu.memory_space<vmem>>, vector<16xf32>,
        %broadcast_in_dim3A_716 = arith.constant 14 : i32
        %broadcast_in_dim3A_717 = vector.broadcast %broadcast_in_dim3A_716 : i32 to vector<16xi32>
        %scatter3A_718 = arith.constant 1 : i32
        %scatter3A_719 = arith.constant 0 : i32
        %scatter3A_720 = arith.constant 0 : i32
        %scatter3A_721 = tpu.memref_slice %arg7[%scatter3A_718, %scatter3A_719, %scatter3A_720] : memref<2x256x16xf32, #tpu.memory_space<vmem>> -> memref<1x256x16xf32, #tpu.memory_space<vmem>>
        %scatter3A_722 = tpu.memref_squeeze %scatter3A_721 : memref<1x256x16xf32, #tpu.memory_space<vmem>> -> memref<256x16xf32, #tpu.memory_space<vmem>>
        tpu.vector_store_idx %scatter3A_722[%add3A_485, %broadcast_in_dim3A_717], %get3A_715 : memref<256x16xf32, #tpu.memory_space<vmem>>[vector<16xi32>, vector<16xi32>], vector<16xf32>,
        %get3A_723 = arith.constant 1 : i32
        %get3A_724 = arith.constant 1 : i32
        %get3A_725 = arith.constant 0 : i32
        %get3A_726 = arith.constant 7 : i32
        %get3A_727 = arith.constant 0 : i32
        %get3A_728 = tpu.memref_slice %arg6[%get3A_723, %get3A_724, %get3A_725, %get3A_726, %get3A_727] : memref<2x2x2x8x128xf32, #tpu.memory_space<vmem>> -> memref<1x1x1x1x128xf32, #tpu.memory_space<vmem>>
        %get3A_729 = tpu.memref_squeeze %get3A_728 : memref<1x1x1x1x128xf32, #tpu.memory_space<vmem>> -> memref<128xf32, #tpu.memory_space<vmem>>
        %get3A_730 = arith.index_cast %mul3A_481 : i32 to index
        %get3A_731 = tpu.vector_load %get3A_729[%get3A_730] {strides = array<i32>} : memref<128xf32, #tpu.memory_space<vmem>>, vector<16xf32>,
        %broadcast_in_dim3A_732 = arith.constant 15 : i32
        %broadcast_in_dim3A_733 = vector.broadcast %broadcast_in_dim3A_732 : i32 to vector<16xi32>
        %scatter3A_734 = arith.constant 1 : i32
        %scatter3A_735 = arith.constant 0 : i32
        %scatter3A_736 = arith.constant 0 : i32
        %scatter3A_737 = tpu.memref_slice %arg7[%scatter3A_734, %scatter3A_735, %scatter3A_736] : memref<2x256x16xf32, #tpu.memory_space<vmem>> -> memref<1x256x16xf32, #tpu.memory_space<vmem>>
        %scatter3A_738 = tpu.memref_squeeze %scatter3A_737 : memref<1x256x16xf32, #tpu.memory_space<vmem>> -> memref<256x16xf32, #tpu.memory_space<vmem>>
        tpu.vector_store_idx %scatter3A_738[%add3A_485, %broadcast_in_dim3A_733], %get3A_731 : memref<256x16xf32, #tpu.memory_space<vmem>>[vector<16xi32>, vector<16xi32>], vector<16xf32>,
        %add3A_739 = arith.constant 128 : i32
        %add3A_740 = arith.addi %add3A_739, %mul3A_481 : i32
        %add3A_741 = vector.broadcast %add3A_740 : i32 to vector<16xi32>
        %add3A_742 = arith.addi %add3A_741, %iota3A : vector<16xi32>
        %get3A_743 = arith.constant 1 : i32
        %get3A_744 = arith.constant 0 : i32
        %get3A_745 = arith.constant 1 : i32
        %get3A_746 = arith.constant 0 : i32
        %get3A_747 = arith.constant 0 : i32
        %get3A_748 = tpu.memref_slice %arg6[%get3A_743, %get3A_744, %get3A_745, %get3A_746, %get3A_747] : memref<2x2x2x8x128xf32, #tpu.memory_space<vmem>> -> memref<1x1x1x1x128xf32, #tpu.memory_space<vmem>>
        %get3A_749 = tpu.memref_squeeze %get3A_748 : memref<1x1x1x1x128xf32, #tpu.memory_space<vmem>> -> memref<128xf32, #tpu.memory_space<vmem>>
        %get3A_750 = arith.index_cast %mul3A_481 : i32 to index
        %get3A_751 = tpu.vector_load %get3A_749[%get3A_750] {strides = array<i32>} : memref<128xf32, #tpu.memory_space<vmem>>, vector<16xf32>,
        %broadcast_in_dim3A_752 = arith.constant 0 : i32
        %broadcast_in_dim3A_753 = vector.broadcast %broadcast_in_dim3A_752 : i32 to vector<16xi32>
        %scatter3A_754 = arith.constant 1 : i32
        %scatter3A_755 = arith.constant 0 : i32
        %scatter3A_756 = arith.constant 0 : i32
        %scatter3A_757 = tpu.memref_slice %arg7[%scatter3A_754, %scatter3A_755, %scatter3A_756] : memref<2x256x16xf32, #tpu.memory_space<vmem>> -> memref<1x256x16xf32, #tpu.memory_space<vmem>>
        %scatter3A_758 = tpu.memref_squeeze %scatter3A_757 : memref<1x256x16xf32, #tpu.memory_space<vmem>> -> memref<256x16xf32, #tpu.memory_space<vmem>>
        tpu.vector_store_idx %scatter3A_758[%add3A_742, %broadcast_in_dim3A_753], %get3A_751 : memref<256x16xf32, #tpu.memory_space<vmem>>[vector<16xi32>, vector<16xi32>], vector<16xf32>,
        %get3A_759 = arith.constant 1 : i32
        %get3A_760 = arith.constant 0 : i32
        %get3A_761 = arith.constant 1 : i32
        %get3A_762 = arith.constant 1 : i32
        %get3A_763 = arith.constant 0 : i32
        %get3A_764 = tpu.memref_slice %arg6[%get3A_759, %get3A_760, %get3A_761, %get3A_762, %get3A_763] : memref<2x2x2x8x128xf32, #tpu.memory_space<vmem>> -> memref<1x1x1x1x128xf32, #tpu.memory_space<vmem>>
        %get3A_765 = tpu.memref_squeeze %get3A_764 : memref<1x1x1x1x128xf32, #tpu.memory_space<vmem>> -> memref<128xf32, #tpu.memory_space<vmem>>
        %get3A_766 = arith.index_cast %mul3A_481 : i32 to index
        %get3A_767 = tpu.vector_load %get3A_765[%get3A_766] {strides = array<i32>} : memref<128xf32, #tpu.memory_space<vmem>>, vector<16xf32>,
        %broadcast_in_dim3A_768 = arith.constant 1 : i32
        %broadcast_in_dim3A_769 = vector.broadcast %broadcast_in_dim3A_768 : i32 to vector<16xi32>
        %scatter3A_770 = arith.constant 1 : i32
        %scatter3A_771 = arith.constant 0 : i32
        %scatter3A_772 = arith.constant 0 : i32
        %scatter3A_773 = tpu.memref_slice %arg7[%scatter3A_770, %scatter3A_771, %scatter3A_772] : memref<2x256x16xf32, #tpu.memory_space<vmem>> -> memref<1x256x16xf32, #tpu.memory_space<vmem>>
        %scatter3A_774 = tpu.memref_squeeze %scatter3A_773 : memref<1x256x16xf32, #tpu.memory_space<vmem>> -> memref<256x16xf32, #tpu.memory_space<vmem>>
        tpu.vector_store_idx %scatter3A_774[%add3A_742, %broadcast_in_dim3A_769], %get3A_767 : memref<256x16xf32, #tpu.memory_space<vmem>>[vector<16xi32>, vector<16xi32>], vector<16xf32>,
        %get3A_775 = arith.constant 1 : i32
        %get3A_776 = arith.constant 0 : i32
        %get3A_777 = arith.constant 1 : i32
        %get3A_778 = arith.constant 2 : i32
        %get3A_779 = arith.constant 0 : i32
        %get3A_780 = tpu.memref_slice %arg6[%get3A_775, %get3A_776, %get3A_777, %get3A_778, %get3A_779] : memref<2x2x2x8x128xf32, #tpu.memory_space<vmem>> -> memref<1x1x1x1x128xf32, #tpu.memory_space<vmem>>
        %get3A_781 = tpu.memref_squeeze %get3A_780 : memref<1x1x1x1x128xf32, #tpu.memory_space<vmem>> -> memref<128xf32, #tpu.memory_space<vmem>>
        %get3A_782 = arith.index_cast %mul3A_481 : i32 to index
        %get3A_783 = tpu.vector_load %get3A_781[%get3A_782] {strides = array<i32>} : memref<128xf32, #tpu.memory_space<vmem>>, vector<16xf32>,
        %broadcast_in_dim3A_784 = arith.constant 2 : i32
        %broadcast_in_dim3A_785 = vector.broadcast %broadcast_in_dim3A_784 : i32 to vector<16xi32>
        %scatter3A_786 = arith.constant 1 : i32
        %scatter3A_787 = arith.constant 0 : i32
        %scatter3A_788 = arith.constant 0 : i32
        %scatter3A_789 = tpu.memref_slice %arg7[%scatter3A_786, %scatter3A_787, %scatter3A_788] : memref<2x256x16xf32, #tpu.memory_space<vmem>> -> memref<1x256x16xf32, #tpu.memory_space<vmem>>
        %scatter3A_790 = tpu.memref_squeeze %scatter3A_789 : memref<1x256x16xf32, #tpu.memory_space<vmem>> -> memref<256x16xf32, #tpu.memory_space<vmem>>
        tpu.vector_store_idx %scatter3A_790[%add3A_742, %broadcast_in_dim3A_785], %get3A_783 : memref<256x16xf32, #tpu.memory_space<vmem>>[vector<16xi32>, vector<16xi32>], vector<16xf32>,
        %get3A_791 = arith.constant 1 : i32
        %get3A_792 = arith.constant 0 : i32
        %get3A_793 = arith.constant 1 : i32
        %get3A_794 = arith.constant 3 : i32
        %get3A_795 = arith.constant 0 : i32
        %get3A_796 = tpu.memref_slice %arg6[%get3A_791, %get3A_792, %get3A_793, %get3A_794, %get3A_795] : memref<2x2x2x8x128xf32, #tpu.memory_space<vmem>> -> memref<1x1x1x1x128xf32, #tpu.memory_space<vmem>>
        %get3A_797 = tpu.memref_squeeze %get3A_796 : memref<1x1x1x1x128xf32, #tpu.memory_space<vmem>> -> memref<128xf32, #tpu.memory_space<vmem>>
        %get3A_798 = arith.index_cast %mul3A_481 : i32 to index
        %get3A_799 = tpu.vector_load %get3A_797[%get3A_798] {strides = array<i32>} : memref<128xf32, #tpu.memory_space<vmem>>, vector<16xf32>,
        %broadcast_in_dim3A_800 = arith.constant 3 : i32
        %broadcast_in_dim3A_801 = vector.broadcast %broadcast_in_dim3A_800 : i32 to vector<16xi32>
        %scatter3A_802 = arith.constant 1 : i32
        %scatter3A_803 = arith.constant 0 : i32
        %scatter3A_804 = arith.constant 0 : i32
        %scatter3A_805 = tpu.memref_slice %arg7[%scatter3A_802, %scatter3A_803, %scatter3A_804] : memref<2x256x16xf32, #tpu.memory_space<vmem>> -> memref<1x256x16xf32, #tpu.memory_space<vmem>>
        %scatter3A_806 = tpu.memref_squeeze %scatter3A_805 : memref<1x256x16xf32, #tpu.memory_space<vmem>> -> memref<256x16xf32, #tpu.memory_space<vmem>>
        tpu.vector_store_idx %scatter3A_806[%add3A_742, %broadcast_in_dim3A_801], %get3A_799 : memref<256x16xf32, #tpu.memory_space<vmem>>[vector<16xi32>, vector<16xi32>], vector<16xf32>,
        %get3A_807 = arith.constant 1 : i32
        %get3A_808 = arith.constant 0 : i32
        %get3A_809 = arith.constant 1 : i32
        %get3A_810 = arith.constant 4 : i32
        %get3A_811 = arith.constant 0 : i32
        %get3A_812 = tpu.memref_slice %arg6[%get3A_807, %get3A_808, %get3A_809, %get3A_810, %get3A_811] : memref<2x2x2x8x128xf32, #tpu.memory_space<vmem>> -> memref<1x1x1x1x128xf32, #tpu.memory_space<vmem>>
        %get3A_813 = tpu.memref_squeeze %get3A_812 : memref<1x1x1x1x128xf32, #tpu.memory_space<vmem>> -> memref<128xf32, #tpu.memory_space<vmem>>
        %get3A_814 = arith.index_cast %mul3A_481 : i32 to index
        %get3A_815 = tpu.vector_load %get3A_813[%get3A_814] {strides = array<i32>} : memref<128xf32, #tpu.memory_space<vmem>>, vector<16xf32>,
        %broadcast_in_dim3A_816 = arith.constant 4 : i32
        %broadcast_in_dim3A_817 = vector.broadcast %broadcast_in_dim3A_816 : i32 to vector<16xi32>
        %scatter3A_818 = arith.constant 1 : i32
        %scatter3A_819 = arith.constant 0 : i32
        %scatter3A_820 = arith.constant 0 : i32
        %scatter3A_821 = tpu.memref_slice %arg7[%scatter3A_818, %scatter3A_819, %scatter3A_820] : memref<2x256x16xf32, #tpu.memory_space<vmem>> -> memref<1x256x16xf32, #tpu.memory_space<vmem>>
        %scatter3A_822 = tpu.memref_squeeze %scatter3A_821 : memref<1x256x16xf32, #tpu.memory_space<vmem>> -> memref<256x16xf32, #tpu.memory_space<vmem>>
        tpu.vector_store_idx %scatter3A_822[%add3A_742, %broadcast_in_dim3A_817], %get3A_815 : memref<256x16xf32, #tpu.memory_space<vmem>>[vector<16xi32>, vector<16xi32>], vector<16xf32>,
        %get3A_823 = arith.constant 1 : i32
        %get3A_824 = arith.constant 0 : i32
        %get3A_825 = arith.constant 1 : i32
        %get3A_826 = arith.constant 5 : i32
        %get3A_827 = arith.constant 0 : i32
        %get3A_828 = tpu.memref_slice %arg6[%get3A_823, %get3A_824, %get3A_825, %get3A_826, %get3A_827] : memref<2x2x2x8x128xf32, #tpu.memory_space<vmem>> -> memref<1x1x1x1x128xf32, #tpu.memory_space<vmem>>
        %get3A_829 = tpu.memref_squeeze %get3A_828 : memref<1x1x1x1x128xf32, #tpu.memory_space<vmem>> -> memref<128xf32, #tpu.memory_space<vmem>>
        %get3A_830 = arith.index_cast %mul3A_481 : i32 to index
        %get3A_831 = tpu.vector_load %get3A_829[%get3A_830] {strides = array<i32>} : memref<128xf32, #tpu.memory_space<vmem>>, vector<16xf32>,
        %broadcast_in_dim3A_832 = arith.constant 5 : i32
        %broadcast_in_dim3A_833 = vector.broadcast %broadcast_in_dim3A_832 : i32 to vector<16xi32>
        %scatter3A_834 = arith.constant 1 : i32
        %scatter3A_835 = arith.constant 0 : i32
        %scatter3A_836 = arith.constant 0 : i32
        %scatter3A_837 = tpu.memref_slice %arg7[%scatter3A_834, %scatter3A_835, %scatter3A_836] : memref<2x256x16xf32, #tpu.memory_space<vmem>> -> memref<1x256x16xf32, #tpu.memory_space<vmem>>
        %scatter3A_838 = tpu.memref_squeeze %scatter3A_837 : memref<1x256x16xf32, #tpu.memory_space<vmem>> -> memref<256x16xf32, #tpu.memory_space<vmem>>
        tpu.vector_store_idx %scatter3A_838[%add3A_742, %broadcast_in_dim3A_833], %get3A_831 : memref<256x16xf32, #tpu.memory_space<vmem>>[vector<16xi32>, vector<16xi32>], vector<16xf32>,
        %get3A_839 = arith.constant 1 : i32
        %get3A_840 = arith.constant 0 : i32
        %get3A_841 = arith.constant 1 : i32
        %get3A_842 = arith.constant 6 : i32
        %get3A_843 = arith.constant 0 : i32
        %get3A_844 = tpu.memref_slice %arg6[%get3A_839, %get3A_840, %get3A_841, %get3A_842, %get3A_843] : memref<2x2x2x8x128xf32, #tpu.memory_space<vmem>> -> memref<1x1x1x1x128xf32, #tpu.memory_space<vmem>>
        %get3A_845 = tpu.memref_squeeze %get3A_844 : memref<1x1x1x1x128xf32, #tpu.memory_space<vmem>> -> memref<128xf32, #tpu.memory_space<vmem>>
        %get3A_846 = arith.index_cast %mul3A_481 : i32 to index
        %get3A_847 = tpu.vector_load %get3A_845[%get3A_846] {strides = array<i32>} : memref<128xf32, #tpu.memory_space<vmem>>, vector<16xf32>,
        %broadcast_in_dim3A_848 = arith.constant 6 : i32
        %broadcast_in_dim3A_849 = vector.broadcast %broadcast_in_dim3A_848 : i32 to vector<16xi32>
        %scatter3A_850 = arith.constant 1 : i32
        %scatter3A_851 = arith.constant 0 : i32
        %scatter3A_852 = arith.constant 0 : i32
        %scatter3A_853 = tpu.memref_slice %arg7[%scatter3A_850, %scatter3A_851, %scatter3A_852] : memref<2x256x16xf32, #tpu.memory_space<vmem>> -> memref<1x256x16xf32, #tpu.memory_space<vmem>>
        %scatter3A_854 = tpu.memref_squeeze %scatter3A_853 : memref<1x256x16xf32, #tpu.memory_space<vmem>> -> memref<256x16xf32, #tpu.memory_space<vmem>>
        tpu.vector_store_idx %scatter3A_854[%add3A_742, %broadcast_in_dim3A_849], %get3A_847 : memref<256x16xf32, #tpu.memory_space<vmem>>[vector<16xi32>, vector<16xi32>], vector<16xf32>,
        %get3A_855 = arith.constant 1 : i32
        %get3A_856 = arith.constant 0 : i32
        %get3A_857 = arith.constant 1 : i32
        %get3A_858 = arith.constant 7 : i32
        %get3A_859 = arith.constant 0 : i32
        %get3A_860 = tpu.memref_slice %arg6[%get3A_855, %get3A_856, %get3A_857, %get3A_858, %get3A_859] : memref<2x2x2x8x128xf32, #tpu.memory_space<vmem>> -> memref<1x1x1x1x128xf32, #tpu.memory_space<vmem>>
        %get3A_861 = tpu.memref_squeeze %get3A_860 : memref<1x1x1x1x128xf32, #tpu.memory_space<vmem>> -> memref<128xf32, #tpu.memory_space<vmem>>
        %get3A_862 = arith.index_cast %mul3A_481 : i32 to index
        %get3A_863 = tpu.vector_load %get3A_861[%get3A_862] {strides = array<i32>} : memref<128xf32, #tpu.memory_space<vmem>>, vector<16xf32>,
        %broadcast_in_dim3A_864 = arith.constant 7 : i32
        %broadcast_in_dim3A_865 = vector.broadcast %broadcast_in_dim3A_864 : i32 to vector<16xi32>
        %scatter3A_866 = arith.constant 1 : i32
        %scatter3A_867 = arith.constant 0 : i32
        %scatter3A_868 = arith.constant 0 : i32
        %scatter3A_869 = tpu.memref_slice %arg7[%scatter3A_866, %scatter3A_867, %scatter3A_868] : memref<2x256x16xf32, #tpu.memory_space<vmem>> -> memref<1x256x16xf32, #tpu.memory_space<vmem>>
        %scatter3A_870 = tpu.memref_squeeze %scatter3A_869 : memref<1x256x16xf32, #tpu.memory_space<vmem>> -> memref<256x16xf32, #tpu.memory_space<vmem>>
        tpu.vector_store_idx %scatter3A_870[%add3A_742, %broadcast_in_dim3A_865], %get3A_863 : memref<256x16xf32, #tpu.memory_space<vmem>>[vector<16xi32>, vector<16xi32>], vector<16xf32>,
        %get3A_871 = arith.constant 1 : i32
        %get3A_872 = arith.constant 1 : i32
        %get3A_873 = arith.constant 1 : i32
        %get3A_874 = arith.constant 0 : i32
        %get3A_875 = arith.constant 0 : i32
        %get3A_876 = tpu.memref_slice %arg6[%get3A_871, %get3A_872, %get3A_873, %get3A_874, %get3A_875] : memref<2x2x2x8x128xf32, #tpu.memory_space<vmem>> -> memref<1x1x1x1x128xf32, #tpu.memory_space<vmem>>
        %get3A_877 = tpu.memref_squeeze %get3A_876 : memref<1x1x1x1x128xf32, #tpu.memory_space<vmem>> -> memref<128xf32, #tpu.memory_space<vmem>>
        %get3A_878 = arith.index_cast %mul3A_481 : i32 to index
        %get3A_879 = tpu.vector_load %get3A_877[%get3A_878] {strides = array<i32>} : memref<128xf32, #tpu.memory_space<vmem>>, vector<16xf32>,
        %broadcast_in_dim3A_880 = arith.constant 8 : i32
        %broadcast_in_dim3A_881 = vector.broadcast %broadcast_in_dim3A_880 : i32 to vector<16xi32>
        %scatter3A_882 = arith.constant 1 : i32
        %scatter3A_883 = arith.constant 0 : i32
        %scatter3A_884 = arith.constant 0 : i32
        %scatter3A_885 = tpu.memref_slice %arg7[%scatter3A_882, %scatter3A_883, %scatter3A_884] : memref<2x256x16xf32, #tpu.memory_space<vmem>> -> memref<1x256x16xf32, #tpu.memory_space<vmem>>
        %scatter3A_886 = tpu.memref_squeeze %scatter3A_885 : memref<1x256x16xf32, #tpu.memory_space<vmem>> -> memref<256x16xf32, #tpu.memory_space<vmem>>
        tpu.vector_store_idx %scatter3A_886[%add3A_742, %broadcast_in_dim3A_881], %get3A_879 : memref<256x16xf32, #tpu.memory_space<vmem>>[vector<16xi32>, vector<16xi32>], vector<16xf32>,
        %get3A_887 = arith.constant 1 : i32
        %get3A_888 = arith.constant 1 : i32
        %get3A_889 = arith.constant 1 : i32
        %get3A_890 = arith.constant 1 : i32
        %get3A_891 = arith.constant 0 : i32
        %get3A_892 = tpu.memref_slice %arg6[%get3A_887, %get3A_888, %get3A_889, %get3A_890, %get3A_891] : memref<2x2x2x8x128xf32, #tpu.memory_space<vmem>> -> memref<1x1x1x1x128xf32, #tpu.memory_space<vmem>>
        %get3A_893 = tpu.memref_squeeze %get3A_892 : memref<1x1x1x1x128xf32, #tpu.memory_space<vmem>> -> memref<128xf32, #tpu.memory_space<vmem>>
        %get3A_894 = arith.index_cast %mul3A_481 : i32 to index
        %get3A_895 = tpu.vector_load %get3A_893[%get3A_894] {strides = array<i32>} : memref<128xf32, #tpu.memory_space<vmem>>, vector<16xf32>,
        %broadcast_in_dim3A_896 = arith.constant 9 : i32
        %broadcast_in_dim3A_897 = vector.broadcast %broadcast_in_dim3A_896 : i32 to vector<16xi32>
        %scatter3A_898 = arith.constant 1 : i32
        %scatter3A_899 = arith.constant 0 : i32
        %scatter3A_900 = arith.constant 0 : i32
        %scatter3A_901 = tpu.memref_slice %arg7[%scatter3A_898, %scatter3A_899, %scatter3A_900] : memref<2x256x16xf32, #tpu.memory_space<vmem>> -> memref<1x256x16xf32, #tpu.memory_space<vmem>>
        %scatter3A_902 = tpu.memref_squeeze %scatter3A_901 : memref<1x256x16xf32, #tpu.memory_space<vmem>> -> memref<256x16xf32, #tpu.memory_space<vmem>>
        tpu.vector_store_idx %scatter3A_902[%add3A_742, %broadcast_in_dim3A_897], %get3A_895 : memref<256x16xf32, #tpu.memory_space<vmem>>[vector<16xi32>, vector<16xi32>], vector<16xf32>,
        %get3A_903 = arith.constant 1 : i32
        %get3A_904 = arith.constant 1 : i32
        %get3A_905 = arith.constant 1 : i32
        %get3A_906 = arith.constant 2 : i32
        %get3A_907 = arith.constant 0 : i32
        %get3A_908 = tpu.memref_slice %arg6[%get3A_903, %get3A_904, %get3A_905, %get3A_906, %get3A_907] : memref<2x2x2x8x128xf32, #tpu.memory_space<vmem>> -> memref<1x1x1x1x128xf32, #tpu.memory_space<vmem>>
        %get3A_909 = tpu.memref_squeeze %get3A_908 : memref<1x1x1x1x128xf32, #tpu.memory_space<vmem>> -> memref<128xf32, #tpu.memory_space<vmem>>
        %get3A_910 = arith.index_cast %mul3A_481 : i32 to index
        %get3A_911 = tpu.vector_load %get3A_909[%get3A_910] {strides = array<i32>} : memref<128xf32, #tpu.memory_space<vmem>>, vector<16xf32>,
        %broadcast_in_dim3A_912 = arith.constant 10 : i32
        %broadcast_in_dim3A_913 = vector.broadcast %broadcast_in_dim3A_912 : i32 to vector<16xi32>
        %scatter3A_914 = arith.constant 1 : i32
        %scatter3A_915 = arith.constant 0 : i32
        %scatter3A_916 = arith.constant 0 : i32
        %scatter3A_917 = tpu.memref_slice %arg7[%scatter3A_914, %scatter3A_915, %scatter3A_916] : memref<2x256x16xf32, #tpu.memory_space<vmem>> -> memref<1x256x16xf32, #tpu.memory_space<vmem>>
        %scatter3A_918 = tpu.memref_squeeze %scatter3A_917 : memref<1x256x16xf32, #tpu.memory_space<vmem>> -> memref<256x16xf32, #tpu.memory_space<vmem>>
        tpu.vector_store_idx %scatter3A_918[%add3A_742, %broadcast_in_dim3A_913], %get3A_911 : memref<256x16xf32, #tpu.memory_space<vmem>>[vector<16xi32>, vector<16xi32>], vector<16xf32>,
        %get3A_919 = arith.constant 1 : i32
        %get3A_920 = arith.constant 1 : i32
        %get3A_921 = arith.constant 1 : i32
        %get3A_922 = arith.constant 3 : i32
        %get3A_923 = arith.constant 0 : i32
        %get3A_924 = tpu.memref_slice %arg6[%get3A_919, %get3A_920, %get3A_921, %get3A_922, %get3A_923] : memref<2x2x2x8x128xf32, #tpu.memory_space<vmem>> -> memref<1x1x1x1x128xf32, #tpu.memory_space<vmem>>
        %get3A_925 = tpu.memref_squeeze %get3A_924 : memref<1x1x1x1x128xf32, #tpu.memory_space<vmem>> -> memref<128xf32, #tpu.memory_space<vmem>>
        %get3A_926 = arith.index_cast %mul3A_481 : i32 to index
        %get3A_927 = tpu.vector_load %get3A_925[%get3A_926] {strides = array<i32>} : memref<128xf32, #tpu.memory_space<vmem>>, vector<16xf32>,
        %broadcast_in_dim3A_928 = arith.constant 11 : i32
        %broadcast_in_dim3A_929 = vector.broadcast %broadcast_in_dim3A_928 : i32 to vector<16xi32>
        %scatter3A_930 = arith.constant 1 : i32
        %scatter3A_931 = arith.constant 0 : i32
        %scatter3A_932 = arith.constant 0 : i32
        %scatter3A_933 = tpu.memref_slice %arg7[%scatter3A_930, %scatter3A_931, %scatter3A_932] : memref<2x256x16xf32, #tpu.memory_space<vmem>> -> memref<1x256x16xf32, #tpu.memory_space<vmem>>
        %scatter3A_934 = tpu.memref_squeeze %scatter3A_933 : memref<1x256x16xf32, #tpu.memory_space<vmem>> -> memref<256x16xf32, #tpu.memory_space<vmem>>
        tpu.vector_store_idx %scatter3A_934[%add3A_742, %broadcast_in_dim3A_929], %get3A_927 : memref<256x16xf32, #tpu.memory_space<vmem>>[vector<16xi32>, vector<16xi32>], vector<16xf32>,
        %get3A_935 = arith.constant 1 : i32
        %get3A_936 = arith.constant 1 : i32
        %get3A_937 = arith.constant 1 : i32
        %get3A_938 = arith.constant 4 : i32
        %get3A_939 = arith.constant 0 : i32
        %get3A_940 = tpu.memref_slice %arg6[%get3A_935, %get3A_936, %get3A_937, %get3A_938, %get3A_939] : memref<2x2x2x8x128xf32, #tpu.memory_space<vmem>> -> memref<1x1x1x1x128xf32, #tpu.memory_space<vmem>>
        %get3A_941 = tpu.memref_squeeze %get3A_940 : memref<1x1x1x1x128xf32, #tpu.memory_space<vmem>> -> memref<128xf32, #tpu.memory_space<vmem>>
        %get3A_942 = arith.index_cast %mul3A_481 : i32 to index
        %get3A_943 = tpu.vector_load %get3A_941[%get3A_942] {strides = array<i32>} : memref<128xf32, #tpu.memory_space<vmem>>, vector<16xf32>,
        %broadcast_in_dim3A_944 = arith.constant 12 : i32
        %broadcast_in_dim3A_945 = vector.broadcast %broadcast_in_dim3A_944 : i32 to vector<16xi32>
        %scatter3A_946 = arith.constant 1 : i32
        %scatter3A_947 = arith.constant 0 : i32
        %scatter3A_948 = arith.constant 0 : i32
        %scatter3A_949 = tpu.memref_slice %arg7[%scatter3A_946, %scatter3A_947, %scatter3A_948] : memref<2x256x16xf32, #tpu.memory_space<vmem>> -> memref<1x256x16xf32, #tpu.memory_space<vmem>>
        %scatter3A_950 = tpu.memref_squeeze %scatter3A_949 : memref<1x256x16xf32, #tpu.memory_space<vmem>> -> memref<256x16xf32, #tpu.memory_space<vmem>>
        tpu.vector_store_idx %scatter3A_950[%add3A_742, %broadcast_in_dim3A_945], %get3A_943 : memref<256x16xf32, #tpu.memory_space<vmem>>[vector<16xi32>, vector<16xi32>], vector<16xf32>,
        %get3A_951 = arith.constant 1 : i32
        %get3A_952 = arith.constant 1 : i32
        %get3A_953 = arith.constant 1 : i32
        %get3A_954 = arith.constant 5 : i32
        %get3A_955 = arith.constant 0 : i32
        %get3A_956 = tpu.memref_slice %arg6[%get3A_951, %get3A_952, %get3A_953, %get3A_954, %get3A_955] : memref<2x2x2x8x128xf32, #tpu.memory_space<vmem>> -> memref<1x1x1x1x128xf32, #tpu.memory_space<vmem>>
        %get3A_957 = tpu.memref_squeeze %get3A_956 : memref<1x1x1x1x128xf32, #tpu.memory_space<vmem>> -> memref<128xf32, #tpu.memory_space<vmem>>
        %get3A_958 = arith.index_cast %mul3A_481 : i32 to index
        %get3A_959 = tpu.vector_load %get3A_957[%get3A_958] {strides = array<i32>} : memref<128xf32, #tpu.memory_space<vmem>>, vector<16xf32>,
        %broadcast_in_dim3A_960 = arith.constant 13 : i32
        %broadcast_in_dim3A_961 = vector.broadcast %broadcast_in_dim3A_960 : i32 to vector<16xi32>
        %scatter3A_962 = arith.constant 1 : i32
        %scatter3A_963 = arith.constant 0 : i32
        %scatter3A_964 = arith.constant 0 : i32
        %scatter3A_965 = tpu.memref_slice %arg7[%scatter3A_962, %scatter3A_963, %scatter3A_964] : memref<2x256x16xf32, #tpu.memory_space<vmem>> -> memref<1x256x16xf32, #tpu.memory_space<vmem>>
        %scatter3A_966 = tpu.memref_squeeze %scatter3A_965 : memref<1x256x16xf32, #tpu.memory_space<vmem>> -> memref<256x16xf32, #tpu.memory_space<vmem>>
        tpu.vector_store_idx %scatter3A_966[%add3A_742, %broadcast_in_dim3A_961], %get3A_959 : memref<256x16xf32, #tpu.memory_space<vmem>>[vector<16xi32>, vector<16xi32>], vector<16xf32>,
        %get3A_967 = arith.constant 1 : i32
        %get3A_968 = arith.constant 1 : i32
        %get3A_969 = arith.constant 1 : i32
        %get3A_970 = arith.constant 6 : i32
        %get3A_971 = arith.constant 0 : i32
        %get3A_972 = tpu.memref_slice %arg6[%get3A_967, %get3A_968, %get3A_969, %get3A_970, %get3A_971] : memref<2x2x2x8x128xf32, #tpu.memory_space<vmem>> -> memref<1x1x1x1x128xf32, #tpu.memory_space<vmem>>
        %get3A_973 = tpu.memref_squeeze %get3A_972 : memref<1x1x1x1x128xf32, #tpu.memory_space<vmem>> -> memref<128xf32, #tpu.memory_space<vmem>>
        %get3A_974 = arith.index_cast %mul3A_481 : i32 to index
        %get3A_975 = tpu.vector_load %get3A_973[%get3A_974] {strides = array<i32>} : memref<128xf32, #tpu.memory_space<vmem>>, vector<16xf32>,
        %broadcast_in_dim3A_976 = arith.constant 14 : i32
        %broadcast_in_dim3A_977 = vector.broadcast %broadcast_in_dim3A_976 : i32 to vector<16xi32>
        %scatter3A_978 = arith.constant 1 : i32
        %scatter3A_979 = arith.constant 0 : i32
        %scatter3A_980 = arith.constant 0 : i32
        %scatter3A_981 = tpu.memref_slice %arg7[%scatter3A_978, %scatter3A_979, %scatter3A_980] : memref<2x256x16xf32, #tpu.memory_space<vmem>> -> memref<1x256x16xf32, #tpu.memory_space<vmem>>
        %scatter3A_982 = tpu.memref_squeeze %scatter3A_981 : memref<1x256x16xf32, #tpu.memory_space<vmem>> -> memref<256x16xf32, #tpu.memory_space<vmem>>
        tpu.vector_store_idx %scatter3A_982[%add3A_742, %broadcast_in_dim3A_977], %get3A_975 : memref<256x16xf32, #tpu.memory_space<vmem>>[vector<16xi32>, vector<16xi32>], vector<16xf32>,
        %get3A_983 = arith.constant 1 : i32
        %get3A_984 = arith.constant 1 : i32
        %get3A_985 = arith.constant 1 : i32
        %get3A_986 = arith.constant 7 : i32
        %get3A_987 = arith.constant 0 : i32
        %get3A_988 = tpu.memref_slice %arg6[%get3A_983, %get3A_984, %get3A_985, %get3A_986, %get3A_987] : memref<2x2x2x8x128xf32, #tpu.memory_space<vmem>> -> memref<1x1x1x1x128xf32, #tpu.memory_space<vmem>>
        %get3A_989 = tpu.memref_squeeze %get3A_988 : memref<1x1x1x1x128xf32, #tpu.memory_space<vmem>> -> memref<128xf32, #tpu.memory_space<vmem>>
        %get3A_990 = arith.index_cast %mul3A_481 : i32 to index
        %get3A_991 = tpu.vector_load %get3A_989[%get3A_990] {strides = array<i32>} : memref<128xf32, #tpu.memory_space<vmem>>, vector<16xf32>,
        %broadcast_in_dim3A_992 = arith.constant 15 : i32
        %broadcast_in_dim3A_993 = vector.broadcast %broadcast_in_dim3A_992 : i32 to vector<16xi32>
        %scatter3A_994 = arith.constant 1 : i32
        %scatter3A_995 = arith.constant 0 : i32
        %scatter3A_996 = arith.constant 0 : i32
        %scatter3A_997 = tpu.memref_slice %arg7[%scatter3A_994, %scatter3A_995, %scatter3A_996] : memref<2x256x16xf32, #tpu.memory_space<vmem>> -> memref<1x256x16xf32, #tpu.memory_space<vmem>>
        %scatter3A_998 = tpu.memref_squeeze %scatter3A_997 : memref<1x256x16xf32, #tpu.memory_space<vmem>> -> memref<256x16xf32, #tpu.memory_space<vmem>>
        tpu.vector_store_idx %scatter3A_998[%add3A_742, %broadcast_in_dim3A_993], %get3A_991 : memref<256x16xf32, #tpu.memory_space<vmem>>[vector<16xi32>, vector<16xi32>], vector<16xf32>,
      }
      %scan3A_441 = arith.constant 8 : i32
      %jit3A_442 = arith.constant 4 : i32
      %eq3A_443 = arith.constant 0 : i32
      %eq3A_444 = arith.cmpi eq, %jit3A_442, %eq3A_443 : i32
      %jit3A_445 = arith.constant 1 : i32
      %select_n3A_446 = arith.select %eq3A_444, %jit3A_445, %jit3A_442 : i32
      %rem3A_447 = arith.remsi %add3A_360, %select_n3A_446 : i32
      %ne3A_448 = arith.constant 0 : i32
      %ne3A_449 = arith.cmpi ne, %rem3A_447, %ne3A_448 : i32
      %lt3A_450 = arith.constant 0 : i32
      %lt3A_451 = arith.cmpi slt, %rem3A_447, %lt3A_450 : i32
      %lt3A_452 = arith.constant 0 : i32
      %lt3A_453 = arith.cmpi slt, %select_n3A_446, %lt3A_452 : i32
      %ne3A_454 = arith.xori %lt3A_451, %lt3A_453 : i1
      %and3A_455 = arith.andi %ne3A_454, %ne3A_449 : i1
      %add3A_456 = arith.addi %rem3A_447, %select_n3A_446 : i32
      %select_n3A_457 = arith.select %and3A_455, %add3A_456, %rem3A_447 : i32
      %dma_start3A_458 = arith.constant 1 : i32
      %dma_start3A_459 = arith.constant 0 : i32
      %dma_start3A_460 = arith.constant 0 : i32
      %dma_start3A_461 = tpu.memref_slice %arg7[%dma_start3A_458, %dma_start3A_459, %dma_start3A_460] : memref<2x256x16xf32, #tpu.memory_space<vmem>> -> memref<1x256x16xf32, #tpu.memory_space<vmem>>
      %dma_start3A_462 = tpu.memref_squeeze %dma_start3A_461 : memref<1x256x16xf32, #tpu.memory_space<vmem>> -> memref<256x16xf32, #tpu.memory_space<vmem>>
      %dma_start3A_463 = arith.constant 0 : i32
      %dma_start3A_464 = tpu.memref_slice %arg8[%select_n3A_457, %dma_start3A_463] : memref<4x256xi32, #tpu.memory_space<vmem>> -> memref<1x256xi32, #tpu.memory_space<vmem>>
      %dma_start3A_465 = tpu.memref_squeeze %dma_start3A_464 : memref<1x256xi32, #tpu.memory_space<vmem>> -> memref<256xi32, #tpu.memory_space<vmem>>
      %dma_start3A_466 = arith.constant 0 : i32
      %dma_start3A_467 = arith.constant 0 : i32
      %dma_start3A_468 = tpu.memref_slice %arg9[%dma_start3A_466, %dma_start3A_467] : memref<100096x16xf32, #tpu.memory_space<vmem_shared>> -> memref<100096x16xf32, #tpu.memory_space<vmem_shared>>
      tpu.enqueue_indirect_dma source(%dma_start3A_462 : memref<256x16xf32, #tpu.memory_space<vmem>>) target(%dma_start3A_468 : memref<100096x16xf32, #tpu.memory_space<vmem_shared>>) offsets(%dma_start3A_465 : memref<256xi32, #tpu.memory_space<vmem>>) semaphore(%arg13 : memref<!tpu.dma_semaphore, #tpu.memory_space<semaphore_mem>>) {add = true}
      %add3A_469 = arith.constant 2 : i32
      %add3A_470 = arith.addi %add3A_360, %add3A_469 : i32
      %lt3A_471 = arith.cmpi slt, %add3A_470, %sub3A_53 : i32
      %convert_element_type3A_472 = arith.extui %lt3A_471 : i1 to i32
      %cond3A_473 = arith.constant 0 : i32
      %cond3A_474 = arith.cmpi ne, %convert_element_type3A_472, %cond3A_473 : i32
      scf.if %cond3A_474 {
        %add3A_475 = arith.constant 2 : i32
        %add3A_476 = arith.addi %add3A_360, %add3A_475 : i32
        %add3A_477 = arith.addi %mul3A_22, %add3A_476 : i32
        %mul3A_478 = arith.constant 2 : i32
        %mul3A_479 = arith.muli %add3A_477, %mul3A_478 : i32
        %dma_start3A_480 = arith.constant 0 : i32
        %dma_start3A_481 = arith.constant 1 : i32
        %dma_start3A_482 = arith.constant 0 : i32
        %dma_start3A_483 = arith.constant 0 : i32
        %dma_start3A_484 = arith.constant 0 : i32
        %dma_start3A_485 = arith.constant 0 : i32
        %dma_start3A_486 = tpu.memref_slice %arg6[%dma_start3A_481, %dma_start3A_482, %dma_start3A_483, %dma_start3A_484, %dma_start3A_485] : memref<2x2x2x8x128xf32, #tpu.memory_space<vmem>> -> memref<1x1x2x8x128xf32, #tpu.memory_space<vmem>>
        %dma_start3A_487 = tpu.memref_squeeze %dma_start3A_486 : memref<1x1x2x8x128xf32, #tpu.memory_space<vmem>> -> memref<2x8x128xf32, #tpu.memory_space<vmem>>
        %dma_start3A_488 = arith.constant 0 : i32
        %dma_start3A_489 = arith.constant 0 : i32
        %dma_start3A_490 = tpu.memref_slice %arg2[%dma_start3A_480, %mul3A_479, %dma_start3A_488, %dma_start3A_489] : memref<2x25000x8x128xf32, #tpu.memory_space<hbm>> -> memref<1x2x8x128xf32, #tpu.memory_space<hbm>>
        %dma_start3A_491 = tpu.memref_squeeze %dma_start3A_490 : memref<1x2x8x128xf32, #tpu.memory_space<hbm>> -> memref<2x8x128xf32, #tpu.memory_space<hbm>>
        %dma_start3A_492 = arith.constant 0 : i32
        %dma_start3A_493 = arith.constant 0 : i32
        %dma_start3A_494 = arith.constant 0 : i32
        %dma_start3A_495 = tpu.memref_slice %arg6[%dma_start3A_481, %dma_start3A_482, %dma_start3A_492, %dma_start3A_493, %dma_start3A_494] : memref<2x2x2x8x128xf32, #tpu.memory_space<vmem>> -> memref<1x1x2x8x128xf32, #tpu.memory_space<vmem>>
        %dma_start3A_496 = tpu.memref_squeeze %dma_start3A_495 : memref<1x1x2x8x128xf32, #tpu.memory_space<vmem>> -> memref<2x8x128xf32, #tpu.memory_space<vmem>>
        %dma_start3A_497 = arith.constant 0 : i32
        %dma_start3A_498 = arith.constant 0 : i32
        %dma_start3A_499 = tpu.memref_slice %arg2[%dma_start3A_480, %mul3A_479, %dma_start3A_497, %dma_start3A_498] : memref<2x25000x8x128xf32, #tpu.memory_space<hbm>> -> memref<1x2x8x128xf32, #tpu.memory_space<hbm>>
        %dma_start3A_500 = tpu.memref_squeeze %dma_start3A_499 : memref<1x2x8x128xf32, #tpu.memory_space<hbm>> -> memref<2x8x128xf32, #tpu.memory_space<hbm>>
        tpu.enqueue_dma source(%dma_start3A_500 : memref<2x8x128xf32, #tpu.memory_space<hbm>>) target(%dma_start3A_496 : memref<2x8x128xf32, #tpu.memory_space<vmem>>) target_semaphore(%arg11 : memref<!tpu.dma_semaphore, #tpu.memory_space<semaphore_mem>>)
        %dma_start3A_501 = arith.constant 1 : i32
        %dma_start3A_502 = arith.constant 1 : i32
        %dma_start3A_503 = arith.constant 1 : i32
        %dma_start3A_504 = arith.constant 0 : i32
        %dma_start3A_505 = arith.constant 0 : i32
        %dma_start3A_506 = arith.constant 0 : i32
        %dma_start3A_507 = tpu.memref_slice %arg6[%dma_start3A_502, %dma_start3A_503, %dma_start3A_504, %dma_start3A_505, %dma_start3A_506] : memref<2x2x2x8x128xf32, #tpu.memory_space<vmem>> -> memref<1x1x2x8x128xf32, #tpu.memory_space<vmem>>
        %dma_start3A_508 = tpu.memref_squeeze %dma_start3A_507 : memref<1x1x2x8x128xf32, #tpu.memory_space<vmem>> -> memref<2x8x128xf32, #tpu.memory_space<vmem>>
        %dma_start3A_509 = arith.constant 0 : i32
        %dma_start3A_510 = arith.constant 0 : i32
        %dma_start3A_511 = tpu.memref_slice %arg2[%dma_start3A_501, %mul3A_479, %dma_start3A_509, %dma_start3A_510] : memref<2x25000x8x128xf32, #tpu.memory_space<hbm>> -> memref<1x2x8x128xf32, #tpu.memory_space<hbm>>
        %dma_start3A_512 = tpu.memref_squeeze %dma_start3A_511 : memref<1x2x8x128xf32, #tpu.memory_space<hbm>> -> memref<2x8x128xf32, #tpu.memory_space<hbm>>
        %dma_start3A_513 = arith.constant 0 : i32
        %dma_start3A_514 = arith.constant 0 : i32
        %dma_start3A_515 = arith.constant 0 : i32
        %dma_start3A_516 = tpu.memref_slice %arg6[%dma_start3A_502, %dma_start3A_503, %dma_start3A_513, %dma_start3A_514, %dma_start3A_515] : memref<2x2x2x8x128xf32, #tpu.memory_space<vmem>> -> memref<1x1x2x8x128xf32, #tpu.memory_space<vmem>>
        %dma_start3A_517 = tpu.memref_squeeze %dma_start3A_516 : memref<1x1x2x8x128xf32, #tpu.memory_space<vmem>> -> memref<2x8x128xf32, #tpu.memory_space<vmem>>
        %dma_start3A_518 = arith.constant 0 : i32
        %dma_start3A_519 = arith.constant 0 : i32
        %dma_start3A_520 = tpu.memref_slice %arg2[%dma_start3A_501, %mul3A_479, %dma_start3A_518, %dma_start3A_519] : memref<2x25000x8x128xf32, #tpu.memory_space<hbm>> -> memref<1x2x8x128xf32, #tpu.memory_space<hbm>>
        %dma_start3A_521 = tpu.memref_squeeze %dma_start3A_520 : memref<1x2x8x128xf32, #tpu.memory_space<hbm>> -> memref<2x8x128xf32, #tpu.memory_space<hbm>>
        tpu.enqueue_dma source(%dma_start3A_521 : memref<2x8x128xf32, #tpu.memory_space<hbm>>) target(%dma_start3A_517 : memref<2x8x128xf32, #tpu.memory_space<vmem>>) target_semaphore(%arg11 : memref<!tpu.dma_semaphore, #tpu.memory_space<semaphore_mem>>)
        %mul3A_522 = arith.constant 128 : i32
        %mul3A_523 = arith.muli %mul3A_479, %mul3A_522 : i32
        %jit3A_524 = arith.constant 4 : i32
        %eq3A_525 = arith.constant 0 : i32
        %eq3A_526 = arith.cmpi eq, %jit3A_524, %eq3A_525 : i32
        %jit3A_527 = arith.constant 1 : i32
        %select_n3A_528 = arith.select %eq3A_526, %jit3A_527, %jit3A_524 : i32
        %rem3A_529 = arith.remsi %add3A_476, %select_n3A_528 : i32
        %ne3A_530 = arith.constant 0 : i32
        %ne3A_531 = arith.cmpi ne, %rem3A_529, %ne3A_530 : i32
        %lt3A_532 = arith.constant 0 : i32
        %lt3A_533 = arith.cmpi slt, %rem3A_529, %lt3A_532 : i32
        %lt3A_534 = arith.constant 0 : i32
        %lt3A_535 = arith.cmpi slt, %select_n3A_528, %lt3A_534 : i32
        %ne3A_536 = arith.xori %lt3A_533, %lt3A_535 : i1
        %and3A_537 = arith.andi %ne3A_536, %ne3A_531 : i1
        %add3A_538 = arith.addi %rem3A_529, %select_n3A_528 : i32
        %select_n3A_539 = arith.select %and3A_537, %add3A_538, %rem3A_529 : i32
        %dma_start3A_540 = arith.constant 0 : i32
        %dma_start3A_541 = tpu.memref_slice %arg8[%select_n3A_539, %dma_start3A_540] : memref<4x256xi32, #tpu.memory_space<vmem>> -> memref<1x256xi32, #tpu.memory_space<vmem>>
        %dma_start3A_542 = tpu.memref_squeeze %dma_start3A_541 : memref<1x256xi32, #tpu.memory_space<vmem>> -> memref<256xi32, #tpu.memory_space<vmem>>
        %dma_start3A_543 = tpu.memref_slice %arg3[%mul3A_523] : memref<3200000xi32, #tpu.memory_space<hbm>> -> memref<256xi32, #tpu.memory_space<hbm>>
        %dma_start3A_544 = arith.constant 0 : i32
        %dma_start3A_545 = tpu.memref_slice %arg8[%select_n3A_539, %dma_start3A_544] : memref<4x256xi32, #tpu.memory_space<vmem>> -> memref<1x256xi32, #tpu.memory_space<vmem>>
        %dma_start3A_546 = tpu.memref_squeeze %dma_start3A_545 : memref<1x256xi32, #tpu.memory_space<vmem>> -> memref<256xi32, #tpu.memory_space<vmem>>
        %dma_start3A_547 = tpu.memref_slice %arg3[%mul3A_523] : memref<3200000xi32, #tpu.memory_space<hbm>> -> memref<256xi32, #tpu.memory_space<hbm>>
        tpu.enqueue_dma source(%dma_start3A_547 : memref<256xi32, #tpu.memory_space<hbm>>) target(%dma_start3A_546 : memref<256xi32, #tpu.memory_space<vmem>>) target_semaphore(%arg11 : memref<!tpu.dma_semaphore, #tpu.memory_space<semaphore_mem>>)
      } else {
      }
    }
    %dma_wait3A = arith.constant 0 : i32
    %dma_wait3A_209 = arith.constant 0 : i32
    %dma_wait3A_210 = arith.constant 0 : i32
    %dma_wait3A_211 = tpu.memref_slice %arg7[%dma_wait3A, %dma_wait3A_209, %dma_wait3A_210] : memref<2x256x16xf32, #tpu.memory_space<vmem>> -> memref<1x256x16xf32, #tpu.memory_space<vmem>>
    %dma_wait3A_212 = tpu.memref_squeeze %dma_wait3A_211 : memref<1x256x16xf32, #tpu.memory_space<vmem>> -> memref<256x16xf32, #tpu.memory_space<vmem>>
    %dma_wait3A_213 = arith.constant 0 : i32
    %dma_wait3A_214 = arith.constant 0 : i32
    %dma_wait3A_215 = tpu.memref_slice %arg9[%dma_wait3A_213, %dma_wait3A_214] : memref<100096x16xf32, #tpu.memory_space<vmem_shared>> -> memref<256x16xf32, #tpu.memory_space<vmem_shared>>
    %dma_wait3A_216 = arith.constant 0 : i32
    %dma_wait3A_217 = arith.constant 0 : i32
    %dma_wait3A_218 = tpu.memref_slice %arg9[%dma_wait3A_216, %dma_wait3A_217] : memref<100096x16xf32, #tpu.memory_space<vmem_shared>> -> memref<256x16xf32, #tpu.memory_space<vmem_shared>>
    %dma_wait3A_219 = arith.constant 0 : i32
    %dma_wait3A_220 = arith.constant 0 : i32
    %dma_wait3A_221 = tpu.memref_slice %arg7[%dma_wait3A, %dma_wait3A_219, %dma_wait3A_220] : memref<2x256x16xf32, #tpu.memory_space<vmem>> -> memref<1x256x16xf32, #tpu.memory_space<vmem>>
    %dma_wait3A_222 = tpu.memref_squeeze %dma_wait3A_221 : memref<1x256x16xf32, #tpu.memory_space<vmem>> -> memref<256x16xf32, #tpu.memory_space<vmem>>
    tpu.wait_dma2 semaphore(%arg12 : memref<!tpu.dma_semaphore, #tpu.memory_space<semaphore_mem>>) src(%dma_wait3A_222 : memref<256x16xf32, #tpu.memory_space<vmem>>) dst(%dma_wait3A_218 : memref<256x16xf32, #tpu.memory_space<vmem_shared>>)
    %dma_wait3A_223 = arith.constant 1 : i32
    %dma_wait3A_224 = arith.constant 0 : i32
    %dma_wait3A_225 = arith.constant 0 : i32
    %dma_wait3A_226 = tpu.memref_slice %arg7[%dma_wait3A_223, %dma_wait3A_224, %dma_wait3A_225] : memref<2x256x16xf32, #tpu.memory_space<vmem>> -> memref<1x256x16xf32, #tpu.memory_space<vmem>>
    %dma_wait3A_227 = tpu.memref_squeeze %dma_wait3A_226 : memref<1x256x16xf32, #tpu.memory_space<vmem>> -> memref<256x16xf32, #tpu.memory_space<vmem>>
    %dma_wait3A_228 = arith.constant 0 : i32
    %dma_wait3A_229 = arith.constant 0 : i32
    %dma_wait3A_230 = tpu.memref_slice %arg9[%dma_wait3A_228, %dma_wait3A_229] : memref<100096x16xf32, #tpu.memory_space<vmem_shared>> -> memref<256x16xf32, #tpu.memory_space<vmem_shared>>
    %dma_wait3A_231 = arith.constant 0 : i32
    %dma_wait3A_232 = arith.constant 0 : i32
    %dma_wait3A_233 = tpu.memref_slice %arg9[%dma_wait3A_231, %dma_wait3A_232] : memref<100096x16xf32, #tpu.memory_space<vmem_shared>> -> memref<256x16xf32, #tpu.memory_space<vmem_shared>>
    %dma_wait3A_234 = arith.constant 0 : i32
    %dma_wait3A_235 = arith.constant 0 : i32
    %dma_wait3A_236 = tpu.memref_slice %arg7[%dma_wait3A_223, %dma_wait3A_234, %dma_wait3A_235] : memref<2x256x16xf32, #tpu.memory_space<vmem>> -> memref<1x256x16xf32, #tpu.memory_space<vmem>>
    %dma_wait3A_237 = tpu.memref_squeeze %dma_wait3A_236 : memref<1x256x16xf32, #tpu.memory_space<vmem>> -> memref<256x16xf32, #tpu.memory_space<vmem>>
    tpu.wait_dma2 semaphore(%arg13 : memref<!tpu.dma_semaphore, #tpu.memory_space<semaphore_mem>>) src(%dma_wait3A_237 : memref<256x16xf32, #tpu.memory_space<vmem>>) dst(%dma_wait3A_233 : memref<256x16xf32, #tpu.memory_space<vmem_shared>>)
    %barrier3A_238 = arith.constant 0 : index
    tpu.barrier barrier_id(%barrier3A_238)
    %mul3A_239 = arith.constant 100096 : i32
    %mul3A_240 = arith.muli %arg0, %mul3A_239 : i32
    %add3A_241 = arith.addi %mul3A_240, %mul3A_2 : i32
    "tpu.region"() ({
      %run_scoped3A = tpu.sem_alloc : memref<!tpu.dma_semaphore, #tpu.memory_space<semaphore_mem>>
      %dma_start3A_242 = arith.constant 0 : i32
      %dma_start3A_243 = tpu.memref_slice %arg5[%add3A_241, %dma_start3A_242] : memref<200192x16xf32, #tpu.memory_space<hbm>> -> memref<6256x16xf32, #tpu.memory_space<hbm>>
      %dma_start3A_244 = arith.constant 0 : i32
      %dma_start3A_245 = tpu.memref_slice %arg9[%mul3A_2, %dma_start3A_244] : memref<100096x16xf32, #tpu.memory_space<vmem_shared>> -> memref<6256x16xf32, #tpu.memory_space<vmem_shared>>
      tpu.enqueue_dma source(%dma_start3A_245 : memref<6256x16xf32, #tpu.memory_space<vmem_shared>>) target(%dma_start3A_243 : memref<6256x16xf32, #tpu.memory_space<hbm>>) target_semaphore(%run_scoped3A : memref<!tpu.dma_semaphore, #tpu.memory_space<semaphore_mem>>)
      %dma_wait3A_246 = arith.constant 0 : i32
      %dma_wait3A_247 = tpu.memref_slice %arg5[%add3A_241, %dma_wait3A_246] : memref<200192x16xf32, #tpu.memory_space<hbm>> -> memref<6256x16xf32, #tpu.memory_space<hbm>>
      %dma_wait3A_248 = arith.constant 0 : i32
      %dma_wait3A_249 = tpu.memref_slice %arg9[%mul3A_2, %dma_wait3A_248] : memref<100096x16xf32, #tpu.memory_space<vmem_shared>> -> memref<6256x16xf32, #tpu.memory_space<vmem_shared>>
      tpu.wait_dma2 semaphore(%run_scoped3A : memref<!tpu.dma_semaphore, #tpu.memory_space<semaphore_mem>>) src(%dma_wait3A_249 : memref<6256x16xf32, #tpu.memory_space<vmem_shared>>) dst(%dma_wait3A_247 : memref<6256x16xf32, #tpu.memory_space<hbm>>)
      tpu.yield
    }) : () -> ()
    return
  }
}

module attributes {stable_mosaic.version = 14 : i64} {
  func.func @body(%arg0: i32, %arg1: memref<2000x128xf32, #tpu.memory_space<vmem>>, %arg2: memref<2x2000x16xf32, #tpu.memory_space<vmem>>, %arg3: memref<128x128xf32, #tpu.memory_space<vmem>>, %arg4: memref<16x128xf32, #tpu.memory_space<vmem>>, %arg5: memref<1x128xf32, #tpu.memory_space<vmem>>, %arg6: memref<128x128xf32, #tpu.memory_space<vmem>>, %arg7: memref<1x128xf32, #tpu.memory_space<vmem>>, %arg8: memref<128x128xf32, #tpu.memory_space<vmem>>, %arg9: memref<1x128xf32, #tpu.memory_space<vmem>>, %arg10: memref<2000x128xf32, #tpu.memory_space<vmem>>) attributes {dimension_semantics = [#tpu.dimension_semantics<arbitrary>], iteration_bounds = array<i64: 50>, scalar_prefetch = 0 : i64, scratch_operands = 0 : i64, tpu.core_type = #tpu.core_type<tc>, window_params = [{transform_indices = @transform_0, window_bounds = array<i64: 2000, 128>}, {transform_indices = @transform_1, window_bounds = array<i64: 2, 2000, 16>}, {pipeline_mode = #tpu.pipeline_mode<synchronous>, transform_indices = @transform_2, window_bounds = array<i64: 128, 128>}, {pipeline_mode = #tpu.pipeline_mode<synchronous>, transform_indices = @transform_3, window_bounds = array<i64: 16, 128>}, {pipeline_mode = #tpu.pipeline_mode<synchronous>, transform_indices = @transform_4, window_bounds = array<i64: 1, 128>}, {pipeline_mode = #tpu.pipeline_mode<synchronous>, transform_indices = @transform_5, window_bounds = array<i64: 128, 128>}, {pipeline_mode = #tpu.pipeline_mode<synchronous>, transform_indices = @transform_6, window_bounds = array<i64: 1, 128>}, {pipeline_mode = #tpu.pipeline_mode<synchronous>, transform_indices = @transform_7, window_bounds = array<i64: 128, 128>}, {pipeline_mode = #tpu.pipeline_mode<synchronous>, transform_indices = @transform_8, window_bounds = array<i64: 1, 128>}, {transform_indices = @transform_9, window_bounds = array<i64: 2000, 128>}]} {
    %get3A = arith.constant 0 : index
    %get3A_0 = arith.constant 0 : index
    %get3A_1 = arith.constant 0 : index
    %get3A_2 = vector.load %arg2[%get3A, %get3A_0, %get3A_1] : memref<2x2000x16xf32, #tpu.memory_space<vmem>>, vector<1x2000x16xf32>
    %get3A_3 = vector.shape_cast %get3A_2 : vector<1x2000x16xf32> to vector<2000x16xf32>
    %get3A_4 = arith.constant 1 : index
    %get3A_5 = arith.constant 0 : index
    %get3A_6 = arith.constant 0 : index
    %get3A_7 = vector.load %arg2[%get3A_4, %get3A_5, %get3A_6] : memref<2x2000x16xf32, #tpu.memory_space<vmem>>, vector<1x2000x16xf32>
    %get3A_8 = vector.shape_cast %get3A_7 : vector<1x2000x16xf32> to vector<2000x16xf32>
    %add3A = arith.addf %get3A_3, %get3A_8 : vector<2000x16xf32>
    %get3A_9 = arith.constant 0 : index
    %get3A_10 = arith.constant 0 : index
    %get3A_11 = vector.load %arg1[%get3A_9, %get3A_10] : memref<2000x128xf32, #tpu.memory_space<vmem>>, vector<2000x128xf32>
    %get3A_12 = arith.constant 0 : index
    %get3A_13 = arith.constant 0 : index
    %get3A_14 = vector.load %arg3[%get3A_12, %get3A_13] : memref<128x128xf32, #tpu.memory_space<vmem>>, vector<128x128xf32>
    %dot_general3A = arith.constant dense<0.000000e+00> : vector<2000x128xf32>
    %dot_general3A_15 = tpu.matmul %get3A_11, %get3A_14, %dot_general3A {dimension_numbers = #tpu.dot_dimension_numbers<[1], [0], [0], [1], [0, 0, 1, 1], [], []>, transpose_lhs_hint = false} : vector<2000x128xf32>, vector<128x128xf32>, vector<2000x128xf32> -> vector<2000x128xf32>
    %get3A_16 = arith.constant 0 : index
    %get3A_17 = arith.constant 0 : index
    %get3A_18 = vector.load %arg4[%get3A_16, %get3A_17] : memref<16x128xf32, #tpu.memory_space<vmem>>, vector<16x128xf32>
    %dot_general3A_19 = arith.constant dense<0.000000e+00> : vector<2000x128xf32>
    %dot_general3A_20 = tpu.matmul %add3A, %get3A_18, %dot_general3A_19 {dimension_numbers = #tpu.dot_dimension_numbers<[1], [0], [0], [1], [0, 0, 1, 1], [], []>, transpose_lhs_hint = false} : vector<2000x16xf32>, vector<16x128xf32>, vector<2000x128xf32> -> vector<2000x128xf32>
    %add3A_21 = arith.addf %dot_general3A_15, %dot_general3A_20 : vector<2000x128xf32>
    %get3A_22 = arith.constant 0 : index
    %get3A_23 = arith.constant 0 : index
    %get3A_24 = vector.load %arg5[%get3A_22, %get3A_23] : memref<1x128xf32, #tpu.memory_space<vmem>>, vector<1x128xf32>
    %add3A_25 = vector.broadcast %get3A_24 : vector<1x128xf32> to vector<2000x128xf32>
    %add3A_26 = arith.addf %add3A_21, %add3A_25 : vector<2000x128xf32>
    %max3A = arith.constant 0.000000e+00 : f32
    %max3A_27 = vector.broadcast %max3A : f32 to vector<2000x128xf32>
    %max3A_28 = arith.maximumf %add3A_26, %max3A_27 : vector<2000x128xf32>
    %get3A_29 = arith.constant 0 : index
    %get3A_30 = arith.constant 0 : index
    %get3A_31 = vector.load %arg6[%get3A_29, %get3A_30] : memref<128x128xf32, #tpu.memory_space<vmem>>, vector<128x128xf32>
    %dot_general3A_32 = arith.constant dense<0.000000e+00> : vector<2000x128xf32>
    %dot_general3A_33 = tpu.matmul %max3A_28, %get3A_31, %dot_general3A_32 {dimension_numbers = #tpu.dot_dimension_numbers<[1], [0], [0], [1], [0, 0, 1, 1], [], []>, transpose_lhs_hint = false} : vector<2000x128xf32>, vector<128x128xf32>, vector<2000x128xf32> -> vector<2000x128xf32>
    %get3A_34 = arith.constant 0 : index
    %get3A_35 = arith.constant 0 : index
    %get3A_36 = vector.load %arg7[%get3A_34, %get3A_35] : memref<1x128xf32, #tpu.memory_space<vmem>>, vector<1x128xf32>
    %add3A_37 = vector.broadcast %get3A_36 : vector<1x128xf32> to vector<2000x128xf32>
    %add3A_38 = arith.addf %dot_general3A_33, %add3A_37 : vector<2000x128xf32>
    %max3A_39 = arith.constant 0.000000e+00 : f32
    %max3A_40 = vector.broadcast %max3A_39 : f32 to vector<2000x128xf32>
    %max3A_41 = arith.maximumf %add3A_38, %max3A_40 : vector<2000x128xf32>
    %get3A_42 = arith.constant 0 : index
    %get3A_43 = arith.constant 0 : index
    %get3A_44 = vector.load %arg8[%get3A_42, %get3A_43] : memref<128x128xf32, #tpu.memory_space<vmem>>, vector<128x128xf32>
    %dot_general3A_45 = arith.constant dense<0.000000e+00> : vector<2000x128xf32>
    %dot_general3A_46 = tpu.matmul %max3A_41, %get3A_44, %dot_general3A_45 {dimension_numbers = #tpu.dot_dimension_numbers<[1], [0], [0], [1], [0, 0, 1, 1], [], []>, transpose_lhs_hint = false} : vector<2000x128xf32>, vector<128x128xf32>, vector<2000x128xf32> -> vector<2000x128xf32>
    %get3A_47 = arith.constant 0 : index
    %get3A_48 = arith.constant 0 : index
    %get3A_49 = vector.load %arg9[%get3A_47, %get3A_48] : memref<1x128xf32, #tpu.memory_space<vmem>>, vector<1x128xf32>
    %add3A_50 = vector.broadcast %get3A_49 : vector<1x128xf32> to vector<2000x128xf32>
    %add3A_51 = arith.addf %dot_general3A_46, %add3A_50 : vector<2000x128xf32>
    %swap3A = arith.constant 0 : index
    %swap3A_52 = arith.constant 0 : index
    %swap3A_53 = vector.load %arg10[%swap3A, %swap3A_52] : memref<2000x128xf32, #tpu.memory_space<vmem>>, vector<2000x128xf32>
    tpu.vector_store %arg10[%swap3A, %swap3A_52], %add3A_51 {strides = array<i32>} : memref<2000x128xf32, #tpu.memory_space<vmem>>, vector<2000x128xf32>,
    return
  }
  func.func @transform_0(%arg0: i32) -> (i32, i32) {
    %c0_i32 = arith.constant 0 : i32
    %c0_i32_0 = arith.constant 0 : i32
    return %arg0, %c0_i32 : i32, i32
  }
  func.func @transform_1(%arg0: i32) -> (i32, i32, i32) {
    %c0_i32 = arith.constant 0 : i32
    %c0_i32_0 = arith.constant 0 : i32
    %c0_i32_1 = arith.constant 0 : i32
    return %c0_i32, %arg0, %c0_i32_0 : i32, i32, i32
  }
  func.func @transform_2(%arg0: i32) -> (i32, i32) {
    %c0_i32 = arith.constant 0 : i32
    %c0_i32_0 = arith.constant 0 : i32
    %c0_i32_1 = arith.constant 0 : i32
    return %c0_i32, %c0_i32_0 : i32, i32
  }
  func.func @transform_3(%arg0: i32) -> (i32, i32) {
    %c0_i32 = arith.constant 0 : i32
    %c0_i32_0 = arith.constant 0 : i32
    %c0_i32_1 = arith.constant 0 : i32
    return %c0_i32, %c0_i32_0 : i32, i32
  }
  func.func @transform_4(%arg0: i32) -> (i32, i32) {
    %c0_i32 = arith.constant 0 : i32
    %c0_i32_0 = arith.constant 0 : i32
    %c0_i32_1 = arith.constant 0 : i32
    return %c0_i32, %c0_i32_0 : i32, i32
  }
  func.func @transform_5(%arg0: i32) -> (i32, i32) {
    %c0_i32 = arith.constant 0 : i32
    %c0_i32_0 = arith.constant 0 : i32
    %c0_i32_1 = arith.constant 0 : i32
    return %c0_i32, %c0_i32_0 : i32, i32
  }
  func.func @transform_6(%arg0: i32) -> (i32, i32) {
    %c0_i32 = arith.constant 0 : i32
    %c0_i32_0 = arith.constant 0 : i32
    %c0_i32_1 = arith.constant 0 : i32
    return %c0_i32, %c0_i32_0 : i32, i32
  }
  func.func @transform_7(%arg0: i32) -> (i32, i32) {
    %c0_i32 = arith.constant 0 : i32
    %c0_i32_0 = arith.constant 0 : i32
    %c0_i32_1 = arith.constant 0 : i32
    return %c0_i32, %c0_i32_0 : i32, i32
  }
  func.func @transform_8(%arg0: i32) -> (i32, i32) {
    %c0_i32 = arith.constant 0 : i32
    %c0_i32_0 = arith.constant 0 : i32
    %c0_i32_1 = arith.constant 0 : i32
    return %c0_i32, %c0_i32_0 : i32, i32
  }
  func.func @transform_9(%arg0: i32) -> (i32, i32) {
    %c0_i32 = arith.constant 0 : i32
    %c0_i32_0 = arith.constant 0 : i32
    return %arg0, %c0_i32 : i32, i32
  }
}

</mosaic_0001>

<sc_bundles>
// kernel: kernel.4.cloned.1.call-start
scs
__scs_entry_jumppad:
0x0: {  	(pc) =	sbr.rel $0x88, $3  }
0x1: {  	(tag) =	ssettag $0x0;
	lr =	simm.s32 $0x1  }
0x2: {  	[smem:$0x3F98] =	sst lr;
	_ =	strace $0xD0000000  }
0x3: {  	_ = 	snop  }
0x4: {  	_ = 	snop  }
0x5: {  	_ = 	snop  }
0x6: {  	_ = 	snop  }
0x7: {  	_ = 	snop  }
__scs_overlays_trampoline_lowered:
0x8: {  	[smem:$0x3FA7] =	sst s0  }
0x9: {  	[smem:$0x3FA8] =	sst s1  }
0xa: {  	[smem:$0x3FA9] =	sst s2  }
0xb: {  	[smem:$0x3FAA] =	sst s3  }
0xc: {  	[smem:$0x3FAB] =	sst s4  }
0xd: {  	[smem:$0x3FAC] =	sst s5  }
0xe: {  	[smem:$0x3FAD] =	sst s6  }
0xf: {  	[smem:$0x3FAE] =	sst s7  }
0x10: {  	[smem:$0x3FAF] =	sst s8  }
0x11: {  	[smem:$0x3FB0] =	sst s9;
	s0 =	simm.s32 @!p0 $0x0  }
0x12: {  	s1 =	sld [smem:$0x3F96];
	s0 =	simm.s32 @p0 $0x1  }
0x13: {  	[smem:$0x3FB1] =	sst s0;
	s0 =	simm.s32 @!p1 $0x0  }
0x14: {  	s2 =	sld [smem:$0x3F95];
	s0 =	simm.s32 @p1 $0x1  }
0x15: {  	[smem:$0x3FB2] =	sst s0;
	s0 =	simm.s32 @!p2 $0x0  }
0x16: {  	s3 =	sld [smem:$0x3FDB];
	s0 =	simm.s32 @p2 $0x1  }
0x17: {  	s4 =	simm.s32 $0x1BF5;
	[smem:$0x3FB4] =	sst s0  }
0x18: {  	s0 =	sld [smem:$0x3F97];
	_ =	swait.ge [sflag:s4], $0x0  }
0x19: {  	s7 =	sld [smem:$0x3F98]  }
0x1a: {  	s8 =	sadd.s32 $0xFFFFE003, lr  }
0x1b: {  	s9 =	sadd.s32 $0xFFFFFEF7, lr;
	s5 =	simm.s32 $0xFFFFFFFF;
	p2 =	slt.u32 s8, $0xFFFFF086  }
0x1c: {  	p1 =	slt.u32 s9, $0xF7A;
	s5 =	simm.s32 @!p2 $0x0  }
0x1d: {  	s5 =	simm.s32 @p1 $0x1;
	p0 =	seq.s32 s7, s2  }
0x1e: {  	s7 =	smul.u32 @!p0 $0xF7A, s2;
	p2 =	seq.s32 @!p0 s5, $0x0  }
0x1f: {  	s9 =	smul.u32 $0xF7A, s1;
	s8 =	simm.s32 @!p0 $0x1BF5;
	p2 =	por !p2, p0  }
0x20: {  	[sflag:s8] =	ssyncset.s32 @!p0 $0xFFFFF086;
	s6 =	sadd.s32 @!p0 s3, s7;
	s7 =	simm.s32 @!p0 $0x108  }
0x21: {  	s3 =	sadd.s32 s3, s9;
	s6 =	sadd.s32 @!p0 $0x88, s6;
	s7 =	simm.s32 @p2 $0x1082  }
0x22: {  	[simem:s7], [sflag:s8] =	dma.local @!p0 [hbm:s6], $0xF7A  }
0x23: {  	s9 =	sor.u32 $0xD0000000, s2;
	s6 =	simm.s32 $0x108;
	_ =	swait.ge @!p0 [sflag:s8], $0x0  }
0x24: {  	s3 =	sadd.s32 $0x88, s3;
	s6 =	simm.s32 @!p1 $0x1082;
	[sflag:s4] =	ssyncset.s32 $0xFFFFF086  }
0x25: {  	[simem:s6], [sflag:s4] =	dma.local [hbm:s3], $0xF7A  }
0x26: {  	[smem:$0x3F98] =	sst s1;
	(tag) =	ssettag s2;
	_ =	strace s9  }
0x27: {  	s1 =	sld [smem:$0x3FA8]  }
0x28: {  	s2 =	sld [smem:$0x3FA9]  }
0x29: {  	s4 =	sld [smem:$0x3FAB]  }
0x2a: {  	p0 =	seq.s32 s5, $0x0;
	s5 =	sld [smem:$0x3FAC]  }
0x2b: {  	s6 =	sld [smem:$0x3FAD]  }
0x2c: {  	s7 =	sld [smem:$0x3FAE]  }
0x2d: {  	s3 =	simm.s32 $0x108;
	s8 =	sld [smem:$0x3FAF]  }
0x2e: {  	s3 =	simm.s32 @!p0 $0x1082;
	s9 =	sld [smem:$0x3FB0]  }
0x2f: {  	lr =	sadd.s32 s0, s3;
	s0 =	sld [smem:$0x3FA7]  }
0x30: {  	s3 =	sld [smem:$0x3FAA]  }
0x31: {  	[smem:$0x3FB3] =	sst s10  }
0x32: {  	s10 =	sld [smem:$0x3FB1];
	_ =	sdelay $0x3  }
0x33: {  	p0 =	seq.s32 s10, $0x1;
	s10 =	sld [smem:$0x3FB3];
	_ =	sdelay $0x3  }
0x34: {  	[smem:$0x3FB3] =	sst s10  }
0x35: {  	s10 =	sld [smem:$0x3FB2];
	_ =	sdelay $0x3  }
0x36: {  	p1 =	seq.s32 s10, $0x1;
	s10 =	sld [smem:$0x3FB3];
	_ =	sdelay $0x3  }
0x37: {  	[smem:$0x3FB3] =	sst s10  }
0x38: {  	s10 =	sld [smem:$0x3FB4]  }
0x39: {  	_ = 	snop;
	(pc) =	sbr.ind lr, $3  }
0x3a: {  	_ = 	snop  }
0x3b: {  	_ = 	snop  }
0x3c: {  	p2 =	seq.s32 s10, $0x1;
	s10 =	sld [smem:$0x3FB3]  }
0x3d: {  	_ =	shalt  }
0x3e: {  	_ =	shalt  }
0x3f: {  	_ =	shalt  }
0x40: {  	_ =	shalt  }
0x41: {  	_ =	shalt  }
0x42: {  	_ =	shalt  }
0x43: {  	_ =	shalt  }
0x44: {  	_ =	shalt  }
0x45: {  	_ =	shalt  }
0x46: {  	_ =	shalt  }
0x47: {  	_ =	shalt  }
0x48: {  	_ =	shalt  }
0x49: {  	_ =	shalt  }
0x4a: {  	_ =	shalt  }
0x4b: {  	_ =	shalt  }
0x4c: {  	_ =	shalt  }
0x4d: {  	_ =	shalt  }
0x4e: {  	_ =	shalt  }
0x4f: {  	_ =	shalt  }
0x50: {  	_ =	shalt  }
0x51: {  	_ =	shalt  }
0x52: {  	_ =	shalt  }
0x53: {  	_ =	shalt  }
0x54: {  	_ =	shalt  }
0x55: {  	_ =	shalt  }
0x56: {  	_ =	shalt  }
0x57: {  	_ =	shalt  }
0x58: {  	_ =	shalt  }
0x59: {  	_ =	shalt  }
0x5a: {  	_ =	shalt  }
0x5b: {  	_ =	shalt  }
0x5c: {  	_ =	shalt  }
0x5d: {  	_ =	shalt  }
0x5e: {  	_ =	shalt  }
0x5f: {  	_ =	shalt  }
0x60: {  	_ =	shalt  }
0x61: {  	_ =	shalt  }
0x62: {  	_ =	shalt  }
0x63: {  	_ =	shalt  }
0x64: {  	_ =	shalt  }
0x65: {  	_ =	shalt  }
0x66: {  	_ =	shalt  }
0x67: {  	_ =	shalt  }
0x68: {  	_ =	shalt  }
0x69: {  	_ =	shalt  }
0x6a: {  	_ =	shalt  }
0x6b: {  	_ =	shalt  }
0x6c: {  	_ =	shalt  }
0x6d: {  	_ =	shalt  }
0x6e: {  	_ =	shalt  }
0x6f: {  	_ =	shalt  }
0x70: {  	_ =	shalt  }
0x71: {  	_ =	shalt  }
0x72: {  	_ =	shalt  }
0x73: {  	_ =	shalt  }
0x74: {  	_ =	shalt  }
0x75: {  	_ =	shalt  }
0x76: {  	_ =	shalt  }
0x77: {  	_ =	shalt  }
0x78: {  	_ =	shalt  }
0x79: {  	_ =	shalt  }
0x7a: {  	_ =	shalt  }
0x7b: {  	_ =	shalt  }
0x7c: {  	_ =	shalt  }
0x7d: {  	_ =	shalt  }
0x7e: {  	_ =	shalt  }
0x7f: {  	_ =	shalt  }
0x80: {  	_ =	shalt  }
0x81: {  	_ =	shalt  }
0x82: {  	_ =	shalt  }
0x83: {  	_ =	shalt  }
0x84: {  	_ =	shalt  }
0x85: {  	_ =	shalt  }
0x86: {  	_ =	shalt  }
0x87: {  	_ =	shalt  }
.Lfunc_end0:
.L_simem_size_0:
called_computation_lowered:
.L_overlay_start_0:
0x88: {  	s2 =	sld [smem:$0x3FD9]  }
0x89: {  	s3 =	sld [smem:$0x3FFE];
	_ =	sdelay $0x1  }
0x8a: {  	s1 =	srdreg.scid  }
0x8b: {  	s0 =	sand.u32 $0x1, s1  }
0x8c: {  	s17 =	sshll.u32 s0, $0xA;
	s2 =	sadd.s32 s3, s2  }
0x8d: {  	s2 =	sadd.s32 s2, s17  }
0x8e: {  	[smem:$0x3FBF] =	sst s2  }
0x8f: {  	_ = 	snop  }
0x90: {  	s2 =	sld [smem:$0x3FC7]  }
0x91: {  	s18 =	sld [smem:$0x3FD0];
	(tm) =	ssettm $0x1  }
0x92: {  	s4 =	sld [smem:$0x3FFB];
	_ =	sdelay $0x3  }
0x93: {  	_ =	strace s4  }
0x94: {  	s4 =	sld [smem:$0x3FFC];
	_ =	sdelay $0x3  }
0x95: {  	_ =	strace s4  }
0x96: {  	s4 =	sld [smem:$0x3FFD];
	_ =	sdelay $0x3  }
0x97: {  	_ =	strace s4  }
0x98: {  	_ =	strace $0x8FFFFFFF  }
0x99: {  	s19 =	sld [smem:$0x3FDB];
	_ =	sdelay $0x1  }
0x9a: {  	s5 =	simm.s32 $_scs_section_size  }
0x9b: {  	s6 =	simm.s32 $_size__tile_overlayer_lowered;
	s7 =	simm.s32 $_tile_overlayer_lowered  }
0x9c: {  	s22 =	simm.s32 $0x1BFF;
	s21 =	sshll.u32 s7, $0x1;
	s4 =	sadd.s32 s5, s19  }
0x9d: {  	s8 =	simm.s32 $0x0;
	s20 =	sshll.u32 s6, $0x1;
	s6 =	sadd.s32 s21, s4  }
0x9e: {  	[timem:s8], [sflag:s22] =	dma.local [hbm:s6], s20  }
0x9f: {  	_ =	swait.ge [sflag:s22], s20  }
0xa0: {  	s5 =	ssub.s32 $0x0, s20;
	[sflag:s22] =	ssyncset.done $0x0  }
0xa1: {  	[sflag:s22] =	ssyncadd.s32 s5;
	_ =	sdelay $0x1  }
0xa2: {  	s23 =	simm.s32 $0x1B8B  }
0xa3: {  	_ =	swait.ge [sflag:s23], $0x1  }
0xa4: {  	[sflag:s23] =	ssyncset.done $0x0  }
0xa5: {  	s25 =	simm.s32 $0x1B8E;
	s24 =	sld [smem:$0x3FFE];
	[sflag:s23] =	ssyncadd.s32 $0xFFFFFFFF  }
0xa6: {  	s26 =	simm.s32 $execute0_lowered;
	[smem:$0x3FD2] =	sst s25  }
0xa7: {  	s6 =	sshll.u32 s26, $0x1;
	_ =	strace $0x80000046;
	[dreg:$0x1] =	wrdreg $0xFFFFFFFF  }
0xa8: {  	s28 =	simm.s32 $_size_execute0_lowered;
	s4 =	sadd.s32 s4, s6;
	[dreg:$0x0] =	wrdreg $0x0  }
0xa9: {  	s6 =	sshll.u32 s28, $0x1;
	[dreg:$0x2] =	wrdreg s4  }
0xaa: {  	[dreg:$0x3] =	wrdreg s6  }
0xab: {  	[dreg:$0x4] =	wrdreg $0xC0  }
0xac: {  	_ =	task [dreg:s8], $0x5FFFF  }
0xad: {  	[dreg:$0x1] =	wrdreg $0xFFFFFFFF  }
0xae: {  	[dreg:$0x0] =	wrdreg $0x60  }
0xaf: {  	[dreg:$0x2] =	wrdreg s2  }
0xb0: {  	[dreg:$0x3] =	wrdreg s24  }
0xb1: {  	[dreg:$0x4] =	wrdreg s18  }
0xb2: {  	[dreg:$0x5] =	wrdreg $0x44000  }
0xb3: {  	[dreg:$0x6] =	wrdreg $0x9  }
0xb4: {  	_ =	task.clear_ibuf [dreg:s8], $0x7FFFF;
	_ =	strace $0x90000046  }
0xb5: {  	s29 =	simm.s32 $0x9;
	_ =	strace $0x80000048  }
0xb6: {  	_ =	swait.ge [sflag:s29], $0x1  }
0xb7: {  	[sflag:s29] =	ssyncadd.s32 $0xFFFFFFFF  }
0xb8: {  	_ =	strace $0x90000048  }
0xb9: {  	_ =	sfence  }
0xba: {  	s30 =	sld [smem:$0x0];
	_ =	sdelay $0x2  }
0xbb: {  	s31 =	sshll.u32 s1, $0xD;
	s1 =	sshrl.u32 s1, $0x2  }
0xbc: {  	s3 =	sand.u32 $0x4000, s31;
	s1 =	sadd.s32 s1, s30  }
0xbd: {  	s0 =	sor.u32 s3, s0;
	s1 =	sshll.u32 s1, $0x11  }
0xbe: {  	s0 =	sor.u32 s1, s0  }
0xbf: {  	s0 =	sadd.s32 $0x8F2B, s0  }
0xc0: {  	[sflag:s0] =	ssyncadd.remote.s32 $0x1  }
0xc1: {  	_ =	sfence.sel $0xFFFF  }
0xc2: {  	[dreg:$0x0] =	wrdreg $0xFFFFFFFF;
	(pc) =	sbr.abs _section_cstart, $3  }
0xc3: {  	[dreg:$0x1] =	wrdreg $0xFFFFFFFF  }
0xc4: {  	_ =	task.clear_ibuf [dreg:s8], $0x2FFFF;
	_ =	strace $0x9FFFFFFF  }
0xc5: {  	(tm) =	ssettm $0x7FFFFFFF  }
tec
execute0_lowered:
.L_overlay_start_1:
0x0: {  	(tag) =	ssettag $0x1  }
0x1: {  	s1 =	rddreg [dreg:$0x0]  }
0x2: {  	s0 =	rddreg [dreg:$0x1]  }
0x3: {  	s4 =	rddreg [dreg:$0x2]  }
0x4: {  	s2 =	rddreg [dreg:$0x3];
	s3 =	simm.s32 $0x0  }
0x5: {  	s5 =	srdreg.scid;
	s13 =	stileid.u32;
	s28 =	simm.s32 $0x2000  }
0x6: {  	s29 =	simm.s32 $0x100;
	s30 =	simm.s32 $0x2;
	s31 =	simm.s32 $0x3000  }
0x7: {  	[smem:$0x7FF] =	sst s3;
	s6 =	sand.u32 $0x1, s5;
	s9 =	smul.u32 $0x61C00, s13  }
0x8: {  	s12 =	smul.u32 $0x30E0, s13;
	s22 =	sshll.u32 s13, $0x6;
	s25 =	sadd.s32 $0x30D400, s1  }
0x9: {  	_ =	strace $0x80000047;
	s5 =	sshll.u32 s6, $0x4;
	s7 =	ssub.s32 $0x2, s6  }
0xa: {  	s6 =	smul.u32 $0x30E00, s6;
	s8 =	sor.u32 s13, s5;
	s5 =	sadd.s32 $0x1000, s0  }
0xb: {  	s10 =	sshrl.u32 s7, $0x1;
	s0 =	sadd.s32 $0x62C00, s0;
	s20 =	sshrl.u32 s9, $0x2  }
0xc: {  	s11 =	smul.u32 $0x186A, s8;
	[dreg:$0x5] =	wrdreg s0;
	s18 =	ssub.s32 s7, s10  }
0xd: {  	s19 =	sadd.s32 s20, s2;
	s7 =	sor.u32 $0x1C05, s22;
	s6 =	sadd.s32 s12, s6  }
0xe: {  	s20 =	simm.s32 $0x5;
	s0 =	simm.s32 $0x3;
	s17 =	sadd.s32 s4, s6  }
0xf: {  	s18 =	smax.u32 s18, $0x1;
	s19 =	sshrl.u32 s19, $0x3;
	s4 =	simm.s32 $0x4  }
0x10: {  	s21 =	sadd.s32 $0x186A, s11;
	s14 =	sshrl.u32 s11, $0x5;
	s11 =	sshll.u32 s11, $0x1  }
0x11: {  	s23 =	sshrl.u32 s21, $0x5;
	s8 =	sshll.u32 s14, $0x1;
	s24 =	sshll.u32 s14, $0x9  }
0x12: {  	s11 =	sand.u32 $0x7FFC0, s11;
	s26 =	sshllo.u32 s14, $0x1;
	s21 =	simm.s32 $0x0  }
0x13: {  	s9 =	ssub.s32 s23, s14;
	s15 =	sadd.s32 s1, s24;
	s13 =	sadd.s32 s24, s25  }
.Ltmp0:
0x14: {  	s11 =	sadd.s32 s5, s11;
	[dreg:$0x6] =	wrdreg s15;
	(pc) =	sbr.rel .LBB2_1-.Ltmp0, $4  }
0x15: {  	s16 =	sshll.u32 s26, $0x8;
	s10 =	sshll.u32 s9, $0x1;
	[dreg:$0x7] =	wrdreg s13  }
0x16: {  	[dreg:$0x8] =	wrdreg s11;
	s11 =	sshll.u32 s26, $0x5;
	s14 =	sadd.s32 s1, s16  }
0x17: {  	v0 =	vlaneseq.u32;
	s16 =	sand.u32 $0x1FFFFF00, s16;
	p0 =	slt.s32 s9, $0x1;
	s11 =	sand.u32 $0x1FFFFFE0, s11  }
0x18: {  	v0 =	vmul.u32 $0x10, v0;
	s26 =	simm.s32 $0x1;
	s15 =	sadd.s32 s16, s25;
	s16 =	sadd.s32 s5, s11  }
.LBB2_7:
0x19: {  	_ =	swait.ge [sflag:s0], $0x1000  }
0x1a: {  	[sflag:s0] =	ssyncset.done $0x0  }
0x1b: {  	[sflag:s0] =	ssyncadd.s32 $0xFFFFF000  }
0x1c: {  	_ =	swait.ge [sflag:s4], $0x1000  }
0x1d: {  	s21 =	sadd.s32 $0x1, s21;
	[sflag:s4] =	ssyncset.done $0x0  }
0x1e: {  	p1 =	sne.s32 s21, s18;
	[sflag:s4] =	ssyncadd.s32 $0xFFFFF000  }
.Ltmp1:
0x1f: {  	[bflag:$0x0] =	sbarrier.arrive $0xFFFF;
	(pc) =	sbr.rel @!p1 .LBB2_8-.Ltmp1, $4  }
0x20: {  	[hbm:s17], [sflag:s7] =	dma.local [spmem:s19], $0x30E0  }
0x21: {  	_ =	swait.ge [sflag:s20], $0x30E0  }
0x22: {  	[sflag:s20] =	ssyncset.done $0x0  }
0x23: {  	[sflag:s20] =	ssyncadd.s32 $0xFFFFCF20  }
.LBB2_1:
0x24: {  	s6 =	rddreg [dreg:$0x5]  }
0x25: {  	[spmem:s19], [sflag:s7] =	dma.local [hbm:s6], $0x30E0  }
0x26: {  	_ =	swait.ge [sflag:s20], $0x30E0  }
0x27: {  	[sflag:s20] =	ssyncset.done $0x0  }
0x28: {  	[sflag:s20] =	ssyncadd.s32 $0xFFFFCF20  }
0x29: {  	[bflag:$0x0] =	sbarrier.arrive $0xFFFF  }
0x2a: {  	s11 =	rddreg [dreg:$0x6]  }
0x2b: {  	[tilespmem:s3], [sflag:$0x1] =	stream.linear.gather [hbm4b:s11+s3], $0x800, $0x38;
	[tilespmem:$0x1CB00] =	vst v63  }
0x2c: {  	s12 =	rddreg [dreg:$0x7];
	s11 =	simm.s32 $0x800  }
0x2d: {  	[tilespmem:s11], [sflag:$0x1] =	stream.linear.gather [hbm4b:s12+s3], $0x800, $0x38;
	[tilespmem:$0x1CB00] =	vst v63  }
0x2e: {  	s22 =	simm.s32 $0x4000;
	s13 =	rddreg [dreg:$0x8]  }
0x2f: {  	[tilespmem:s22], [sflag:$0x1] =	stream.linear.gather [hbm4b:s13+s3], $0x100, $0x38;
	[tilespmem:$0x1CB00] =	vst v63  }
0x30: {  	s23 =	simm.s32 $0x1000  }
0x31: {  	[tilespmem:s23], [sflag:$0x2] =	stream.linear.gather [hbm4b:s14+s3], $0x800, $0x38;
	[tilespmem:$0x1CB00] =	vst v63  }
.Ltmp2:
0x32: {  	_ = 	snop;
	(pc) =	sbr.rel @p0 .LBB2_7-.Ltmp2, $4  }
0x33: {  	s24 =	simm.s32 $0x1800  }
0x34: {  	[tilespmem:s24], [sflag:$0x2] =	stream.linear.gather [hbm4b:s15+s3], $0x800, $0x38;
	[tilespmem:$0x1CB00] =	vst v63  }
0x35: {  	s25 =	simm.s32 $0x4100;
	s22 =	simm.s32 $0x0  }
0x36: {  	[tilespmem:s25], [sflag:$0x2] =	stream.linear.gather [hbm4b:s16+s3], $0x100, $0x38;
	[tilespmem:$0x1CB00] =	vst v63  }
.LBB2_2:
0x37: {  	_ =	swait.ge [sflag:s26], $0x800  }
0x38: {  	[sflag:s26] =	ssyncset.done $0x0  }
0x39: {  	[sflag:s26] =	ssyncadd.s32 $0xFFFFF800  }
0x3a: {  	_ =	swait.ge [sflag:s26], $0x800  }
0x3b: {  	[sflag:s26] =	ssyncset.done $0x0  }
0x3c: {  	[sflag:s26] =	ssyncadd.s32 $0xFFFFF800  }
0x3d: {  	_ =	swait.ge [sflag:s26], $0x100  }
0x3e: {  	p1 =	seq.s32 s22, $0x0;
	[sflag:s26] =	ssyncset.done $0x0  }
0x3f: {  	s6 =	simm.s32 @!p1 $0x3;
	[sflag:s26] =	ssyncadd.s32 $0xFFFFFF00  }
0x40: {  	s11 =	simm.s32 $0x0;
	_ =	swait.ge @!p1 [sflag:s6], $0x1000  }
0x41: {  	v1 =	vmov s11;
	[sflag:s6] =	ssyncset.done @!p1 $0x0  }
0x42: {  	s25 =	simm.s32 $0x800;
	v1 =	vshll.u32 v1, $0x4;
	[sflag:s6] =	ssyncadd.s32 @!p1 $0xFFFFF000  }
0x43: {  	v1 =	vor.u32 v0, v1;
	v2 =	vld [tilespmem:s25+$0xFFFFF800];
	_ =	sdelay $0x4  }
0x44: {  	[tilespmem:v1+s28+$0x0] =	vst.idx.msk $0xffff, v2  }
0x45: {  	v3 =	vor.u32 $0x1, v1;
	v2 =	vld [tilespmem:s25+$0xFFFFF880];
	_ =	sdelay $0x4  }
0x46: {  	[tilespmem:v3+s28+$0x0] =	vst.idx.msk $0xffff, v2  }
0x47: {  	v3 =	vor.u32 $0x2, v1;
	v2 =	vld [tilespmem:s25+$0xFFFFF900];
	_ =	sdelay $0x4  }
0x48: {  	[tilespmem:v3+s28+$0x0] =	vst.idx.msk $0xffff, v2  }
0x49: {  	v3 =	vor.u32 $0x3, v1;
	v2 =	vld [tilespmem:s25+$0xFFFFF980];
	_ =	sdelay $0x4  }
0x4a: {  	[tilespmem:v3+s28+$0x0] =	vst.idx.msk $0xffff, v2  }
0x4b: {  	v3 =	vor.u32 $0x4, v1;
	v2 =	vld [tilespmem:s25+$0xFFFFFA00];
	_ =	sdelay $0x4  }
0x4c: {  	[tilespmem:v3+s28+$0x0] =	vst.idx.msk $0xffff, v2  }
0x4d: {  	v3 =	vor.u32 $0x5, v1;
	v2 =	vld [tilespmem:s25+$0xFFFFFA80];
	_ =	sdelay $0x4  }
0x4e: {  	[tilespmem:v3+s28+$0x0] =	vst.idx.msk $0xffff, v2  }
0x4f: {  	v3 =	vor.u32 $0x6, v1;
	v2 =	vld [tilespmem:s25+$0xFFFFFB00];
	_ =	sdelay $0x4  }
0x50: {  	[tilespmem:v3+s28+$0x0] =	vst.idx.msk $0xffff, v2  }
0x51: {  	v3 =	vor.u32 $0x7, v1;
	v2 =	vld [tilespmem:s25+$0xFFFFFB80];
	_ =	sdelay $0x4  }
0x52: {  	[tilespmem:v3+s28+$0x0] =	vst.idx.msk $0xffff, v2  }
0x53: {  	v3 =	vor.u32 $0x8, v1;
	v2 =	vld [tilespmem:s25+$0x0];
	_ =	sdelay $0x4  }
0x54: {  	[tilespmem:v3+s28+$0x0] =	vst.idx.msk $0xffff, v2  }
0x55: {  	v3 =	vor.u32 $0x9, v1;
	v2 =	vld [tilespmem:s25+$0x80];
	_ =	sdelay $0x4  }
0x56: {  	[tilespmem:v3+s28+$0x0] =	vst.idx.msk $0xffff, v2  }
0x57: {  	v3 =	vor.u32 $0xA, v1;
	v2 =	vld [tilespmem:s25+$0x100];
	_ =	sdelay $0x4  }
0x58: {  	[tilespmem:v3+s28+$0x0] =	vst.idx.msk $0xffff, v2  }
0x59: {  	v3 =	vor.u32 $0xB, v1;
	v2 =	vld [tilespmem:s25+$0x180];
	_ =	sdelay $0x4  }
0x5a: {  	[tilespmem:v3+s28+$0x0] =	vst.idx.msk $0xffff, v2  }
0x5b: {  	v3 =	vor.u32 $0xC, v1;
	v2 =	vld [tilespmem:s25+$0x200];
	_ =	sdelay $0x4  }
0x5c: {  	[tilespmem:v3+s28+$0x0] =	vst.idx.msk $0xffff, v2  }
0x5d: {  	v3 =	vor.u32 $0xD, v1;
	v2 =	vld [tilespmem:s25+$0x280];
	_ =	sdelay $0x4  }
0x5e: {  	[tilespmem:v3+s28+$0x0] =	vst.idx.msk $0xffff, v2  }
0x5f: {  	v3 =	vor.u32 $0xE, v1;
	v2 =	vld [tilespmem:s25+$0x300];
	_ =	sdelay $0x4  }
0x60: {  	[tilespmem:v3+s28+$0x0] =	vst.idx.msk $0xffff, v2  }
0x61: {  	v1 =	vor.u32 $0xF, v1;
	v2 =	vld [tilespmem:s25+$0x380];
	_ =	sdelay $0x2  }
0x62: {  	s23 =	simm.s32 $0x80  }
0x63: {  	v3 =	vmov s23  }
0x64: {  	[tilespmem:v1+s28+$0x0] =	vst.idx.msk $0xffff, v2;
	v1 =	vshll.u32 v3, $0x4  }
0x65: {  	v2 =	vld [tilespmem:s25+$0xFFFFFC00];
	v1 =	vor.u32 v0, v1;
	_ =	sdelay $0x4  }
0x66: {  	[tilespmem:v1+s28+$0x0] =	vst.idx.msk $0xffff, v2  }
0x67: {  	v3 =	vor.u32 $0x1, v1;
	v2 =	vld [tilespmem:s25+$0xFFFFFC80];
	_ =	sdelay $0x4  }
0x68: {  	[tilespmem:v3+s28+$0x0] =	vst.idx.msk $0xffff, v2  }
0x69: {  	v3 =	vor.u32 $0x2, v1;
	v2 =	vld [tilespmem:s25+$0xFFFFFD00];
	_ =	sdelay $0x4  }
0x6a: {  	[tilespmem:v3+s28+$0x0] =	vst.idx.msk $0xffff, v2  }
0x6b: {  	v3 =	vor.u32 $0x3, v1;
	v2 =	vld [tilespmem:s25+$0xFFFFFD80];
	_ =	sdelay $0x4  }
0x6c: {  	[tilespmem:v3+s28+$0x0] =	vst.idx.msk $0xffff, v2  }
0x6d: {  	v3 =	vor.u32 $0x4, v1;
	v2 =	vld [tilespmem:s25+$0xFFFFFE00];
	_ =	sdelay $0x4  }
0x6e: {  	[tilespmem:v3+s28+$0x0] =	vst.idx.msk $0xffff, v2  }
0x6f: {  	v3 =	vor.u32 $0x5, v1;
	v2 =	vld [tilespmem:s25+$0xFFFFFE80];
	_ =	sdelay $0x4  }
0x70: {  	[tilespmem:v3+s28+$0x0] =	vst.idx.msk $0xffff, v2  }
0x71: {  	v3 =	vor.u32 $0x6, v1;
	v2 =	vld [tilespmem:s25+$0xFFFFFF00];
	_ =	sdelay $0x4  }
0x72: {  	[tilespmem:v3+s28+$0x0] =	vst.idx.msk $0xffff, v2  }
0x73: {  	v3 =	vor.u32 $0x7, v1;
	v2 =	vld [tilespmem:s25+$0xFFFFFF80];
	_ =	sdelay $0x4  }
0x74: {  	[tilespmem:v3+s28+$0x0] =	vst.idx.msk $0xffff, v2  }
0x75: {  	v3 =	vor.u32 $0x8, v1;
	v2 =	vld [tilespmem:s25+$0x400];
	_ =	sdelay $0x4  }
0x76: {  	[tilespmem:v3+s28+$0x0] =	vst.idx.msk $0xffff, v2  }
0x77: {  	v3 =	vor.u32 $0x9, v1;
	v2 =	vld [tilespmem:s25+$0x480];
	_ =	sdelay $0x4  }
0x78: {  	[tilespmem:v3+s28+$0x0] =	vst.idx.msk $0xffff, v2  }
0x79: {  	v3 =	vor.u32 $0xA, v1;
	v2 =	vld [tilespmem:s25+$0x500];
	_ =	sdelay $0x4  }
0x7a: {  	[tilespmem:v3+s28+$0x0] =	vst.idx.msk $0xffff, v2  }
0x7b: {  	v3 =	vor.u32 $0xB, v1;
	v2 =	vld [tilespmem:s25+$0x580];
	_ =	sdelay $0x4  }
0x7c: {  	[tilespmem:v3+s28+$0x0] =	vst.idx.msk $0xffff, v2  }
0x7d: {  	v3 =	vor.u32 $0xC, v1;
	v2 =	vld [tilespmem:s25+$0x600];
	_ =	sdelay $0x4  }
0x7e: {  	[tilespmem:v3+s28+$0x0] =	vst.idx.msk $0xffff, v2  }
0x7f: {  	v3 =	vor.u32 $0xD, v1;
	v2 =	vld [tilespmem:s25+$0x680];
	_ =	sdelay $0x4  }
0x80: {  	[tilespmem:v3+s28+$0x0] =	vst.idx.msk $0xffff, v2  }
0x81: {  	v3 =	vor.u32 $0xE, v1;
	v2 =	vld [tilespmem:s25+$0x700];
	_ =	sdelay $0x4  }
0x82: {  	[tilespmem:v3+s28+$0x0] =	vst.idx.msk $0xffff, v2  }
0x83: {  	v1 =	vor.u32 $0xF, v1;
	v2 =	vld [tilespmem:s25+$0x780];
	_ =	sdelay $0x1  }
0x84: {  	s24 =	sshll.u32 s22, $0x9  }
0x85: {  	s24 =	sand.u32 $0x200, s24;
	s11 =	simm.s32 $0x10  }
0x86: {  	s12 =	simm.s32 $0x20;
	s6 =	sor.u32 $0x4000, s24;
	s23 =	sshll.u32 s22, $0x1;
	v3 =	vmov s11  }
.LBB2_3:
0x87: {  	p2 =	sne.s32 s12, $0x70;
	v3 =	vshll.u32 v3, $0x4;
	[tilespmem:v1+s28+$0x0] =	vst.idx.msk $0xffff, v2;
	s25 =	sadd.s32 $0x10, s25  }
0x88: {  	v2 =	vld [tilespmem:s25+$0xFFFFF800];
	v1 =	vor.u32 v0, v3;
	_ =	sdelay $0x4  }
0x89: {  	[tilespmem:v1+s28+$0x0] =	vst.idx.msk $0xffff, v2  }
0x8a: {  	v3 =	vor.u32 $0x1, v1;
	v2 =	vld [tilespmem:s25+$0xFFFFF880];
	_ =	sdelay $0x4  }
0x8b: {  	[tilespmem:v3+s28+$0x0] =	vst.idx.msk $0xffff, v2  }
0x8c: {  	v3 =	vor.u32 $0x2, v1;
	v2 =	vld [tilespmem:s25+$0xFFFFF900];
	_ =	sdelay $0x4  }
0x8d: {  	[tilespmem:v3+s28+$0x0] =	vst.idx.msk $0xffff, v2  }
0x8e: {  	v3 =	vor.u32 $0x3, v1;
	v2 =	vld [tilespmem:s25+$0xFFFFF980];
	_ =	sdelay $0x4  }
0x8f: {  	[tilespmem:v3+s28+$0x0] =	vst.idx.msk $0xffff, v2  }
0x90: {  	v3 =	vor.u32 $0x4, v1;
	v2 =	vld [tilespmem:s25+$0xFFFFFA00];
	_ =	sdelay $0x4  }
0x91: {  	[tilespmem:v3+s28+$0x0] =	vst.idx.msk $0xffff, v2  }
0x92: {  	v3 =	vor.u32 $0x5, v1;
	v2 =	vld [tilespmem:s25+$0xFFFFFA80];
	_ =	sdelay $0x4  }
0x93: {  	[tilespmem:v3+s28+$0x0] =	vst.idx.msk $0xffff, v2  }
0x94: {  	v3 =	vor.u32 $0x6, v1;
	v2 =	vld [tilespmem:s25+$0xFFFFFB00];
	_ =	sdelay $0x4  }
0x95: {  	[tilespmem:v3+s28+$0x0] =	vst.idx.msk $0xffff, v2  }
0x96: {  	v3 =	vor.u32 $0x7, v1;
	v2 =	vld [tilespmem:s25+$0xFFFFFB80];
	_ =	sdelay $0x4  }
0x97: {  	[tilespmem:v3+s28+$0x0] =	vst.idx.msk $0xffff, v2  }
0x98: {  	v3 =	vor.u32 $0x8, v1;
	v2 =	vld [tilespmem:s25+$0x0];
	_ =	sdelay $0x4  }
0x99: {  	[tilespmem:v3+s28+$0x0] =	vst.idx.msk $0xffff, v2  }
0x9a: {  	v3 =	vor.u32 $0x9, v1;
	v2 =	vld [tilespmem:s25+$0x80];
	_ =	sdelay $0x4  }
0x9b: {  	[tilespmem:v3+s28+$0x0] =	vst.idx.msk $0xffff, v2  }
0x9c: {  	v3 =	vor.u32 $0xA, v1;
	v2 =	vld [tilespmem:s25+$0x100];
	_ =	sdelay $0x4  }
0x9d: {  	[tilespmem:v3+s28+$0x0] =	vst.idx.msk $0xffff, v2  }
0x9e: {  	v3 =	vor.u32 $0xB, v1;
	v2 =	vld [tilespmem:s25+$0x180];
	_ =	sdelay $0x4  }
0x9f: {  	[tilespmem:v3+s28+$0x0] =	vst.idx.msk $0xffff, v2  }
0xa0: {  	v3 =	vor.u32 $0xC, v1;
	v2 =	vld [tilespmem:s25+$0x200];
	_ =	sdelay $0x4  }
0xa1: {  	[tilespmem:v3+s28+$0x0] =	vst.idx.msk $0xffff, v2  }
0xa2: {  	v3 =	vor.u32 $0xD, v1;
	v2 =	vld [tilespmem:s25+$0x280];
	_ =	sdelay $0x4  }
0xa3: {  	[tilespmem:v3+s28+$0x0] =	vst.idx.msk $0xffff, v2  }
0xa4: {  	v3 =	vor.u32 $0xE, v1;
	v2 =	vld [tilespmem:s25+$0x300];
	_ =	sdelay $0x4  }
0xa5: {  	[tilespmem:v3+s28+$0x0] =	vst.idx.msk $0xffff, v2  }
0xa6: {  	v1 =	vor.u32 $0xF, v1;
	v2 =	vld [tilespmem:s25+$0x380];
	_ =	sdelay $0x2  }
0xa7: {  	s13 =	sadd.s32 $0x80, s11;
	s11 =	smov.u32 s12  }
0xa8: {  	v3 =	vmov s13  }
0xa9: {  	[tilespmem:v1+s28+$0x0] =	vst.idx.msk $0xffff, v2;
	v1 =	vshll.u32 v3, $0x4  }
0xaa: {  	v2 =	vld [tilespmem:s25+$0xFFFFFC00];
	v1 =	vor.u32 v0, v1;
	_ =	sdelay $0x4  }
0xab: {  	[tilespmem:v1+s28+$0x0] =	vst.idx.msk $0xffff, v2  }
0xac: {  	v3 =	vor.u32 $0x1, v1;
	v2 =	vld [tilespmem:s25+$0xFFFFFC80];
	_ =	sdelay $0x4  }
0xad: {  	[tilespmem:v3+s28+$0x0] =	vst.idx.msk $0xffff, v2  }
0xae: {  	v3 =	vor.u32 $0x2, v1;
	v2 =	vld [tilespmem:s25+$0xFFFFFD00];
	_ =	sdelay $0x4  }
0xaf: {  	[tilespmem:v3+s28+$0x0] =	vst.idx.msk $0xffff, v2  }
0xb0: {  	v3 =	vor.u32 $0x3, v1;
	v2 =	vld [tilespmem:s25+$0xFFFFFD80];
	_ =	sdelay $0x4  }
0xb1: {  	[tilespmem:v3+s28+$0x0] =	vst.idx.msk $0xffff, v2  }
0xb2: {  	v3 =	vor.u32 $0x4, v1;
	v2 =	vld [tilespmem:s25+$0xFFFFFE00];
	_ =	sdelay $0x4  }
0xb3: {  	[tilespmem:v3+s28+$0x0] =	vst.idx.msk $0xffff, v2  }
0xb4: {  	v3 =	vor.u32 $0x5, v1;
	v2 =	vld [tilespmem:s25+$0xFFFFFE80];
	_ =	sdelay $0x4  }
0xb5: {  	[tilespmem:v3+s28+$0x0] =	vst.idx.msk $0xffff, v2  }
0xb6: {  	v3 =	vor.u32 $0x6, v1;
	v2 =	vld [tilespmem:s25+$0xFFFFFF00];
	_ =	sdelay $0x4  }
0xb7: {  	[tilespmem:v3+s28+$0x0] =	vst.idx.msk $0xffff, v2  }
0xb8: {  	v3 =	vor.u32 $0x7, v1;
	v2 =	vld [tilespmem:s25+$0xFFFFFF80];
	_ =	sdelay $0x4  }
0xb9: {  	[tilespmem:v3+s28+$0x0] =	vst.idx.msk $0xffff, v2  }
0xba: {  	v3 =	vor.u32 $0x8, v1;
	v2 =	vld [tilespmem:s25+$0x400];
	_ =	sdelay $0x4  }
0xbb: {  	[tilespmem:v3+s28+$0x0] =	vst.idx.msk $0xffff, v2  }
0xbc: {  	v3 =	vor.u32 $0x9, v1;
	v2 =	vld [tilespmem:s25+$0x480];
	_ =	sdelay $0x4  }
0xbd: {  	[tilespmem:v3+s28+$0x0] =	vst.idx.msk $0xffff, v2  }
0xbe: {  	v3 =	vor.u32 $0xA, v1;
	v2 =	vld [tilespmem:s25+$0x500];
	_ =	sdelay $0x4  }
0xbf: {  	[tilespmem:v3+s28+$0x0] =	vst.idx.msk $0xffff, v2  }
0xc0: {  	v3 =	vor.u32 $0xB, v1;
	v2 =	vld [tilespmem:s25+$0x580];
	_ =	sdelay $0x4  }
0xc1: {  	[tilespmem:v3+s28+$0x0] =	vst.idx.msk $0xffff, v2  }
0xc2: {  	v3 =	vor.u32 $0xC, v1;
	v2 =	vld [tilespmem:s25+$0x600];
	_ =	sdelay $0x4  }
0xc3: {  	[tilespmem:v3+s28+$0x0] =	vst.idx.msk $0xffff, v2  }
0xc4: {  	v3 =	vor.u32 $0xD, v1;
	v2 =	vld [tilespmem:s25+$0x680];
	_ =	sdelay $0x4  }
0xc5: {  	[tilespmem:v3+s28+$0x0] =	vst.idx.msk $0xffff, v2  }
0xc6: {  	v3 =	vor.u32 $0xE, v1;
	v2 =	vld [tilespmem:s25+$0x700];
	_ =	sdelay $0x4  }
0xc7: {  	[tilespmem:v3+s28+$0x0] =	vst.idx.msk $0xffff, v2  }
.Ltmp3:
0xc8: {  	v1 =	vor.u32 $0xF, v1;
	v2 =	vld [tilespmem:s25+$0x780];
	(pc) =	sbr.rel @p2 .LBB2_3-.Ltmp3, $2  }
0xc9: {  	_ =	sdelay $0x2  }
0xca: {  	s12 =	sadd.s32 $0x10, s12;
	v3 =	vmov s11  }
0xcb: {  	_ =	sdelay $0x3  }
0xcc: {  	v3 =	vshll.u32 v3, $0x4;
	[tilespmem:v1+s28+$0x0] =	vst.idx.msk $0xffff, v2;
	s12 =	sadd.s32 $0x10, s25  }
0xcd: {  	v1 =	vld [tilespmem:s12+$0xFFFFF800];
	v2 =	vor.u32 v0, v3;
	_ =	sdelay $0x4  }
0xce: {  	[tilespmem:v2+s28+$0x0] =	vst.idx.msk $0xffff, v1  }
0xcf: {  	v3 =	vor.u32 $0x1, v2;
	v1 =	vld [tilespmem:s12+$0xFFFFF880];
	_ =	sdelay $0x4  }
0xd0: {  	[tilespmem:v3+s28+$0x0] =	vst.idx.msk $0xffff, v1  }
0xd1: {  	v3 =	vor.u32 $0x2, v2;
	v1 =	vld [tilespmem:s12+$0xFFFFF900];
	_ =	sdelay $0x4  }
0xd2: {  	[tilespmem:v3+s28+$0x0] =	vst.idx.msk $0xffff, v1  }
0xd3: {  	v3 =	vor.u32 $0x3, v2;
	v1 =	vld [tilespmem:s12+$0xFFFFF980];
	_ =	sdelay $0x4  }
0xd4: {  	[tilespmem:v3+s28+$0x0] =	vst.idx.msk $0xffff, v1  }
0xd5: {  	v3 =	vor.u32 $0x4, v2;
	v1 =	vld [tilespmem:s12+$0xFFFFFA00];
	_ =	sdelay $0x4  }
0xd6: {  	[tilespmem:v3+s28+$0x0] =	vst.idx.msk $0xffff, v1  }
0xd7: {  	v3 =	vor.u32 $0x5, v2;
	v1 =	vld [tilespmem:s12+$0xFFFFFA80];
	_ =	sdelay $0x4  }
0xd8: {  	[tilespmem:v3+s28+$0x0] =	vst.idx.msk $0xffff, v1  }
0xd9: {  	v3 =	vor.u32 $0x6, v2;
	v1 =	vld [tilespmem:s12+$0xFFFFFB00];
	_ =	sdelay $0x4  }
0xda: {  	[tilespmem:v3+s28+$0x0] =	vst.idx.msk $0xffff, v1  }
0xdb: {  	v3 =	vor.u32 $0x7, v2;
	v1 =	vld [tilespmem:s12+$0xFFFFFB80];
	_ =	sdelay $0x4  }
0xdc: {  	[tilespmem:v3+s28+$0x0] =	vst.idx.msk $0xffff, v1  }
0xdd: {  	v3 =	vor.u32 $0x8, v2;
	v1 =	vld [tilespmem:s12+$0x0];
	_ =	sdelay $0x4  }
0xde: {  	[tilespmem:v3+s28+$0x0] =	vst.idx.msk $0xffff, v1  }
0xdf: {  	v3 =	vor.u32 $0x9, v2;
	v1 =	vld [tilespmem:s12+$0x80];
	_ =	sdelay $0x4  }
0xe0: {  	[tilespmem:v3+s28+$0x0] =	vst.idx.msk $0xffff, v1  }
0xe1: {  	v3 =	vor.u32 $0xA, v2;
	v1 =	vld [tilespmem:s12+$0x100];
	_ =	sdelay $0x4  }
0xe2: {  	[tilespmem:v3+s28+$0x0] =	vst.idx.msk $0xffff, v1  }
0xe3: {  	v3 =	vor.u32 $0xB, v2;
	v1 =	vld [tilespmem:s12+$0x180];
	_ =	sdelay $0x4  }
0xe4: {  	[tilespmem:v3+s28+$0x0] =	vst.idx.msk $0xffff, v1  }
0xe5: {  	v3 =	vor.u32 $0xC, v2;
	v1 =	vld [tilespmem:s12+$0x200];
	_ =	sdelay $0x4  }
0xe6: {  	[tilespmem:v3+s28+$0x0] =	vst.idx.msk $0xffff, v1  }
0xe7: {  	v3 =	vor.u32 $0xD, v2;
	v1 =	vld [tilespmem:s12+$0x280];
	_ =	sdelay $0x4  }
0xe8: {  	[tilespmem:v3+s28+$0x0] =	vst.idx.msk $0xffff, v1  }
0xe9: {  	v3 =	vor.u32 $0xE, v2;
	v1 =	vld [tilespmem:s12+$0x300];
	_ =	sdelay $0x4  }
0xea: {  	[tilespmem:v3+s28+$0x0] =	vst.idx.msk $0xffff, v1  }
0xeb: {  	v2 =	vor.u32 $0xF, v2;
	v1 =	vld [tilespmem:s12+$0x380];
	_ =	sdelay $0x2  }
0xec: {  	s11 =	sadd.s32 $0x80, s11  }
0xed: {  	v3 =	vmov s11  }
0xee: {  	[tilespmem:v2+s28+$0x0] =	vst.idx.msk $0xffff, v1;
	v1 =	vshll.u32 v3, $0x4  }
0xef: {  	v2 =	vld [tilespmem:s12+$0xFFFFFC00];
	v1 =	vor.u32 v0, v1;
	_ =	sdelay $0x4  }
0xf0: {  	[tilespmem:v1+s28+$0x0] =	vst.idx.msk $0xffff, v2  }
0xf1: {  	v3 =	vor.u32 $0x1, v1;
	v2 =	vld [tilespmem:s12+$0xFFFFFC80];
	_ =	sdelay $0x4  }
0xf2: {  	[tilespmem:v3+s28+$0x0] =	vst.idx.msk $0xffff, v2  }
0xf3: {  	v3 =	vor.u32 $0x2, v1;
	v2 =	vld [tilespmem:s12+$0xFFFFFD00];
	_ =	sdelay $0x4  }
0xf4: {  	[tilespmem:v3+s28+$0x0] =	vst.idx.msk $0xffff, v2  }
0xf5: {  	v3 =	vor.u32 $0x3, v1;
	v2 =	vld [tilespmem:s12+$0xFFFFFD80];
	_ =	sdelay $0x4  }
0xf6: {  	[tilespmem:v3+s28+$0x0] =	vst.idx.msk $0xffff, v2  }
0xf7: {  	v3 =	vor.u32 $0x4, v1;
	v2 =	vld [tilespmem:s12+$0xFFFFFE00];
	_ =	sdelay $0x4  }
0xf8: {  	[tilespmem:v3+s28+$0x0] =	vst.idx.msk $0xffff, v2  }
0xf9: {  	v3 =	vor.u32 $0x5, v1;
	v2 =	vld [tilespmem:s12+$0xFFFFFE80];
	_ =	sdelay $0x4  }
0xfa: {  	[tilespmem:v3+s28+$0x0] =	vst.idx.msk $0xffff, v2  }
0xfb: {  	v3 =	vor.u32 $0x6, v1;
	v2 =	vld [tilespmem:s12+$0xFFFFFF00];
	_ =	sdelay $0x4  }
0xfc: {  	[tilespmem:v3+s28+$0x0] =	vst.idx.msk $0xffff, v2  }
0xfd: {  	v3 =	vor.u32 $0x7, v1;
	v2 =	vld [tilespmem:s12+$0xFFFFFF80];
	_ =	sdelay $0x4  }
0xfe: {  	[tilespmem:v3+s28+$0x0] =	vst.idx.msk $0xffff, v2  }
0xff: {  	v3 =	vor.u32 $0x8, v1;
	v2 =	vld [tilespmem:s12+$0x400];
	_ =	sdelay $0x4  }
0x100: {  	[tilespmem:v3+s28+$0x0] =	vst.idx.msk $0xffff, v2  }
0x101: {  	v3 =	vor.u32 $0x9, v1;
	v2 =	vld [tilespmem:s12+$0x480];
	_ =	sdelay $0x4  }
0x102: {  	[tilespmem:v3+s28+$0x0] =	vst.idx.msk $0xffff, v2  }
0x103: {  	v3 =	vor.u32 $0xA, v1;
	v2 =	vld [tilespmem:s12+$0x500];
	_ =	sdelay $0x4  }
0x104: {  	[tilespmem:v3+s28+$0x0] =	vst.idx.msk $0xffff, v2  }
0x105: {  	v3 =	vor.u32 $0xB, v1;
	v2 =	vld [tilespmem:s12+$0x580];
	_ =	sdelay $0x4  }
0x106: {  	[tilespmem:v3+s28+$0x0] =	vst.idx.msk $0xffff, v2  }
0x107: {  	v3 =	vor.u32 $0xC, v1;
	v2 =	vld [tilespmem:s12+$0x600];
	_ =	sdelay $0x4  }
0x108: {  	[tilespmem:v3+s28+$0x0] =	vst.idx.msk $0xffff, v2  }
0x109: {  	v3 =	vor.u32 $0xD, v1;
	v2 =	vld [tilespmem:s12+$0x680];
	_ =	sdelay $0x4  }
0x10a: {  	[tilespmem:v3+s28+$0x0] =	vst.idx.msk $0xffff, v2  }
0x10b: {  	v3 =	vor.u32 $0xE, v1;
	v2 =	vld [tilespmem:s12+$0x700];
	_ =	sdelay $0x4  }
0x10c: {  	[tilespmem:v3+s28+$0x0] =	vst.idx.msk $0xffff, v2  }
0x10d: {  	v1 =	vor.u32 $0xF, v1;
	v2 =	vld [tilespmem:s12+$0x780];
	_ =	sdelay $0x4  }
0x10e: {  	[tilespmem:v1+s28+$0x0] =	vst.idx.msk $0xffff, v2  }
0x10f: {  	[spmem:s2] =	stream.indirect.scatter.add.f32 [tilespmem:s28], [sflag:$0x3], $0x10, s6, s29, $0xb8;
	[tilespmem:$0x1CB00] =	vst v63  }
0x110: {  	s6 =	sadd.s32 $0x2, s23  }
0x111: {  	p2 =	sge.s32 s6, s10  }
0x112: {  	s11 =	sadd.s32 @!p2 s8, s6  }
0x113: {  	s12 =	sshll.u32 @!p2 s11, $0x8  }
0x114: {  	s13 =	simm.s32 @!p2 $0x0;
	s12 =	sand.u32 @!p2 $0x1FFFFF00, s12  }
0x115: {  	s25 =	simm.s32 @!p2 $0x800;
	s6 =	sshll.u32 @!p2 s6, $0x8;
	s12 =	sadd.s32 @!p2 s1, s12  }
0x116: {  	[tilespmem:s13], [sflag:$0x1] =	stream.linear.gather @!p2 [hbm4b:s12+s13], $0x800, $0x38;
	[tilespmem:$0x1CB00] =	vst v63  }
0x117: {  	s6 =	sand.u32 @!p2 $0x200, s6;
	s11 =	sshll.u32 @!p2 s11, $0x5;
	s12 =	sadd.s32 @!p2 $0x30D400, s12  }
0x118: {  	[tilespmem:s25], [sflag:$0x1] =	stream.linear.gather @!p2 [hbm4b:s12+s13], $0x800, $0x38;
	[tilespmem:$0x1CB00] =	vst v63  }
0x119: {  	s6 =	sor.u32 @!p2 $0x4000, s6;
	s11 =	sadd.s32 @!p2 s5, s11  }
0x11a: {  	[tilespmem:s6], [sflag:$0x1] =	stream.linear.gather @!p2 [hbm4b:s11+s13], $0x100, $0x38;
	[tilespmem:$0x1CB00] =	vst v63  }
0x11b: {  	_ =	swait.ge [sflag:s30], $0x800  }
0x11c: {  	[sflag:s30] =	ssyncset.done $0x0  }
0x11d: {  	[sflag:s30] =	ssyncadd.s32 $0xFFFFF800  }
0x11e: {  	_ =	swait.ge [sflag:s30], $0x800  }
0x11f: {  	[sflag:s30] =	ssyncset.done $0x0  }
0x120: {  	[sflag:s30] =	ssyncadd.s32 $0xFFFFF800  }
0x121: {  	_ =	swait.ge [sflag:s30], $0x100  }
0x122: {  	[sflag:s30] =	ssyncset.done $0x0  }
0x123: {  	s6 =	simm.s32 @!p1 $0x4;
	[sflag:s30] =	ssyncadd.s32 $0xFFFFFF00  }
0x124: {  	s12 =	simm.s32 $0x0;
	_ =	swait.ge @!p1 [sflag:s6], $0x1000  }
0x125: {  	v1 =	vmov s12;
	[sflag:s6] =	ssyncset.done @!p1 $0x0  }
0x126: {  	s25 =	simm.s32 $0x1F80;
	v1 =	vshll.u32 v1, $0x4;
	[sflag:s6] =	ssyncadd.s32 @!p1 $0xFFFFF000  }
0x127: {  	v1 =	vor.u32 v0, v1;
	v2 =	vld [tilespmem:s25+$0xFFFFF080];
	_ =	sdelay $0x4  }
0x128: {  	[tilespmem:v1+s31+$0x0] =	vst.idx.msk $0xffff, v2  }
0x129: {  	v3 =	vor.u32 $0x1, v1;
	v2 =	vld [tilespmem:s25+$0xFFFFF100];
	_ =	sdelay $0x4  }
0x12a: {  	[tilespmem:v3+s31+$0x0] =	vst.idx.msk $0xffff, v2  }
0x12b: {  	v3 =	vor.u32 $0x2, v1;
	v2 =	vld [tilespmem:s25+$0xFFFFF180];
	_ =	sdelay $0x4  }
0x12c: {  	[tilespmem:v3+s31+$0x0] =	vst.idx.msk $0xffff, v2  }
0x12d: {  	v3 =	vor.u32 $0x3, v1;
	v2 =	vld [tilespmem:s25+$0xFFFFF200];
	_ =	sdelay $0x4  }
0x12e: {  	[tilespmem:v3+s31+$0x0] =	vst.idx.msk $0xffff, v2  }
0x12f: {  	v3 =	vor.u32 $0x4, v1;
	v2 =	vld [tilespmem:s25+$0xFFFFF280];
	_ =	sdelay $0x4  }
0x130: {  	[tilespmem:v3+s31+$0x0] =	vst.idx.msk $0xffff, v2  }
0x131: {  	v3 =	vor.u32 $0x5, v1;
	v2 =	vld [tilespmem:s25+$0xFFFFF300];
	_ =	sdelay $0x4  }
0x132: {  	[tilespmem:v3+s31+$0x0] =	vst.idx.msk $0xffff, v2  }
0x133: {  	v3 =	vor.u32 $0x6, v1;
	v2 =	vld [tilespmem:s25+$0xFFFFF380];
	_ =	sdelay $0x4  }
0x134: {  	[tilespmem:v3+s31+$0x0] =	vst.idx.msk $0xffff, v2  }
0x135: {  	v3 =	vor.u32 $0x7, v1;
	v2 =	vld [tilespmem:s25+$0xFFFFF400];
	_ =	sdelay $0x4  }
0x136: {  	[tilespmem:v3+s31+$0x0] =	vst.idx.msk $0xffff, v2  }
0x137: {  	v3 =	vor.u32 $0x8, v1;
	v2 =	vld [tilespmem:s25+$0xFFFFF880];
	_ =	sdelay $0x4  }
0x138: {  	[tilespmem:v3+s31+$0x0] =	vst.idx.msk $0xffff, v2  }
0x139: {  	v3 =	vor.u32 $0x9, v1;
	v2 =	vld [tilespmem:s25+$0xFFFFF900];
	_ =	sdelay $0x4  }
0x13a: {  	[tilespmem:v3+s31+$0x0] =	vst.idx.msk $0xffff, v2  }
0x13b: {  	v3 =	vor.u32 $0xA, v1;
	v2 =	vld [tilespmem:s25+$0xFFFFF980];
	_ =	sdelay $0x4  }
0x13c: {  	[tilespmem:v3+s31+$0x0] =	vst.idx.msk $0xffff, v2  }
0x13d: {  	v3 =	vor.u32 $0xB, v1;
	v2 =	vld [tilespmem:s25+$0xFFFFFA00];
	_ =	sdelay $0x4  }
0x13e: {  	[tilespmem:v3+s31+$0x0] =	vst.idx.msk $0xffff, v2  }
0x13f: {  	v3 =	vor.u32 $0xC, v1;
	v2 =	vld [tilespmem:s25+$0xFFFFFA80];
	_ =	sdelay $0x4  }
0x140: {  	[tilespmem:v3+s31+$0x0] =	vst.idx.msk $0xffff, v2  }
0x141: {  	v3 =	vor.u32 $0xD, v1;
	v2 =	vld [tilespmem:s25+$0xFFFFFB00];
	_ =	sdelay $0x4  }
0x142: {  	[tilespmem:v3+s31+$0x0] =	vst.idx.msk $0xffff, v2  }
0x143: {  	v3 =	vor.u32 $0xE, v1;
	v2 =	vld [tilespmem:s25+$0xFFFFFB80];
	_ =	sdelay $0x4  }
0x144: {  	[tilespmem:v3+s31+$0x0] =	vst.idx.msk $0xffff, v2  }
0x145: {  	v1 =	vor.u32 $0xF, v1;
	v2 =	vld [tilespmem:s25+$0xFFFFFC00];
	_ =	sdelay $0x2  }
0x146: {  	s13 =	simm.s32 $0x80  }
0x147: {  	v3 =	vmov s13  }
0x148: {  	[tilespmem:v1+s31+$0x0] =	vst.idx.msk $0xffff, v2;
	v1 =	vshll.u32 v3, $0x4  }
0x149: {  	v2 =	vld [tilespmem:s25+$0xFFFFF480];
	v1 =	vor.u32 v0, v1;
	_ =	sdelay $0x4  }
0x14a: {  	[tilespmem:v1+s31+$0x0] =	vst.idx.msk $0xffff, v2  }
0x14b: {  	v3 =	vor.u32 $0x1, v1;
	v2 =	vld [tilespmem:s25+$0xFFFFF500];
	_ =	sdelay $0x4  }
0x14c: {  	[tilespmem:v3+s31+$0x0] =	vst.idx.msk $0xffff, v2  }
0x14d: {  	v3 =	vor.u32 $0x2, v1;
	v2 =	vld [tilespmem:s25+$0xFFFFF580];
	_ =	sdelay $0x4  }
0x14e: {  	[tilespmem:v3+s31+$0x0] =	vst.idx.msk $0xffff, v2  }
0x14f: {  	v3 =	vor.u32 $0x3, v1;
	v2 =	vld [tilespmem:s25+$0xFFFFF600];
	_ =	sdelay $0x4  }
0x150: {  	[tilespmem:v3+s31+$0x0] =	vst.idx.msk $0xffff, v2  }
0x151: {  	v3 =	vor.u32 $0x4, v1;
	v2 =	vld [tilespmem:s25+$0xFFFFF680];
	_ =	sdelay $0x4  }
0x152: {  	[tilespmem:v3+s31+$0x0] =	vst.idx.msk $0xffff, v2  }
0x153: {  	v3 =	vor.u32 $0x5, v1;
	v2 =	vld [tilespmem:s25+$0xFFFFF700];
	_ =	sdelay $0x4  }
0x154: {  	[tilespmem:v3+s31+$0x0] =	vst.idx.msk $0xffff, v2  }
0x155: {  	v3 =	vor.u32 $0x6, v1;
	v2 =	vld [tilespmem:s25+$0xFFFFF780];
	_ =	sdelay $0x4  }
0x156: {  	[tilespmem:v3+s31+$0x0] =	vst.idx.msk $0xffff, v2  }
0x157: {  	v3 =	vor.u32 $0x7, v1;
	v2 =	vld [tilespmem:s25+$0xFFFFF800];
	_ =	sdelay $0x4  }
0x158: {  	[tilespmem:v3+s31+$0x0] =	vst.idx.msk $0xffff, v2  }
0x159: {  	v3 =	vor.u32 $0x8, v1;
	v2 =	vld [tilespmem:s25+$0xFFFFFC80];
	_ =	sdelay $0x4  }
0x15a: {  	[tilespmem:v3+s31+$0x0] =	vst.idx.msk $0xffff, v2  }
0x15b: {  	v3 =	vor.u32 $0x9, v1;
	v2 =	vld [tilespmem:s25+$0xFFFFFD00];
	_ =	sdelay $0x4  }
0x15c: {  	[tilespmem:v3+s31+$0x0] =	vst.idx.msk $0xffff, v2  }
0x15d: {  	v3 =	vor.u32 $0xA, v1;
	v2 =	vld [tilespmem:s25+$0xFFFFFD80];
	_ =	sdelay $0x4  }
0x15e: {  	[tilespmem:v3+s31+$0x0] =	vst.idx.msk $0xffff, v2  }
0x15f: {  	v3 =	vor.u32 $0xB, v1;
	v2 =	vld [tilespmem:s25+$0xFFFFFE00];
	_ =	sdelay $0x4  }
0x160: {  	[tilespmem:v3+s31+$0x0] =	vst.idx.msk $0xffff, v2  }
0x161: {  	v3 =	vor.u32 $0xC, v1;
	v2 =	vld [tilespmem:s25+$0xFFFFFE80];
	_ =	sdelay $0x4  }
0x162: {  	[tilespmem:v3+s31+$0x0] =	vst.idx.msk $0xffff, v2  }
0x163: {  	v3 =	vor.u32 $0xD, v1;
	v2 =	vld [tilespmem:s25+$0xFFFFFF00];
	_ =	sdelay $0x4  }
0x164: {  	[tilespmem:v3+s31+$0x0] =	vst.idx.msk $0xffff, v2  }
0x165: {  	v3 =	vor.u32 $0xE, v1;
	v2 =	vld [tilespmem:s25+$0xFFFFFF80];
	_ =	sdelay $0x4  }
0x166: {  	[tilespmem:v3+s31+$0x0] =	vst.idx.msk $0xffff, v2  }
0x167: {  	v1 =	vor.u32 $0xF, v1;
	v2 =	vld [tilespmem:s25+$0x0];
	_ =	sdelay $0x2  }
0x168: {  	s11 =	simm.s32 $0x10  }
0x169: {  	s12 =	simm.s32 $0x20;
	s6 =	sadd.s32 $0x4100, s24;
	v3 =	vmov s11  }
.LBB2_5:
0x16a: {  	p1 =	sne.s32 s12, $0x70;
	v3 =	vshll.u32 v3, $0x4;
	[tilespmem:v1+s31+$0x0] =	vst.idx.msk $0xffff, v2;
	s25 =	sadd.s32 $0x10, s25  }
0x16b: {  	v2 =	vld [tilespmem:s25+$0xFFFFF080];
	v1 =	vor.u32 v0, v3;
	_ =	sdelay $0x4  }
0x16c: {  	[tilespmem:v1+s31+$0x0] =	vst.idx.msk $0xffff, v2  }
0x16d: {  	v3 =	vor.u32 $0x1, v1;
	v2 =	vld [tilespmem:s25+$0xFFFFF100];
	_ =	sdelay $0x4  }
0x16e: {  	[tilespmem:v3+s31+$0x0] =	vst.idx.msk $0xffff, v2  }
0x16f: {  	v3 =	vor.u32 $0x2, v1;
	v2 =	vld [tilespmem:s25+$0xFFFFF180];
	_ =	sdelay $0x4  }
0x170: {  	[tilespmem:v3+s31+$0x0] =	vst.idx.msk $0xffff, v2  }
0x171: {  	v3 =	vor.u32 $0x3, v1;
	v2 =	vld [tilespmem:s25+$0xFFFFF200];
	_ =	sdelay $0x4  }
0x172: {  	[tilespmem:v3+s31+$0x0] =	vst.idx.msk $0xffff, v2  }
0x173: {  	v3 =	vor.u32 $0x4, v1;
	v2 =	vld [tilespmem:s25+$0xFFFFF280];
	_ =	sdelay $0x4  }
0x174: {  	[tilespmem:v3+s31+$0x0] =	vst.idx.msk $0xffff, v2  }
0x175: {  	v3 =	vor.u32 $0x5, v1;
	v2 =	vld [tilespmem:s25+$0xFFFFF300];
	_ =	sdelay $0x4  }
0x176: {  	[tilespmem:v3+s31+$0x0] =	vst.idx.msk $0xffff, v2  }
0x177: {  	v3 =	vor.u32 $0x6, v1;
	v2 =	vld [tilespmem:s25+$0xFFFFF380];
	_ =	sdelay $0x4  }
0x178: {  	[tilespmem:v3+s31+$0x0] =	vst.idx.msk $0xffff, v2  }
0x179: {  	v3 =	vor.u32 $0x7, v1;
	v2 =	vld [tilespmem:s25+$0xFFFFF400];
	_ =	sdelay $0x4  }
0x17a: {  	[tilespmem:v3+s31+$0x0] =	vst.idx.msk $0xffff, v2  }
0x17b: {  	v3 =	vor.u32 $0x8, v1;
	v2 =	vld [tilespmem:s25+$0xFFFFF880];
	_ =	sdelay $0x4  }
0x17c: {  	[tilespmem:v3+s31+$0x0] =	vst.idx.msk $0xffff, v2  }
0x17d: {  	v3 =	vor.u32 $0x9, v1;
	v2 =	vld [tilespmem:s25+$0xFFFFF900];
	_ =	sdelay $0x4  }
0x17e: {  	[tilespmem:v3+s31+$0x0] =	vst.idx.msk $0xffff, v2  }
0x17f: {  	v3 =	vor.u32 $0xA, v1;
	v2 =	vld [tilespmem:s25+$0xFFFFF980];
	_ =	sdelay $0x4  }
0x180: {  	[tilespmem:v3+s31+$0x0] =	vst.idx.msk $0xffff, v2  }
0x181: {  	v3 =	vor.u32 $0xB, v1;
	v2 =	vld [tilespmem:s25+$0xFFFFFA00];
	_ =	sdelay $0x4  }
0x182: {  	[tilespmem:v3+s31+$0x0] =	vst.idx.msk $0xffff, v2  }
0x183: {  	v3 =	vor.u32 $0xC, v1;
	v2 =	vld [tilespmem:s25+$0xFFFFFA80];
	_ =	sdelay $0x4  }
0x184: {  	[tilespmem:v3+s31+$0x0] =	vst.idx.msk $0xffff, v2  }
0x185: {  	v3 =	vor.u32 $0xD, v1;
	v2 =	vld [tilespmem:s25+$0xFFFFFB00];
	_ =	sdelay $0x4  }
0x186: {  	[tilespmem:v3+s31+$0x0] =	vst.idx.msk $0xffff, v2  }
0x187: {  	v3 =	vor.u32 $0xE, v1;
	v2 =	vld [tilespmem:s25+$0xFFFFFB80];
	_ =	sdelay $0x4  }
0x188: {  	[tilespmem:v3+s31+$0x0] =	vst.idx.msk $0xffff, v2  }
0x189: {  	v1 =	vor.u32 $0xF, v1;
	v2 =	vld [tilespmem:s25+$0xFFFFFC00];
	_ =	sdelay $0x2  }
0x18a: {  	s13 =	sadd.s32 $0x80, s11;
	s11 =	smov.u32 s12  }
0x18b: {  	v3 =	vmov s13  }
0x18c: {  	[tilespmem:v1+s31+$0x0] =	vst.idx.msk $0xffff, v2;
	v1 =	vshll.u32 v3, $0x4  }
0x18d: {  	v2 =	vld [tilespmem:s25+$0xFFFFF480];
	v1 =	vor.u32 v0, v1;
	_ =	sdelay $0x4  }
0x18e: {  	[tilespmem:v1+s31+$0x0] =	vst.idx.msk $0xffff, v2  }
0x18f: {  	v3 =	vor.u32 $0x1, v1;
	v2 =	vld [tilespmem:s25+$0xFFFFF500];
	_ =	sdelay $0x4  }
0x190: {  	[tilespmem:v3+s31+$0x0] =	vst.idx.msk $0xffff, v2  }
0x191: {  	v3 =	vor.u32 $0x2, v1;
	v2 =	vld [tilespmem:s25+$0xFFFFF580];
	_ =	sdelay $0x4  }
0x192: {  	[tilespmem:v3+s31+$0x0] =	vst.idx.msk $0xffff, v2  }
0x193: {  	v3 =	vor.u32 $0x3, v1;
	v2 =	vld [tilespmem:s25+$0xFFFFF600];
	_ =	sdelay $0x4  }
0x194: {  	[tilespmem:v3+s31+$0x0] =	vst.idx.msk $0xffff, v2  }
0x195: {  	v3 =	vor.u32 $0x4, v1;
	v2 =	vld [tilespmem:s25+$0xFFFFF680];
	_ =	sdelay $0x4  }
0x196: {  	[tilespmem:v3+s31+$0x0] =	vst.idx.msk $0xffff, v2  }
0x197: {  	v3 =	vor.u32 $0x5, v1;
	v2 =	vld [tilespmem:s25+$0xFFFFF700];
	_ =	sdelay $0x4  }
0x198: {  	[tilespmem:v3+s31+$0x0] =	vst.idx.msk $0xffff, v2  }
0x199: {  	v3 =	vor.u32 $0x6, v1;
	v2 =	vld [tilespmem:s25+$0xFFFFF780];
	_ =	sdelay $0x4  }
0x19a: {  	[tilespmem:v3+s31+$0x0] =	vst.idx.msk $0xffff, v2  }
0x19b: {  	v3 =	vor.u32 $0x7, v1;
	v2 =	vld [tilespmem:s25+$0xFFFFF800];
	_ =	sdelay $0x4  }
0x19c: {  	[tilespmem:v3+s31+$0x0] =	vst.idx.msk $0xffff, v2  }
0x19d: {  	v3 =	vor.u32 $0x8, v1;
	v2 =	vld [tilespmem:s25+$0xFFFFFC80];
	_ =	sdelay $0x4  }
0x19e: {  	[tilespmem:v3+s31+$0x0] =	vst.idx.msk $0xffff, v2  }
0x19f: {  	v3 =	vor.u32 $0x9, v1;
	v2 =	vld [tilespmem:s25+$0xFFFFFD00];
	_ =	sdelay $0x4  }
0x1a0: {  	[tilespmem:v3+s31+$0x0] =	vst.idx.msk $0xffff, v2  }
0x1a1: {  	v3 =	vor.u32 $0xA, v1;
	v2 =	vld [tilespmem:s25+$0xFFFFFD80];
	_ =	sdelay $0x4  }
0x1a2: {  	[tilespmem:v3+s31+$0x0] =	vst.idx.msk $0xffff, v2  }
0x1a3: {  	v3 =	vor.u32 $0xB, v1;
	v2 =	vld [tilespmem:s25+$0xFFFFFE00];
	_ =	sdelay $0x4  }
0x1a4: {  	[tilespmem:v3+s31+$0x0] =	vst.idx.msk $0xffff, v2  }
0x1a5: {  	v3 =	vor.u32 $0xC, v1;
	v2 =	vld [tilespmem:s25+$0xFFFFFE80];
	_ =	sdelay $0x4  }
0x1a6: {  	[tilespmem:v3+s31+$0x0] =	vst.idx.msk $0xffff, v2  }
0x1a7: {  	v3 =	vor.u32 $0xD, v1;
	v2 =	vld [tilespmem:s25+$0xFFFFFF00];
	_ =	sdelay $0x4  }
0x1a8: {  	[tilespmem:v3+s31+$0x0] =	vst.idx.msk $0xffff, v2  }
0x1a9: {  	v3 =	vor.u32 $0xE, v1;
	v2 =	vld [tilespmem:s25+$0xFFFFFF80];
	_ =	sdelay $0x4  }
0x1aa: {  	[tilespmem:v3+s31+$0x0] =	vst.idx.msk $0xffff, v2  }
.Ltmp4:
0x1ab: {  	v1 =	vor.u32 $0xF, v1;
	v2 =	vld [tilespmem:s25+$0x0];
	(pc) =	sbr.rel @p1 .LBB2_5-.Ltmp4, $2  }
0x1ac: {  	_ =	sdelay $0x2  }
0x1ad: {  	s12 =	sadd.s32 $0x10, s12;
	v3 =	vmov s11  }
0x1ae: {  	_ =	sdelay $0x3  }
0x1af: {  	v3 =	vshll.u32 v3, $0x4;
	[tilespmem:v1+s31+$0x0] =	vst.idx.msk $0xffff, v2;
	s12 =	sadd.s32 $0x10, s25  }
0x1b0: {  	v1 =	vld [tilespmem:s12+$0xFFFFF080];
	v2 =	vor.u32 v0, v3;
	_ =	sdelay $0x4  }
0x1b1: {  	[tilespmem:v2+s31+$0x0] =	vst.idx.msk $0xffff, v1  }
0x1b2: {  	v3 =	vor.u32 $0x1, v2;
	v1 =	vld [tilespmem:s12+$0xFFFFF100];
	_ =	sdelay $0x4  }
0x1b3: {  	[tilespmem:v3+s31+$0x0] =	vst.idx.msk $0xffff, v1  }
0x1b4: {  	v3 =	vor.u32 $0x2, v2;
	v1 =	vld [tilespmem:s12+$0xFFFFF180];
	_ =	sdelay $0x4  }
0x1b5: {  	[tilespmem:v3+s31+$0x0] =	vst.idx.msk $0xffff, v1  }
0x1b6: {  	v3 =	vor.u32 $0x3, v2;
	v1 =	vld [tilespmem:s12+$0xFFFFF200];
	_ =	sdelay $0x4  }
0x1b7: {  	[tilespmem:v3+s31+$0x0] =	vst.idx.msk $0xffff, v1  }
0x1b8: {  	v3 =	vor.u32 $0x4, v2;
	v1 =	vld [tilespmem:s12+$0xFFFFF280];
	_ =	sdelay $0x4  }
0x1b9: {  	[tilespmem:v3+s31+$0x0] =	vst.idx.msk $0xffff, v1  }
0x1ba: {  	v3 =	vor.u32 $0x5, v2;
	v1 =	vld [tilespmem:s12+$0xFFFFF300];
	_ =	sdelay $0x4  }
0x1bb: {  	[tilespmem:v3+s31+$0x0] =	vst.idx.msk $0xffff, v1  }
0x1bc: {  	v3 =	vor.u32 $0x6, v2;
	v1 =	vld [tilespmem:s12+$0xFFFFF380];
	_ =	sdelay $0x4  }
0x1bd: {  	[tilespmem:v3+s31+$0x0] =	vst.idx.msk $0xffff, v1  }
0x1be: {  	v3 =	vor.u32 $0x7, v2;
	v1 =	vld [tilespmem:s12+$0xFFFFF400];
	_ =	sdelay $0x4  }
0x1bf: {  	[tilespmem:v3+s31+$0x0] =	vst.idx.msk $0xffff, v1  }
0x1c0: {  	v3 =	vor.u32 $0x8, v2;
	v1 =	vld [tilespmem:s12+$0xFFFFF880];
	_ =	sdelay $0x4  }
0x1c1: {  	[tilespmem:v3+s31+$0x0] =	vst.idx.msk $0xffff, v1  }
0x1c2: {  	v3 =	vor.u32 $0x9, v2;
	v1 =	vld [tilespmem:s12+$0xFFFFF900];
	_ =	sdelay $0x4  }
0x1c3: {  	[tilespmem:v3+s31+$0x0] =	vst.idx.msk $0xffff, v1  }
0x1c4: {  	v3 =	vor.u32 $0xA, v2;
	v1 =	vld [tilespmem:s12+$0xFFFFF980];
	_ =	sdelay $0x4  }
0x1c5: {  	[tilespmem:v3+s31+$0x0] =	vst.idx.msk $0xffff, v1  }
0x1c6: {  	v3 =	vor.u32 $0xB, v2;
	v1 =	vld [tilespmem:s12+$0xFFFFFA00];
	_ =	sdelay $0x4  }
0x1c7: {  	[tilespmem:v3+s31+$0x0] =	vst.idx.msk $0xffff, v1  }
0x1c8: {  	v3 =	vor.u32 $0xC, v2;
	v1 =	vld [tilespmem:s12+$0xFFFFFA80];
	_ =	sdelay $0x4  }
0x1c9: {  	[tilespmem:v3+s31+$0x0] =	vst.idx.msk $0xffff, v1  }
0x1ca: {  	v3 =	vor.u32 $0xD, v2;
	v1 =	vld [tilespmem:s12+$0xFFFFFB00];
	_ =	sdelay $0x4  }
0x1cb: {  	[tilespmem:v3+s31+$0x0] =	vst.idx.msk $0xffff, v1  }
0x1cc: {  	v3 =	vor.u32 $0xE, v2;
	v1 =	vld [tilespmem:s12+$0xFFFFFB80];
	_ =	sdelay $0x4  }
0x1cd: {  	[tilespmem:v3+s31+$0x0] =	vst.idx.msk $0xffff, v1  }
0x1ce: {  	v2 =	vor.u32 $0xF, v2;
	v1 =	vld [tilespmem:s12+$0xFFFFFC00];
	_ =	sdelay $0x2  }
0x1cf: {  	s11 =	sadd.s32 $0x80, s11  }
0x1d0: {  	v3 =	vmov s11  }
0x1d1: {  	[tilespmem:v2+s31+$0x0] =	vst.idx.msk $0xffff, v1;
	v1 =	vshll.u32 v3, $0x4  }
0x1d2: {  	v2 =	vld [tilespmem:s12+$0xFFFFF480];
	v1 =	vor.u32 v0, v1;
	_ =	sdelay $0x4  }
0x1d3: {  	[tilespmem:v1+s31+$0x0] =	vst.idx.msk $0xffff, v2  }
0x1d4: {  	v3 =	vor.u32 $0x1, v1;
	v2 =	vld [tilespmem:s12+$0xFFFFF500];
	_ =	sdelay $0x4  }
0x1d5: {  	[tilespmem:v3+s31+$0x0] =	vst.idx.msk $0xffff, v2  }
0x1d6: {  	v3 =	vor.u32 $0x2, v1;
	v2 =	vld [tilespmem:s12+$0xFFFFF580];
	_ =	sdelay $0x4  }
0x1d7: {  	[tilespmem:v3+s31+$0x0] =	vst.idx.msk $0xffff, v2  }
0x1d8: {  	v3 =	vor.u32 $0x3, v1;
	v2 =	vld [tilespmem:s12+$0xFFFFF600];
	_ =	sdelay $0x4  }
0x1d9: {  	[tilespmem:v3+s31+$0x0] =	vst.idx.msk $0xffff, v2  }
0x1da: {  	v3 =	vor.u32 $0x4, v1;
	v2 =	vld [tilespmem:s12+$0xFFFFF680];
	_ =	sdelay $0x4  }
0x1db: {  	[tilespmem:v3+s31+$0x0] =	vst.idx.msk $0xffff, v2  }
0x1dc: {  	v3 =	vor.u32 $0x5, v1;
	v2 =	vld [tilespmem:s12+$0xFFFFF700];
	_ =	sdelay $0x4  }
0x1dd: {  	[tilespmem:v3+s31+$0x0] =	vst.idx.msk $0xffff, v2  }
0x1de: {  	v3 =	vor.u32 $0x6, v1;
	v2 =	vld [tilespmem:s12+$0xFFFFF780];
	_ =	sdelay $0x4  }
0x1df: {  	[tilespmem:v3+s31+$0x0] =	vst.idx.msk $0xffff, v2  }
0x1e0: {  	v3 =	vor.u32 $0x7, v1;
	v2 =	vld [tilespmem:s12+$0xFFFFF800];
	_ =	sdelay $0x4  }
0x1e1: {  	[tilespmem:v3+s31+$0x0] =	vst.idx.msk $0xffff, v2  }
0x1e2: {  	v3 =	vor.u32 $0x8, v1;
	v2 =	vld [tilespmem:s12+$0xFFFFFC80];
	_ =	sdelay $0x4  }
0x1e3: {  	[tilespmem:v3+s31+$0x0] =	vst.idx.msk $0xffff, v2  }
0x1e4: {  	v3 =	vor.u32 $0x9, v1;
	v2 =	vld [tilespmem:s12+$0xFFFFFD00];
	_ =	sdelay $0x4  }
0x1e5: {  	[tilespmem:v3+s31+$0x0] =	vst.idx.msk $0xffff, v2  }
0x1e6: {  	v3 =	vor.u32 $0xA, v1;
	v2 =	vld [tilespmem:s12+$0xFFFFFD80];
	_ =	sdelay $0x4  }
0x1e7: {  	[tilespmem:v3+s31+$0x0] =	vst.idx.msk $0xffff, v2  }
0x1e8: {  	v3 =	vor.u32 $0xB, v1;
	v2 =	vld [tilespmem:s12+$0xFFFFFE00];
	_ =	sdelay $0x4  }
0x1e9: {  	[tilespmem:v3+s31+$0x0] =	vst.idx.msk $0xffff, v2  }
0x1ea: {  	v3 =	vor.u32 $0xC, v1;
	v2 =	vld [tilespmem:s12+$0xFFFFFE80];
	_ =	sdelay $0x4  }
0x1eb: {  	[tilespmem:v3+s31+$0x0] =	vst.idx.msk $0xffff, v2  }
0x1ec: {  	v3 =	vor.u32 $0xD, v1;
	v2 =	vld [tilespmem:s12+$0xFFFFFF00];
	_ =	sdelay $0x4  }
0x1ed: {  	[tilespmem:v3+s31+$0x0] =	vst.idx.msk $0xffff, v2  }
0x1ee: {  	v3 =	vor.u32 $0xE, v1;
	v2 =	vld [tilespmem:s12+$0xFFFFFF80];
	_ =	sdelay $0x4  }
0x1ef: {  	[tilespmem:v3+s31+$0x0] =	vst.idx.msk $0xffff, v2  }
0x1f0: {  	v1 =	vor.u32 $0xF, v1;
	v2 =	vld [tilespmem:s12+$0x0];
	_ =	sdelay $0x4  }
0x1f1: {  	[tilespmem:v1+s31+$0x0] =	vst.idx.msk $0xffff, v2  }
0x1f2: {  	[spmem:s2] =	stream.indirect.scatter.add.f32 [tilespmem:s31], [sflag:$0x4], $0x10, s6, s29, $0xb8;
	[tilespmem:$0x1CB00] =	vst v63  }
0x1f3: {  	s6 =	sadd.s32 $0x3, s23  }
0x1f4: {  	p1 =	sge.s32 s6, s10  }
0x1f5: {  	s11 =	sadd.s32 @!p1 s8, s6  }
0x1f6: {  	s12 =	sshll.u32 @!p1 s11, $0x8  }
0x1f7: {  	s13 =	simm.s32 @!p1 $0x0;
	s6 =	sshll.u32 @!p1 s6, $0x8;
	s12 =	sand.u32 @!p1 $0x1FFFFF00, s12  }
0x1f8: {  	s23 =	simm.s32 @!p1 $0x1000;
	s6 =	sand.u32 @!p1 $0x300, s6;
	s12 =	sadd.s32 @!p1 s1, s12  }
0x1f9: {  	[tilespmem:s23], [sflag:$0x2] =	stream.linear.gather @!p1 [hbm4b:s12+s13], $0x800, $0x38;
	[tilespmem:$0x1CB00] =	vst v63  }
0x1fa: {  	s11 =	sshll.u32 @!p1 s11, $0x5;
	s12 =	sadd.s32 @!p1 $0x30D400, s12;
	s23 =	simm.s32 @!p1 $0x1800  }
0x1fb: {  	[tilespmem:s23], [sflag:$0x2] =	stream.linear.gather @!p1 [hbm4b:s12+s13], $0x800, $0x38;
	[tilespmem:$0x1CB00] =	vst v63  }
0x1fc: {  	s22 =	sadd.s32 $0x1, s22;
	s6 =	sor.u32 @!p1 $0x4000, s6;
	s11 =	sadd.s32 @!p1 s5, s11  }
0x1fd: {  	[tilespmem:s6], [sflag:$0x2] =	stream.linear.gather @!p1 [hbm4b:s11+s13], $0x100, $0x38;
	[tilespmem:$0x1CB00] =	vst v63  }
0x1fe: {  	p1 =	slt.s32 s22, s9  }
.Ltmp5:
0x1ff: {  	_ = 	snop;
	(pc) =	sbr.rel @p1 .LBB2_2-.Ltmp5, $4  }
.Ltmp6:
0x200: {  	_ = 	snop;
	(pc) =	sbr.rel @!p1 .LBB2_7-.Ltmp6, $4  }
0x201: {  	_ = 	snop  }
0x202: {  	_ = 	snop  }
0x203: {  	_ = 	snop  }
0x204: {  	_ = 	snop  }
.LBB2_8:
0x205: {  	_ =	sfence.sel $0x180000  }
0x206: {  	[bflag:$0x0] =	sbarrier.arrive $0xFFFF  }
0x207: {  	_ =	strace $0x90000047  }
0x208: {  	s0 =	stileid.u32;
	[bflag:$0x2] =	sbarrier.arrive $0xFFFF  }
0x209: {  	p0 =	sne.s32 s0, $0x0;
	s0 =	rddreg [dreg:$0x4]  }
0x20a: {  	s0 =	sadd.s32 @!p0 $0x100000, s0  }
0x20b: {  	[sflag:s0] =	ssyncadd.tile.s32 @!p0 $0x1;
	_ =	shalt  }
.Lfunc_end2:
_tile_overlayer_lowered:
.L_overlay_start_2:
0x20c: {  	(tag) =	ssettag $0x2  }
0x20d: {  	s0 =	rddreg [dreg:$0x0];
	s2 =	stileid.u32  }
0x20e: {  	s1 =	rddreg [dreg:$0x1];
	p0 =	sne.s32 s2, $0x0  }
0x20f: {  	s3 =	rddreg [dreg:$0x2];
	[bflag:$0x3] =	sbarrier.arrive $0xFFFF;
	s2 =	simm.s32 @!p0 $0x1C05  }
0x210: {  	[timem:s3], [sflag:s2] =	dma.local @!p0 [hbm:s0], s1  }
0x211: {  	s0 =	simm.s32 @!p0 $0x5  }
0x212: {  	_ =	swait.ge @!p0 [sflag:s0], s1  }
0x213: {  	s1 =	ssub.s32 @!p0 $0x0, s1;
	[sflag:s0] =	ssyncset.done @!p0 $0x0  }
0x214: {  	[sflag:s0] =	ssyncadd.s32 @!p0 s1  }
0x215: {  	[bflag:$0x3] =	sbarrier.arrive $0xFFFF  }
0x216: {  	_ =	shalt  }

</sc_bundles>
